<compile_context>
chip_gen: v7x
topology: tpu7x:2x2x1
jax: 0.10.2.dev20260603
libtpu: 0.0.44.dev20260713+nightly
codegen_flags: <defaults>
</compile_context>

<pallas_src>
import dataclasses
import functools

import jax
import jax.numpy as jnp
from jax import lax
from jax.experimental import pallas as pl
from jax.experimental.pallas import tpu as pltpu
from jax.experimental.pallas import tpu_sc as plsc

N = 10000
D = 128
E = 320000
NC = 2
NS = 16
TILES = NC * NS
EPT = E // TILES
C = 80
NCHUNK = EPT // C
RPT = 624
TAIL = N - NS * RPT


def _prep_body(x_ref, beta_ref, xn_ref, norm_ref, sw_ref):
    x = x_ref[...]
    n2 = jnp.sum(x * x, axis=1, keepdims=True)
    nrm = jnp.sqrt(n2)
    xn = x / jnp.maximum(nrm, 1e-12)
    xn_ref[...] = xn
    norm_ref[...] = nrm
    sd = jnp.sum(xn * xn, axis=1, keepdims=True)
    sw_ref[...] = jnp.exp(beta_ref[...] * sd)


def _prep(x, beta2d):
    return pl.pallas_call(
        _prep_body,
        out_shape=(
            jax.ShapeDtypeStruct((N, D), jnp.float32),
            jax.ShapeDtypeStruct((N, 1), jnp.float32),
            jax.ShapeDtypeStruct((N, 1), jnp.float32),
        ),
    )(x, beta2d)


def _edge_body(xn_hbm, norm2d_hbm, srci_hbm, dsti_hbm, betav_hbm,
               num_out, den_out,
               xs, xd, wrow, normc, srcv, dstv, tmp, betv, wnv,
               num_sh, den_sh, semi, semg, sems):
    cidx = lax.axis_index("c")
    sidx = lax.axis_index("s")
    wid = cidx * NS + sidx
    nrow0 = sidx * RPT
    ebase = wid * EPT

    pltpu.sync_copy(betav_hbm, betv)

    z16 = jnp.zeros((16,), jnp.float32)

    @pl.loop(0, C)
    def _(r):
        for dd in range(D // 16):
            xd[r, pl.ds(dd * 16, 16)] = z16
        wrow[r, pl.ds(0, 16)] = z16

    @pl.loop(0, RPT // C)
    def _(k):
        pltpu.sync_copy(xd, num_sh.at[pl.ds(nrow0 + k * C, C)])
        pltpu.sync_copy(wrow, den_sh.at[pl.ds(nrow0 + k * C, C)])
    rem = RPT - (RPT // C) * C
    pltpu.sync_copy(xd.at[pl.ds(0, rem)],
                    num_sh.at[pl.ds(nrow0 + RPT - rem, rem)])
    pltpu.sync_copy(wrow.at[pl.ds(0, rem)],
                    den_sh.at[pl.ds(nrow0 + RPT - rem, rem)])

    @pl.when(sidx == 0)
    def _():
        pltpu.sync_copy(xd.at[pl.ds(0, TAIL)],
                        num_sh.at[pl.ds(NS * RPT, TAIL)])
        pltpu.sync_copy(wrow.at[pl.ds(0, TAIL)],
                        den_sh.at[pl.ds(NS * RPT, TAIL)])

    plsc.subcore_barrier()

    iota16 = lax.iota(jnp.int32, 16)
    bet = betv[pl.ds(0, 16)]

    @pl.loop(0, NCHUNK)
    def _(j):
        eb = ebase + j * C
        ci1 = pltpu.async_copy(srci_hbm.at[pl.ds(eb, C)], srcv, semi)
        ci2 = pltpu.async_copy(dsti_hbm.at[pl.ds(eb, C)], dstv, semi)
        ci1.wait()
        ci2.wait()
        cp1 = pltpu.async_copy(xn_hbm.at[srcv], xs, semg)
        cp2 = pltpu.async_copy(xn_hbm.at[dstv], xd, semg)
        cp3 = pltpu.async_copy(norm2d_hbm.at[srcv], normc, semg)
        cp1.wait()
        cp2.wait()
        cp3.wait()

        @plsc.parallel_loop(0, C // 16)
        def _(g):
            r0 = g * 16
            normsrc = plsc.load_gather(
                normc, [iota16 + r0, jnp.zeros((16,), jnp.int32)])
            for e in range(16):
                v = xs[r0 + e, pl.ds(0, 16)] * xd[r0 + e, pl.ds(0, 16)]
                for dd in range(1, D // 16):
                    v = v + (xs[r0 + e, pl.ds(dd * 16, 16)]
                             * xd[r0 + e, pl.ds(dd * 16, 16)])
                tmp[r0 + e, pl.ds(0, 16)] = v
            dots = plsc.load_gather(
                tmp, [iota16 + r0, jnp.zeros((16,), jnp.int32)])
            for dd in range(1, 16):
                dots = dots + plsc.load_gather(
                    tmp, [iota16 + r0, jnp.full((16,), dd, jnp.int32)])
            wden = jnp.exp(dots * bet)
            wnum = wden * normsrc
            plsc.store_scatter(
                wrow, [iota16 + r0, jnp.zeros((16,), jnp.int32)], wden)
            wnv[pl.ds(r0, 16)] = wnum
            for e in range(16):
                sca = plsc.load_gather(wnv, [jnp.full((16,), e, jnp.int32) + r0])
                for dd in range(D // 16):
                    xd[r0 + e, pl.ds(dd * 16, 16)] = (
                        xs[r0 + e, pl.ds(dd * 16, 16)] * sca)

        cs1 = pltpu.async_copy(xd, num_sh.at[dstv], sems, add=True)
        cs2 = pltpu.async_copy(wrow, den_sh.at[dstv], sems, add=True)
        cs1.wait()
        cs2.wait()

    plsc.subcore_barrier()

    pltpu.sync_copy(num_sh.at[pl.ds(nrow0, RPT)],
                    num_out.at[pl.ds(cidx * N + nrow0, RPT)])
    pltpu.sync_copy(den_sh.at[pl.ds(nrow0, RPT)],
                    den_out.at[pl.ds(cidx * N + nrow0, RPT)])

    @pl.when(sidx == 0)
    def _():
        pltpu.sync_copy(num_sh.at[pl.ds(NS * RPT, TAIL)],
                        num_out.at[pl.ds(cidx * N + NS * RPT, TAIL)])
        pltpu.sync_copy(den_sh.at[pl.ds(NS * RPT, TAIL)],
                        den_out.at[pl.ds(cidx * N + NS * RPT, TAIL)])


def _edge_stage(xn, norm2d, srci, dsti, betav):
    mesh = plsc.VectorSubcoreMesh(core_axis_name="c", subcore_axis_name="s")
    cp = pltpu.CompilerParams()
    if "needs_layout_passes" in pltpu.CompilerParams.__dataclass_fields__:
        cp = dataclasses.replace(cp, needs_layout_passes=False)
    if "use_tc_tiling_on_sc" in pltpu.CompilerParams.__dataclass_fields__:
        cp = dataclasses.replace(cp, use_tc_tiling_on_sc=False)
    kern = pl.kernel(
        _edge_body,
        compiler_params=cp,
        out_type=(
            jax.ShapeDtypeStruct((NC * N, D), jnp.float32),
            jax.ShapeDtypeStruct((NC * N, 16), jnp.float32),
        ),
        mesh=mesh,
        scratch_types=[
            pltpu.VMEM((C, D), jnp.float32),
            pltpu.VMEM((C, D), jnp.float32),
            pltpu.VMEM((C, 16), jnp.float32),
            pltpu.VMEM((C, 16), jnp.float32),
            pltpu.VMEM((C,), jnp.int32),
            pltpu.VMEM((C,), jnp.int32),
            pltpu.VMEM((C, 16), jnp.float32),
            pltpu.VMEM((16,), jnp.float32),
            pltpu.VMEM((C,), jnp.float32),
            pltpu.VMEM_SHARED((N, D), jnp.float32),
            pltpu.VMEM_SHARED((N, 16), jnp.float32),
            pltpu.SemaphoreType.DMA,
            pltpu.SemaphoreType.DMA,
            pltpu.SemaphoreType.DMA,
        ],
    )
    return kern(xn, norm2d, srci, dsti, betav)


def _lstm_body(num_ref, den_ref, sw_ref, x_ref, h_ref, c_ref,
               wih_ref, whh_ref, h1_ref, c1_ref):
    sw = sw_ref[...]
    num = num_ref[0] + num_ref[1] + sw * x_ref[...]
    den = den_ref[0, :, 0:1] + den_ref[1, :, 0:1] + sw
    xb = jnp.tanh(num / jnp.maximum(den, 1e-16))
    dn = (((1,), (1,)), ((), ()))
    gates = lax.dot_general(xb, wih_ref[...], dn,
                            preferred_element_type=jnp.float32,
                            precision=lax.Precision.HIGHEST)
    gates = gates + lax.dot_general(h_ref[...], whh_ref[...], dn,
                                    preferred_element_type=jnp.float32,
                                    precision=lax.Precision.HIGHEST)
    ii = jax.nn.sigmoid(gates[:, 0:D])
    ff = jax.nn.sigmoid(gates[:, D:2 * D])
    gg = jnp.tanh(gates[:, 2 * D:3 * D])
    oo = jax.nn.sigmoid(gates[:, 3 * D:4 * D])
    c1 = ff * c_ref[...] + ii * gg
    h1_ref[...] = oo * jnp.tanh(c1)
    c1_ref[...] = c1


def _lstm_stage(num2, den2, sw, x, h0, c0, W_ih, W_hh):
    nb = 10
    blk = N // nb
    return pl.pallas_call(
        _lstm_body,
        grid=(nb,),
        in_specs=[
            pl.BlockSpec((2, blk, D), lambda i: (0, i, 0)),
            pl.BlockSpec((2, blk, 16), lambda i: (0, i, 0)),
            pl.BlockSpec((blk, 1), lambda i: (i, 0)),
            pl.BlockSpec((blk, D), lambda i: (i, 0)),
            pl.BlockSpec((blk, D), lambda i: (i, 0)),
            pl.BlockSpec((blk, D), lambda i: (i, 0)),
            pl.BlockSpec((4 * D, D), lambda i: (0, 0)),
            pl.BlockSpec((4 * D, D), lambda i: (0, 0)),
        ],
        out_specs=[
            pl.BlockSpec((blk, D), lambda i: (i, 0)),
            pl.BlockSpec((blk, D), lambda i: (i, 0)),
        ],
        out_shape=(
            jax.ShapeDtypeStruct((N, D), jnp.float32),
            jax.ShapeDtypeStruct((N, D), jnp.float32),
        ),
    )(num2, den2, sw, x, h0, c0, W_ih, W_hh)


def kernel(x, edge_index, h, c, beta, W_ih, W_hh):
    beta2d = jnp.reshape(beta.astype(jnp.float32), (1, 1))
    xn, normv, sw = _prep(x, beta2d)
    norm2d = jnp.broadcast_to(normv, (N, 16))

    betav = jnp.broadcast_to(jnp.reshape(beta.astype(jnp.float32), (1,)), (16,))
    num2, den2 = _edge_stage(xn, norm2d, edge_index[0], edge_index[1], betav)

    h1, c1 = _lstm_stage(
        jnp.reshape(num2, (NC, N, D)), jnp.reshape(den2, (NC, N, 16)),
        sw, x, h[0], c[0], W_ih, W_hh)
    return (h1, h1[None, :, :], c1[None, :, :])

# --- scband reference (transcript-rebuilt; emitter-appended) ---
"""Pipeline reference for scband-genie-path-layer-27315992002861 (READ-ONLY COPY).

The authoritative reference and input builder live on the scoring server;
editing this copy changes nothing except your own understanding.
"""

import jax, jax.numpy as jnp
import numpy as np

N = 10000
E = 320000
D = 128


def setup_inputs(seed: int = 0) -> dict:
    key = jax.random.key(seed)
    ks = jax.random.split(key, 6)
    x = jax.random.normal(ks[0], (N, D), dtype=jnp.float32)
    edge_index = jax.random.randint(ks[1], (2, E), 0, N, dtype=jnp.int32)
    h = jax.random.normal(ks[2], (1, N, D), dtype=jnp.float32)
    c = jax.random.normal(ks[3], (1, N, D), dtype=jnp.float32)
    # AGNNConv learnable beta (requires_grad=True), initialized to 1.0
    beta = jnp.ones((), dtype=jnp.float32)
    # LSTM(in_dim=128, hidden=128, 1 layer, bias=False); torch init: U(-1/sqrt(H), 1/sqrt(H))
    s = 1.0 / np.sqrt(D)
    W_ih = jax.random.uniform(ks[4], (4 * D, D), minval=-s, maxval=s, dtype=jnp.float32)
    W_hh = jax.random.uniform(ks[5], (4 * D, D), minval=-s, maxval=s, dtype=jnp.float32)
    return {"x": x, "edge_index": edge_index, "h": h, "c": c, "beta": beta, "W_ih": W_ih, "W_hh": W_hh}


def _agnn(x, src, dst, beta):
    # AGNNConv with add_self_loops=True
    loop = jnp.arange(N, dtype=src.dtype)
    src = jnp.concatenate([src, loop])
    dst = jnp.concatenate([dst, loop])
    norm = jnp.linalg.norm(x, axis=-1, keepdims=True)
    x_n = x / jnp.maximum(norm, 1e-12)
    logits = beta * jnp.sum(x_n[src] * x_n[dst], axis=-1)
    seg_max = jax.ops.segment_max(logits, dst, num_segments=N)
    seg_max = jnp.where(jnp.isfinite(seg_max), seg_max, 0.0)
    ex = jnp.exp(logits - seg_max[dst])
    denom = jax.ops.segment_sum(ex, dst, num_segments=N)
    alpha = ex / jnp.maximum(denom[dst], 1e-16)
    return jax.ops.segment_sum(alpha[:, None] * x[src], dst, num_segments=N)


def reference(x, edge_index, h, c, beta, W_ih, W_hh):
    # Breadth: dropout is identity in eval mode
    src = edge_index[0]
    dst = edge_index[1]
    xb = jnp.tanh(_agnn(x, src, dst, beta))
    # Depth: single-step LSTM (seq_len=1), bias=False, gate order i,f,g,o
    h0 = h[0]
    c0 = c[0]
    gates = xb @ W_ih.T + h0 @ W_hh.T
    i, f, g, o = jnp.split(gates, 4, axis=-1)
    i = jax.nn.sigmoid(i)
    f = jax.nn.sigmoid(f)
    g = jnp.tanh(g)
    o = jax.nn.sigmoid(o)
    c1 = f * c0 + i * g
    h1 = o * jnp.tanh(c1)
    # module returns (x, (h, c)); here flattened as (x_out, h_new, c_new)
    return (h1, h1[None, :, :], c1[None, :, :])

if __name__ == "__main__":
    import jax
    _d = setup_inputs()
    print(jax.jit(kernel)(*tuple(_d.values())))

</pallas_src>

<mosaic_0001>
#map = affine_map<(d0, d1) -> (0, 0)>
#map1 = affine_map<(d0, d1) -> (0)>
module attributes {stable_mosaic.version = 14 : i64} {
  func.func @_edge_body(%arg0: i32, %arg1: i32, %arg2: memref<10000x128xf32, #tpu.memory_space<hbm>>, %arg3: memref<10000x16xf32, #tpu.memory_space<hbm>>, %arg4: memref<320000xi32, #tpu.memory_space<hbm>>, %arg5: memref<320000xi32, #tpu.memory_space<hbm>>, %arg6: memref<16xf32, #tpu.memory_space<hbm>>, %arg7: memref<20000x128xf32, #tpu.memory_space<hbm>>, %arg8: memref<20000x16xf32, #tpu.memory_space<hbm>>, %arg9: memref<80x128xf32, #tpu.memory_space<vmem>>, %arg10: memref<80x128xf32, #tpu.memory_space<vmem>>, %arg11: memref<80x16xf32, #tpu.memory_space<vmem>>, %arg12: memref<80x16xf32, #tpu.memory_space<vmem>>, %arg13: memref<80xi32, #tpu.memory_space<vmem>>, %arg14: memref<80xi32, #tpu.memory_space<vmem>>, %arg15: memref<80x16xf32, #tpu.memory_space<vmem>>, %arg16: memref<16xf32, #tpu.memory_space<vmem>>, %arg17: memref<80xf32, #tpu.memory_space<vmem>>, %arg18: memref<10000x128xf32, #tpu.memory_space<vmem_shared>>, %arg19: memref<10000x16xf32, #tpu.memory_space<vmem_shared>>, %arg20: memref<!tpu.dma_semaphore, #tpu.memory_space<semaphore_mem>>, %arg21: memref<!tpu.dma_semaphore, #tpu.memory_space<semaphore_mem>>, %arg22: memref<!tpu.dma_semaphore, #tpu.memory_space<semaphore_mem>>) attributes {dimension_semantics = [#tpu.dimension_semantics<core_parallel>, #tpu.dimension_semantics<subcore_parallel>], iteration_bounds = array<i64: 2, 16>, scalar_prefetch = 0 : i64, scratch_operands = 14 : i64, tpu.core_type = #tpu.core_type<sc_vector_subcore>, window_params = [{transform_indices = #map}, {transform_indices = #map}, {transform_indices = #map1}, {transform_indices = #map1}, {transform_indices = #map1}, {transform_indices = #map}, {transform_indices = #map}]} {
    %mul3A = arith.constant 16 : i32
    %mul3A_0 = arith.muli %arg0, %mul3A : i32
    %add3A = arith.addi %mul3A_0, %arg1 : i32
    %mul3A_1 = arith.constant 624 : i32
    %mul3A_2 = arith.muli %arg1, %mul3A_1 : i32
    %mul3A_3 = arith.constant 10000 : i32
    %mul3A_4 = arith.muli %add3A, %mul3A_3 : i32
    "tpu.region"() ({
      %run_scoped3A = tpu.sem_alloc : memref<!tpu.dma_semaphore, #tpu.memory_space<semaphore_mem>>
      tpu.enqueue_dma source(%arg6 : memref<16xf32, #tpu.memory_space<hbm>>) target(%arg16 : memref<16xf32, #tpu.memory_space<vmem>>) target_semaphore(%run_scoped3A : memref<!tpu.dma_semaphore, #tpu.memory_space<semaphore_mem>>)
      tpu.wait_dma2 semaphore(%run_scoped3A : memref<!tpu.dma_semaphore, #tpu.memory_space<semaphore_mem>>) src(%arg6 : memref<16xf32, #tpu.memory_space<hbm>>) dst(%arg16 : memref<16xf32, #tpu.memory_space<vmem>>)
      tpu.yield
    }) : () -> ()
    %broadcast_in_dim3A = arith.constant 0.000000e+00 : f32
    %broadcast_in_dim3A_5 = vector.broadcast %broadcast_in_dim3A : f32 to vector<16xf32>
    %scan3A = arith.constant 0 : i32
    %scan3A_6 = arith.constant 80 : i32
    %scan3A_7 = arith.addi %scan3A, %scan3A_6 : i32
    %scan3A_8 = arith.constant 1 : i32
    scf.for %scan3A_42 = %scan3A to %scan3A_7 step %scan3A_8  : i32 {
      %mul3A_43 = arith.constant 1 : i32
      %mul3A_44 = arith.muli %scan3A_42, %mul3A_43 : i32
      %add3A_45 = arith.constant 0 : i32
      %add3A_46 = arith.addi %add3A_45, %mul3A_44 : i32
      %swap3A = arith.index_cast %add3A_46 : i32 to index
      %swap3A_47 = arith.constant 0 : index
      %swap3A_48 = tpu.vector_load %arg10[%swap3A, %swap3A_47] {strides = array<i32>} : memref<80x128xf32, #tpu.memory_space<vmem>>, vector<16xf32>,
      tpu.vector_store %arg10[%swap3A, %swap3A_47], %broadcast_in_dim3A_5 {strides = array<i32>} : memref<80x128xf32, #tpu.memory_space<vmem>>, vector<16xf32>,
      %swap3A_49 = arith.index_cast %add3A_46 : i32 to index
      %swap3A_50 = arith.constant 16 : index
      %swap3A_51 = tpu.vector_load %arg10[%swap3A_49, %swap3A_50] {strides = array<i32>} : memref<80x128xf32, #tpu.memory_space<vmem>>, vector<16xf32>,
      tpu.vector_store %arg10[%swap3A_49, %swap3A_50], %broadcast_in_dim3A_5 {strides = array<i32>} : memref<80x128xf32, #tpu.memory_space<vmem>>, vector<16xf32>,
      %swap3A_52 = arith.index_cast %add3A_46 : i32 to index
      %swap3A_53 = arith.constant 32 : index
      %swap3A_54 = tpu.vector_load %arg10[%swap3A_52, %swap3A_53] {strides = array<i32>} : memref<80x128xf32, #tpu.memory_space<vmem>>, vector<16xf32>,
      tpu.vector_store %arg10[%swap3A_52, %swap3A_53], %broadcast_in_dim3A_5 {strides = array<i32>} : memref<80x128xf32, #tpu.memory_space<vmem>>, vector<16xf32>,
      %swap3A_55 = arith.index_cast %add3A_46 : i32 to index
      %swap3A_56 = arith.constant 48 : index
      %swap3A_57 = tpu.vector_load %arg10[%swap3A_55, %swap3A_56] {strides = array<i32>} : memref<80x128xf32, #tpu.memory_space<vmem>>, vector<16xf32>,
      tpu.vector_store %arg10[%swap3A_55, %swap3A_56], %broadcast_in_dim3A_5 {strides = array<i32>} : memref<80x128xf32, #tpu.memory_space<vmem>>, vector<16xf32>,
      %swap3A_58 = arith.index_cast %add3A_46 : i32 to index
      %swap3A_59 = arith.constant 64 : index
      %swap3A_60 = tpu.vector_load %arg10[%swap3A_58, %swap3A_59] {strides = array<i32>} : memref<80x128xf32, #tpu.memory_space<vmem>>, vector<16xf32>,
      tpu.vector_store %arg10[%swap3A_58, %swap3A_59], %broadcast_in_dim3A_5 {strides = array<i32>} : memref<80x128xf32, #tpu.memory_space<vmem>>, vector<16xf32>,
      %swap3A_61 = arith.index_cast %add3A_46 : i32 to index
      %swap3A_62 = arith.constant 80 : index
      %swap3A_63 = tpu.vector_load %arg10[%swap3A_61, %swap3A_62] {strides = array<i32>} : memref<80x128xf32, #tpu.memory_space<vmem>>, vector<16xf32>,
      tpu.vector_store %arg10[%swap3A_61, %swap3A_62], %broadcast_in_dim3A_5 {strides = array<i32>} : memref<80x128xf32, #tpu.memory_space<vmem>>, vector<16xf32>,
      %swap3A_64 = arith.index_cast %add3A_46 : i32 to index
      %swap3A_65 = arith.constant 96 : index
      %swap3A_66 = tpu.vector_load %arg10[%swap3A_64, %swap3A_65] {strides = array<i32>} : memref<80x128xf32, #tpu.memory_space<vmem>>, vector<16xf32>,
      tpu.vector_store %arg10[%swap3A_64, %swap3A_65], %broadcast_in_dim3A_5 {strides = array<i32>} : memref<80x128xf32, #tpu.memory_space<vmem>>, vector<16xf32>,
      %swap3A_67 = arith.index_cast %add3A_46 : i32 to index
      %swap3A_68 = arith.constant 112 : index
      %swap3A_69 = tpu.vector_load %arg10[%swap3A_67, %swap3A_68] {strides = array<i32>} : memref<80x128xf32, #tpu.memory_space<vmem>>, vector<16xf32>,
      tpu.vector_store %arg10[%swap3A_67, %swap3A_68], %broadcast_in_dim3A_5 {strides = array<i32>} : memref<80x128xf32, #tpu.memory_space<vmem>>, vector<16xf32>,
      %swap3A_70 = arith.index_cast %add3A_46 : i32 to index
      %swap3A_71 = arith.constant 0 : index
      %swap3A_72 = tpu.vector_load %arg11[%swap3A_70, %swap3A_71] {strides = array<i32>} : memref<80x16xf32, #tpu.memory_space<vmem>>, vector<16xf32>,
      tpu.vector_store %arg11[%swap3A_70, %swap3A_71], %broadcast_in_dim3A_5 {strides = array<i32>} : memref<80x16xf32, #tpu.memory_space<vmem>>, vector<16xf32>,
    }
    %scan3A_9 = arith.constant 80 : i32
    %scan3A_10 = arith.constant 0 : i32
    %scan3A_11 = arith.constant 7 : i32
    %scan3A_12 = arith.addi %scan3A_10, %scan3A_11 : i32
    %scan3A_13 = arith.constant 1 : i32
    scf.for %scan3A_42 = %scan3A_10 to %scan3A_12 step %scan3A_13  : i32 {
      %mul3A_43 = arith.constant 1 : i32
      %mul3A_44 = arith.muli %scan3A_42, %mul3A_43 : i32
      %add3A_45 = arith.constant 0 : i32
      %add3A_46 = arith.addi %add3A_45, %mul3A_44 : i32
      %mul3A_47 = arith.constant 80 : i32
      %mul3A_48 = arith.muli %add3A_46, %mul3A_47 : i32
      %add3A_49 = arith.addi %mul3A_2, %mul3A_48 : i32
      "tpu.region"() ({
        %run_scoped3A = tpu.sem_alloc : memref<!tpu.dma_semaphore, #tpu.memory_space<semaphore_mem>>
        %dma_start3A = arith.constant 0 : i32
        %dma_start3A_53 = tpu.memref_slice %arg18[%add3A_49, %dma_start3A] : memref<10000x128xf32, #tpu.memory_space<vmem_shared>> -> memref<80x128xf32, #tpu.memory_space<vmem_shared>>
        %dma_start3A_54 = arith.constant 0 : i32
        %dma_start3A_55 = tpu.memref_slice %arg18[%add3A_49, %dma_start3A_54] : memref<10000x128xf32, #tpu.memory_space<vmem_shared>> -> memref<80x128xf32, #tpu.memory_space<vmem_shared>>
        tpu.enqueue_dma source(%arg10 : memref<80x128xf32, #tpu.memory_space<vmem>>) target(%dma_start3A_55 : memref<80x128xf32, #tpu.memory_space<vmem_shared>>) target_semaphore(%run_scoped3A : memref<!tpu.dma_semaphore, #tpu.memory_space<semaphore_mem>>)
        %dma_wait3A = arith.constant 0 : i32
        %dma_wait3A_56 = tpu.memref_slice %arg18[%add3A_49, %dma_wait3A] : memref<10000x128xf32, #tpu.memory_space<vmem_shared>> -> memref<80x128xf32, #tpu.memory_space<vmem_shared>>
        %dma_wait3A_57 = arith.constant 0 : i32
        %dma_wait3A_58 = tpu.memref_slice %arg18[%add3A_49, %dma_wait3A_57] : memref<10000x128xf32, #tpu.memory_space<vmem_shared>> -> memref<80x128xf32, #tpu.memory_space<vmem_shared>>
        tpu.wait_dma2 semaphore(%run_scoped3A : memref<!tpu.dma_semaphore, #tpu.memory_space<semaphore_mem>>) src(%arg10 : memref<80x128xf32, #tpu.memory_space<vmem>>) dst(%dma_wait3A_58 : memref<80x128xf32, #tpu.memory_space<vmem_shared>>)
        tpu.yield
      }) : () -> ()
      %mul3A_50 = arith.constant 80 : i32
      %mul3A_51 = arith.muli %add3A_46, %mul3A_50 : i32
      %add3A_52 = arith.addi %mul3A_2, %mul3A_51 : i32
      "tpu.region"() ({
        %run_scoped3A = tpu.sem_alloc : memref<!tpu.dma_semaphore, #tpu.memory_space<semaphore_mem>>
        %dma_start3A = arith.constant 0 : i32
        %dma_start3A_53 = tpu.memref_slice %arg19[%add3A_52, %dma_start3A] : memref<10000x16xf32, #tpu.memory_space<vmem_shared>> -> memref<80x16xf32, #tpu.memory_space<vmem_shared>>
        %dma_start3A_54 = arith.constant 0 : i32
        %dma_start3A_55 = tpu.memref_slice %arg19[%add3A_52, %dma_start3A_54] : memref<10000x16xf32, #tpu.memory_space<vmem_shared>> -> memref<80x16xf32, #tpu.memory_space<vmem_shared>>
        tpu.enqueue_dma source(%arg11 : memref<80x16xf32, #tpu.memory_space<vmem>>) target(%dma_start3A_55 : memref<80x16xf32, #tpu.memory_space<vmem_shared>>) target_semaphore(%run_scoped3A : memref<!tpu.dma_semaphore, #tpu.memory_space<semaphore_mem>>)
        %dma_wait3A = arith.constant 0 : i32
        %dma_wait3A_56 = tpu.memref_slice %arg19[%add3A_52, %dma_wait3A] : memref<10000x16xf32, #tpu.memory_space<vmem_shared>> -> memref<80x16xf32, #tpu.memory_space<vmem_shared>>
        %dma_wait3A_57 = arith.constant 0 : i32
        %dma_wait3A_58 = tpu.memref_slice %arg19[%add3A_52, %dma_wait3A_57] : memref<10000x16xf32, #tpu.memory_space<vmem_shared>> -> memref<80x16xf32, #tpu.memory_space<vmem_shared>>
        tpu.wait_dma2 semaphore(%run_scoped3A : memref<!tpu.dma_semaphore, #tpu.memory_space<semaphore_mem>>) src(%arg11 : memref<80x16xf32, #tpu.memory_space<vmem>>) dst(%dma_wait3A_58 : memref<80x16xf32, #tpu.memory_space<vmem_shared>>)
        tpu.yield
      }) : () -> ()
    }
    %scan3A_14 = arith.constant 7 : i32
    %add3A_15 = arith.constant 624 : i32
    %add3A_16 = arith.addi %mul3A_2, %add3A_15 : i32
    %sub3A = arith.constant 64 : i32
    %sub3A_17 = arith.subi %add3A_16, %sub3A : i32
    "tpu.region"() ({
      %run_scoped3A = tpu.sem_alloc : memref<!tpu.dma_semaphore, #tpu.memory_space<semaphore_mem>>
      %dma_start3A = arith.constant 0 : i32
      %dma_start3A_42 = arith.constant 0 : i32
      %dma_start3A_43 = tpu.memref_slice %arg10[%dma_start3A, %dma_start3A_42] : memref<80x128xf32, #tpu.memory_space<vmem>> -> memref<64x128xf32, #tpu.memory_space<vmem>>
      %dma_start3A_44 = arith.constant 0 : i32
      %dma_start3A_45 = tpu.memref_slice %arg18[%sub3A_17, %dma_start3A_44] : memref<10000x128xf32, #tpu.memory_space<vmem_shared>> -> memref<64x128xf32, #tpu.memory_space<vmem_shared>>
      %dma_start3A_46 = arith.constant 0 : i32
      %dma_start3A_47 = tpu.memref_slice %arg18[%sub3A_17, %dma_start3A_46] : memref<10000x128xf32, #tpu.memory_space<vmem_shared>> -> memref<64x128xf32, #tpu.memory_space<vmem_shared>>
      %dma_start3A_48 = arith.constant 0 : i32
      %dma_start3A_49 = arith.constant 0 : i32
      %dma_start3A_50 = tpu.memref_slice %arg10[%dma_start3A_48, %dma_start3A_49] : memref<80x128xf32, #tpu.memory_space<vmem>> -> memref<64x128xf32, #tpu.memory_space<vmem>>
      tpu.enqueue_dma source(%dma_start3A_50 : memref<64x128xf32, #tpu.memory_space<vmem>>) target(%dma_start3A_47 : memref<64x128xf32, #tpu.memory_space<vmem_shared>>) target_semaphore(%run_scoped3A : memref<!tpu.dma_semaphore, #tpu.memory_space<semaphore_mem>>)
      %dma_wait3A = arith.constant 0 : i32
      %dma_wait3A_51 = arith.constant 0 : i32
      %dma_wait3A_52 = tpu.memref_slice %arg10[%dma_wait3A, %dma_wait3A_51] : memref<80x128xf32, #tpu.memory_space<vmem>> -> memref<64x128xf32, #tpu.memory_space<vmem>>
      %dma_wait3A_53 = arith.constant 0 : i32
      %dma_wait3A_54 = tpu.memref_slice %arg18[%sub3A_17, %dma_wait3A_53] : memref<10000x128xf32, #tpu.memory_space<vmem_shared>> -> memref<64x128xf32, #tpu.memory_space<vmem_shared>>
      %dma_wait3A_55 = arith.constant 0 : i32
      %dma_wait3A_56 = tpu.memref_slice %arg18[%sub3A_17, %dma_wait3A_55] : memref<10000x128xf32, #tpu.memory_space<vmem_shared>> -> memref<64x128xf32, #tpu.memory_space<vmem_shared>>
      %dma_wait3A_57 = arith.constant 0 : i32
      %dma_wait3A_58 = arith.constant 0 : i32
      %dma_wait3A_59 = tpu.memref_slice %arg10[%dma_wait3A_57, %dma_wait3A_58] : memref<80x128xf32, #tpu.memory_space<vmem>> -> memref<64x128xf32, #tpu.memory_space<vmem>>
      tpu.wait_dma2 semaphore(%run_scoped3A : memref<!tpu.dma_semaphore, #tpu.memory_space<semaphore_mem>>) src(%dma_wait3A_59 : memref<64x128xf32, #tpu.memory_space<vmem>>) dst(%dma_wait3A_56 : memref<64x128xf32, #tpu.memory_space<vmem_shared>>)
      tpu.yield
    }) : () -> ()
    %add3A_18 = arith.constant 624 : i32
    %add3A_19 = arith.addi %mul3A_2, %add3A_18 : i32
    %sub3A_20 = arith.constant 64 : i32
    %sub3A_21 = arith.subi %add3A_19, %sub3A_20 : i32
    "tpu.region"() ({
      %run_scoped3A = tpu.sem_alloc : memref<!tpu.dma_semaphore, #tpu.memory_space<semaphore_mem>>
      %dma_start3A = arith.constant 0 : i32
      %dma_start3A_42 = arith.constant 0 : i32
      %dma_start3A_43 = tpu.memref_slice %arg11[%dma_start3A, %dma_start3A_42] : memref<80x16xf32, #tpu.memory_space<vmem>> -> memref<64x16xf32, #tpu.memory_space<vmem>>
      %dma_start3A_44 = arith.constant 0 : i32
      %dma_start3A_45 = tpu.memref_slice %arg19[%sub3A_21, %dma_start3A_44] : memref<10000x16xf32, #tpu.memory_space<vmem_shared>> -> memref<64x16xf32, #tpu.memory_space<vmem_shared>>
      %dma_start3A_46 = arith.constant 0 : i32
      %dma_start3A_47 = tpu.memref_slice %arg19[%sub3A_21, %dma_start3A_46] : memref<10000x16xf32, #tpu.memory_space<vmem_shared>> -> memref<64x16xf32, #tpu.memory_space<vmem_shared>>
      %dma_start3A_48 = arith.constant 0 : i32
      %dma_start3A_49 = arith.constant 0 : i32
      %dma_start3A_50 = tpu.memref_slice %arg11[%dma_start3A_48, %dma_start3A_49] : memref<80x16xf32, #tpu.memory_space<vmem>> -> memref<64x16xf32, #tpu.memory_space<vmem>>
      tpu.enqueue_dma source(%dma_start3A_50 : memref<64x16xf32, #tpu.memory_space<vmem>>) target(%dma_start3A_47 : memref<64x16xf32, #tpu.memory_space<vmem_shared>>) target_semaphore(%run_scoped3A : memref<!tpu.dma_semaphore, #tpu.memory_space<semaphore_mem>>)
      %dma_wait3A = arith.constant 0 : i32
      %dma_wait3A_51 = arith.constant 0 : i32
      %dma_wait3A_52 = tpu.memref_slice %arg11[%dma_wait3A, %dma_wait3A_51] : memref<80x16xf32, #tpu.memory_space<vmem>> -> memref<64x16xf32, #tpu.memory_space<vmem>>
      %dma_wait3A_53 = arith.constant 0 : i32
      %dma_wait3A_54 = tpu.memref_slice %arg19[%sub3A_21, %dma_wait3A_53] : memref<10000x16xf32, #tpu.memory_space<vmem_shared>> -> memref<64x16xf32, #tpu.memory_space<vmem_shared>>
      %dma_wait3A_55 = arith.constant 0 : i32
      %dma_wait3A_56 = tpu.memref_slice %arg19[%sub3A_21, %dma_wait3A_55] : memref<10000x16xf32, #tpu.memory_space<vmem_shared>> -> memref<64x16xf32, #tpu.memory_space<vmem_shared>>
      %dma_wait3A_57 = arith.constant 0 : i32
      %dma_wait3A_58 = arith.constant 0 : i32
      %dma_wait3A_59 = tpu.memref_slice %arg11[%dma_wait3A_57, %dma_wait3A_58] : memref<80x16xf32, #tpu.memory_space<vmem>> -> memref<64x16xf32, #tpu.memory_space<vmem>>
      tpu.wait_dma2 semaphore(%run_scoped3A : memref<!tpu.dma_semaphore, #tpu.memory_space<semaphore_mem>>) src(%dma_wait3A_59 : memref<64x16xf32, #tpu.memory_space<vmem>>) dst(%dma_wait3A_56 : memref<64x16xf32, #tpu.memory_space<vmem_shared>>)
      tpu.yield
    }) : () -> ()
    %eq3A = arith.constant 0 : i32
    %eq3A_22 = arith.cmpi eq, %arg1, %eq3A : i32
    %convert_element_type3A = arith.extui %eq3A_22 : i1 to i32
    %cond3A = arith.constant 0 : i32
    %cond3A_23 = arith.cmpi ne, %convert_element_type3A, %cond3A : i32
    scf.if %cond3A_23 {
      "tpu.region"() ({
        %run_scoped3A = tpu.sem_alloc : memref<!tpu.dma_semaphore, #tpu.memory_space<semaphore_mem>>
        %dma_start3A = arith.constant 0 : i32
        %dma_start3A_42 = arith.constant 0 : i32
        %dma_start3A_43 = tpu.memref_slice %arg10[%dma_start3A, %dma_start3A_42] : memref<80x128xf32, #tpu.memory_space<vmem>> -> memref<16x128xf32, #tpu.memory_space<vmem>>
        %dma_start3A_44 = arith.constant 9984 : i32
        %dma_start3A_45 = arith.constant 0 : i32
        %dma_start3A_46 = tpu.memref_slice %arg18[%dma_start3A_44, %dma_start3A_45] : memref<10000x128xf32, #tpu.memory_space<vmem_shared>> -> memref<16x128xf32, #tpu.memory_space<vmem_shared>>
        %dma_start3A_47 = arith.constant 9984 : i32
        %dma_start3A_48 = arith.constant 0 : i32
        %dma_start3A_49 = tpu.memref_slice %arg18[%dma_start3A_47, %dma_start3A_48] : memref<10000x128xf32, #tpu.memory_space<vmem_shared>> -> memref<16x128xf32, #tpu.memory_space<vmem_shared>>
        %dma_start3A_50 = arith.constant 0 : i32
        %dma_start3A_51 = arith.constant 0 : i32
        %dma_start3A_52 = tpu.memref_slice %arg10[%dma_start3A_50, %dma_start3A_51] : memref<80x128xf32, #tpu.memory_space<vmem>> -> memref<16x128xf32, #tpu.memory_space<vmem>>
        tpu.enqueue_dma source(%dma_start3A_52 : memref<16x128xf32, #tpu.memory_space<vmem>>) target(%dma_start3A_49 : memref<16x128xf32, #tpu.memory_space<vmem_shared>>) target_semaphore(%run_scoped3A : memref<!tpu.dma_semaphore, #tpu.memory_space<semaphore_mem>>)
        %dma_wait3A = arith.constant 0 : i32
        %dma_wait3A_53 = arith.constant 0 : i32
        %dma_wait3A_54 = tpu.memref_slice %arg10[%dma_wait3A, %dma_wait3A_53] : memref<80x128xf32, #tpu.memory_space<vmem>> -> memref<16x128xf32, #tpu.memory_space<vmem>>
        %dma_wait3A_55 = arith.constant 9984 : i32
        %dma_wait3A_56 = arith.constant 0 : i32
        %dma_wait3A_57 = tpu.memref_slice %arg18[%dma_wait3A_55, %dma_wait3A_56] : memref<10000x128xf32, #tpu.memory_space<vmem_shared>> -> memref<16x128xf32, #tpu.memory_space<vmem_shared>>
        %dma_wait3A_58 = arith.constant 9984 : i32
        %dma_wait3A_59 = arith.constant 0 : i32
        %dma_wait3A_60 = tpu.memref_slice %arg18[%dma_wait3A_58, %dma_wait3A_59] : memref<10000x128xf32, #tpu.memory_space<vmem_shared>> -> memref<16x128xf32, #tpu.memory_space<vmem_shared>>
        %dma_wait3A_61 = arith.constant 0 : i32
        %dma_wait3A_62 = arith.constant 0 : i32
        %dma_wait3A_63 = tpu.memref_slice %arg10[%dma_wait3A_61, %dma_wait3A_62] : memref<80x128xf32, #tpu.memory_space<vmem>> -> memref<16x128xf32, #tpu.memory_space<vmem>>
        tpu.wait_dma2 semaphore(%run_scoped3A : memref<!tpu.dma_semaphore, #tpu.memory_space<semaphore_mem>>) src(%dma_wait3A_63 : memref<16x128xf32, #tpu.memory_space<vmem>>) dst(%dma_wait3A_60 : memref<16x128xf32, #tpu.memory_space<vmem_shared>>)
        tpu.yield
      }) : () -> ()
      "tpu.region"() ({
        %run_scoped3A = tpu.sem_alloc : memref<!tpu.dma_semaphore, #tpu.memory_space<semaphore_mem>>
        %dma_start3A = arith.constant 0 : i32
        %dma_start3A_42 = arith.constant 0 : i32
        %dma_start3A_43 = tpu.memref_slice %arg11[%dma_start3A, %dma_start3A_42] : memref<80x16xf32, #tpu.memory_space<vmem>> -> memref<16x16xf32, #tpu.memory_space<vmem>>
        %dma_start3A_44 = arith.constant 9984 : i32
        %dma_start3A_45 = arith.constant 0 : i32
        %dma_start3A_46 = tpu.memref_slice %arg19[%dma_start3A_44, %dma_start3A_45] : memref<10000x16xf32, #tpu.memory_space<vmem_shared>> -> memref<16x16xf32, #tpu.memory_space<vmem_shared>>
        %dma_start3A_47 = arith.constant 9984 : i32
        %dma_start3A_48 = arith.constant 0 : i32
        %dma_start3A_49 = tpu.memref_slice %arg19[%dma_start3A_47, %dma_start3A_48] : memref<10000x16xf32, #tpu.memory_space<vmem_shared>> -> memref<16x16xf32, #tpu.memory_space<vmem_shared>>
        %dma_start3A_50 = arith.constant 0 : i32
        %dma_start3A_51 = arith.constant 0 : i32
        %dma_start3A_52 = tpu.memref_slice %arg11[%dma_start3A_50, %dma_start3A_51] : memref<80x16xf32, #tpu.memory_space<vmem>> -> memref<16x16xf32, #tpu.memory_space<vmem>>
        tpu.enqueue_dma source(%dma_start3A_52 : memref<16x16xf32, #tpu.memory_space<vmem>>) target(%dma_start3A_49 : memref<16x16xf32, #tpu.memory_space<vmem_shared>>) target_semaphore(%run_scoped3A : memref<!tpu.dma_semaphore, #tpu.memory_space<semaphore_mem>>)
        %dma_wait3A = arith.constant 0 : i32
        %dma_wait3A_53 = arith.constant 0 : i32
        %dma_wait3A_54 = tpu.memref_slice %arg11[%dma_wait3A, %dma_wait3A_53] : memref<80x16xf32, #tpu.memory_space<vmem>> -> memref<16x16xf32, #tpu.memory_space<vmem>>
        %dma_wait3A_55 = arith.constant 9984 : i32
        %dma_wait3A_56 = arith.constant 0 : i32
        %dma_wait3A_57 = tpu.memref_slice %arg19[%dma_wait3A_55, %dma_wait3A_56] : memref<10000x16xf32, #tpu.memory_space<vmem_shared>> -> memref<16x16xf32, #tpu.memory_space<vmem_shared>>
        %dma_wait3A_58 = arith.constant 9984 : i32
        %dma_wait3A_59 = arith.constant 0 : i32
        %dma_wait3A_60 = tpu.memref_slice %arg19[%dma_wait3A_58, %dma_wait3A_59] : memref<10000x16xf32, #tpu.memory_space<vmem_shared>> -> memref<16x16xf32, #tpu.memory_space<vmem_shared>>
        %dma_wait3A_61 = arith.constant 0 : i32
        %dma_wait3A_62 = arith.constant 0 : i32
        %dma_wait3A_63 = tpu.memref_slice %arg11[%dma_wait3A_61, %dma_wait3A_62] : memref<80x16xf32, #tpu.memory_space<vmem>> -> memref<16x16xf32, #tpu.memory_space<vmem>>
        tpu.wait_dma2 semaphore(%run_scoped3A : memref<!tpu.dma_semaphore, #tpu.memory_space<semaphore_mem>>) src(%dma_wait3A_63 : memref<16x16xf32, #tpu.memory_space<vmem>>) dst(%dma_wait3A_60 : memref<16x16xf32, #tpu.memory_space<vmem_shared>>)
        tpu.yield
      }) : () -> ()
    } else {
    }
    %barrier3A = arith.constant 0 : index
    tpu.barrier barrier_id(%barrier3A)
    %iota3A = tpu.iota {dimensions = array<i32: 0>} : vector<16xi32>
    %get3A = arith.constant 0 : index
    %get3A_24 = tpu.vector_load %arg16[%get3A] {strides = array<i32>} : memref<16xf32, #tpu.memory_space<vmem>>, vector<16xf32>,
    %scan3A_25 = arith.constant 0 : i32
    %scan3A_26 = arith.constant 125 : i32
    %scan3A_27 = arith.addi %scan3A_25, %scan3A_26 : i32
    %scan3A_28 = arith.constant 1 : i32
    scf.for %scan3A_42 = %scan3A_25 to %scan3A_27 step %scan3A_28  : i32 {
      %mul3A_43 = arith.constant 1 : i32
      %mul3A_44 = arith.muli %scan3A_42, %mul3A_43 : i32
      %add3A_45 = arith.constant 0 : i32
      %add3A_46 = arith.addi %add3A_45, %mul3A_44 : i32
      %mul3A_47 = arith.constant 80 : i32
      %mul3A_48 = arith.muli %add3A_46, %mul3A_47 : i32
      %add3A_49 = arith.addi %mul3A_4, %mul3A_48 : i32
      %dma_start3A = tpu.memref_slice %arg4[%add3A_49] : memref<320000xi32, #tpu.memory_space<hbm>> -> memref<80xi32, #tpu.memory_space<hbm>>
      %dma_start3A_50 = tpu.memref_slice %arg4[%add3A_49] : memref<320000xi32, #tpu.memory_space<hbm>> -> memref<80xi32, #tpu.memory_space<hbm>>
      tpu.enqueue_dma source(%dma_start3A_50 : memref<80xi32, #tpu.memory_space<hbm>>) target(%arg13 : memref<80xi32, #tpu.memory_space<vmem>>) target_semaphore(%arg20 : memref<!tpu.dma_semaphore, #tpu.memory_space<semaphore_mem>>)
      %dma_start3A_51 = tpu.memref_slice %arg5[%add3A_49] : memref<320000xi32, #tpu.memory_space<hbm>> -> memref<80xi32, #tpu.memory_space<hbm>>
      %dma_start3A_52 = tpu.memref_slice %arg5[%add3A_49] : memref<320000xi32, #tpu.memory_space<hbm>> -> memref<80xi32, #tpu.memory_space<hbm>>
      tpu.enqueue_dma source(%dma_start3A_52 : memref<80xi32, #tpu.memory_space<hbm>>) target(%arg14 : memref<80xi32, #tpu.memory_space<vmem>>) target_semaphore(%arg20 : memref<!tpu.dma_semaphore, #tpu.memory_space<semaphore_mem>>)
      %dma_wait3A = tpu.memref_slice %arg4[%add3A_49] : memref<320000xi32, #tpu.memory_space<hbm>> -> memref<80xi32, #tpu.memory_space<hbm>>
      %dma_wait3A_53 = tpu.memref_slice %arg4[%add3A_49] : memref<320000xi32, #tpu.memory_space<hbm>> -> memref<80xi32, #tpu.memory_space<hbm>>
      tpu.wait_dma2 semaphore(%arg20 : memref<!tpu.dma_semaphore, #tpu.memory_space<semaphore_mem>>) src(%dma_wait3A_53 : memref<80xi32, #tpu.memory_space<hbm>>) dst(%arg13 : memref<80xi32, #tpu.memory_space<vmem>>)
      %dma_wait3A_54 = tpu.memref_slice %arg5[%add3A_49] : memref<320000xi32, #tpu.memory_space<hbm>> -> memref<80xi32, #tpu.memory_space<hbm>>
      %dma_wait3A_55 = tpu.memref_slice %arg5[%add3A_49] : memref<320000xi32, #tpu.memory_space<hbm>> -> memref<80xi32, #tpu.memory_space<hbm>>
      tpu.wait_dma2 semaphore(%arg20 : memref<!tpu.dma_semaphore, #tpu.memory_space<semaphore_mem>>) src(%dma_wait3A_55 : memref<80xi32, #tpu.memory_space<hbm>>) dst(%arg14 : memref<80xi32, #tpu.memory_space<vmem>>)
      %dma_start3A_56 = arith.constant 0 : i32
      %dma_start3A_57 = arith.constant 0 : i32
      %dma_start3A_58 = tpu.memref_slice %arg2[%dma_start3A_56, %dma_start3A_57] : memref<10000x128xf32, #tpu.memory_space<hbm>> -> memref<10000x128xf32, #tpu.memory_space<hbm>>
      tpu.enqueue_indirect_dma source(%dma_start3A_58 : memref<10000x128xf32, #tpu.memory_space<hbm>>) target(%arg9 : memref<80x128xf32, #tpu.memory_space<vmem>>) offsets(%arg13 : memref<80xi32, #tpu.memory_space<vmem>>) semaphore(%arg21 : memref<!tpu.dma_semaphore, #tpu.memory_space<semaphore_mem>>)
      %dma_start3A_59 = arith.constant 0 : i32
      %dma_start3A_60 = arith.constant 0 : i32
      %dma_start3A_61 = tpu.memref_slice %arg2[%dma_start3A_59, %dma_start3A_60] : memref<10000x128xf32, #tpu.memory_space<hbm>> -> memref<10000x128xf32, #tpu.memory_space<hbm>>
      tpu.enqueue_indirect_dma source(%dma_start3A_61 : memref<10000x128xf32, #tpu.memory_space<hbm>>) target(%arg10 : memref<80x128xf32, #tpu.memory_space<vmem>>) offsets(%arg14 : memref<80xi32, #tpu.memory_space<vmem>>) semaphore(%arg21 : memref<!tpu.dma_semaphore, #tpu.memory_space<semaphore_mem>>)
      %dma_start3A_62 = arith.constant 0 : i32
      %dma_start3A_63 = arith.constant 0 : i32
      %dma_start3A_64 = tpu.memref_slice %arg3[%dma_start3A_62, %dma_start3A_63] : memref<10000x16xf32, #tpu.memory_space<hbm>> -> memref<10000x16xf32, #tpu.memory_space<hbm>>
      tpu.enqueue_indirect_dma source(%dma_start3A_64 : memref<10000x16xf32, #tpu.memory_space<hbm>>) target(%arg12 : memref<80x16xf32, #tpu.memory_space<vmem>>) offsets(%arg13 : memref<80xi32, #tpu.memory_space<vmem>>) semaphore(%arg21 : memref<!tpu.dma_semaphore, #tpu.memory_space<semaphore_mem>>)
      %dma_wait3A_65 = arith.constant 0 : i32
      %dma_wait3A_66 = arith.constant 0 : i32
      %dma_wait3A_67 = tpu.memref_slice %arg2[%dma_wait3A_65, %dma_wait3A_66] : memref<10000x128xf32, #tpu.memory_space<hbm>> -> memref<10000x128xf32, #tpu.memory_space<hbm>>
      tpu.wait_indirect_dma semaphore(%arg21 : memref<!tpu.dma_semaphore, #tpu.memory_space<semaphore_mem>>) src(%dma_wait3A_67 : memref<10000x128xf32, #tpu.memory_space<hbm>>) dst(%arg9 : memref<80x128xf32, #tpu.memory_space<vmem>>)
      %dma_wait3A_68 = arith.constant 0 : i32
      %dma_wait3A_69 = arith.constant 0 : i32
      %dma_wait3A_70 = tpu.memref_slice %arg2[%dma_wait3A_68, %dma_wait3A_69] : memref<10000x128xf32, #tpu.memory_space<hbm>> -> memref<10000x128xf32, #tpu.memory_space<hbm>>
      tpu.wait_indirect_dma semaphore(%arg21 : memref<!tpu.dma_semaphore, #tpu.memory_space<semaphore_mem>>) src(%dma_wait3A_70 : memref<10000x128xf32, #tpu.memory_space<hbm>>) dst(%arg10 : memref<80x128xf32, #tpu.memory_space<vmem>>)
      %dma_wait3A_71 = arith.constant 0 : i32
      %dma_wait3A_72 = arith.constant 0 : i32
      %dma_wait3A_73 = tpu.memref_slice %arg3[%dma_wait3A_71, %dma_wait3A_72] : memref<10000x16xf32, #tpu.memory_space<hbm>> -> memref<10000x16xf32, #tpu.memory_space<hbm>>
      tpu.wait_indirect_dma semaphore(%arg21 : memref<!tpu.dma_semaphore, #tpu.memory_space<semaphore_mem>>) src(%dma_wait3A_73 : memref<10000x16xf32, #tpu.memory_space<hbm>>) dst(%arg12 : memref<80x16xf32, #tpu.memory_space<vmem>>)
      %parallel_loop3A = arith.constant 0 : i32
      %parallel_loop3A_74 = arith.constant 5 : i32
      %parallel_loop3A_75 = arith.constant 1 : i32
      scf.for %parallel_loop3A_88 = %parallel_loop3A to %parallel_loop3A_74 step %parallel_loop3A_75  : i32 {
        %parallel_loop3A_89 = arith.constant 16 : i32
        %parallel_loop3A_90 = arith.muli %parallel_loop3A_88, %parallel_loop3A_89 : i32
        %parallel_loop3A_91 = vector.broadcast %parallel_loop3A_90 : i32 to vector<16xi32>
        %parallel_loop3A_92 = arith.addi %iota3A, %parallel_loop3A_91 : vector<16xi32>
        %parallel_loop3A_93 = arith.constant 0 : i32
        %parallel_loop3A_94 = vector.broadcast %parallel_loop3A_93 : i32 to vector<16xi32>
        %parallel_loop3A_95 = tpu.vector_load_idx %arg12[%parallel_loop3A_92, %parallel_loop3A_94] : memref<80x16xf32, #tpu.memory_space<vmem>>[vector<16xi32>, vector<16xi32>], vector<16xf32>,
        %parallel_loop3A_96 = arith.constant 0 : i32
        %parallel_loop3A_97 = arith.addi %parallel_loop3A_90, %parallel_loop3A_96 : i32
        %parallel_loop3A_98 = arith.index_cast %parallel_loop3A_97 : i32 to index
        %parallel_loop3A_99 = arith.constant 0 : index
        %parallel_loop3A_100 = tpu.vector_load %arg9[%parallel_loop3A_98, %parallel_loop3A_99] {strides = array<i32>} : memref<80x128xf32, #tpu.memory_space<vmem>>, vector<16xf32>,
        %parallel_loop3A_101 = arith.constant 0 : i32
        %parallel_loop3A_102 = arith.addi %parallel_loop3A_90, %parallel_loop3A_101 : i32
        %parallel_loop3A_103 = arith.index_cast %parallel_loop3A_102 : i32 to index
        %parallel_loop3A_104 = arith.constant 0 : index
        %parallel_loop3A_105 = tpu.vector_load %arg10[%parallel_loop3A_103, %parallel_loop3A_104] {strides = array<i32>} : memref<80x128xf32, #tpu.memory_space<vmem>>, vector<16xf32>,
        %parallel_loop3A_106 = arith.mulf %parallel_loop3A_100, %parallel_loop3A_105 : vector<16xf32>
        %parallel_loop3A_107 = arith.constant 0 : i32
        %parallel_loop3A_108 = arith.addi %parallel_loop3A_90, %parallel_loop3A_107 : i32
        %parallel_loop3A_109 = arith.index_cast %parallel_loop3A_108 : i32 to index
        %parallel_loop3A_110 = arith.constant 16 : index
        %parallel_loop3A_111 = tpu.vector_load %arg9[%parallel_loop3A_109, %parallel_loop3A_110] {strides = array<i32>} : memref<80x128xf32, #tpu.memory_space<vmem>>, vector<16xf32>,
        %parallel_loop3A_112 = arith.constant 0 : i32
        %parallel_loop3A_113 = arith.addi %parallel_loop3A_90, %parallel_loop3A_112 : i32
        %parallel_loop3A_114 = arith.index_cast %parallel_loop3A_113 : i32 to index
        %parallel_loop3A_115 = arith.constant 16 : index
        %parallel_loop3A_116 = tpu.vector_load %arg10[%parallel_loop3A_114, %parallel_loop3A_115] {strides = array<i32>} : memref<80x128xf32, #tpu.memory_space<vmem>>, vector<16xf32>,
        %parallel_loop3A_117 = arith.mulf %parallel_loop3A_111, %parallel_loop3A_116 : vector<16xf32>
        %parallel_loop3A_118 = arith.addf %parallel_loop3A_106, %parallel_loop3A_117 : vector<16xf32>
        %parallel_loop3A_119 = arith.constant 0 : i32
        %parallel_loop3A_120 = arith.addi %parallel_loop3A_90, %parallel_loop3A_119 : i32
        %parallel_loop3A_121 = arith.index_cast %parallel_loop3A_120 : i32 to index
        %parallel_loop3A_122 = arith.constant 32 : index
        %parallel_loop3A_123 = tpu.vector_load %arg9[%parallel_loop3A_121, %parallel_loop3A_122] {strides = array<i32>} : memref<80x128xf32, #tpu.memory_space<vmem>>, vector<16xf32>,
        %parallel_loop3A_124 = arith.constant 0 : i32
        %parallel_loop3A_125 = arith.addi %parallel_loop3A_90, %parallel_loop3A_124 : i32
        %parallel_loop3A_126 = arith.index_cast %parallel_loop3A_125 : i32 to index
        %parallel_loop3A_127 = arith.constant 32 : index
        %parallel_loop3A_128 = tpu.vector_load %arg10[%parallel_loop3A_126, %parallel_loop3A_127] {strides = array<i32>} : memref<80x128xf32, #tpu.memory_space<vmem>>, vector<16xf32>,
        %parallel_loop3A_129 = arith.mulf %parallel_loop3A_123, %parallel_loop3A_128 : vector<16xf32>
        %parallel_loop3A_130 = arith.addf %parallel_loop3A_118, %parallel_loop3A_129 : vector<16xf32>
        %parallel_loop3A_131 = arith.constant 0 : i32
        %parallel_loop3A_132 = arith.addi %parallel_loop3A_90, %parallel_loop3A_131 : i32
        %parallel_loop3A_133 = arith.index_cast %parallel_loop3A_132 : i32 to index
        %parallel_loop3A_134 = arith.constant 48 : index
        %parallel_loop3A_135 = tpu.vector_load %arg9[%parallel_loop3A_133, %parallel_loop3A_134] {strides = array<i32>} : memref<80x128xf32, #tpu.memory_space<vmem>>, vector<16xf32>,
        %parallel_loop3A_136 = arith.constant 0 : i32
        %parallel_loop3A_137 = arith.addi %parallel_loop3A_90, %parallel_loop3A_136 : i32
        %parallel_loop3A_138 = arith.index_cast %parallel_loop3A_137 : i32 to index
        %parallel_loop3A_139 = arith.constant 48 : index
        %parallel_loop3A_140 = tpu.vector_load %arg10[%parallel_loop3A_138, %parallel_loop3A_139] {strides = array<i32>} : memref<80x128xf32, #tpu.memory_space<vmem>>, vector<16xf32>,
        %parallel_loop3A_141 = arith.mulf %parallel_loop3A_135, %parallel_loop3A_140 : vector<16xf32>
        %parallel_loop3A_142 = arith.addf %parallel_loop3A_130, %parallel_loop3A_141 : vector<16xf32>
        %parallel_loop3A_143 = arith.constant 0 : i32
        %parallel_loop3A_144 = arith.addi %parallel_loop3A_90, %parallel_loop3A_143 : i32
        %parallel_loop3A_145 = arith.index_cast %parallel_loop3A_144 : i32 to index
        %parallel_loop3A_146 = arith.constant 64 : index
        %parallel_loop3A_147 = tpu.vector_load %arg9[%parallel_loop3A_145, %parallel_loop3A_146] {strides = array<i32>} : memref<80x128xf32, #tpu.memory_space<vmem>>, vector<16xf32>,
        %parallel_loop3A_148 = arith.constant 0 : i32
        %parallel_loop3A_149 = arith.addi %parallel_loop3A_90, %parallel_loop3A_148 : i32
        %parallel_loop3A_150 = arith.index_cast %parallel_loop3A_149 : i32 to index
        %parallel_loop3A_151 = arith.constant 64 : index
        %parallel_loop3A_152 = tpu.vector_load %arg10[%parallel_loop3A_150, %parallel_loop3A_151] {strides = array<i32>} : memref<80x128xf32, #tpu.memory_space<vmem>>, vector<16xf32>,
        %parallel_loop3A_153 = arith.mulf %parallel_loop3A_147, %parallel_loop3A_152 : vector<16xf32>
        %parallel_loop3A_154 = arith.addf %parallel_loop3A_142, %parallel_loop3A_153 : vector<16xf32>
        %parallel_loop3A_155 = arith.constant 0 : i32
        %parallel_loop3A_156 = arith.addi %parallel_loop3A_90, %parallel_loop3A_155 : i32
        %parallel_loop3A_157 = arith.index_cast %parallel_loop3A_156 : i32 to index
        %parallel_loop3A_158 = arith.constant 80 : index
        %parallel_loop3A_159 = tpu.vector_load %arg9[%parallel_loop3A_157, %parallel_loop3A_158] {strides = array<i32>} : memref<80x128xf32, #tpu.memory_space<vmem>>, vector<16xf32>,
        %parallel_loop3A_160 = arith.constant 0 : i32
        %parallel_loop3A_161 = arith.addi %parallel_loop3A_90, %parallel_loop3A_160 : i32
        %parallel_loop3A_162 = arith.index_cast %parallel_loop3A_161 : i32 to index
        %parallel_loop3A_163 = arith.constant 80 : index
        %parallel_loop3A_164 = tpu.vector_load %arg10[%parallel_loop3A_162, %parallel_loop3A_163] {strides = array<i32>} : memref<80x128xf32, #tpu.memory_space<vmem>>, vector<16xf32>,
        %parallel_loop3A_165 = arith.mulf %parallel_loop3A_159, %parallel_loop3A_164 : vector<16xf32>
        %parallel_loop3A_166 = arith.addf %parallel_loop3A_154, %parallel_loop3A_165 : vector<16xf32>
        %parallel_loop3A_167 = arith.constant 0 : i32
        %parallel_loop3A_168 = arith.addi %parallel_loop3A_90, %parallel_loop3A_167 : i32
        %parallel_loop3A_169 = arith.index_cast %parallel_loop3A_168 : i32 to index
        %parallel_loop3A_170 = arith.constant 96 : index
        %parallel_loop3A_171 = tpu.vector_load %arg9[%parallel_loop3A_169, %parallel_loop3A_170] {strides = array<i32>} : memref<80x128xf32, #tpu.memory_space<vmem>>, vector<16xf32>,
        %parallel_loop3A_172 = arith.constant 0 : i32
        %parallel_loop3A_173 = arith.addi %parallel_loop3A_90, %parallel_loop3A_172 : i32
        %parallel_loop3A_174 = arith.index_cast %parallel_loop3A_173 : i32 to index
        %parallel_loop3A_175 = arith.constant 96 : index
        %parallel_loop3A_176 = tpu.vector_load %arg10[%parallel_loop3A_174, %parallel_loop3A_175] {strides = array<i32>} : memref<80x128xf32, #tpu.memory_space<vmem>>, vector<16xf32>,
        %parallel_loop3A_177 = arith.mulf %parallel_loop3A_171, %parallel_loop3A_176 : vector<16xf32>
        %parallel_loop3A_178 = arith.addf %parallel_loop3A_166, %parallel_loop3A_177 : vector<16xf32>
        %parallel_loop3A_179 = arith.constant 0 : i32
        %parallel_loop3A_180 = arith.addi %parallel_loop3A_90, %parallel_loop3A_179 : i32
        %parallel_loop3A_181 = arith.index_cast %parallel_loop3A_180 : i32 to index
        %parallel_loop3A_182 = arith.constant 112 : index
        %parallel_loop3A_183 = tpu.vector_load %arg9[%parallel_loop3A_181, %parallel_loop3A_182] {strides = array<i32>} : memref<80x128xf32, #tpu.memory_space<vmem>>, vector<16xf32>,
        %parallel_loop3A_184 = arith.constant 0 : i32
        %parallel_loop3A_185 = arith.addi %parallel_loop3A_90, %parallel_loop3A_184 : i32
        %parallel_loop3A_186 = arith.index_cast %parallel_loop3A_185 : i32 to index
        %parallel_loop3A_187 = arith.constant 112 : index
        %parallel_loop3A_188 = tpu.vector_load %arg10[%parallel_loop3A_186, %parallel_loop3A_187] {strides = array<i32>} : memref<80x128xf32, #tpu.memory_space<vmem>>, vector<16xf32>,
        %parallel_loop3A_189 = arith.mulf %parallel_loop3A_183, %parallel_loop3A_188 : vector<16xf32>
        %parallel_loop3A_190 = arith.addf %parallel_loop3A_178, %parallel_loop3A_189 : vector<16xf32>
        %parallel_loop3A_191 = arith.constant 0 : i32
        %parallel_loop3A_192 = arith.addi %parallel_loop3A_90, %parallel_loop3A_191 : i32
        %parallel_loop3A_193 = arith.index_cast %parallel_loop3A_192 : i32 to index
        %parallel_loop3A_194 = arith.constant 0 : index
        %parallel_loop3A_195 = tpu.vector_load %arg15[%parallel_loop3A_193, %parallel_loop3A_194] {strides = array<i32>} : memref<80x16xf32, #tpu.memory_space<vmem>>, vector<16xf32>,
        tpu.vector_store %arg15[%parallel_loop3A_193, %parallel_loop3A_194], %parallel_loop3A_190 {strides = array<i32>} : memref<80x16xf32, #tpu.memory_space<vmem>>, vector<16xf32>,
        %parallel_loop3A_196 = arith.constant 1 : i32
        %parallel_loop3A_197 = arith.addi %parallel_loop3A_90, %parallel_loop3A_196 : i32
        %parallel_loop3A_198 = arith.index_cast %parallel_loop3A_197 : i32 to index
        %parallel_loop3A_199 = arith.constant 0 : index
        %parallel_loop3A_200 = tpu.vector_load %arg9[%parallel_loop3A_198, %parallel_loop3A_199] {strides = array<i32>} : memref<80x128xf32, #tpu.memory_space<vmem>>, vector<16xf32>,
        %parallel_loop3A_201 = arith.constant 1 : i32
        %parallel_loop3A_202 = arith.addi %parallel_loop3A_90, %parallel_loop3A_201 : i32
        %parallel_loop3A_203 = arith.index_cast %parallel_loop3A_202 : i32 to index
        %parallel_loop3A_204 = arith.constant 0 : index
        %parallel_loop3A_205 = tpu.vector_load %arg10[%parallel_loop3A_203, %parallel_loop3A_204] {strides = array<i32>} : memref<80x128xf32, #tpu.memory_space<vmem>>, vector<16xf32>,
        %parallel_loop3A_206 = arith.mulf %parallel_loop3A_200, %parallel_loop3A_205 : vector<16xf32>
        %parallel_loop3A_207 = arith.constant 1 : i32
        %parallel_loop3A_208 = arith.addi %parallel_loop3A_90, %parallel_loop3A_207 : i32
        %parallel_loop3A_209 = arith.index_cast %parallel_loop3A_208 : i32 to index
        %parallel_loop3A_210 = arith.constant 16 : index
        %parallel_loop3A_211 = tpu.vector_load %arg9[%parallel_loop3A_209, %parallel_loop3A_210] {strides = array<i32>} : memref<80x128xf32, #tpu.memory_space<vmem>>, vector<16xf32>,
        %parallel_loop3A_212 = arith.constant 1 : i32
        %parallel_loop3A_213 = arith.addi %parallel_loop3A_90, %parallel_loop3A_212 : i32
        %parallel_loop3A_214 = arith.index_cast %parallel_loop3A_213 : i32 to index
        %parallel_loop3A_215 = arith.constant 16 : index
        %parallel_loop3A_216 = tpu.vector_load %arg10[%parallel_loop3A_214, %parallel_loop3A_215] {strides = array<i32>} : memref<80x128xf32, #tpu.memory_space<vmem>>, vector<16xf32>,
        %parallel_loop3A_217 = arith.mulf %parallel_loop3A_211, %parallel_loop3A_216 : vector<16xf32>
        %parallel_loop3A_218 = arith.addf %parallel_loop3A_206, %parallel_loop3A_217 : vector<16xf32>
        %parallel_loop3A_219 = arith.constant 1 : i32
        %parallel_loop3A_220 = arith.addi %parallel_loop3A_90, %parallel_loop3A_219 : i32
        %parallel_loop3A_221 = arith.index_cast %parallel_loop3A_220 : i32 to index
        %parallel_loop3A_222 = arith.constant 32 : index
        %parallel_loop3A_223 = tpu.vector_load %arg9[%parallel_loop3A_221, %parallel_loop3A_222] {strides = array<i32>} : memref<80x128xf32, #tpu.memory_space<vmem>>, vector<16xf32>,
        %parallel_loop3A_224 = arith.constant 1 : i32
        %parallel_loop3A_225 = arith.addi %parallel_loop3A_90, %parallel_loop3A_224 : i32
        %parallel_loop3A_226 = arith.index_cast %parallel_loop3A_225 : i32 to index
        %parallel_loop3A_227 = arith.constant 32 : index
        %parallel_loop3A_228 = tpu.vector_load %arg10[%parallel_loop3A_226, %parallel_loop3A_227] {strides = array<i32>} : memref<80x128xf32, #tpu.memory_space<vmem>>, vector<16xf32>,
        %parallel_loop3A_229 = arith.mulf %parallel_loop3A_223, %parallel_loop3A_228 : vector<16xf32>
        %parallel_loop3A_230 = arith.addf %parallel_loop3A_218, %parallel_loop3A_229 : vector<16xf32>
        %parallel_loop3A_231 = arith.constant 1 : i32
        %parallel_loop3A_232 = arith.addi %parallel_loop3A_90, %parallel_loop3A_231 : i32
        %parallel_loop3A_233 = arith.index_cast %parallel_loop3A_232 : i32 to index
        %parallel_loop3A_234 = arith.constant 48 : index
        %parallel_loop3A_235 = tpu.vector_load %arg9[%parallel_loop3A_233, %parallel_loop3A_234] {strides = array<i32>} : memref<80x128xf32, #tpu.memory_space<vmem>>, vector<16xf32>,
        %parallel_loop3A_236 = arith.constant 1 : i32
        %parallel_loop3A_237 = arith.addi %parallel_loop3A_90, %parallel_loop3A_236 : i32
        %parallel_loop3A_238 = arith.index_cast %parallel_loop3A_237 : i32 to index
        %parallel_loop3A_239 = arith.constant 48 : index
        %parallel_loop3A_240 = tpu.vector_load %arg10[%parallel_loop3A_238, %parallel_loop3A_239] {strides = array<i32>} : memref<80x128xf32, #tpu.memory_space<vmem>>, vector<16xf32>,
        %parallel_loop3A_241 = arith.mulf %parallel_loop3A_235, %parallel_loop3A_240 : vector<16xf32>
        %parallel_loop3A_242 = arith.addf %parallel_loop3A_230, %parallel_loop3A_241 : vector<16xf32>
        %parallel_loop3A_243 = arith.constant 1 : i32
        %parallel_loop3A_244 = arith.addi %parallel_loop3A_90, %parallel_loop3A_243 : i32
        %parallel_loop3A_245 = arith.index_cast %parallel_loop3A_244 : i32 to index
        %parallel_loop3A_246 = arith.constant 64 : index
        %parallel_loop3A_247 = tpu.vector_load %arg9[%parallel_loop3A_245, %parallel_loop3A_246] {strides = array<i32>} : memref<80x128xf32, #tpu.memory_space<vmem>>, vector<16xf32>,
        %parallel_loop3A_248 = arith.constant 1 : i32
        %parallel_loop3A_249 = arith.addi %parallel_loop3A_90, %parallel_loop3A_248 : i32
        %parallel_loop3A_250 = arith.index_cast %parallel_loop3A_249 : i32 to index
        %parallel_loop3A_251 = arith.constant 64 : index
        %parallel_loop3A_252 = tpu.vector_load %arg10[%parallel_loop3A_250, %parallel_loop3A_251] {strides = array<i32>} : memref<80x128xf32, #tpu.memory_space<vmem>>, vector<16xf32>,
        %parallel_loop3A_253 = arith.mulf %parallel_loop3A_247, %parallel_loop3A_252 : vector<16xf32>
        %parallel_loop3A_254 = arith.addf %parallel_loop3A_242, %parallel_loop3A_253 : vector<16xf32>
        %parallel_loop3A_255 = arith.constant 1 : i32
        %parallel_loop3A_256 = arith.addi %parallel_loop3A_90, %parallel_loop3A_255 : i32
        %parallel_loop3A_257 = arith.index_cast %parallel_loop3A_256 : i32 to index
        %parallel_loop3A_258 = arith.constant 80 : index
        %parallel_loop3A_259 = tpu.vector_load %arg9[%parallel_loop3A_257, %parallel_loop3A_258] {strides = array<i32>} : memref<80x128xf32, #tpu.memory_space<vmem>>, vector<16xf32>,
        %parallel_loop3A_260 = arith.constant 1 : i32
        %parallel_loop3A_261 = arith.addi %parallel_loop3A_90, %parallel_loop3A_260 : i32
        %parallel_loop3A_262 = arith.index_cast %parallel_loop3A_261 : i32 to index
        %parallel_loop3A_263 = arith.constant 80 : index
        %parallel_loop3A_264 = tpu.vector_load %arg10[%parallel_loop3A_262, %parallel_loop3A_263] {strides = array<i32>} : memref<80x128xf32, #tpu.memory_space<vmem>>, vector<16xf32>,
        %parallel_loop3A_265 = arith.mulf %parallel_loop3A_259, %parallel_loop3A_264 : vector<16xf32>
        %parallel_loop3A_266 = arith.addf %parallel_loop3A_254, %parallel_loop3A_265 : vector<16xf32>
        %parallel_loop3A_267 = arith.constant 1 : i32
        %parallel_loop3A_268 = arith.addi %parallel_loop3A_90, %parallel_loop3A_267 : i32
        %parallel_loop3A_269 = arith.index_cast %parallel_loop3A_268 : i32 to index
        %parallel_loop3A_270 = arith.constant 96 : index
        %parallel_loop3A_271 = tpu.vector_load %arg9[%parallel_loop3A_269, %parallel_loop3A_270] {strides = array<i32>} : memref<80x128xf32, #tpu.memory_space<vmem>>, vector<16xf32>,
        %parallel_loop3A_272 = arith.constant 1 : i32
        %parallel_loop3A_273 = arith.addi %parallel_loop3A_90, %parallel_loop3A_272 : i32
        %parallel_loop3A_274 = arith.index_cast %parallel_loop3A_273 : i32 to index
        %parallel_loop3A_275 = arith.constant 96 : index
        %parallel_loop3A_276 = tpu.vector_load %arg10[%parallel_loop3A_274, %parallel_loop3A_275] {strides = array<i32>} : memref<80x128xf32, #tpu.memory_space<vmem>>, vector<16xf32>,
        %parallel_loop3A_277 = arith.mulf %parallel_loop3A_271, %parallel_loop3A_276 : vector<16xf32>
        %parallel_loop3A_278 = arith.addf %parallel_loop3A_266, %parallel_loop3A_277 : vector<16xf32>
        %parallel_loop3A_279 = arith.constant 1 : i32
        %parallel_loop3A_280 = arith.addi %parallel_loop3A_90, %parallel_loop3A_279 : i32
        %parallel_loop3A_281 = arith.index_cast %parallel_loop3A_280 : i32 to index
        %parallel_loop3A_282 = arith.constant 112 : index
        %parallel_loop3A_283 = tpu.vector_load %arg9[%parallel_loop3A_281, %parallel_loop3A_282] {strides = array<i32>} : memref<80x128xf32, #tpu.memory_space<vmem>>, vector<16xf32>,
        %parallel_loop3A_284 = arith.constant 1 : i32
        %parallel_loop3A_285 = arith.addi %parallel_loop3A_90, %parallel_loop3A_284 : i32
        %parallel_loop3A_286 = arith.index_cast %parallel_loop3A_285 : i32 to index
        %parallel_loop3A_287 = arith.constant 112 : index
        %parallel_loop3A_288 = tpu.vector_load %arg10[%parallel_loop3A_286, %parallel_loop3A_287] {strides = array<i32>} : memref<80x128xf32, #tpu.memory_space<vmem>>, vector<16xf32>,
        %parallel_loop3A_289 = arith.mulf %parallel_loop3A_283, %parallel_loop3A_288 : vector<16xf32>
        %parallel_loop3A_290 = arith.addf %parallel_loop3A_278, %parallel_loop3A_289 : vector<16xf32>
        %parallel_loop3A_291 = arith.constant 1 : i32
        %parallel_loop3A_292 = arith.addi %parallel_loop3A_90, %parallel_loop3A_291 : i32
        %parallel_loop3A_293 = arith.index_cast %parallel_loop3A_292 : i32 to index
        %parallel_loop3A_294 = arith.constant 0 : index
        %parallel_loop3A_295 = tpu.vector_load %arg15[%parallel_loop3A_293, %parallel_loop3A_294] {strides = array<i32>} : memref<80x16xf32, #tpu.memory_space<vmem>>, vector<16xf32>,
        tpu.vector_store %arg15[%parallel_loop3A_293, %parallel_loop3A_294], %parallel_loop3A_290 {strides = array<i32>} : memref<80x16xf32, #tpu.memory_space<vmem>>, vector<16xf32>,
        %parallel_loop3A_296 = arith.constant 2 : i32
        %parallel_loop3A_297 = arith.addi %parallel_loop3A_90, %parallel_loop3A_296 : i32
        %parallel_loop3A_298 = arith.index_cast %parallel_loop3A_297 : i32 to index
        %parallel_loop3A_299 = arith.constant 0 : index
        %parallel_loop3A_300 = tpu.vector_load %arg9[%parallel_loop3A_298, %parallel_loop3A_299] {strides = array<i32>} : memref<80x128xf32, #tpu.memory_space<vmem>>, vector<16xf32>,
        %parallel_loop3A_301 = arith.constant 2 : i32
        %parallel_loop3A_302 = arith.addi %parallel_loop3A_90, %parallel_loop3A_301 : i32
        %parallel_loop3A_303 = arith.index_cast %parallel_loop3A_302 : i32 to index
        %parallel_loop3A_304 = arith.constant 0 : index
        %parallel_loop3A_305 = tpu.vector_load %arg10[%parallel_loop3A_303, %parallel_loop3A_304] {strides = array<i32>} : memref<80x128xf32, #tpu.memory_space<vmem>>, vector<16xf32>,
        %parallel_loop3A_306 = arith.mulf %parallel_loop3A_300, %parallel_loop3A_305 : vector<16xf32>
        %parallel_loop3A_307 = arith.constant 2 : i32
        %parallel_loop3A_308 = arith.addi %parallel_loop3A_90, %parallel_loop3A_307 : i32
        %parallel_loop3A_309 = arith.index_cast %parallel_loop3A_308 : i32 to index
        %parallel_loop3A_310 = arith.constant 16 : index
        %parallel_loop3A_311 = tpu.vector_load %arg9[%parallel_loop3A_309, %parallel_loop3A_310] {strides = array<i32>} : memref<80x128xf32, #tpu.memory_space<vmem>>, vector<16xf32>,
        %parallel_loop3A_312 = arith.constant 2 : i32
        %parallel_loop3A_313 = arith.addi %parallel_loop3A_90, %parallel_loop3A_312 : i32
        %parallel_loop3A_314 = arith.index_cast %parallel_loop3A_313 : i32 to index
        %parallel_loop3A_315 = arith.constant 16 : index
        %parallel_loop3A_316 = tpu.vector_load %arg10[%parallel_loop3A_314, %parallel_loop3A_315] {strides = array<i32>} : memref<80x128xf32, #tpu.memory_space<vmem>>, vector<16xf32>,
        %parallel_loop3A_317 = arith.mulf %parallel_loop3A_311, %parallel_loop3A_316 : vector<16xf32>
        %parallel_loop3A_318 = arith.addf %parallel_loop3A_306, %parallel_loop3A_317 : vector<16xf32>
        %parallel_loop3A_319 = arith.constant 2 : i32
        %parallel_loop3A_320 = arith.addi %parallel_loop3A_90, %parallel_loop3A_319 : i32
        %parallel_loop3A_321 = arith.index_cast %parallel_loop3A_320 : i32 to index
        %parallel_loop3A_322 = arith.constant 32 : index
        %parallel_loop3A_323 = tpu.vector_load %arg9[%parallel_loop3A_321, %parallel_loop3A_322] {strides = array<i32>} : memref<80x128xf32, #tpu.memory_space<vmem>>, vector<16xf32>,
        %parallel_loop3A_324 = arith.constant 2 : i32
        %parallel_loop3A_325 = arith.addi %parallel_loop3A_90, %parallel_loop3A_324 : i32
        %parallel_loop3A_326 = arith.index_cast %parallel_loop3A_325 : i32 to index
        %parallel_loop3A_327 = arith.constant 32 : index
        %parallel_loop3A_328 = tpu.vector_load %arg10[%parallel_loop3A_326, %parallel_loop3A_327] {strides = array<i32>} : memref<80x128xf32, #tpu.memory_space<vmem>>, vector<16xf32>,
        %parallel_loop3A_329 = arith.mulf %parallel_loop3A_323, %parallel_loop3A_328 : vector<16xf32>
        %parallel_loop3A_330 = arith.addf %parallel_loop3A_318, %parallel_loop3A_329 : vector<16xf32>
        %parallel_loop3A_331 = arith.constant 2 : i32
        %parallel_loop3A_332 = arith.addi %parallel_loop3A_90, %parallel_loop3A_331 : i32
        %parallel_loop3A_333 = arith.index_cast %parallel_loop3A_332 : i32 to index
        %parallel_loop3A_334 = arith.constant 48 : index
        %parallel_loop3A_335 = tpu.vector_load %arg9[%parallel_loop3A_333, %parallel_loop3A_334] {strides = array<i32>} : memref<80x128xf32, #tpu.memory_space<vmem>>, vector<16xf32>,
        %parallel_loop3A_336 = arith.constant 2 : i32
        %parallel_loop3A_337 = arith.addi %parallel_loop3A_90, %parallel_loop3A_336 : i32
        %parallel_loop3A_338 = arith.index_cast %parallel_loop3A_337 : i32 to index
        %parallel_loop3A_339 = arith.constant 48 : index
        %parallel_loop3A_340 = tpu.vector_load %arg10[%parallel_loop3A_338, %parallel_loop3A_339] {strides = array<i32>} : memref<80x128xf32, #tpu.memory_space<vmem>>, vector<16xf32>,
        %parallel_loop3A_341 = arith.mulf %parallel_loop3A_335, %parallel_loop3A_340 : vector<16xf32>
        %parallel_loop3A_342 = arith.addf %parallel_loop3A_330, %parallel_loop3A_341 : vector<16xf32>
        %parallel_loop3A_343 = arith.constant 2 : i32
        %parallel_loop3A_344 = arith.addi %parallel_loop3A_90, %parallel_loop3A_343 : i32
        %parallel_loop3A_345 = arith.index_cast %parallel_loop3A_344 : i32 to index
        %parallel_loop3A_346 = arith.constant 64 : index
        %parallel_loop3A_347 = tpu.vector_load %arg9[%parallel_loop3A_345, %parallel_loop3A_346] {strides = array<i32>} : memref<80x128xf32, #tpu.memory_space<vmem>>, vector<16xf32>,
        %parallel_loop3A_348 = arith.constant 2 : i32
        %parallel_loop3A_349 = arith.addi %parallel_loop3A_90, %parallel_loop3A_348 : i32
        %parallel_loop3A_350 = arith.index_cast %parallel_loop3A_349 : i32 to index
        %parallel_loop3A_351 = arith.constant 64 : index
        %parallel_loop3A_352 = tpu.vector_load %arg10[%parallel_loop3A_350, %parallel_loop3A_351] {strides = array<i32>} : memref<80x128xf32, #tpu.memory_space<vmem>>, vector<16xf32>,
        %parallel_loop3A_353 = arith.mulf %parallel_loop3A_347, %parallel_loop3A_352 : vector<16xf32>
        %parallel_loop3A_354 = arith.addf %parallel_loop3A_342, %parallel_loop3A_353 : vector<16xf32>
        %parallel_loop3A_355 = arith.constant 2 : i32
        %parallel_loop3A_356 = arith.addi %parallel_loop3A_90, %parallel_loop3A_355 : i32
        %parallel_loop3A_357 = arith.index_cast %parallel_loop3A_356 : i32 to index
        %parallel_loop3A_358 = arith.constant 80 : index
        %parallel_loop3A_359 = tpu.vector_load %arg9[%parallel_loop3A_357, %parallel_loop3A_358] {strides = array<i32>} : memref<80x128xf32, #tpu.memory_space<vmem>>, vector<16xf32>,
        %parallel_loop3A_360 = arith.constant 2 : i32
        %parallel_loop3A_361 = arith.addi %parallel_loop3A_90, %parallel_loop3A_360 : i32
        %parallel_loop3A_362 = arith.index_cast %parallel_loop3A_361 : i32 to index
        %parallel_loop3A_363 = arith.constant 80 : index
        %parallel_loop3A_364 = tpu.vector_load %arg10[%parallel_loop3A_362, %parallel_loop3A_363] {strides = array<i32>} : memref<80x128xf32, #tpu.memory_space<vmem>>, vector<16xf32>,
        %parallel_loop3A_365 = arith.mulf %parallel_loop3A_359, %parallel_loop3A_364 : vector<16xf32>
        %parallel_loop3A_366 = arith.addf %parallel_loop3A_354, %parallel_loop3A_365 : vector<16xf32>
        %parallel_loop3A_367 = arith.constant 2 : i32
        %parallel_loop3A_368 = arith.addi %parallel_loop3A_90, %parallel_loop3A_367 : i32
        %parallel_loop3A_369 = arith.index_cast %parallel_loop3A_368 : i32 to index
        %parallel_loop3A_370 = arith.constant 96 : index
        %parallel_loop3A_371 = tpu.vector_load %arg9[%parallel_loop3A_369, %parallel_loop3A_370] {strides = array<i32>} : memref<80x128xf32, #tpu.memory_space<vmem>>, vector<16xf32>,
        %parallel_loop3A_372 = arith.constant 2 : i32
        %parallel_loop3A_373 = arith.addi %parallel_loop3A_90, %parallel_loop3A_372 : i32
        %parallel_loop3A_374 = arith.index_cast %parallel_loop3A_373 : i32 to index
        %parallel_loop3A_375 = arith.constant 96 : index
        %parallel_loop3A_376 = tpu.vector_load %arg10[%parallel_loop3A_374, %parallel_loop3A_375] {strides = array<i32>} : memref<80x128xf32, #tpu.memory_space<vmem>>, vector<16xf32>,
        %parallel_loop3A_377 = arith.mulf %parallel_loop3A_371, %parallel_loop3A_376 : vector<16xf32>
        %parallel_loop3A_378 = arith.addf %parallel_loop3A_366, %parallel_loop3A_377 : vector<16xf32>
        %parallel_loop3A_379 = arith.constant 2 : i32
        %parallel_loop3A_380 = arith.addi %parallel_loop3A_90, %parallel_loop3A_379 : i32
        %parallel_loop3A_381 = arith.index_cast %parallel_loop3A_380 : i32 to index
        %parallel_loop3A_382 = arith.constant 112 : index
        %parallel_loop3A_383 = tpu.vector_load %arg9[%parallel_loop3A_381, %parallel_loop3A_382] {strides = array<i32>} : memref<80x128xf32, #tpu.memory_space<vmem>>, vector<16xf32>,
        %parallel_loop3A_384 = arith.constant 2 : i32
        %parallel_loop3A_385 = arith.addi %parallel_loop3A_90, %parallel_loop3A_384 : i32
        %parallel_loop3A_386 = arith.index_cast %parallel_loop3A_385 : i32 to index
        %parallel_loop3A_387 = arith.constant 112 : index
        %parallel_loop3A_388 = tpu.vector_load %arg10[%parallel_loop3A_386, %parallel_loop3A_387] {strides = array<i32>} : memref<80x128xf32, #tpu.memory_space<vmem>>, vector<16xf32>,
        %parallel_loop3A_389 = arith.mulf %parallel_loop3A_383, %parallel_loop3A_388 : vector<16xf32>
        %parallel_loop3A_390 = arith.addf %parallel_loop3A_378, %parallel_loop3A_389 : vector<16xf32>
        %parallel_loop3A_391 = arith.constant 2 : i32
        %parallel_loop3A_392 = arith.addi %parallel_loop3A_90, %parallel_loop3A_391 : i32
        %parallel_loop3A_393 = arith.index_cast %parallel_loop3A_392 : i32 to index
        %parallel_loop3A_394 = arith.constant 0 : index
        %parallel_loop3A_395 = tpu.vector_load %arg15[%parallel_loop3A_393, %parallel_loop3A_394] {strides = array<i32>} : memref<80x16xf32, #tpu.memory_space<vmem>>, vector<16xf32>,
        tpu.vector_store %arg15[%parallel_loop3A_393, %parallel_loop3A_394], %parallel_loop3A_390 {strides = array<i32>} : memref<80x16xf32, #tpu.memory_space<vmem>>, vector<16xf32>,
        %parallel_loop3A_396 = arith.constant 3 : i32
        %parallel_loop3A_397 = arith.addi %parallel_loop3A_90, %parallel_loop3A_396 : i32
        %parallel_loop3A_398 = arith.index_cast %parallel_loop3A_397 : i32 to index
        %parallel_loop3A_399 = arith.constant 0 : index
        %parallel_loop3A_400 = tpu.vector_load %arg9[%parallel_loop3A_398, %parallel_loop3A_399] {strides = array<i32>} : memref<80x128xf32, #tpu.memory_space<vmem>>, vector<16xf32>,
        %parallel_loop3A_401 = arith.constant 3 : i32
        %parallel_loop3A_402 = arith.addi %parallel_loop3A_90, %parallel_loop3A_401 : i32
        %parallel_loop3A_403 = arith.index_cast %parallel_loop3A_402 : i32 to index
        %parallel_loop3A_404 = arith.constant 0 : index
        %parallel_loop3A_405 = tpu.vector_load %arg10[%parallel_loop3A_403, %parallel_loop3A_404] {strides = array<i32>} : memref<80x128xf32, #tpu.memory_space<vmem>>, vector<16xf32>,
        %parallel_loop3A_406 = arith.mulf %parallel_loop3A_400, %parallel_loop3A_405 : vector<16xf32>
        %parallel_loop3A_407 = arith.constant 3 : i32
        %parallel_loop3A_408 = arith.addi %parallel_loop3A_90, %parallel_loop3A_407 : i32
        %parallel_loop3A_409 = arith.index_cast %parallel_loop3A_408 : i32 to index
        %parallel_loop3A_410 = arith.constant 16 : index
        %parallel_loop3A_411 = tpu.vector_load %arg9[%parallel_loop3A_409, %parallel_loop3A_410] {strides = array<i32>} : memref<80x128xf32, #tpu.memory_space<vmem>>, vector<16xf32>,
        %parallel_loop3A_412 = arith.constant 3 : i32
        %parallel_loop3A_413 = arith.addi %parallel_loop3A_90, %parallel_loop3A_412 : i32
        %parallel_loop3A_414 = arith.index_cast %parallel_loop3A_413 : i32 to index
        %parallel_loop3A_415 = arith.constant 16 : index
        %parallel_loop3A_416 = tpu.vector_load %arg10[%parallel_loop3A_414, %parallel_loop3A_415] {strides = array<i32>} : memref<80x128xf32, #tpu.memory_space<vmem>>, vector<16xf32>,
        %parallel_loop3A_417 = arith.mulf %parallel_loop3A_411, %parallel_loop3A_416 : vector<16xf32>
        %parallel_loop3A_418 = arith.addf %parallel_loop3A_406, %parallel_loop3A_417 : vector<16xf32>
        %parallel_loop3A_419 = arith.constant 3 : i32
        %parallel_loop3A_420 = arith.addi %parallel_loop3A_90, %parallel_loop3A_419 : i32
        %parallel_loop3A_421 = arith.index_cast %parallel_loop3A_420 : i32 to index
        %parallel_loop3A_422 = arith.constant 32 : index
        %parallel_loop3A_423 = tpu.vector_load %arg9[%parallel_loop3A_421, %parallel_loop3A_422] {strides = array<i32>} : memref<80x128xf32, #tpu.memory_space<vmem>>, vector<16xf32>,
        %parallel_loop3A_424 = arith.constant 3 : i32
        %parallel_loop3A_425 = arith.addi %parallel_loop3A_90, %parallel_loop3A_424 : i32
        %parallel_loop3A_426 = arith.index_cast %parallel_loop3A_425 : i32 to index
        %parallel_loop3A_427 = arith.constant 32 : index
        %parallel_loop3A_428 = tpu.vector_load %arg10[%parallel_loop3A_426, %parallel_loop3A_427] {strides = array<i32>} : memref<80x128xf32, #tpu.memory_space<vmem>>, vector<16xf32>,
        %parallel_loop3A_429 = arith.mulf %parallel_loop3A_423, %parallel_loop3A_428 : vector<16xf32>
        %parallel_loop3A_430 = arith.addf %parallel_loop3A_418, %parallel_loop3A_429 : vector<16xf32>
        %parallel_loop3A_431 = arith.constant 3 : i32
        %parallel_loop3A_432 = arith.addi %parallel_loop3A_90, %parallel_loop3A_431 : i32
        %parallel_loop3A_433 = arith.index_cast %parallel_loop3A_432 : i32 to index
        %parallel_loop3A_434 = arith.constant 48 : index
        %parallel_loop3A_435 = tpu.vector_load %arg9[%parallel_loop3A_433, %parallel_loop3A_434] {strides = array<i32>} : memref<80x128xf32, #tpu.memory_space<vmem>>, vector<16xf32>,
        %parallel_loop3A_436 = arith.constant 3 : i32
        %parallel_loop3A_437 = arith.addi %parallel_loop3A_90, %parallel_loop3A_436 : i32
        %parallel_loop3A_438 = arith.index_cast %parallel_loop3A_437 : i32 to index
        %parallel_loop3A_439 = arith.constant 48 : index
        %parallel_loop3A_440 = tpu.vector_load %arg10[%parallel_loop3A_438, %parallel_loop3A_439] {strides = array<i32>} : memref<80x128xf32, #tpu.memory_space<vmem>>, vector<16xf32>,
        %parallel_loop3A_441 = arith.mulf %parallel_loop3A_435, %parallel_loop3A_440 : vector<16xf32>
        %parallel_loop3A_442 = arith.addf %parallel_loop3A_430, %parallel_loop3A_441 : vector<16xf32>
        %parallel_loop3A_443 = arith.constant 3 : i32
        %parallel_loop3A_444 = arith.addi %parallel_loop3A_90, %parallel_loop3A_443 : i32
        %parallel_loop3A_445 = arith.index_cast %parallel_loop3A_444 : i32 to index
        %parallel_loop3A_446 = arith.constant 64 : index
        %parallel_loop3A_447 = tpu.vector_load %arg9[%parallel_loop3A_445, %parallel_loop3A_446] {strides = array<i32>} : memref<80x128xf32, #tpu.memory_space<vmem>>, vector<16xf32>,
        %parallel_loop3A_448 = arith.constant 3 : i32
        %parallel_loop3A_449 = arith.addi %parallel_loop3A_90, %parallel_loop3A_448 : i32
        %parallel_loop3A_450 = arith.index_cast %parallel_loop3A_449 : i32 to index
        %parallel_loop3A_451 = arith.constant 64 : index
        %parallel_loop3A_452 = tpu.vector_load %arg10[%parallel_loop3A_450, %parallel_loop3A_451] {strides = array<i32>} : memref<80x128xf32, #tpu.memory_space<vmem>>, vector<16xf32>,
        %parallel_loop3A_453 = arith.mulf %parallel_loop3A_447, %parallel_loop3A_452 : vector<16xf32>
        %parallel_loop3A_454 = arith.addf %parallel_loop3A_442, %parallel_loop3A_453 : vector<16xf32>
        %parallel_loop3A_455 = arith.constant 3 : i32
        %parallel_loop3A_456 = arith.addi %parallel_loop3A_90, %parallel_loop3A_455 : i32
        %parallel_loop3A_457 = arith.index_cast %parallel_loop3A_456 : i32 to index
        %parallel_loop3A_458 = arith.constant 80 : index
        %parallel_loop3A_459 = tpu.vector_load %arg9[%parallel_loop3A_457, %parallel_loop3A_458] {strides = array<i32>} : memref<80x128xf32, #tpu.memory_space<vmem>>, vector<16xf32>,
        %parallel_loop3A_460 = arith.constant 3 : i32
        %parallel_loop3A_461 = arith.addi %parallel_loop3A_90, %parallel_loop3A_460 : i32
        %parallel_loop3A_462 = arith.index_cast %parallel_loop3A_461 : i32 to index
        %parallel_loop3A_463 = arith.constant 80 : index
        %parallel_loop3A_464 = tpu.vector_load %arg10[%parallel_loop3A_462, %parallel_loop3A_463] {strides = array<i32>} : memref<80x128xf32, #tpu.memory_space<vmem>>, vector<16xf32>,
        %parallel_loop3A_465 = arith.mulf %parallel_loop3A_459, %parallel_loop3A_464 : vector<16xf32>
        %parallel_loop3A_466 = arith.addf %parallel_loop3A_454, %parallel_loop3A_465 : vector<16xf32>
        %parallel_loop3A_467 = arith.constant 3 : i32
        %parallel_loop3A_468 = arith.addi %parallel_loop3A_90, %parallel_loop3A_467 : i32
        %parallel_loop3A_469 = arith.index_cast %parallel_loop3A_468 : i32 to index
        %parallel_loop3A_470 = arith.constant 96 : index
        %parallel_loop3A_471 = tpu.vector_load %arg9[%parallel_loop3A_469, %parallel_loop3A_470] {strides = array<i32>} : memref<80x128xf32, #tpu.memory_space<vmem>>, vector<16xf32>,
        %parallel_loop3A_472 = arith.constant 3 : i32
        %parallel_loop3A_473 = arith.addi %parallel_loop3A_90, %parallel_loop3A_472 : i32
        %parallel_loop3A_474 = arith.index_cast %parallel_loop3A_473 : i32 to index
        %parallel_loop3A_475 = arith.constant 96 : index
        %parallel_loop3A_476 = tpu.vector_load %arg10[%parallel_loop3A_474, %parallel_loop3A_475] {strides = array<i32>} : memref<80x128xf32, #tpu.memory_space<vmem>>, vector<16xf32>,
        %parallel_loop3A_477 = arith.mulf %parallel_loop3A_471, %parallel_loop3A_476 : vector<16xf32>
        %parallel_loop3A_478 = arith.addf %parallel_loop3A_466, %parallel_loop3A_477 : vector<16xf32>
        %parallel_loop3A_479 = arith.constant 3 : i32
        %parallel_loop3A_480 = arith.addi %parallel_loop3A_90, %parallel_loop3A_479 : i32
        %parallel_loop3A_481 = arith.index_cast %parallel_loop3A_480 : i32 to index
        %parallel_loop3A_482 = arith.constant 112 : index
        %parallel_loop3A_483 = tpu.vector_load %arg9[%parallel_loop3A_481, %parallel_loop3A_482] {strides = array<i32>} : memref<80x128xf32, #tpu.memory_space<vmem>>, vector<16xf32>,
        %parallel_loop3A_484 = arith.constant 3 : i32
        %parallel_loop3A_485 = arith.addi %parallel_loop3A_90, %parallel_loop3A_484 : i32
        %parallel_loop3A_486 = arith.index_cast %parallel_loop3A_485 : i32 to index
        %parallel_loop3A_487 = arith.constant 112 : index
        %parallel_loop3A_488 = tpu.vector_load %arg10[%parallel_loop3A_486, %parallel_loop3A_487] {strides = array<i32>} : memref<80x128xf32, #tpu.memory_space<vmem>>, vector<16xf32>,
        %parallel_loop3A_489 = arith.mulf %parallel_loop3A_483, %parallel_loop3A_488 : vector<16xf32>
        %parallel_loop3A_490 = arith.addf %parallel_loop3A_478, %parallel_loop3A_489 : vector<16xf32>
        %parallel_loop3A_491 = arith.constant 3 : i32
        %parallel_loop3A_492 = arith.addi %parallel_loop3A_90, %parallel_loop3A_491 : i32
        %parallel_loop3A_493 = arith.index_cast %parallel_loop3A_492 : i32 to index
        %parallel_loop3A_494 = arith.constant 0 : index
        %parallel_loop3A_495 = tpu.vector_load %arg15[%parallel_loop3A_493, %parallel_loop3A_494] {strides = array<i32>} : memref<80x16xf32, #tpu.memory_space<vmem>>, vector<16xf32>,
        tpu.vector_store %arg15[%parallel_loop3A_493, %parallel_loop3A_494], %parallel_loop3A_490 {strides = array<i32>} : memref<80x16xf32, #tpu.memory_space<vmem>>, vector<16xf32>,
        %parallel_loop3A_496 = arith.constant 4 : i32
        %parallel_loop3A_497 = arith.addi %parallel_loop3A_90, %parallel_loop3A_496 : i32
        %parallel_loop3A_498 = arith.index_cast %parallel_loop3A_497 : i32 to index
        %parallel_loop3A_499 = arith.constant 0 : index
        %parallel_loop3A_500 = tpu.vector_load %arg9[%parallel_loop3A_498, %parallel_loop3A_499] {strides = array<i32>} : memref<80x128xf32, #tpu.memory_space<vmem>>, vector<16xf32>,
        %parallel_loop3A_501 = arith.constant 4 : i32
        %parallel_loop3A_502 = arith.addi %parallel_loop3A_90, %parallel_loop3A_501 : i32
        %parallel_loop3A_503 = arith.index_cast %parallel_loop3A_502 : i32 to index
        %parallel_loop3A_504 = arith.constant 0 : index
        %parallel_loop3A_505 = tpu.vector_load %arg10[%parallel_loop3A_503, %parallel_loop3A_504] {strides = array<i32>} : memref<80x128xf32, #tpu.memory_space<vmem>>, vector<16xf32>,
        %parallel_loop3A_506 = arith.mulf %parallel_loop3A_500, %parallel_loop3A_505 : vector<16xf32>
        %parallel_loop3A_507 = arith.constant 4 : i32
        %parallel_loop3A_508 = arith.addi %parallel_loop3A_90, %parallel_loop3A_507 : i32
        %parallel_loop3A_509 = arith.index_cast %parallel_loop3A_508 : i32 to index
        %parallel_loop3A_510 = arith.constant 16 : index
        %parallel_loop3A_511 = tpu.vector_load %arg9[%parallel_loop3A_509, %parallel_loop3A_510] {strides = array<i32>} : memref<80x128xf32, #tpu.memory_space<vmem>>, vector<16xf32>,
        %parallel_loop3A_512 = arith.constant 4 : i32
        %parallel_loop3A_513 = arith.addi %parallel_loop3A_90, %parallel_loop3A_512 : i32
        %parallel_loop3A_514 = arith.index_cast %parallel_loop3A_513 : i32 to index
        %parallel_loop3A_515 = arith.constant 16 : index
        %parallel_loop3A_516 = tpu.vector_load %arg10[%parallel_loop3A_514, %parallel_loop3A_515] {strides = array<i32>} : memref<80x128xf32, #tpu.memory_space<vmem>>, vector<16xf32>,
        %parallel_loop3A_517 = arith.mulf %parallel_loop3A_511, %parallel_loop3A_516 : vector<16xf32>
        %parallel_loop3A_518 = arith.addf %parallel_loop3A_506, %parallel_loop3A_517 : vector<16xf32>
        %parallel_loop3A_519 = arith.constant 4 : i32
        %parallel_loop3A_520 = arith.addi %parallel_loop3A_90, %parallel_loop3A_519 : i32
        %parallel_loop3A_521 = arith.index_cast %parallel_loop3A_520 : i32 to index
        %parallel_loop3A_522 = arith.constant 32 : index
        %parallel_loop3A_523 = tpu.vector_load %arg9[%parallel_loop3A_521, %parallel_loop3A_522] {strides = array<i32>} : memref<80x128xf32, #tpu.memory_space<vmem>>, vector<16xf32>,
        %parallel_loop3A_524 = arith.constant 4 : i32
        %parallel_loop3A_525 = arith.addi %parallel_loop3A_90, %parallel_loop3A_524 : i32
        %parallel_loop3A_526 = arith.index_cast %parallel_loop3A_525 : i32 to index
        %parallel_loop3A_527 = arith.constant 32 : index
        %parallel_loop3A_528 = tpu.vector_load %arg10[%parallel_loop3A_526, %parallel_loop3A_527] {strides = array<i32>} : memref<80x128xf32, #tpu.memory_space<vmem>>, vector<16xf32>,
        %parallel_loop3A_529 = arith.mulf %parallel_loop3A_523, %parallel_loop3A_528 : vector<16xf32>
        %parallel_loop3A_530 = arith.addf %parallel_loop3A_518, %parallel_loop3A_529 : vector<16xf32>
        %parallel_loop3A_531 = arith.constant 4 : i32
        %parallel_loop3A_532 = arith.addi %parallel_loop3A_90, %parallel_loop3A_531 : i32
        %parallel_loop3A_533 = arith.index_cast %parallel_loop3A_532 : i32 to index
        %parallel_loop3A_534 = arith.constant 48 : index
        %parallel_loop3A_535 = tpu.vector_load %arg9[%parallel_loop3A_533, %parallel_loop3A_534] {strides = array<i32>} : memref<80x128xf32, #tpu.memory_space<vmem>>, vector<16xf32>,
        %parallel_loop3A_536 = arith.constant 4 : i32
        %parallel_loop3A_537 = arith.addi %parallel_loop3A_90, %parallel_loop3A_536 : i32
        %parallel_loop3A_538 = arith.index_cast %parallel_loop3A_537 : i32 to index
        %parallel_loop3A_539 = arith.constant 48 : index
        %parallel_loop3A_540 = tpu.vector_load %arg10[%parallel_loop3A_538, %parallel_loop3A_539] {strides = array<i32>} : memref<80x128xf32, #tpu.memory_space<vmem>>, vector<16xf32>,
        %parallel_loop3A_541 = arith.mulf %parallel_loop3A_535, %parallel_loop3A_540 : vector<16xf32>
        %parallel_loop3A_542 = arith.addf %parallel_loop3A_530, %parallel_loop3A_541 : vector<16xf32>
        %parallel_loop3A_543 = arith.constant 4 : i32
        %parallel_loop3A_544 = arith.addi %parallel_loop3A_90, %parallel_loop3A_543 : i32
        %parallel_loop3A_545 = arith.index_cast %parallel_loop3A_544 : i32 to index
        %parallel_loop3A_546 = arith.constant 64 : index
        %parallel_loop3A_547 = tpu.vector_load %arg9[%parallel_loop3A_545, %parallel_loop3A_546] {strides = array<i32>} : memref<80x128xf32, #tpu.memory_space<vmem>>, vector<16xf32>,
        %parallel_loop3A_548 = arith.constant 4 : i32
        %parallel_loop3A_549 = arith.addi %parallel_loop3A_90, %parallel_loop3A_548 : i32
        %parallel_loop3A_550 = arith.index_cast %parallel_loop3A_549 : i32 to index
        %parallel_loop3A_551 = arith.constant 64 : index
        %parallel_loop3A_552 = tpu.vector_load %arg10[%parallel_loop3A_550, %parallel_loop3A_551] {strides = array<i32>} : memref<80x128xf32, #tpu.memory_space<vmem>>, vector<16xf32>,
        %parallel_loop3A_553 = arith.mulf %parallel_loop3A_547, %parallel_loop3A_552 : vector<16xf32>
        %parallel_loop3A_554 = arith.addf %parallel_loop3A_542, %parallel_loop3A_553 : vector<16xf32>
        %parallel_loop3A_555 = arith.constant 4 : i32
        %parallel_loop3A_556 = arith.addi %parallel_loop3A_90, %parallel_loop3A_555 : i32
        %parallel_loop3A_557 = arith.index_cast %parallel_loop3A_556 : i32 to index
        %parallel_loop3A_558 = arith.constant 80 : index
        %parallel_loop3A_559 = tpu.vector_load %arg9[%parallel_loop3A_557, %parallel_loop3A_558] {strides = array<i32>} : memref<80x128xf32, #tpu.memory_space<vmem>>, vector<16xf32>,
        %parallel_loop3A_560 = arith.constant 4 : i32
        %parallel_loop3A_561 = arith.addi %parallel_loop3A_90, %parallel_loop3A_560 : i32
        %parallel_loop3A_562 = arith.index_cast %parallel_loop3A_561 : i32 to index
        %parallel_loop3A_563 = arith.constant 80 : index
        %parallel_loop3A_564 = tpu.vector_load %arg10[%parallel_loop3A_562, %parallel_loop3A_563] {strides = array<i32>} : memref<80x128xf32, #tpu.memory_space<vmem>>, vector<16xf32>,
        %parallel_loop3A_565 = arith.mulf %parallel_loop3A_559, %parallel_loop3A_564 : vector<16xf32>
        %parallel_loop3A_566 = arith.addf %parallel_loop3A_554, %parallel_loop3A_565 : vector<16xf32>
        %parallel_loop3A_567 = arith.constant 4 : i32
        %parallel_loop3A_568 = arith.addi %parallel_loop3A_90, %parallel_loop3A_567 : i32
        %parallel_loop3A_569 = arith.index_cast %parallel_loop3A_568 : i32 to index
        %parallel_loop3A_570 = arith.constant 96 : index
        %parallel_loop3A_571 = tpu.vector_load %arg9[%parallel_loop3A_569, %parallel_loop3A_570] {strides = array<i32>} : memref<80x128xf32, #tpu.memory_space<vmem>>, vector<16xf32>,
        %parallel_loop3A_572 = arith.constant 4 : i32
        %parallel_loop3A_573 = arith.addi %parallel_loop3A_90, %parallel_loop3A_572 : i32
        %parallel_loop3A_574 = arith.index_cast %parallel_loop3A_573 : i32 to index
        %parallel_loop3A_575 = arith.constant 96 : index
        %parallel_loop3A_576 = tpu.vector_load %arg10[%parallel_loop3A_574, %parallel_loop3A_575] {strides = array<i32>} : memref<80x128xf32, #tpu.memory_space<vmem>>, vector<16xf32>,
        %parallel_loop3A_577 = arith.mulf %parallel_loop3A_571, %parallel_loop3A_576 : vector<16xf32>
        %parallel_loop3A_578 = arith.addf %parallel_loop3A_566, %parallel_loop3A_577 : vector<16xf32>
        %parallel_loop3A_579 = arith.constant 4 : i32
        %parallel_loop3A_580 = arith.addi %parallel_loop3A_90, %parallel_loop3A_579 : i32
        %parallel_loop3A_581 = arith.index_cast %parallel_loop3A_580 : i32 to index
        %parallel_loop3A_582 = arith.constant 112 : index
        %parallel_loop3A_583 = tpu.vector_load %arg9[%parallel_loop3A_581, %parallel_loop3A_582] {strides = array<i32>} : memref<80x128xf32, #tpu.memory_space<vmem>>, vector<16xf32>,
        %parallel_loop3A_584 = arith.constant 4 : i32
        %parallel_loop3A_585 = arith.addi %parallel_loop3A_90, %parallel_loop3A_584 : i32
        %parallel_loop3A_586 = arith.index_cast %parallel_loop3A_585 : i32 to index
        %parallel_loop3A_587 = arith.constant 112 : index
        %parallel_loop3A_588 = tpu.vector_load %arg10[%parallel_loop3A_586, %parallel_loop3A_587] {strides = array<i32>} : memref<80x128xf32, #tpu.memory_space<vmem>>, vector<16xf32>,
        %parallel_loop3A_589 = arith.mulf %parallel_loop3A_583, %parallel_loop3A_588 : vector<16xf32>
        %parallel_loop3A_590 = arith.addf %parallel_loop3A_578, %parallel_loop3A_589 : vector<16xf32>
        %parallel_loop3A_591 = arith.constant 4 : i32
        %parallel_loop3A_592 = arith.addi %parallel_loop3A_90, %parallel_loop3A_591 : i32
        %parallel_loop3A_593 = arith.index_cast %parallel_loop3A_592 : i32 to index
        %parallel_loop3A_594 = arith.constant 0 : index
        %parallel_loop3A_595 = tpu.vector_load %arg15[%parallel_loop3A_593, %parallel_loop3A_594] {strides = array<i32>} : memref<80x16xf32, #tpu.memory_space<vmem>>, vector<16xf32>,
        tpu.vector_store %arg15[%parallel_loop3A_593, %parallel_loop3A_594], %parallel_loop3A_590 {strides = array<i32>} : memref<80x16xf32, #tpu.memory_space<vmem>>, vector<16xf32>,
        %parallel_loop3A_596 = arith.constant 5 : i32
        %parallel_loop3A_597 = arith.addi %parallel_loop3A_90, %parallel_loop3A_596 : i32
        %parallel_loop3A_598 = arith.index_cast %parallel_loop3A_597 : i32 to index
        %parallel_loop3A_599 = arith.constant 0 : index
        %parallel_loop3A_600 = tpu.vector_load %arg9[%parallel_loop3A_598, %parallel_loop3A_599] {strides = array<i32>} : memref<80x128xf32, #tpu.memory_space<vmem>>, vector<16xf32>,
        %parallel_loop3A_601 = arith.constant 5 : i32
        %parallel_loop3A_602 = arith.addi %parallel_loop3A_90, %parallel_loop3A_601 : i32
        %parallel_loop3A_603 = arith.index_cast %parallel_loop3A_602 : i32 to index
        %parallel_loop3A_604 = arith.constant 0 : index
        %parallel_loop3A_605 = tpu.vector_load %arg10[%parallel_loop3A_603, %parallel_loop3A_604] {strides = array<i32>} : memref<80x128xf32, #tpu.memory_space<vmem>>, vector<16xf32>,
        %parallel_loop3A_606 = arith.mulf %parallel_loop3A_600, %parallel_loop3A_605 : vector<16xf32>
        %parallel_loop3A_607 = arith.constant 5 : i32
        %parallel_loop3A_608 = arith.addi %parallel_loop3A_90, %parallel_loop3A_607 : i32
        %parallel_loop3A_609 = arith.index_cast %parallel_loop3A_608 : i32 to index
        %parallel_loop3A_610 = arith.constant 16 : index
        %parallel_loop3A_611 = tpu.vector_load %arg9[%parallel_loop3A_609, %parallel_loop3A_610] {strides = array<i32>} : memref<80x128xf32, #tpu.memory_space<vmem>>, vector<16xf32>,
        %parallel_loop3A_612 = arith.constant 5 : i32
        %parallel_loop3A_613 = arith.addi %parallel_loop3A_90, %parallel_loop3A_612 : i32
        %parallel_loop3A_614 = arith.index_cast %parallel_loop3A_613 : i32 to index
        %parallel_loop3A_615 = arith.constant 16 : index
        %parallel_loop3A_616 = tpu.vector_load %arg10[%parallel_loop3A_614, %parallel_loop3A_615] {strides = array<i32>} : memref<80x128xf32, #tpu.memory_space<vmem>>, vector<16xf32>,
        %parallel_loop3A_617 = arith.mulf %parallel_loop3A_611, %parallel_loop3A_616 : vector<16xf32>
        %parallel_loop3A_618 = arith.addf %parallel_loop3A_606, %parallel_loop3A_617 : vector<16xf32>
        %parallel_loop3A_619 = arith.constant 5 : i32
        %parallel_loop3A_620 = arith.addi %parallel_loop3A_90, %parallel_loop3A_619 : i32
        %parallel_loop3A_621 = arith.index_cast %parallel_loop3A_620 : i32 to index
        %parallel_loop3A_622 = arith.constant 32 : index
        %parallel_loop3A_623 = tpu.vector_load %arg9[%parallel_loop3A_621, %parallel_loop3A_622] {strides = array<i32>} : memref<80x128xf32, #tpu.memory_space<vmem>>, vector<16xf32>,
        %parallel_loop3A_624 = arith.constant 5 : i32
        %parallel_loop3A_625 = arith.addi %parallel_loop3A_90, %parallel_loop3A_624 : i32
        %parallel_loop3A_626 = arith.index_cast %parallel_loop3A_625 : i32 to index
        %parallel_loop3A_627 = arith.constant 32 : index
        %parallel_loop3A_628 = tpu.vector_load %arg10[%parallel_loop3A_626, %parallel_loop3A_627] {strides = array<i32>} : memref<80x128xf32, #tpu.memory_space<vmem>>, vector<16xf32>,
        %parallel_loop3A_629 = arith.mulf %parallel_loop3A_623, %parallel_loop3A_628 : vector<16xf32>
        %parallel_loop3A_630 = arith.addf %parallel_loop3A_618, %parallel_loop3A_629 : vector<16xf32>
        %parallel_loop3A_631 = arith.constant 5 : i32
        %parallel_loop3A_632 = arith.addi %parallel_loop3A_90, %parallel_loop3A_631 : i32
        %parallel_loop3A_633 = arith.index_cast %parallel_loop3A_632 : i32 to index
        %parallel_loop3A_634 = arith.constant 48 : index
        %parallel_loop3A_635 = tpu.vector_load %arg9[%parallel_loop3A_633, %parallel_loop3A_634] {strides = array<i32>} : memref<80x128xf32, #tpu.memory_space<vmem>>, vector<16xf32>,
        %parallel_loop3A_636 = arith.constant 5 : i32
        %parallel_loop3A_637 = arith.addi %parallel_loop3A_90, %parallel_loop3A_636 : i32
        %parallel_loop3A_638 = arith.index_cast %parallel_loop3A_637 : i32 to index
        %parallel_loop3A_639 = arith.constant 48 : index
        %parallel_loop3A_640 = tpu.vector_load %arg10[%parallel_loop3A_638, %parallel_loop3A_639] {strides = array<i32>} : memref<80x128xf32, #tpu.memory_space<vmem>>, vector<16xf32>,
        %parallel_loop3A_641 = arith.mulf %parallel_loop3A_635, %parallel_loop3A_640 : vector<16xf32>
        %parallel_loop3A_642 = arith.addf %parallel_loop3A_630, %parallel_loop3A_641 : vector<16xf32>
        %parallel_loop3A_643 = arith.constant 5 : i32
        %parallel_loop3A_644 = arith.addi %parallel_loop3A_90, %parallel_loop3A_643 : i32
        %parallel_loop3A_645 = arith.index_cast %parallel_loop3A_644 : i32 to index
        %parallel_loop3A_646 = arith.constant 64 : index
        %parallel_loop3A_647 = tpu.vector_load %arg9[%parallel_loop3A_645, %parallel_loop3A_646] {strides = array<i32>} : memref<80x128xf32, #tpu.memory_space<vmem>>, vector<16xf32>,
        %parallel_loop3A_648 = arith.constant 5 : i32
        %parallel_loop3A_649 = arith.addi %parallel_loop3A_90, %parallel_loop3A_648 : i32
        %parallel_loop3A_650 = arith.index_cast %parallel_loop3A_649 : i32 to index
        %parallel_loop3A_651 = arith.constant 64 : index
        %parallel_loop3A_652 = tpu.vector_load %arg10[%parallel_loop3A_650, %parallel_loop3A_651] {strides = array<i32>} : memref<80x128xf32, #tpu.memory_space<vmem>>, vector<16xf32>,
        %parallel_loop3A_653 = arith.mulf %parallel_loop3A_647, %parallel_loop3A_652 : vector<16xf32>
        %parallel_loop3A_654 = arith.addf %parallel_loop3A_642, %parallel_loop3A_653 : vector<16xf32>
        %parallel_loop3A_655 = arith.constant 5 : i32
        %parallel_loop3A_656 = arith.addi %parallel_loop3A_90, %parallel_loop3A_655 : i32
        %parallel_loop3A_657 = arith.index_cast %parallel_loop3A_656 : i32 to index
        %parallel_loop3A_658 = arith.constant 80 : index
        %parallel_loop3A_659 = tpu.vector_load %arg9[%parallel_loop3A_657, %parallel_loop3A_658] {strides = array<i32>} : memref<80x128xf32, #tpu.memory_space<vmem>>, vector<16xf32>,
        %parallel_loop3A_660 = arith.constant 5 : i32
        %parallel_loop3A_661 = arith.addi %parallel_loop3A_90, %parallel_loop3A_660 : i32
        %parallel_loop3A_662 = arith.index_cast %parallel_loop3A_661 : i32 to index
        %parallel_loop3A_663 = arith.constant 80 : index
        %parallel_loop3A_664 = tpu.vector_load %arg10[%parallel_loop3A_662, %parallel_loop3A_663] {strides = array<i32>} : memref<80x128xf32, #tpu.memory_space<vmem>>, vector<16xf32>,
        %parallel_loop3A_665 = arith.mulf %parallel_loop3A_659, %parallel_loop3A_664 : vector<16xf32>
        %parallel_loop3A_666 = arith.addf %parallel_loop3A_654, %parallel_loop3A_665 : vector<16xf32>
        %parallel_loop3A_667 = arith.constant 5 : i32
        %parallel_loop3A_668 = arith.addi %parallel_loop3A_90, %parallel_loop3A_667 : i32
        %parallel_loop3A_669 = arith.index_cast %parallel_loop3A_668 : i32 to index
        %parallel_loop3A_670 = arith.constant 96 : index
        %parallel_loop3A_671 = tpu.vector_load %arg9[%parallel_loop3A_669, %parallel_loop3A_670] {strides = array<i32>} : memref<80x128xf32, #tpu.memory_space<vmem>>, vector<16xf32>,
        %parallel_loop3A_672 = arith.constant 5 : i32
        %parallel_loop3A_673 = arith.addi %parallel_loop3A_90, %parallel_loop3A_672 : i32
        %parallel_loop3A_674 = arith.index_cast %parallel_loop3A_673 : i32 to index
        %parallel_loop3A_675 = arith.constant 96 : index
        %parallel_loop3A_676 = tpu.vector_load %arg10[%parallel_loop3A_674, %parallel_loop3A_675] {strides = array<i32>} : memref<80x128xf32, #tpu.memory_space<vmem>>, vector<16xf32>,
        %parallel_loop3A_677 = arith.mulf %parallel_loop3A_671, %parallel_loop3A_676 : vector<16xf32>
        %parallel_loop3A_678 = arith.addf %parallel_loop3A_666, %parallel_loop3A_677 : vector<16xf32>
        %parallel_loop3A_679 = arith.constant 5 : i32
        %parallel_loop3A_680 = arith.addi %parallel_loop3A_90, %parallel_loop3A_679 : i32
        %parallel_loop3A_681 = arith.index_cast %parallel_loop3A_680 : i32 to index
        %parallel_loop3A_682 = arith.constant 112 : index
        %parallel_loop3A_683 = tpu.vector_load %arg9[%parallel_loop3A_681, %parallel_loop3A_682] {strides = array<i32>} : memref<80x128xf32, #tpu.memory_space<vmem>>, vector<16xf32>,
        %parallel_loop3A_684 = arith.constant 5 : i32
        %parallel_loop3A_685 = arith.addi %parallel_loop3A_90, %parallel_loop3A_684 : i32
        %parallel_loop3A_686 = arith.index_cast %parallel_loop3A_685 : i32 to index
        %parallel_loop3A_687 = arith.constant 112 : index
        %parallel_loop3A_688 = tpu.vector_load %arg10[%parallel_loop3A_686, %parallel_loop3A_687] {strides = array<i32>} : memref<80x128xf32, #tpu.memory_space<vmem>>, vector<16xf32>,
        %parallel_loop3A_689 = arith.mulf %parallel_loop3A_683, %parallel_loop3A_688 : vector<16xf32>
        %parallel_loop3A_690 = arith.addf %parallel_loop3A_678, %parallel_loop3A_689 : vector<16xf32>
        %parallel_loop3A_691 = arith.constant 5 : i32
        %parallel_loop3A_692 = arith.addi %parallel_loop3A_90, %parallel_loop3A_691 : i32
        %parallel_loop3A_693 = arith.index_cast %parallel_loop3A_692 : i32 to index
        %parallel_loop3A_694 = arith.constant 0 : index
        %parallel_loop3A_695 = tpu.vector_load %arg15[%parallel_loop3A_693, %parallel_loop3A_694] {strides = array<i32>} : memref<80x16xf32, #tpu.memory_space<vmem>>, vector<16xf32>,
        tpu.vector_store %arg15[%parallel_loop3A_693, %parallel_loop3A_694], %parallel_loop3A_690 {strides = array<i32>} : memref<80x16xf32, #tpu.memory_space<vmem>>, vector<16xf32>,
        %parallel_loop3A_696 = arith.constant 6 : i32
        %parallel_loop3A_697 = arith.addi %parallel_loop3A_90, %parallel_loop3A_696 : i32
        %parallel_loop3A_698 = arith.index_cast %parallel_loop3A_697 : i32 to index
        %parallel_loop3A_699 = arith.constant 0 : index
        %parallel_loop3A_700 = tpu.vector_load %arg9[%parallel_loop3A_698, %parallel_loop3A_699] {strides = array<i32>} : memref<80x128xf32, #tpu.memory_space<vmem>>, vector<16xf32>,
        %parallel_loop3A_701 = arith.constant 6 : i32
        %parallel_loop3A_702 = arith.addi %parallel_loop3A_90, %parallel_loop3A_701 : i32
        %parallel_loop3A_703 = arith.index_cast %parallel_loop3A_702 : i32 to index
        %parallel_loop3A_704 = arith.constant 0 : index
        %parallel_loop3A_705 = tpu.vector_load %arg10[%parallel_loop3A_703, %parallel_loop3A_704] {strides = array<i32>} : memref<80x128xf32, #tpu.memory_space<vmem>>, vector<16xf32>,
        %parallel_loop3A_706 = arith.mulf %parallel_loop3A_700, %parallel_loop3A_705 : vector<16xf32>
        %parallel_loop3A_707 = arith.constant 6 : i32
        %parallel_loop3A_708 = arith.addi %parallel_loop3A_90, %parallel_loop3A_707 : i32
        %parallel_loop3A_709 = arith.index_cast %parallel_loop3A_708 : i32 to index
        %parallel_loop3A_710 = arith.constant 16 : index
        %parallel_loop3A_711 = tpu.vector_load %arg9[%parallel_loop3A_709, %parallel_loop3A_710] {strides = array<i32>} : memref<80x128xf32, #tpu.memory_space<vmem>>, vector<16xf32>,
        %parallel_loop3A_712 = arith.constant 6 : i32
        %parallel_loop3A_713 = arith.addi %parallel_loop3A_90, %parallel_loop3A_712 : i32
        %parallel_loop3A_714 = arith.index_cast %parallel_loop3A_713 : i32 to index
        %parallel_loop3A_715 = arith.constant 16 : index
        %parallel_loop3A_716 = tpu.vector_load %arg10[%parallel_loop3A_714, %parallel_loop3A_715] {strides = array<i32>} : memref<80x128xf32, #tpu.memory_space<vmem>>, vector<16xf32>,
        %parallel_loop3A_717 = arith.mulf %parallel_loop3A_711, %parallel_loop3A_716 : vector<16xf32>
        %parallel_loop3A_718 = arith.addf %parallel_loop3A_706, %parallel_loop3A_717 : vector<16xf32>
        %parallel_loop3A_719 = arith.constant 6 : i32
        %parallel_loop3A_720 = arith.addi %parallel_loop3A_90, %parallel_loop3A_719 : i32
        %parallel_loop3A_721 = arith.index_cast %parallel_loop3A_720 : i32 to index
        %parallel_loop3A_722 = arith.constant 32 : index
        %parallel_loop3A_723 = tpu.vector_load %arg9[%parallel_loop3A_721, %parallel_loop3A_722] {strides = array<i32>} : memref<80x128xf32, #tpu.memory_space<vmem>>, vector<16xf32>,
        %parallel_loop3A_724 = arith.constant 6 : i32
        %parallel_loop3A_725 = arith.addi %parallel_loop3A_90, %parallel_loop3A_724 : i32
        %parallel_loop3A_726 = arith.index_cast %parallel_loop3A_725 : i32 to index
        %parallel_loop3A_727 = arith.constant 32 : index
        %parallel_loop3A_728 = tpu.vector_load %arg10[%parallel_loop3A_726, %parallel_loop3A_727] {strides = array<i32>} : memref<80x128xf32, #tpu.memory_space<vmem>>, vector<16xf32>,
        %parallel_loop3A_729 = arith.mulf %parallel_loop3A_723, %parallel_loop3A_728 : vector<16xf32>
        %parallel_loop3A_730 = arith.addf %parallel_loop3A_718, %parallel_loop3A_729 : vector<16xf32>
        %parallel_loop3A_731 = arith.constant 6 : i32
        %parallel_loop3A_732 = arith.addi %parallel_loop3A_90, %parallel_loop3A_731 : i32
        %parallel_loop3A_733 = arith.index_cast %parallel_loop3A_732 : i32 to index
        %parallel_loop3A_734 = arith.constant 48 : index
        %parallel_loop3A_735 = tpu.vector_load %arg9[%parallel_loop3A_733, %parallel_loop3A_734] {strides = array<i32>} : memref<80x128xf32, #tpu.memory_space<vmem>>, vector<16xf32>,
        %parallel_loop3A_736 = arith.constant 6 : i32
        %parallel_loop3A_737 = arith.addi %parallel_loop3A_90, %parallel_loop3A_736 : i32
        %parallel_loop3A_738 = arith.index_cast %parallel_loop3A_737 : i32 to index
        %parallel_loop3A_739 = arith.constant 48 : index
        %parallel_loop3A_740 = tpu.vector_load %arg10[%parallel_loop3A_738, %parallel_loop3A_739] {strides = array<i32>} : memref<80x128xf32, #tpu.memory_space<vmem>>, vector<16xf32>,
        %parallel_loop3A_741 = arith.mulf %parallel_loop3A_735, %parallel_loop3A_740 : vector<16xf32>
        %parallel_loop3A_742 = arith.addf %parallel_loop3A_730, %parallel_loop3A_741 : vector<16xf32>
        %parallel_loop3A_743 = arith.constant 6 : i32
        %parallel_loop3A_744 = arith.addi %parallel_loop3A_90, %parallel_loop3A_743 : i32
        %parallel_loop3A_745 = arith.index_cast %parallel_loop3A_744 : i32 to index
        %parallel_loop3A_746 = arith.constant 64 : index
        %parallel_loop3A_747 = tpu.vector_load %arg9[%parallel_loop3A_745, %parallel_loop3A_746] {strides = array<i32>} : memref<80x128xf32, #tpu.memory_space<vmem>>, vector<16xf32>,
        %parallel_loop3A_748 = arith.constant 6 : i32
        %parallel_loop3A_749 = arith.addi %parallel_loop3A_90, %parallel_loop3A_748 : i32
        %parallel_loop3A_750 = arith.index_cast %parallel_loop3A_749 : i32 to index
        %parallel_loop3A_751 = arith.constant 64 : index
        %parallel_loop3A_752 = tpu.vector_load %arg10[%parallel_loop3A_750, %parallel_loop3A_751] {strides = array<i32>} : memref<80x128xf32, #tpu.memory_space<vmem>>, vector<16xf32>,
        %parallel_loop3A_753 = arith.mulf %parallel_loop3A_747, %parallel_loop3A_752 : vector<16xf32>
        %parallel_loop3A_754 = arith.addf %parallel_loop3A_742, %parallel_loop3A_753 : vector<16xf32>
        %parallel_loop3A_755 = arith.constant 6 : i32
        %parallel_loop3A_756 = arith.addi %parallel_loop3A_90, %parallel_loop3A_755 : i32
        %parallel_loop3A_757 = arith.index_cast %parallel_loop3A_756 : i32 to index
        %parallel_loop3A_758 = arith.constant 80 : index
        %parallel_loop3A_759 = tpu.vector_load %arg9[%parallel_loop3A_757, %parallel_loop3A_758] {strides = array<i32>} : memref<80x128xf32, #tpu.memory_space<vmem>>, vector<16xf32>,
        %parallel_loop3A_760 = arith.constant 6 : i32
        %parallel_loop3A_761 = arith.addi %parallel_loop3A_90, %parallel_loop3A_760 : i32
        %parallel_loop3A_762 = arith.index_cast %parallel_loop3A_761 : i32 to index
        %parallel_loop3A_763 = arith.constant 80 : index
        %parallel_loop3A_764 = tpu.vector_load %arg10[%parallel_loop3A_762, %parallel_loop3A_763] {strides = array<i32>} : memref<80x128xf32, #tpu.memory_space<vmem>>, vector<16xf32>,
        %parallel_loop3A_765 = arith.mulf %parallel_loop3A_759, %parallel_loop3A_764 : vector<16xf32>
        %parallel_loop3A_766 = arith.addf %parallel_loop3A_754, %parallel_loop3A_765 : vector<16xf32>
        %parallel_loop3A_767 = arith.constant 6 : i32
        %parallel_loop3A_768 = arith.addi %parallel_loop3A_90, %parallel_loop3A_767 : i32
        %parallel_loop3A_769 = arith.index_cast %parallel_loop3A_768 : i32 to index
        %parallel_loop3A_770 = arith.constant 96 : index
        %parallel_loop3A_771 = tpu.vector_load %arg9[%parallel_loop3A_769, %parallel_loop3A_770] {strides = array<i32>} : memref<80x128xf32, #tpu.memory_space<vmem>>, vector<16xf32>,
        %parallel_loop3A_772 = arith.constant 6 : i32
        %parallel_loop3A_773 = arith.addi %parallel_loop3A_90, %parallel_loop3A_772 : i32
        %parallel_loop3A_774 = arith.index_cast %parallel_loop3A_773 : i32 to index
        %parallel_loop3A_775 = arith.constant 96 : index
        %parallel_loop3A_776 = tpu.vector_load %arg10[%parallel_loop3A_774, %parallel_loop3A_775] {strides = array<i32>} : memref<80x128xf32, #tpu.memory_space<vmem>>, vector<16xf32>,
        %parallel_loop3A_777 = arith.mulf %parallel_loop3A_771, %parallel_loop3A_776 : vector<16xf32>
        %parallel_loop3A_778 = arith.addf %parallel_loop3A_766, %parallel_loop3A_777 : vector<16xf32>
        %parallel_loop3A_779 = arith.constant 6 : i32
        %parallel_loop3A_780 = arith.addi %parallel_loop3A_90, %parallel_loop3A_779 : i32
        %parallel_loop3A_781 = arith.index_cast %parallel_loop3A_780 : i32 to index
        %parallel_loop3A_782 = arith.constant 112 : index
        %parallel_loop3A_783 = tpu.vector_load %arg9[%parallel_loop3A_781, %parallel_loop3A_782] {strides = array<i32>} : memref<80x128xf32, #tpu.memory_space<vmem>>, vector<16xf32>,
        %parallel_loop3A_784 = arith.constant 6 : i32
        %parallel_loop3A_785 = arith.addi %parallel_loop3A_90, %parallel_loop3A_784 : i32
        %parallel_loop3A_786 = arith.index_cast %parallel_loop3A_785 : i32 to index
        %parallel_loop3A_787 = arith.constant 112 : index
        %parallel_loop3A_788 = tpu.vector_load %arg10[%parallel_loop3A_786, %parallel_loop3A_787] {strides = array<i32>} : memref<80x128xf32, #tpu.memory_space<vmem>>, vector<16xf32>,
        %parallel_loop3A_789 = arith.mulf %parallel_loop3A_783, %parallel_loop3A_788 : vector<16xf32>
        %parallel_loop3A_790 = arith.addf %parallel_loop3A_778, %parallel_loop3A_789 : vector<16xf32>
        %parallel_loop3A_791 = arith.constant 6 : i32
        %parallel_loop3A_792 = arith.addi %parallel_loop3A_90, %parallel_loop3A_791 : i32
        %parallel_loop3A_793 = arith.index_cast %parallel_loop3A_792 : i32 to index
        %parallel_loop3A_794 = arith.constant 0 : index
        %parallel_loop3A_795 = tpu.vector_load %arg15[%parallel_loop3A_793, %parallel_loop3A_794] {strides = array<i32>} : memref<80x16xf32, #tpu.memory_space<vmem>>, vector<16xf32>,
        tpu.vector_store %arg15[%parallel_loop3A_793, %parallel_loop3A_794], %parallel_loop3A_790 {strides = array<i32>} : memref<80x16xf32, #tpu.memory_space<vmem>>, vector<16xf32>,
        %parallel_loop3A_796 = arith.constant 7 : i32
        %parallel_loop3A_797 = arith.addi %parallel_loop3A_90, %parallel_loop3A_796 : i32
        %parallel_loop3A_798 = arith.index_cast %parallel_loop3A_797 : i32 to index
        %parallel_loop3A_799 = arith.constant 0 : index
        %parallel_loop3A_800 = tpu.vector_load %arg9[%parallel_loop3A_798, %parallel_loop3A_799] {strides = array<i32>} : memref<80x128xf32, #tpu.memory_space<vmem>>, vector<16xf32>,
        %parallel_loop3A_801 = arith.constant 7 : i32
        %parallel_loop3A_802 = arith.addi %parallel_loop3A_90, %parallel_loop3A_801 : i32
        %parallel_loop3A_803 = arith.index_cast %parallel_loop3A_802 : i32 to index
        %parallel_loop3A_804 = arith.constant 0 : index
        %parallel_loop3A_805 = tpu.vector_load %arg10[%parallel_loop3A_803, %parallel_loop3A_804] {strides = array<i32>} : memref<80x128xf32, #tpu.memory_space<vmem>>, vector<16xf32>,
        %parallel_loop3A_806 = arith.mulf %parallel_loop3A_800, %parallel_loop3A_805 : vector<16xf32>
        %parallel_loop3A_807 = arith.constant 7 : i32
        %parallel_loop3A_808 = arith.addi %parallel_loop3A_90, %parallel_loop3A_807 : i32
        %parallel_loop3A_809 = arith.index_cast %parallel_loop3A_808 : i32 to index
        %parallel_loop3A_810 = arith.constant 16 : index
        %parallel_loop3A_811 = tpu.vector_load %arg9[%parallel_loop3A_809, %parallel_loop3A_810] {strides = array<i32>} : memref<80x128xf32, #tpu.memory_space<vmem>>, vector<16xf32>,
        %parallel_loop3A_812 = arith.constant 7 : i32
        %parallel_loop3A_813 = arith.addi %parallel_loop3A_90, %parallel_loop3A_812 : i32
        %parallel_loop3A_814 = arith.index_cast %parallel_loop3A_813 : i32 to index
        %parallel_loop3A_815 = arith.constant 16 : index
        %parallel_loop3A_816 = tpu.vector_load %arg10[%parallel_loop3A_814, %parallel_loop3A_815] {strides = array<i32>} : memref<80x128xf32, #tpu.memory_space<vmem>>, vector<16xf32>,
        %parallel_loop3A_817 = arith.mulf %parallel_loop3A_811, %parallel_loop3A_816 : vector<16xf32>
        %parallel_loop3A_818 = arith.addf %parallel_loop3A_806, %parallel_loop3A_817 : vector<16xf32>
        %parallel_loop3A_819 = arith.constant 7 : i32
        %parallel_loop3A_820 = arith.addi %parallel_loop3A_90, %parallel_loop3A_819 : i32
        %parallel_loop3A_821 = arith.index_cast %parallel_loop3A_820 : i32 to index
        %parallel_loop3A_822 = arith.constant 32 : index
        %parallel_loop3A_823 = tpu.vector_load %arg9[%parallel_loop3A_821, %parallel_loop3A_822] {strides = array<i32>} : memref<80x128xf32, #tpu.memory_space<vmem>>, vector<16xf32>,
        %parallel_loop3A_824 = arith.constant 7 : i32
        %parallel_loop3A_825 = arith.addi %parallel_loop3A_90, %parallel_loop3A_824 : i32
        %parallel_loop3A_826 = arith.index_cast %parallel_loop3A_825 : i32 to index
        %parallel_loop3A_827 = arith.constant 32 : index
        %parallel_loop3A_828 = tpu.vector_load %arg10[%parallel_loop3A_826, %parallel_loop3A_827] {strides = array<i32>} : memref<80x128xf32, #tpu.memory_space<vmem>>, vector<16xf32>,
        %parallel_loop3A_829 = arith.mulf %parallel_loop3A_823, %parallel_loop3A_828 : vector<16xf32>
        %parallel_loop3A_830 = arith.addf %parallel_loop3A_818, %parallel_loop3A_829 : vector<16xf32>
        %parallel_loop3A_831 = arith.constant 7 : i32
        %parallel_loop3A_832 = arith.addi %parallel_loop3A_90, %parallel_loop3A_831 : i32
        %parallel_loop3A_833 = arith.index_cast %parallel_loop3A_832 : i32 to index
        %parallel_loop3A_834 = arith.constant 48 : index
        %parallel_loop3A_835 = tpu.vector_load %arg9[%parallel_loop3A_833, %parallel_loop3A_834] {strides = array<i32>} : memref<80x128xf32, #tpu.memory_space<vmem>>, vector<16xf32>,
        %parallel_loop3A_836 = arith.constant 7 : i32
        %parallel_loop3A_837 = arith.addi %parallel_loop3A_90, %parallel_loop3A_836 : i32
        %parallel_loop3A_838 = arith.index_cast %parallel_loop3A_837 : i32 to index
        %parallel_loop3A_839 = arith.constant 48 : index
        %parallel_loop3A_840 = tpu.vector_load %arg10[%parallel_loop3A_838, %parallel_loop3A_839] {strides = array<i32>} : memref<80x128xf32, #tpu.memory_space<vmem>>, vector<16xf32>,
        %parallel_loop3A_841 = arith.mulf %parallel_loop3A_835, %parallel_loop3A_840 : vector<16xf32>
        %parallel_loop3A_842 = arith.addf %parallel_loop3A_830, %parallel_loop3A_841 : vector<16xf32>
        %parallel_loop3A_843 = arith.constant 7 : i32
        %parallel_loop3A_844 = arith.addi %parallel_loop3A_90, %parallel_loop3A_843 : i32
        %parallel_loop3A_845 = arith.index_cast %parallel_loop3A_844 : i32 to index
        %parallel_loop3A_846 = arith.constant 64 : index
        %parallel_loop3A_847 = tpu.vector_load %arg9[%parallel_loop3A_845, %parallel_loop3A_846] {strides = array<i32>} : memref<80x128xf32, #tpu.memory_space<vmem>>, vector<16xf32>,
        %parallel_loop3A_848 = arith.constant 7 : i32
        %parallel_loop3A_849 = arith.addi %parallel_loop3A_90, %parallel_loop3A_848 : i32
        %parallel_loop3A_850 = arith.index_cast %parallel_loop3A_849 : i32 to index
        %parallel_loop3A_851 = arith.constant 64 : index
        %parallel_loop3A_852 = tpu.vector_load %arg10[%parallel_loop3A_850, %parallel_loop3A_851] {strides = array<i32>} : memref<80x128xf32, #tpu.memory_space<vmem>>, vector<16xf32>,
        %parallel_loop3A_853 = arith.mulf %parallel_loop3A_847, %parallel_loop3A_852 : vector<16xf32>
        %parallel_loop3A_854 = arith.addf %parallel_loop3A_842, %parallel_loop3A_853 : vector<16xf32>
        %parallel_loop3A_855 = arith.constant 7 : i32
        %parallel_loop3A_856 = arith.addi %parallel_loop3A_90, %parallel_loop3A_855 : i32
        %parallel_loop3A_857 = arith.index_cast %parallel_loop3A_856 : i32 to index
        %parallel_loop3A_858 = arith.constant 80 : index
        %parallel_loop3A_859 = tpu.vector_load %arg9[%parallel_loop3A_857, %parallel_loop3A_858] {strides = array<i32>} : memref<80x128xf32, #tpu.memory_space<vmem>>, vector<16xf32>,
        %parallel_loop3A_860 = arith.constant 7 : i32
        %parallel_loop3A_861 = arith.addi %parallel_loop3A_90, %parallel_loop3A_860 : i32
        %parallel_loop3A_862 = arith.index_cast %parallel_loop3A_861 : i32 to index
        %parallel_loop3A_863 = arith.constant 80 : index
        %parallel_loop3A_864 = tpu.vector_load %arg10[%parallel_loop3A_862, %parallel_loop3A_863] {strides = array<i32>} : memref<80x128xf32, #tpu.memory_space<vmem>>, vector<16xf32>,
        %parallel_loop3A_865 = arith.mulf %parallel_loop3A_859, %parallel_loop3A_864 : vector<16xf32>
        %parallel_loop3A_866 = arith.addf %parallel_loop3A_854, %parallel_loop3A_865 : vector<16xf32>
        %parallel_loop3A_867 = arith.constant 7 : i32
        %parallel_loop3A_868 = arith.addi %parallel_loop3A_90, %parallel_loop3A_867 : i32
        %parallel_loop3A_869 = arith.index_cast %parallel_loop3A_868 : i32 to index
        %parallel_loop3A_870 = arith.constant 96 : index
        %parallel_loop3A_871 = tpu.vector_load %arg9[%parallel_loop3A_869, %parallel_loop3A_870] {strides = array<i32>} : memref<80x128xf32, #tpu.memory_space<vmem>>, vector<16xf32>,
        %parallel_loop3A_872 = arith.constant 7 : i32
        %parallel_loop3A_873 = arith.addi %parallel_loop3A_90, %parallel_loop3A_872 : i32
        %parallel_loop3A_874 = arith.index_cast %parallel_loop3A_873 : i32 to index
        %parallel_loop3A_875 = arith.constant 96 : index
        %parallel_loop3A_876 = tpu.vector_load %arg10[%parallel_loop3A_874, %parallel_loop3A_875] {strides = array<i32>} : memref<80x128xf32, #tpu.memory_space<vmem>>, vector<16xf32>,
        %parallel_loop3A_877 = arith.mulf %parallel_loop3A_871, %parallel_loop3A_876 : vector<16xf32>
        %parallel_loop3A_878 = arith.addf %parallel_loop3A_866, %parallel_loop3A_877 : vector<16xf32>
        %parallel_loop3A_879 = arith.constant 7 : i32
        %parallel_loop3A_880 = arith.addi %parallel_loop3A_90, %parallel_loop3A_879 : i32
        %parallel_loop3A_881 = arith.index_cast %parallel_loop3A_880 : i32 to index
        %parallel_loop3A_882 = arith.constant 112 : index
        %parallel_loop3A_883 = tpu.vector_load %arg9[%parallel_loop3A_881, %parallel_loop3A_882] {strides = array<i32>} : memref<80x128xf32, #tpu.memory_space<vmem>>, vector<16xf32>,
        %parallel_loop3A_884 = arith.constant 7 : i32
        %parallel_loop3A_885 = arith.addi %parallel_loop3A_90, %parallel_loop3A_884 : i32
        %parallel_loop3A_886 = arith.index_cast %parallel_loop3A_885 : i32 to index
        %parallel_loop3A_887 = arith.constant 112 : index
        %parallel_loop3A_888 = tpu.vector_load %arg10[%parallel_loop3A_886, %parallel_loop3A_887] {strides = array<i32>} : memref<80x128xf32, #tpu.memory_space<vmem>>, vector<16xf32>,
        %parallel_loop3A_889 = arith.mulf %parallel_loop3A_883, %parallel_loop3A_888 : vector<16xf32>
        %parallel_loop3A_890 = arith.addf %parallel_loop3A_878, %parallel_loop3A_889 : vector<16xf32>
        %parallel_loop3A_891 = arith.constant 7 : i32
        %parallel_loop3A_892 = arith.addi %parallel_loop3A_90, %parallel_loop3A_891 : i32
        %parallel_loop3A_893 = arith.index_cast %parallel_loop3A_892 : i32 to index
        %parallel_loop3A_894 = arith.constant 0 : index
        %parallel_loop3A_895 = tpu.vector_load %arg15[%parallel_loop3A_893, %parallel_loop3A_894] {strides = array<i32>} : memref<80x16xf32, #tpu.memory_space<vmem>>, vector<16xf32>,
        tpu.vector_store %arg15[%parallel_loop3A_893, %parallel_loop3A_894], %parallel_loop3A_890 {strides = array<i32>} : memref<80x16xf32, #tpu.memory_space<vmem>>, vector<16xf32>,
        %parallel_loop3A_896 = arith.constant 8 : i32
        %parallel_loop3A_897 = arith.addi %parallel_loop3A_90, %parallel_loop3A_896 : i32
        %parallel_loop3A_898 = arith.index_cast %parallel_loop3A_897 : i32 to index
        %parallel_loop3A_899 = arith.constant 0 : index
        %parallel_loop3A_900 = tpu.vector_load %arg9[%parallel_loop3A_898, %parallel_loop3A_899] {strides = array<i32>} : memref<80x128xf32, #tpu.memory_space<vmem>>, vector<16xf32>,
        %parallel_loop3A_901 = arith.constant 8 : i32
        %parallel_loop3A_902 = arith.addi %parallel_loop3A_90, %parallel_loop3A_901 : i32
        %parallel_loop3A_903 = arith.index_cast %parallel_loop3A_902 : i32 to index
        %parallel_loop3A_904 = arith.constant 0 : index
        %parallel_loop3A_905 = tpu.vector_load %arg10[%parallel_loop3A_903, %parallel_loop3A_904] {strides = array<i32>} : memref<80x128xf32, #tpu.memory_space<vmem>>, vector<16xf32>,
        %parallel_loop3A_906 = arith.mulf %parallel_loop3A_900, %parallel_loop3A_905 : vector<16xf32>
        %parallel_loop3A_907 = arith.constant 8 : i32
        %parallel_loop3A_908 = arith.addi %parallel_loop3A_90, %parallel_loop3A_907 : i32
        %parallel_loop3A_909 = arith.index_cast %parallel_loop3A_908 : i32 to index
        %parallel_loop3A_910 = arith.constant 16 : index
        %parallel_loop3A_911 = tpu.vector_load %arg9[%parallel_loop3A_909, %parallel_loop3A_910] {strides = array<i32>} : memref<80x128xf32, #tpu.memory_space<vmem>>, vector<16xf32>,
        %parallel_loop3A_912 = arith.constant 8 : i32
        %parallel_loop3A_913 = arith.addi %parallel_loop3A_90, %parallel_loop3A_912 : i32
        %parallel_loop3A_914 = arith.index_cast %parallel_loop3A_913 : i32 to index
        %parallel_loop3A_915 = arith.constant 16 : index
        %parallel_loop3A_916 = tpu.vector_load %arg10[%parallel_loop3A_914, %parallel_loop3A_915] {strides = array<i32>} : memref<80x128xf32, #tpu.memory_space<vmem>>, vector<16xf32>,
        %parallel_loop3A_917 = arith.mulf %parallel_loop3A_911, %parallel_loop3A_916 : vector<16xf32>
        %parallel_loop3A_918 = arith.addf %parallel_loop3A_906, %parallel_loop3A_917 : vector<16xf32>
        %parallel_loop3A_919 = arith.constant 8 : i32
        %parallel_loop3A_920 = arith.addi %parallel_loop3A_90, %parallel_loop3A_919 : i32
        %parallel_loop3A_921 = arith.index_cast %parallel_loop3A_920 : i32 to index
        %parallel_loop3A_922 = arith.constant 32 : index
        %parallel_loop3A_923 = tpu.vector_load %arg9[%parallel_loop3A_921, %parallel_loop3A_922] {strides = array<i32>} : memref<80x128xf32, #tpu.memory_space<vmem>>, vector<16xf32>,
        %parallel_loop3A_924 = arith.constant 8 : i32
        %parallel_loop3A_925 = arith.addi %parallel_loop3A_90, %parallel_loop3A_924 : i32
        %parallel_loop3A_926 = arith.index_cast %parallel_loop3A_925 : i32 to index
        %parallel_loop3A_927 = arith.constant 32 : index
        %parallel_loop3A_928 = tpu.vector_load %arg10[%parallel_loop3A_926, %parallel_loop3A_927] {strides = array<i32>} : memref<80x128xf32, #tpu.memory_space<vmem>>, vector<16xf32>,
        %parallel_loop3A_929 = arith.mulf %parallel_loop3A_923, %parallel_loop3A_928 : vector<16xf32>
        %parallel_loop3A_930 = arith.addf %parallel_loop3A_918, %parallel_loop3A_929 : vector<16xf32>
        %parallel_loop3A_931 = arith.constant 8 : i32
        %parallel_loop3A_932 = arith.addi %parallel_loop3A_90, %parallel_loop3A_931 : i32
        %parallel_loop3A_933 = arith.index_cast %parallel_loop3A_932 : i32 to index
        %parallel_loop3A_934 = arith.constant 48 : index
        %parallel_loop3A_935 = tpu.vector_load %arg9[%parallel_loop3A_933, %parallel_loop3A_934] {strides = array<i32>} : memref<80x128xf32, #tpu.memory_space<vmem>>, vector<16xf32>,
        %parallel_loop3A_936 = arith.constant 8 : i32
        %parallel_loop3A_937 = arith.addi %parallel_loop3A_90, %parallel_loop3A_936 : i32
        %parallel_loop3A_938 = arith.index_cast %parallel_loop3A_937 : i32 to index
        %parallel_loop3A_939 = arith.constant 48 : index
        %parallel_loop3A_940 = tpu.vector_load %arg10[%parallel_loop3A_938, %parallel_loop3A_939] {strides = array<i32>} : memref<80x128xf32, #tpu.memory_space<vmem>>, vector<16xf32>,
        %parallel_loop3A_941 = arith.mulf %parallel_loop3A_935, %parallel_loop3A_940 : vector<16xf32>
        %parallel_loop3A_942 = arith.addf %parallel_loop3A_930, %parallel_loop3A_941 : vector<16xf32>
        %parallel_loop3A_943 = arith.constant 8 : i32
        %parallel_loop3A_944 = arith.addi %parallel_loop3A_90, %parallel_loop3A_943 : i32
        %parallel_loop3A_945 = arith.index_cast %parallel_loop3A_944 : i32 to index
        %parallel_loop3A_946 = arith.constant 64 : index
        %parallel_loop3A_947 = tpu.vector_load %arg9[%parallel_loop3A_945, %parallel_loop3A_946] {strides = array<i32>} : memref<80x128xf32, #tpu.memory_space<vmem>>, vector<16xf32>,
        %parallel_loop3A_948 = arith.constant 8 : i32
        %parallel_loop3A_949 = arith.addi %parallel_loop3A_90, %parallel_loop3A_948 : i32
        %parallel_loop3A_950 = arith.index_cast %parallel_loop3A_949 : i32 to index
        %parallel_loop3A_951 = arith.constant 64 : index
        %parallel_loop3A_952 = tpu.vector_load %arg10[%parallel_loop3A_950, %parallel_loop3A_951] {strides = array<i32>} : memref<80x128xf32, #tpu.memory_space<vmem>>, vector<16xf32>,
        %parallel_loop3A_953 = arith.mulf %parallel_loop3A_947, %parallel_loop3A_952 : vector<16xf32>
        %parallel_loop3A_954 = arith.addf %parallel_loop3A_942, %parallel_loop3A_953 : vector<16xf32>
        %parallel_loop3A_955 = arith.constant 8 : i32
        %parallel_loop3A_956 = arith.addi %parallel_loop3A_90, %parallel_loop3A_955 : i32
        %parallel_loop3A_957 = arith.index_cast %parallel_loop3A_956 : i32 to index
        %parallel_loop3A_958 = arith.constant 80 : index
        %parallel_loop3A_959 = tpu.vector_load %arg9[%parallel_loop3A_957, %parallel_loop3A_958] {strides = array<i32>} : memref<80x128xf32, #tpu.memory_space<vmem>>, vector<16xf32>,
        %parallel_loop3A_960 = arith.constant 8 : i32
        %parallel_loop3A_961 = arith.addi %parallel_loop3A_90, %parallel_loop3A_960 : i32
        %parallel_loop3A_962 = arith.index_cast %parallel_loop3A_961 : i32 to index
        %parallel_loop3A_963 = arith.constant 80 : index
        %parallel_loop3A_964 = tpu.vector_load %arg10[%parallel_loop3A_962, %parallel_loop3A_963] {strides = array<i32>} : memref<80x128xf32, #tpu.memory_space<vmem>>, vector<16xf32>,
        %parallel_loop3A_965 = arith.mulf %parallel_loop3A_959, %parallel_loop3A_964 : vector<16xf32>
        %parallel_loop3A_966 = arith.addf %parallel_loop3A_954, %parallel_loop3A_965 : vector<16xf32>
        %parallel_loop3A_967 = arith.constant 8 : i32
        %parallel_loop3A_968 = arith.addi %parallel_loop3A_90, %parallel_loop3A_967 : i32
        %parallel_loop3A_969 = arith.index_cast %parallel_loop3A_968 : i32 to index
        %parallel_loop3A_970 = arith.constant 96 : index
        %parallel_loop3A_971 = tpu.vector_load %arg9[%parallel_loop3A_969, %parallel_loop3A_970] {strides = array<i32>} : memref<80x128xf32, #tpu.memory_space<vmem>>, vector<16xf32>,
        %parallel_loop3A_972 = arith.constant 8 : i32
        %parallel_loop3A_973 = arith.addi %parallel_loop3A_90, %parallel_loop3A_972 : i32
        %parallel_loop3A_974 = arith.index_cast %parallel_loop3A_973 : i32 to index
        %parallel_loop3A_975 = arith.constant 96 : index
        %parallel_loop3A_976 = tpu.vector_load %arg10[%parallel_loop3A_974, %parallel_loop3A_975] {strides = array<i32>} : memref<80x128xf32, #tpu.memory_space<vmem>>, vector<16xf32>,
        %parallel_loop3A_977 = arith.mulf %parallel_loop3A_971, %parallel_loop3A_976 : vector<16xf32>
        %parallel_loop3A_978 = arith.addf %parallel_loop3A_966, %parallel_loop3A_977 : vector<16xf32>
        %parallel_loop3A_979 = arith.constant 8 : i32
        %parallel_loop3A_980 = arith.addi %parallel_loop3A_90, %parallel_loop3A_979 : i32
        %parallel_loop3A_981 = arith.index_cast %parallel_loop3A_980 : i32 to index
        %parallel_loop3A_982 = arith.constant 112 : index
        %parallel_loop3A_983 = tpu.vector_load %arg9[%parallel_loop3A_981, %parallel_loop3A_982] {strides = array<i32>} : memref<80x128xf32, #tpu.memory_space<vmem>>, vector<16xf32>,
        %parallel_loop3A_984 = arith.constant 8 : i32
        %parallel_loop3A_985 = arith.addi %parallel_loop3A_90, %parallel_loop3A_984 : i32
        %parallel_loop3A_986 = arith.index_cast %parallel_loop3A_985 : i32 to index
        %parallel_loop3A_987 = arith.constant 112 : index
        %parallel_loop3A_988 = tpu.vector_load %arg10[%parallel_loop3A_986, %parallel_loop3A_987] {strides = array<i32>} : memref<80x128xf32, #tpu.memory_space<vmem>>, vector<16xf32>,
        %parallel_loop3A_989 = arith.mulf %parallel_loop3A_983, %parallel_loop3A_988 : vector<16xf32>
        %parallel_loop3A_990 = arith.addf %parallel_loop3A_978, %parallel_loop3A_989 : vector<16xf32>
        %parallel_loop3A_991 = arith.constant 8 : i32
        %parallel_loop3A_992 = arith.addi %parallel_loop3A_90, %parallel_loop3A_991 : i32
        %parallel_loop3A_993 = arith.index_cast %parallel_loop3A_992 : i32 to index
        %parallel_loop3A_994 = arith.constant 0 : index
        %parallel_loop3A_995 = tpu.vector_load %arg15[%parallel_loop3A_993, %parallel_loop3A_994] {strides = array<i32>} : memref<80x16xf32, #tpu.memory_space<vmem>>, vector<16xf32>,
        tpu.vector_store %arg15[%parallel_loop3A_993, %parallel_loop3A_994], %parallel_loop3A_990 {strides = array<i32>} : memref<80x16xf32, #tpu.memory_space<vmem>>, vector<16xf32>,
        %parallel_loop3A_996 = arith.constant 9 : i32
        %parallel_loop3A_997 = arith.addi %parallel_loop3A_90, %parallel_loop3A_996 : i32
        %parallel_loop3A_998 = arith.index_cast %parallel_loop3A_997 : i32 to index
        %parallel_loop3A_999 = arith.constant 0 : index
        %parallel_loop3A_1000 = tpu.vector_load %arg9[%parallel_loop3A_998, %parallel_loop3A_999] {strides = array<i32>} : memref<80x128xf32, #tpu.memory_space<vmem>>, vector<16xf32>,
        %parallel_loop3A_1001 = arith.constant 9 : i32
        %parallel_loop3A_1002 = arith.addi %parallel_loop3A_90, %parallel_loop3A_1001 : i32
        %parallel_loop3A_1003 = arith.index_cast %parallel_loop3A_1002 : i32 to index
        %parallel_loop3A_1004 = arith.constant 0 : index
        %parallel_loop3A_1005 = tpu.vector_load %arg10[%parallel_loop3A_1003, %parallel_loop3A_1004] {strides = array<i32>} : memref<80x128xf32, #tpu.memory_space<vmem>>, vector<16xf32>,
        %parallel_loop3A_1006 = arith.mulf %parallel_loop3A_1000, %parallel_loop3A_1005 : vector<16xf32>
        %parallel_loop3A_1007 = arith.constant 9 : i32
        %parallel_loop3A_1008 = arith.addi %parallel_loop3A_90, %parallel_loop3A_1007 : i32
        %parallel_loop3A_1009 = arith.index_cast %parallel_loop3A_1008 : i32 to index
        %parallel_loop3A_1010 = arith.constant 16 : index
        %parallel_loop3A_1011 = tpu.vector_load %arg9[%parallel_loop3A_1009, %parallel_loop3A_1010] {strides = array<i32>} : memref<80x128xf32, #tpu.memory_space<vmem>>, vector<16xf32>,
        %parallel_loop3A_1012 = arith.constant 9 : i32
        %parallel_loop3A_1013 = arith.addi %parallel_loop3A_90, %parallel_loop3A_1012 : i32
        %parallel_loop3A_1014 = arith.index_cast %parallel_loop3A_1013 : i32 to index
        %parallel_loop3A_1015 = arith.constant 16 : index
        %parallel_loop3A_1016 = tpu.vector_load %arg10[%parallel_loop3A_1014, %parallel_loop3A_1015] {strides = array<i32>} : memref<80x128xf32, #tpu.memory_space<vmem>>, vector<16xf32>,
        %parallel_loop3A_1017 = arith.mulf %parallel_loop3A_1011, %parallel_loop3A_1016 : vector<16xf32>
        %parallel_loop3A_1018 = arith.addf %parallel_loop3A_1006, %parallel_loop3A_1017 : vector<16xf32>
        %parallel_loop3A_1019 = arith.constant 9 : i32
        %parallel_loop3A_1020 = arith.addi %parallel_loop3A_90, %parallel_loop3A_1019 : i32
        %parallel_loop3A_1021 = arith.index_cast %parallel_loop3A_1020 : i32 to index
        %parallel_loop3A_1022 = arith.constant 32 : index
        %parallel_loop3A_1023 = tpu.vector_load %arg9[%parallel_loop3A_1021, %parallel_loop3A_1022] {strides = array<i32>} : memref<80x128xf32, #tpu.memory_space<vmem>>, vector<16xf32>,
        %parallel_loop3A_1024 = arith.constant 9 : i32
        %parallel_loop3A_1025 = arith.addi %parallel_loop3A_90, %parallel_loop3A_1024 : i32
        %parallel_loop3A_1026 = arith.index_cast %parallel_loop3A_1025 : i32 to index
        %parallel_loop3A_1027 = arith.constant 32 : index
        %parallel_loop3A_1028 = tpu.vector_load %arg10[%parallel_loop3A_1026, %parallel_loop3A_1027] {strides = array<i32>} : memref<80x128xf32, #tpu.memory_space<vmem>>, vector<16xf32>,
        %parallel_loop3A_1029 = arith.mulf %parallel_loop3A_1023, %parallel_loop3A_1028 : vector<16xf32>
        %parallel_loop3A_1030 = arith.addf %parallel_loop3A_1018, %parallel_loop3A_1029 : vector<16xf32>
        %parallel_loop3A_1031 = arith.constant 9 : i32
        %parallel_loop3A_1032 = arith.addi %parallel_loop3A_90, %parallel_loop3A_1031 : i32
        %parallel_loop3A_1033 = arith.index_cast %parallel_loop3A_1032 : i32 to index
        %parallel_loop3A_1034 = arith.constant 48 : index
        %parallel_loop3A_1035 = tpu.vector_load %arg9[%parallel_loop3A_1033, %parallel_loop3A_1034] {strides = array<i32>} : memref<80x128xf32, #tpu.memory_space<vmem>>, vector<16xf32>,
        %parallel_loop3A_1036 = arith.constant 9 : i32
        %parallel_loop3A_1037 = arith.addi %parallel_loop3A_90, %parallel_loop3A_1036 : i32
        %parallel_loop3A_1038 = arith.index_cast %parallel_loop3A_1037 : i32 to index
        %parallel_loop3A_1039 = arith.constant 48 : index
        %parallel_loop3A_1040 = tpu.vector_load %arg10[%parallel_loop3A_1038, %parallel_loop3A_1039] {strides = array<i32>} : memref<80x128xf32, #tpu.memory_space<vmem>>, vector<16xf32>,
        %parallel_loop3A_1041 = arith.mulf %parallel_loop3A_1035, %parallel_loop3A_1040 : vector<16xf32>
        %parallel_loop3A_1042 = arith.addf %parallel_loop3A_1030, %parallel_loop3A_1041 : vector<16xf32>
        %parallel_loop3A_1043 = arith.constant 9 : i32
        %parallel_loop3A_1044 = arith.addi %parallel_loop3A_90, %parallel_loop3A_1043 : i32
        %parallel_loop3A_1045 = arith.index_cast %parallel_loop3A_1044 : i32 to index
        %parallel_loop3A_1046 = arith.constant 64 : index
        %parallel_loop3A_1047 = tpu.vector_load %arg9[%parallel_loop3A_1045, %parallel_loop3A_1046] {strides = array<i32>} : memref<80x128xf32, #tpu.memory_space<vmem>>, vector<16xf32>,
        %parallel_loop3A_1048 = arith.constant 9 : i32
        %parallel_loop3A_1049 = arith.addi %parallel_loop3A_90, %parallel_loop3A_1048 : i32
        %parallel_loop3A_1050 = arith.index_cast %parallel_loop3A_1049 : i32 to index
        %parallel_loop3A_1051 = arith.constant 64 : index
        %parallel_loop3A_1052 = tpu.vector_load %arg10[%parallel_loop3A_1050, %parallel_loop3A_1051] {strides = array<i32>} : memref<80x128xf32, #tpu.memory_space<vmem>>, vector<16xf32>,
        %parallel_loop3A_1053 = arith.mulf %parallel_loop3A_1047, %parallel_loop3A_1052 : vector<16xf32>
        %parallel_loop3A_1054 = arith.addf %parallel_loop3A_1042, %parallel_loop3A_1053 : vector<16xf32>
        %parallel_loop3A_1055 = arith.constant 9 : i32
        %parallel_loop3A_1056 = arith.addi %parallel_loop3A_90, %parallel_loop3A_1055 : i32
        %parallel_loop3A_1057 = arith.index_cast %parallel_loop3A_1056 : i32 to index
        %parallel_loop3A_1058 = arith.constant 80 : index
        %parallel_loop3A_1059 = tpu.vector_load %arg9[%parallel_loop3A_1057, %parallel_loop3A_1058] {strides = array<i32>} : memref<80x128xf32, #tpu.memory_space<vmem>>, vector<16xf32>,
        %parallel_loop3A_1060 = arith.constant 9 : i32
        %parallel_loop3A_1061 = arith.addi %parallel_loop3A_90, %parallel_loop3A_1060 : i32
        %parallel_loop3A_1062 = arith.index_cast %parallel_loop3A_1061 : i32 to index
        %parallel_loop3A_1063 = arith.constant 80 : index
        %parallel_loop3A_1064 = tpu.vector_load %arg10[%parallel_loop3A_1062, %parallel_loop3A_1063] {strides = array<i32>} : memref<80x128xf32, #tpu.memory_space<vmem>>, vector<16xf32>,
        %parallel_loop3A_1065 = arith.mulf %parallel_loop3A_1059, %parallel_loop3A_1064 : vector<16xf32>
        %parallel_loop3A_1066 = arith.addf %parallel_loop3A_1054, %parallel_loop3A_1065 : vector<16xf32>
        %parallel_loop3A_1067 = arith.constant 9 : i32
        %parallel_loop3A_1068 = arith.addi %parallel_loop3A_90, %parallel_loop3A_1067 : i32
        %parallel_loop3A_1069 = arith.index_cast %parallel_loop3A_1068 : i32 to index
        %parallel_loop3A_1070 = arith.constant 96 : index
        %parallel_loop3A_1071 = tpu.vector_load %arg9[%parallel_loop3A_1069, %parallel_loop3A_1070] {strides = array<i32>} : memref<80x128xf32, #tpu.memory_space<vmem>>, vector<16xf32>,
        %parallel_loop3A_1072 = arith.constant 9 : i32
        %parallel_loop3A_1073 = arith.addi %parallel_loop3A_90, %parallel_loop3A_1072 : i32
        %parallel_loop3A_1074 = arith.index_cast %parallel_loop3A_1073 : i32 to index
        %parallel_loop3A_1075 = arith.constant 96 : index
        %parallel_loop3A_1076 = tpu.vector_load %arg10[%parallel_loop3A_1074, %parallel_loop3A_1075] {strides = array<i32>} : memref<80x128xf32, #tpu.memory_space<vmem>>, vector<16xf32>,
        %parallel_loop3A_1077 = arith.mulf %parallel_loop3A_1071, %parallel_loop3A_1076 : vector<16xf32>
        %parallel_loop3A_1078 = arith.addf %parallel_loop3A_1066, %parallel_loop3A_1077 : vector<16xf32>
        %parallel_loop3A_1079 = arith.constant 9 : i32
        %parallel_loop3A_1080 = arith.addi %parallel_loop3A_90, %parallel_loop3A_1079 : i32
        %parallel_loop3A_1081 = arith.index_cast %parallel_loop3A_1080 : i32 to index
        %parallel_loop3A_1082 = arith.constant 112 : index
        %parallel_loop3A_1083 = tpu.vector_load %arg9[%parallel_loop3A_1081, %parallel_loop3A_1082] {strides = array<i32>} : memref<80x128xf32, #tpu.memory_space<vmem>>, vector<16xf32>,
        %parallel_loop3A_1084 = arith.constant 9 : i32
        %parallel_loop3A_1085 = arith.addi %parallel_loop3A_90, %parallel_loop3A_1084 : i32
        %parallel_loop3A_1086 = arith.index_cast %parallel_loop3A_1085 : i32 to index
        %parallel_loop3A_1087 = arith.constant 112 : index
        %parallel_loop3A_1088 = tpu.vector_load %arg10[%parallel_loop3A_1086, %parallel_loop3A_1087] {strides = array<i32>} : memref<80x128xf32, #tpu.memory_space<vmem>>, vector<16xf32>,
        %parallel_loop3A_1089 = arith.mulf %parallel_loop3A_1083, %parallel_loop3A_1088 : vector<16xf32>
        %parallel_loop3A_1090 = arith.addf %parallel_loop3A_1078, %parallel_loop3A_1089 : vector<16xf32>
        %parallel_loop3A_1091 = arith.constant 9 : i32
        %parallel_loop3A_1092 = arith.addi %parallel_loop3A_90, %parallel_loop3A_1091 : i32
        %parallel_loop3A_1093 = arith.index_cast %parallel_loop3A_1092 : i32 to index
        %parallel_loop3A_1094 = arith.constant 0 : index
        %parallel_loop3A_1095 = tpu.vector_load %arg15[%parallel_loop3A_1093, %parallel_loop3A_1094] {strides = array<i32>} : memref<80x16xf32, #tpu.memory_space<vmem>>, vector<16xf32>,
        tpu.vector_store %arg15[%parallel_loop3A_1093, %parallel_loop3A_1094], %parallel_loop3A_1090 {strides = array<i32>} : memref<80x16xf32, #tpu.memory_space<vmem>>, vector<16xf32>,
        %parallel_loop3A_1096 = arith.constant 10 : i32
        %parallel_loop3A_1097 = arith.addi %parallel_loop3A_90, %parallel_loop3A_1096 : i32
        %parallel_loop3A_1098 = arith.index_cast %parallel_loop3A_1097 : i32 to index
        %parallel_loop3A_1099 = arith.constant 0 : index
        %parallel_loop3A_1100 = tpu.vector_load %arg9[%parallel_loop3A_1098, %parallel_loop3A_1099] {strides = array<i32>} : memref<80x128xf32, #tpu.memory_space<vmem>>, vector<16xf32>,
        %parallel_loop3A_1101 = arith.constant 10 : i32
        %parallel_loop3A_1102 = arith.addi %parallel_loop3A_90, %parallel_loop3A_1101 : i32
        %parallel_loop3A_1103 = arith.index_cast %parallel_loop3A_1102 : i32 to index
        %parallel_loop3A_1104 = arith.constant 0 : index
        %parallel_loop3A_1105 = tpu.vector_load %arg10[%parallel_loop3A_1103, %parallel_loop3A_1104] {strides = array<i32>} : memref<80x128xf32, #tpu.memory_space<vmem>>, vector<16xf32>,
        %parallel_loop3A_1106 = arith.mulf %parallel_loop3A_1100, %parallel_loop3A_1105 : vector<16xf32>
        %parallel_loop3A_1107 = arith.constant 10 : i32
        %parallel_loop3A_1108 = arith.addi %parallel_loop3A_90, %parallel_loop3A_1107 : i32
        %parallel_loop3A_1109 = arith.index_cast %parallel_loop3A_1108 : i32 to index
        %parallel_loop3A_1110 = arith.constant 16 : index
        %parallel_loop3A_1111 = tpu.vector_load %arg9[%parallel_loop3A_1109, %parallel_loop3A_1110] {strides = array<i32>} : memref<80x128xf32, #tpu.memory_space<vmem>>, vector<16xf32>,
        %parallel_loop3A_1112 = arith.constant 10 : i32
        %parallel_loop3A_1113 = arith.addi %parallel_loop3A_90, %parallel_loop3A_1112 : i32
        %parallel_loop3A_1114 = arith.index_cast %parallel_loop3A_1113 : i32 to index
        %parallel_loop3A_1115 = arith.constant 16 : index
        %parallel_loop3A_1116 = tpu.vector_load %arg10[%parallel_loop3A_1114, %parallel_loop3A_1115] {strides = array<i32>} : memref<80x128xf32, #tpu.memory_space<vmem>>, vector<16xf32>,
        %parallel_loop3A_1117 = arith.mulf %parallel_loop3A_1111, %parallel_loop3A_1116 : vector<16xf32>
        %parallel_loop3A_1118 = arith.addf %parallel_loop3A_1106, %parallel_loop3A_1117 : vector<16xf32>
        %parallel_loop3A_1119 = arith.constant 10 : i32
        %parallel_loop3A_1120 = arith.addi %parallel_loop3A_90, %parallel_loop3A_1119 : i32
        %parallel_loop3A_1121 = arith.index_cast %parallel_loop3A_1120 : i32 to index
        %parallel_loop3A_1122 = arith.constant 32 : index
        %parallel_loop3A_1123 = tpu.vector_load %arg9[%parallel_loop3A_1121, %parallel_loop3A_1122] {strides = array<i32>} : memref<80x128xf32, #tpu.memory_space<vmem>>, vector<16xf32>,
        %parallel_loop3A_1124 = arith.constant 10 : i32
        %parallel_loop3A_1125 = arith.addi %parallel_loop3A_90, %parallel_loop3A_1124 : i32
        %parallel_loop3A_1126 = arith.index_cast %parallel_loop3A_1125 : i32 to index
        %parallel_loop3A_1127 = arith.constant 32 : index
        %parallel_loop3A_1128 = tpu.vector_load %arg10[%parallel_loop3A_1126, %parallel_loop3A_1127] {strides = array<i32>} : memref<80x128xf32, #tpu.memory_space<vmem>>, vector<16xf32>,
        %parallel_loop3A_1129 = arith.mulf %parallel_loop3A_1123, %parallel_loop3A_1128 : vector<16xf32>
        %parallel_loop3A_1130 = arith.addf %parallel_loop3A_1118, %parallel_loop3A_1129 : vector<16xf32>
        %parallel_loop3A_1131 = arith.constant 10 : i32
        %parallel_loop3A_1132 = arith.addi %parallel_loop3A_90, %parallel_loop3A_1131 : i32
        %parallel_loop3A_1133 = arith.index_cast %parallel_loop3A_1132 : i32 to index
        %parallel_loop3A_1134 = arith.constant 48 : index
        %parallel_loop3A_1135 = tpu.vector_load %arg9[%parallel_loop3A_1133, %parallel_loop3A_1134] {strides = array<i32>} : memref<80x128xf32, #tpu.memory_space<vmem>>, vector<16xf32>,
        %parallel_loop3A_1136 = arith.constant 10 : i32
        %parallel_loop3A_1137 = arith.addi %parallel_loop3A_90, %parallel_loop3A_1136 : i32
        %parallel_loop3A_1138 = arith.index_cast %parallel_loop3A_1137 : i32 to index
        %parallel_loop3A_1139 = arith.constant 48 : index
        %parallel_loop3A_1140 = tpu.vector_load %arg10[%parallel_loop3A_1138, %parallel_loop3A_1139] {strides = array<i32>} : memref<80x128xf32, #tpu.memory_space<vmem>>, vector<16xf32>,
        %parallel_loop3A_1141 = arith.mulf %parallel_loop3A_1135, %parallel_loop3A_1140 : vector<16xf32>
        %parallel_loop3A_1142 = arith.addf %parallel_loop3A_1130, %parallel_loop3A_1141 : vector<16xf32>
        %parallel_loop3A_1143 = arith.constant 10 : i32
        %parallel_loop3A_1144 = arith.addi %parallel_loop3A_90, %parallel_loop3A_1143 : i32
        %parallel_loop3A_1145 = arith.index_cast %parallel_loop3A_1144 : i32 to index
        %parallel_loop3A_1146 = arith.constant 64 : index
        %parallel_loop3A_1147 = tpu.vector_load %arg9[%parallel_loop3A_1145, %parallel_loop3A_1146] {strides = array<i32>} : memref<80x128xf32, #tpu.memory_space<vmem>>, vector<16xf32>,
        %parallel_loop3A_1148 = arith.constant 10 : i32
        %parallel_loop3A_1149 = arith.addi %parallel_loop3A_90, %parallel_loop3A_1148 : i32
        %parallel_loop3A_1150 = arith.index_cast %parallel_loop3A_1149 : i32 to index
        %parallel_loop3A_1151 = arith.constant 64 : index
        %parallel_loop3A_1152 = tpu.vector_load %arg10[%parallel_loop3A_1150, %parallel_loop3A_1151] {strides = array<i32>} : memref<80x128xf32, #tpu.memory_space<vmem>>, vector<16xf32>,
        %parallel_loop3A_1153 = arith.mulf %parallel_loop3A_1147, %parallel_loop3A_1152 : vector<16xf32>
        %parallel_loop3A_1154 = arith.addf %parallel_loop3A_1142, %parallel_loop3A_1153 : vector<16xf32>
        %parallel_loop3A_1155 = arith.constant 10 : i32
        %parallel_loop3A_1156 = arith.addi %parallel_loop3A_90, %parallel_loop3A_1155 : i32
        %parallel_loop3A_1157 = arith.index_cast %parallel_loop3A_1156 : i32 to index
        %parallel_loop3A_1158 = arith.constant 80 : index
        %parallel_loop3A_1159 = tpu.vector_load %arg9[%parallel_loop3A_1157, %parallel_loop3A_1158] {strides = array<i32>} : memref<80x128xf32, #tpu.memory_space<vmem>>, vector<16xf32>,
        %parallel_loop3A_1160 = arith.constant 10 : i32
        %parallel_loop3A_1161 = arith.addi %parallel_loop3A_90, %parallel_loop3A_1160 : i32
        %parallel_loop3A_1162 = arith.index_cast %parallel_loop3A_1161 : i32 to index
        %parallel_loop3A_1163 = arith.constant 80 : index
        %parallel_loop3A_1164 = tpu.vector_load %arg10[%parallel_loop3A_1162, %parallel_loop3A_1163] {strides = array<i32>} : memref<80x128xf32, #tpu.memory_space<vmem>>, vector<16xf32>,
        %parallel_loop3A_1165 = arith.mulf %parallel_loop3A_1159, %parallel_loop3A_1164 : vector<16xf32>
        %parallel_loop3A_1166 = arith.addf %parallel_loop3A_1154, %parallel_loop3A_1165 : vector<16xf32>
        %parallel_loop3A_1167 = arith.constant 10 : i32
        %parallel_loop3A_1168 = arith.addi %parallel_loop3A_90, %parallel_loop3A_1167 : i32
        %parallel_loop3A_1169 = arith.index_cast %parallel_loop3A_1168 : i32 to index
        %parallel_loop3A_1170 = arith.constant 96 : index
        %parallel_loop3A_1171 = tpu.vector_load %arg9[%parallel_loop3A_1169, %parallel_loop3A_1170] {strides = array<i32>} : memref<80x128xf32, #tpu.memory_space<vmem>>, vector<16xf32>,
        %parallel_loop3A_1172 = arith.constant 10 : i32
        %parallel_loop3A_1173 = arith.addi %parallel_loop3A_90, %parallel_loop3A_1172 : i32
        %parallel_loop3A_1174 = arith.index_cast %parallel_loop3A_1173 : i32 to index
        %parallel_loop3A_1175 = arith.constant 96 : index
        %parallel_loop3A_1176 = tpu.vector_load %arg10[%parallel_loop3A_1174, %parallel_loop3A_1175] {strides = array<i32>} : memref<80x128xf32, #tpu.memory_space<vmem>>, vector<16xf32>,
        %parallel_loop3A_1177 = arith.mulf %parallel_loop3A_1171, %parallel_loop3A_1176 : vector<16xf32>
        %parallel_loop3A_1178 = arith.addf %parallel_loop3A_1166, %parallel_loop3A_1177 : vector<16xf32>
        %parallel_loop3A_1179 = arith.constant 10 : i32
        %parallel_loop3A_1180 = arith.addi %parallel_loop3A_90, %parallel_loop3A_1179 : i32
        %parallel_loop3A_1181 = arith.index_cast %parallel_loop3A_1180 : i32 to index
        %parallel_loop3A_1182 = arith.constant 112 : index
        %parallel_loop3A_1183 = tpu.vector_load %arg9[%parallel_loop3A_1181, %parallel_loop3A_1182] {strides = array<i32>} : memref<80x128xf32, #tpu.memory_space<vmem>>, vector<16xf32>,
        %parallel_loop3A_1184 = arith.constant 10 : i32
        %parallel_loop3A_1185 = arith.addi %parallel_loop3A_90, %parallel_loop3A_1184 : i32
        %parallel_loop3A_1186 = arith.index_cast %parallel_loop3A_1185 : i32 to index
        %parallel_loop3A_1187 = arith.constant 112 : index
        %parallel_loop3A_1188 = tpu.vector_load %arg10[%parallel_loop3A_1186, %parallel_loop3A_1187] {strides = array<i32>} : memref<80x128xf32, #tpu.memory_space<vmem>>, vector<16xf32>,
        %parallel_loop3A_1189 = arith.mulf %parallel_loop3A_1183, %parallel_loop3A_1188 : vector<16xf32>
        %parallel_loop3A_1190 = arith.addf %parallel_loop3A_1178, %parallel_loop3A_1189 : vector<16xf32>
        %parallel_loop3A_1191 = arith.constant 10 : i32
        %parallel_loop3A_1192 = arith.addi %parallel_loop3A_90, %parallel_loop3A_1191 : i32
        %parallel_loop3A_1193 = arith.index_cast %parallel_loop3A_1192 : i32 to index
        %parallel_loop3A_1194 = arith.constant 0 : index
        %parallel_loop3A_1195 = tpu.vector_load %arg15[%parallel_loop3A_1193, %parallel_loop3A_1194] {strides = array<i32>} : memref<80x16xf32, #tpu.memory_space<vmem>>, vector<16xf32>,
        tpu.vector_store %arg15[%parallel_loop3A_1193, %parallel_loop3A_1194], %parallel_loop3A_1190 {strides = array<i32>} : memref<80x16xf32, #tpu.memory_space<vmem>>, vector<16xf32>,
        %parallel_loop3A_1196 = arith.constant 11 : i32
        %parallel_loop3A_1197 = arith.addi %parallel_loop3A_90, %parallel_loop3A_1196 : i32
        %parallel_loop3A_1198 = arith.index_cast %parallel_loop3A_1197 : i32 to index
        %parallel_loop3A_1199 = arith.constant 0 : index
        %parallel_loop3A_1200 = tpu.vector_load %arg9[%parallel_loop3A_1198, %parallel_loop3A_1199] {strides = array<i32>} : memref<80x128xf32, #tpu.memory_space<vmem>>, vector<16xf32>,
        %parallel_loop3A_1201 = arith.constant 11 : i32
        %parallel_loop3A_1202 = arith.addi %parallel_loop3A_90, %parallel_loop3A_1201 : i32
        %parallel_loop3A_1203 = arith.index_cast %parallel_loop3A_1202 : i32 to index
        %parallel_loop3A_1204 = arith.constant 0 : index
        %parallel_loop3A_1205 = tpu.vector_load %arg10[%parallel_loop3A_1203, %parallel_loop3A_1204] {strides = array<i32>} : memref<80x128xf32, #tpu.memory_space<vmem>>, vector<16xf32>,
        %parallel_loop3A_1206 = arith.mulf %parallel_loop3A_1200, %parallel_loop3A_1205 : vector<16xf32>
        %parallel_loop3A_1207 = arith.constant 11 : i32
        %parallel_loop3A_1208 = arith.addi %parallel_loop3A_90, %parallel_loop3A_1207 : i32
        %parallel_loop3A_1209 = arith.index_cast %parallel_loop3A_1208 : i32 to index
        %parallel_loop3A_1210 = arith.constant 16 : index
        %parallel_loop3A_1211 = tpu.vector_load %arg9[%parallel_loop3A_1209, %parallel_loop3A_1210] {strides = array<i32>} : memref<80x128xf32, #tpu.memory_space<vmem>>, vector<16xf32>,
        %parallel_loop3A_1212 = arith.constant 11 : i32
        %parallel_loop3A_1213 = arith.addi %parallel_loop3A_90, %parallel_loop3A_1212 : i32
        %parallel_loop3A_1214 = arith.index_cast %parallel_loop3A_1213 : i32 to index
        %parallel_loop3A_1215 = arith.constant 16 : index
        %parallel_loop3A_1216 = tpu.vector_load %arg10[%parallel_loop3A_1214, %parallel_loop3A_1215] {strides = array<i32>} : memref<80x128xf32, #tpu.memory_space<vmem>>, vector<16xf32>,
        %parallel_loop3A_1217 = arith.mulf %parallel_loop3A_1211, %parallel_loop3A_1216 : vector<16xf32>
        %parallel_loop3A_1218 = arith.addf %parallel_loop3A_1206, %parallel_loop3A_1217 : vector<16xf32>
        %parallel_loop3A_1219 = arith.constant 11 : i32
        %parallel_loop3A_1220 = arith.addi %parallel_loop3A_90, %parallel_loop3A_1219 : i32
        %parallel_loop3A_1221 = arith.index_cast %parallel_loop3A_1220 : i32 to index
        %parallel_loop3A_1222 = arith.constant 32 : index
        %parallel_loop3A_1223 = tpu.vector_load %arg9[%parallel_loop3A_1221, %parallel_loop3A_1222] {strides = array<i32>} : memref<80x128xf32, #tpu.memory_space<vmem>>, vector<16xf32>,
        %parallel_loop3A_1224 = arith.constant 11 : i32
        %parallel_loop3A_1225 = arith.addi %parallel_loop3A_90, %parallel_loop3A_1224 : i32
        %parallel_loop3A_1226 = arith.index_cast %parallel_loop3A_1225 : i32 to index
        %parallel_loop3A_1227 = arith.constant 32 : index
        %parallel_loop3A_1228 = tpu.vector_load %arg10[%parallel_loop3A_1226, %parallel_loop3A_1227] {strides = array<i32>} : memref<80x128xf32, #tpu.memory_space<vmem>>, vector<16xf32>,
        %parallel_loop3A_1229 = arith.mulf %parallel_loop3A_1223, %parallel_loop3A_1228 : vector<16xf32>
        %parallel_loop3A_1230 = arith.addf %parallel_loop3A_1218, %parallel_loop3A_1229 : vector<16xf32>
        %parallel_loop3A_1231 = arith.constant 11 : i32
        %parallel_loop3A_1232 = arith.addi %parallel_loop3A_90, %parallel_loop3A_1231 : i32
        %parallel_loop3A_1233 = arith.index_cast %parallel_loop3A_1232 : i32 to index
        %parallel_loop3A_1234 = arith.constant 48 : index
        %parallel_loop3A_1235 = tpu.vector_load %arg9[%parallel_loop3A_1233, %parallel_loop3A_1234] {strides = array<i32>} : memref<80x128xf32, #tpu.memory_space<vmem>>, vector<16xf32>,
        %parallel_loop3A_1236 = arith.constant 11 : i32
        %parallel_loop3A_1237 = arith.addi %parallel_loop3A_90, %parallel_loop3A_1236 : i32
        %parallel_loop3A_1238 = arith.index_cast %parallel_loop3A_1237 : i32 to index
        %parallel_loop3A_1239 = arith.constant 48 : index
        %parallel_loop3A_1240 = tpu.vector_load %arg10[%parallel_loop3A_1238, %parallel_loop3A_1239] {strides = array<i32>} : memref<80x128xf32, #tpu.memory_space<vmem>>, vector<16xf32>,
        %parallel_loop3A_1241 = arith.mulf %parallel_loop3A_1235, %parallel_loop3A_1240 : vector<16xf32>
        %parallel_loop3A_1242 = arith.addf %parallel_loop3A_1230, %parallel_loop3A_1241 : vector<16xf32>
        %parallel_loop3A_1243 = arith.constant 11 : i32
        %parallel_loop3A_1244 = arith.addi %parallel_loop3A_90, %parallel_loop3A_1243 : i32
        %parallel_loop3A_1245 = arith.index_cast %parallel_loop3A_1244 : i32 to index
        %parallel_loop3A_1246 = arith.constant 64 : index
        %parallel_loop3A_1247 = tpu.vector_load %arg9[%parallel_loop3A_1245, %parallel_loop3A_1246] {strides = array<i32>} : memref<80x128xf32, #tpu.memory_space<vmem>>, vector<16xf32>,
        %parallel_loop3A_1248 = arith.constant 11 : i32
        %parallel_loop3A_1249 = arith.addi %parallel_loop3A_90, %parallel_loop3A_1248 : i32
        %parallel_loop3A_1250 = arith.index_cast %parallel_loop3A_1249 : i32 to index
        %parallel_loop3A_1251 = arith.constant 64 : index
        %parallel_loop3A_1252 = tpu.vector_load %arg10[%parallel_loop3A_1250, %parallel_loop3A_1251] {strides = array<i32>} : memref<80x128xf32, #tpu.memory_space<vmem>>, vector<16xf32>,
        %parallel_loop3A_1253 = arith.mulf %parallel_loop3A_1247, %parallel_loop3A_1252 : vector<16xf32>
        %parallel_loop3A_1254 = arith.addf %parallel_loop3A_1242, %parallel_loop3A_1253 : vector<16xf32>
        %parallel_loop3A_1255 = arith.constant 11 : i32
        %parallel_loop3A_1256 = arith.addi %parallel_loop3A_90, %parallel_loop3A_1255 : i32
        %parallel_loop3A_1257 = arith.index_cast %parallel_loop3A_1256 : i32 to index
        %parallel_loop3A_1258 = arith.constant 80 : index
        %parallel_loop3A_1259 = tpu.vector_load %arg9[%parallel_loop3A_1257, %parallel_loop3A_1258] {strides = array<i32>} : memref<80x128xf32, #tpu.memory_space<vmem>>, vector<16xf32>,
        %parallel_loop3A_1260 = arith.constant 11 : i32
        %parallel_loop3A_1261 = arith.addi %parallel_loop3A_90, %parallel_loop3A_1260 : i32
        %parallel_loop3A_1262 = arith.index_cast %parallel_loop3A_1261 : i32 to index
        %parallel_loop3A_1263 = arith.constant 80 : index
        %parallel_loop3A_1264 = tpu.vector_load %arg10[%parallel_loop3A_1262, %parallel_loop3A_1263] {strides = array<i32>} : memref<80x128xf32, #tpu.memory_space<vmem>>, vector<16xf32>,
        %parallel_loop3A_1265 = arith.mulf %parallel_loop3A_1259, %parallel_loop3A_1264 : vector<16xf32>
        %parallel_loop3A_1266 = arith.addf %parallel_loop3A_1254, %parallel_loop3A_1265 : vector<16xf32>
        %parallel_loop3A_1267 = arith.constant 11 : i32
        %parallel_loop3A_1268 = arith.addi %parallel_loop3A_90, %parallel_loop3A_1267 : i32
        %parallel_loop3A_1269 = arith.index_cast %parallel_loop3A_1268 : i32 to index
        %parallel_loop3A_1270 = arith.constant 96 : index
        %parallel_loop3A_1271 = tpu.vector_load %arg9[%parallel_loop3A_1269, %parallel_loop3A_1270] {strides = array<i32>} : memref<80x128xf32, #tpu.memory_space<vmem>>, vector<16xf32>,
        %parallel_loop3A_1272 = arith.constant 11 : i32
        %parallel_loop3A_1273 = arith.addi %parallel_loop3A_90, %parallel_loop3A_1272 : i32
        %parallel_loop3A_1274 = arith.index_cast %parallel_loop3A_1273 : i32 to index
        %parallel_loop3A_1275 = arith.constant 96 : index
        %parallel_loop3A_1276 = tpu.vector_load %arg10[%parallel_loop3A_1274, %parallel_loop3A_1275] {strides = array<i32>} : memref<80x128xf32, #tpu.memory_space<vmem>>, vector<16xf32>,
        %parallel_loop3A_1277 = arith.mulf %parallel_loop3A_1271, %parallel_loop3A_1276 : vector<16xf32>
        %parallel_loop3A_1278 = arith.addf %parallel_loop3A_1266, %parallel_loop3A_1277 : vector<16xf32>
        %parallel_loop3A_1279 = arith.constant 11 : i32
        %parallel_loop3A_1280 = arith.addi %parallel_loop3A_90, %parallel_loop3A_1279 : i32
        %parallel_loop3A_1281 = arith.index_cast %parallel_loop3A_1280 : i32 to index
        %parallel_loop3A_1282 = arith.constant 112 : index
        %parallel_loop3A_1283 = tpu.vector_load %arg9[%parallel_loop3A_1281, %parallel_loop3A_1282] {strides = array<i32>} : memref<80x128xf32, #tpu.memory_space<vmem>>, vector<16xf32>,
        %parallel_loop3A_1284 = arith.constant 11 : i32
        %parallel_loop3A_1285 = arith.addi %parallel_loop3A_90, %parallel_loop3A_1284 : i32
        %parallel_loop3A_1286 = arith.index_cast %parallel_loop3A_1285 : i32 to index
        %parallel_loop3A_1287 = arith.constant 112 : index
        %parallel_loop3A_1288 = tpu.vector_load %arg10[%parallel_loop3A_1286, %parallel_loop3A_1287] {strides = array<i32>} : memref<80x128xf32, #tpu.memory_space<vmem>>, vector<16xf32>,
        %parallel_loop3A_1289 = arith.mulf %parallel_loop3A_1283, %parallel_loop3A_1288 : vector<16xf32>
        %parallel_loop3A_1290 = arith.addf %parallel_loop3A_1278, %parallel_loop3A_1289 : vector<16xf32>
        %parallel_loop3A_1291 = arith.constant 11 : i32
        %parallel_loop3A_1292 = arith.addi %parallel_loop3A_90, %parallel_loop3A_1291 : i32
        %parallel_loop3A_1293 = arith.index_cast %parallel_loop3A_1292 : i32 to index
        %parallel_loop3A_1294 = arith.constant 0 : index
        %parallel_loop3A_1295 = tpu.vector_load %arg15[%parallel_loop3A_1293, %parallel_loop3A_1294] {strides = array<i32>} : memref<80x16xf32, #tpu.memory_space<vmem>>, vector<16xf32>,
        tpu.vector_store %arg15[%parallel_loop3A_1293, %parallel_loop3A_1294], %parallel_loop3A_1290 {strides = array<i32>} : memref<80x16xf32, #tpu.memory_space<vmem>>, vector<16xf32>,
        %parallel_loop3A_1296 = arith.constant 12 : i32
        %parallel_loop3A_1297 = arith.addi %parallel_loop3A_90, %parallel_loop3A_1296 : i32
        %parallel_loop3A_1298 = arith.index_cast %parallel_loop3A_1297 : i32 to index
        %parallel_loop3A_1299 = arith.constant 0 : index
        %parallel_loop3A_1300 = tpu.vector_load %arg9[%parallel_loop3A_1298, %parallel_loop3A_1299] {strides = array<i32>} : memref<80x128xf32, #tpu.memory_space<vmem>>, vector<16xf32>,
        %parallel_loop3A_1301 = arith.constant 12 : i32
        %parallel_loop3A_1302 = arith.addi %parallel_loop3A_90, %parallel_loop3A_1301 : i32
        %parallel_loop3A_1303 = arith.index_cast %parallel_loop3A_1302 : i32 to index
        %parallel_loop3A_1304 = arith.constant 0 : index
        %parallel_loop3A_1305 = tpu.vector_load %arg10[%parallel_loop3A_1303, %parallel_loop3A_1304] {strides = array<i32>} : memref<80x128xf32, #tpu.memory_space<vmem>>, vector<16xf32>,
        %parallel_loop3A_1306 = arith.mulf %parallel_loop3A_1300, %parallel_loop3A_1305 : vector<16xf32>
        %parallel_loop3A_1307 = arith.constant 12 : i32
        %parallel_loop3A_1308 = arith.addi %parallel_loop3A_90, %parallel_loop3A_1307 : i32
        %parallel_loop3A_1309 = arith.index_cast %parallel_loop3A_1308 : i32 to index
        %parallel_loop3A_1310 = arith.constant 16 : index
        %parallel_loop3A_1311 = tpu.vector_load %arg9[%parallel_loop3A_1309, %parallel_loop3A_1310] {strides = array<i32>} : memref<80x128xf32, #tpu.memory_space<vmem>>, vector<16xf32>,
        %parallel_loop3A_1312 = arith.constant 12 : i32
        %parallel_loop3A_1313 = arith.addi %parallel_loop3A_90, %parallel_loop3A_1312 : i32
        %parallel_loop3A_1314 = arith.index_cast %parallel_loop3A_1313 : i32 to index
        %parallel_loop3A_1315 = arith.constant 16 : index
        %parallel_loop3A_1316 = tpu.vector_load %arg10[%parallel_loop3A_1314, %parallel_loop3A_1315] {strides = array<i32>} : memref<80x128xf32, #tpu.memory_space<vmem>>, vector<16xf32>,
        %parallel_loop3A_1317 = arith.mulf %parallel_loop3A_1311, %parallel_loop3A_1316 : vector<16xf32>
        %parallel_loop3A_1318 = arith.addf %parallel_loop3A_1306, %parallel_loop3A_1317 : vector<16xf32>
        %parallel_loop3A_1319 = arith.constant 12 : i32
        %parallel_loop3A_1320 = arith.addi %parallel_loop3A_90, %parallel_loop3A_1319 : i32
        %parallel_loop3A_1321 = arith.index_cast %parallel_loop3A_1320 : i32 to index
        %parallel_loop3A_1322 = arith.constant 32 : index
        %parallel_loop3A_1323 = tpu.vector_load %arg9[%parallel_loop3A_1321, %parallel_loop3A_1322] {strides = array<i32>} : memref<80x128xf32, #tpu.memory_space<vmem>>, vector<16xf32>,
        %parallel_loop3A_1324 = arith.constant 12 : i32
        %parallel_loop3A_1325 = arith.addi %parallel_loop3A_90, %parallel_loop3A_1324 : i32
        %parallel_loop3A_1326 = arith.index_cast %parallel_loop3A_1325 : i32 to index
        %parallel_loop3A_1327 = arith.constant 32 : index
        %parallel_loop3A_1328 = tpu.vector_load %arg10[%parallel_loop3A_1326, %parallel_loop3A_1327] {strides = array<i32>} : memref<80x128xf32, #tpu.memory_space<vmem>>, vector<16xf32>,
        %parallel_loop3A_1329 = arith.mulf %parallel_loop3A_1323, %parallel_loop3A_1328 : vector<16xf32>
        %parallel_loop3A_1330 = arith.addf %parallel_loop3A_1318, %parallel_loop3A_1329 : vector<16xf32>
        %parallel_loop3A_1331 = arith.constant 12 : i32
        %parallel_loop3A_1332 = arith.addi %parallel_loop3A_90, %parallel_loop3A_1331 : i32
        %parallel_loop3A_1333 = arith.index_cast %parallel_loop3A_1332 : i32 to index
        %parallel_loop3A_1334 = arith.constant 48 : index
        %parallel_loop3A_1335 = tpu.vector_load %arg9[%parallel_loop3A_1333, %parallel_loop3A_1334] {strides = array<i32>} : memref<80x128xf32, #tpu.memory_space<vmem>>, vector<16xf32>,
        %parallel_loop3A_1336 = arith.constant 12 : i32
        %parallel_loop3A_1337 = arith.addi %parallel_loop3A_90, %parallel_loop3A_1336 : i32
        %parallel_loop3A_1338 = arith.index_cast %parallel_loop3A_1337 : i32 to index
        %parallel_loop3A_1339 = arith.constant 48 : index
        %parallel_loop3A_1340 = tpu.vector_load %arg10[%parallel_loop3A_1338, %parallel_loop3A_1339] {strides = array<i32>} : memref<80x128xf32, #tpu.memory_space<vmem>>, vector<16xf32>,
        %parallel_loop3A_1341 = arith.mulf %parallel_loop3A_1335, %parallel_loop3A_1340 : vector<16xf32>
        %parallel_loop3A_1342 = arith.addf %parallel_loop3A_1330, %parallel_loop3A_1341 : vector<16xf32>
        %parallel_loop3A_1343 = arith.constant 12 : i32
        %parallel_loop3A_1344 = arith.addi %parallel_loop3A_90, %parallel_loop3A_1343 : i32
        %parallel_loop3A_1345 = arith.index_cast %parallel_loop3A_1344 : i32 to index
        %parallel_loop3A_1346 = arith.constant 64 : index
        %parallel_loop3A_1347 = tpu.vector_load %arg9[%parallel_loop3A_1345, %parallel_loop3A_1346] {strides = array<i32>} : memref<80x128xf32, #tpu.memory_space<vmem>>, vector<16xf32>,
        %parallel_loop3A_1348 = arith.constant 12 : i32
        %parallel_loop3A_1349 = arith.addi %parallel_loop3A_90, %parallel_loop3A_1348 : i32
        %parallel_loop3A_1350 = arith.index_cast %parallel_loop3A_1349 : i32 to index
        %parallel_loop3A_1351 = arith.constant 64 : index
        %parallel_loop3A_1352 = tpu.vector_load %arg10[%parallel_loop3A_1350, %parallel_loop3A_1351] {strides = array<i32>} : memref<80x128xf32, #tpu.memory_space<vmem>>, vector<16xf32>,
        %parallel_loop3A_1353 = arith.mulf %parallel_loop3A_1347, %parallel_loop3A_1352 : vector<16xf32>
        %parallel_loop3A_1354 = arith.addf %parallel_loop3A_1342, %parallel_loop3A_1353 : vector<16xf32>
        %parallel_loop3A_1355 = arith.constant 12 : i32
        %parallel_loop3A_1356 = arith.addi %parallel_loop3A_90, %parallel_loop3A_1355 : i32
        %parallel_loop3A_1357 = arith.index_cast %parallel_loop3A_1356 : i32 to index
        %parallel_loop3A_1358 = arith.constant 80 : index
        %parallel_loop3A_1359 = tpu.vector_load %arg9[%parallel_loop3A_1357, %parallel_loop3A_1358] {strides = array<i32>} : memref<80x128xf32, #tpu.memory_space<vmem>>, vector<16xf32>,
        %parallel_loop3A_1360 = arith.constant 12 : i32
        %parallel_loop3A_1361 = arith.addi %parallel_loop3A_90, %parallel_loop3A_1360 : i32
        %parallel_loop3A_1362 = arith.index_cast %parallel_loop3A_1361 : i32 to index
        %parallel_loop3A_1363 = arith.constant 80 : index
        %parallel_loop3A_1364 = tpu.vector_load %arg10[%parallel_loop3A_1362, %parallel_loop3A_1363] {strides = array<i32>} : memref<80x128xf32, #tpu.memory_space<vmem>>, vector<16xf32>,
        %parallel_loop3A_1365 = arith.mulf %parallel_loop3A_1359, %parallel_loop3A_1364 : vector<16xf32>
        %parallel_loop3A_1366 = arith.addf %parallel_loop3A_1354, %parallel_loop3A_1365 : vector<16xf32>
        %parallel_loop3A_1367 = arith.constant 12 : i32
        %parallel_loop3A_1368 = arith.addi %parallel_loop3A_90, %parallel_loop3A_1367 : i32
        %parallel_loop3A_1369 = arith.index_cast %parallel_loop3A_1368 : i32 to index
        %parallel_loop3A_1370 = arith.constant 96 : index
        %parallel_loop3A_1371 = tpu.vector_load %arg9[%parallel_loop3A_1369, %parallel_loop3A_1370] {strides = array<i32>} : memref<80x128xf32, #tpu.memory_space<vmem>>, vector<16xf32>,
        %parallel_loop3A_1372 = arith.constant 12 : i32
        %parallel_loop3A_1373 = arith.addi %parallel_loop3A_90, %parallel_loop3A_1372 : i32
        %parallel_loop3A_1374 = arith.index_cast %parallel_loop3A_1373 : i32 to index
        %parallel_loop3A_1375 = arith.constant 96 : index
        %parallel_loop3A_1376 = tpu.vector_load %arg10[%parallel_loop3A_1374, %parallel_loop3A_1375] {strides = array<i32>} : memref<80x128xf32, #tpu.memory_space<vmem>>, vector<16xf32>,
        %parallel_loop3A_1377 = arith.mulf %parallel_loop3A_1371, %parallel_loop3A_1376 : vector<16xf32>
        %parallel_loop3A_1378 = arith.addf %parallel_loop3A_1366, %parallel_loop3A_1377 : vector<16xf32>
        %parallel_loop3A_1379 = arith.constant 12 : i32
        %parallel_loop3A_1380 = arith.addi %parallel_loop3A_90, %parallel_loop3A_1379 : i32
        %parallel_loop3A_1381 = arith.index_cast %parallel_loop3A_1380 : i32 to index
        %parallel_loop3A_1382 = arith.constant 112 : index
        %parallel_loop3A_1383 = tpu.vector_load %arg9[%parallel_loop3A_1381, %parallel_loop3A_1382] {strides = array<i32>} : memref<80x128xf32, #tpu.memory_space<vmem>>, vector<16xf32>,
        %parallel_loop3A_1384 = arith.constant 12 : i32
        %parallel_loop3A_1385 = arith.addi %parallel_loop3A_90, %parallel_loop3A_1384 : i32
        %parallel_loop3A_1386 = arith.index_cast %parallel_loop3A_1385 : i32 to index
        %parallel_loop3A_1387 = arith.constant 112 : index
        %parallel_loop3A_1388 = tpu.vector_load %arg10[%parallel_loop3A_1386, %parallel_loop3A_1387] {strides = array<i32>} : memref<80x128xf32, #tpu.memory_space<vmem>>, vector<16xf32>,
        %parallel_loop3A_1389 = arith.mulf %parallel_loop3A_1383, %parallel_loop3A_1388 : vector<16xf32>
        %parallel_loop3A_1390 = arith.addf %parallel_loop3A_1378, %parallel_loop3A_1389 : vector<16xf32>
        %parallel_loop3A_1391 = arith.constant 12 : i32
        %parallel_loop3A_1392 = arith.addi %parallel_loop3A_90, %parallel_loop3A_1391 : i32
        %parallel_loop3A_1393 = arith.index_cast %parallel_loop3A_1392 : i32 to index
        %parallel_loop3A_1394 = arith.constant 0 : index
        %parallel_loop3A_1395 = tpu.vector_load %arg15[%parallel_loop3A_1393, %parallel_loop3A_1394] {strides = array<i32>} : memref<80x16xf32, #tpu.memory_space<vmem>>, vector<16xf32>,
        tpu.vector_store %arg15[%parallel_loop3A_1393, %parallel_loop3A_1394], %parallel_loop3A_1390 {strides = array<i32>} : memref<80x16xf32, #tpu.memory_space<vmem>>, vector<16xf32>,
        %parallel_loop3A_1396 = arith.constant 13 : i32
        %parallel_loop3A_1397 = arith.addi %parallel_loop3A_90, %parallel_loop3A_1396 : i32
        %parallel_loop3A_1398 = arith.index_cast %parallel_loop3A_1397 : i32 to index
        %parallel_loop3A_1399 = arith.constant 0 : index
        %parallel_loop3A_1400 = tpu.vector_load %arg9[%parallel_loop3A_1398, %parallel_loop3A_1399] {strides = array<i32>} : memref<80x128xf32, #tpu.memory_space<vmem>>, vector<16xf32>,
        %parallel_loop3A_1401 = arith.constant 13 : i32
        %parallel_loop3A_1402 = arith.addi %parallel_loop3A_90, %parallel_loop3A_1401 : i32
        %parallel_loop3A_1403 = arith.index_cast %parallel_loop3A_1402 : i32 to index
        %parallel_loop3A_1404 = arith.constant 0 : index
        %parallel_loop3A_1405 = tpu.vector_load %arg10[%parallel_loop3A_1403, %parallel_loop3A_1404] {strides = array<i32>} : memref<80x128xf32, #tpu.memory_space<vmem>>, vector<16xf32>,
        %parallel_loop3A_1406 = arith.mulf %parallel_loop3A_1400, %parallel_loop3A_1405 : vector<16xf32>
        %parallel_loop3A_1407 = arith.constant 13 : i32
        %parallel_loop3A_1408 = arith.addi %parallel_loop3A_90, %parallel_loop3A_1407 : i32
        %parallel_loop3A_1409 = arith.index_cast %parallel_loop3A_1408 : i32 to index
        %parallel_loop3A_1410 = arith.constant 16 : index
        %parallel_loop3A_1411 = tpu.vector_load %arg9[%parallel_loop3A_1409, %parallel_loop3A_1410] {strides = array<i32>} : memref<80x128xf32, #tpu.memory_space<vmem>>, vector<16xf32>,
        %parallel_loop3A_1412 = arith.constant 13 : i32
        %parallel_loop3A_1413 = arith.addi %parallel_loop3A_90, %parallel_loop3A_1412 : i32
        %parallel_loop3A_1414 = arith.index_cast %parallel_loop3A_1413 : i32 to index
        %parallel_loop3A_1415 = arith.constant 16 : index
        %parallel_loop3A_1416 = tpu.vector_load %arg10[%parallel_loop3A_1414, %parallel_loop3A_1415] {strides = array<i32>} : memref<80x128xf32, #tpu.memory_space<vmem>>, vector<16xf32>,
        %parallel_loop3A_1417 = arith.mulf %parallel_loop3A_1411, %parallel_loop3A_1416 : vector<16xf32>
        %parallel_loop3A_1418 = arith.addf %parallel_loop3A_1406, %parallel_loop3A_1417 : vector<16xf32>
        %parallel_loop3A_1419 = arith.constant 13 : i32
        %parallel_loop3A_1420 = arith.addi %parallel_loop3A_90, %parallel_loop3A_1419 : i32
        %parallel_loop3A_1421 = arith.index_cast %parallel_loop3A_1420 : i32 to index
        %parallel_loop3A_1422 = arith.constant 32 : index
        %parallel_loop3A_1423 = tpu.vector_load %arg9[%parallel_loop3A_1421, %parallel_loop3A_1422] {strides = array<i32>} : memref<80x128xf32, #tpu.memory_space<vmem>>, vector<16xf32>,
        %parallel_loop3A_1424 = arith.constant 13 : i32
        %parallel_loop3A_1425 = arith.addi %parallel_loop3A_90, %parallel_loop3A_1424 : i32
        %parallel_loop3A_1426 = arith.index_cast %parallel_loop3A_1425 : i32 to index
        %parallel_loop3A_1427 = arith.constant 32 : index
        %parallel_loop3A_1428 = tpu.vector_load %arg10[%parallel_loop3A_1426, %parallel_loop3A_1427] {strides = array<i32>} : memref<80x128xf32, #tpu.memory_space<vmem>>, vector<16xf32>,
        %parallel_loop3A_1429 = arith.mulf %parallel_loop3A_1423, %parallel_loop3A_1428 : vector<16xf32>
        %parallel_loop3A_1430 = arith.addf %parallel_loop3A_1418, %parallel_loop3A_1429 : vector<16xf32>
        %parallel_loop3A_1431 = arith.constant 13 : i32
        %parallel_loop3A_1432 = arith.addi %parallel_loop3A_90, %parallel_loop3A_1431 : i32
        %parallel_loop3A_1433 = arith.index_cast %parallel_loop3A_1432 : i32 to index
        %parallel_loop3A_1434 = arith.constant 48 : index
        %parallel_loop3A_1435 = tpu.vector_load %arg9[%parallel_loop3A_1433, %parallel_loop3A_1434] {strides = array<i32>} : memref<80x128xf32, #tpu.memory_space<vmem>>, vector<16xf32>,
        %parallel_loop3A_1436 = arith.constant 13 : i32
        %parallel_loop3A_1437 = arith.addi %parallel_loop3A_90, %parallel_loop3A_1436 : i32
        %parallel_loop3A_1438 = arith.index_cast %parallel_loop3A_1437 : i32 to index
        %parallel_loop3A_1439 = arith.constant 48 : index
        %parallel_loop3A_1440 = tpu.vector_load %arg10[%parallel_loop3A_1438, %parallel_loop3A_1439] {strides = array<i32>} : memref<80x128xf32, #tpu.memory_space<vmem>>, vector<16xf32>,
        %parallel_loop3A_1441 = arith.mulf %parallel_loop3A_1435, %parallel_loop3A_1440 : vector<16xf32>
        %parallel_loop3A_1442 = arith.addf %parallel_loop3A_1430, %parallel_loop3A_1441 : vector<16xf32>
        %parallel_loop3A_1443 = arith.constant 13 : i32
        %parallel_loop3A_1444 = arith.addi %parallel_loop3A_90, %parallel_loop3A_1443 : i32
        %parallel_loop3A_1445 = arith.index_cast %parallel_loop3A_1444 : i32 to index
        %parallel_loop3A_1446 = arith.constant 64 : index
        %parallel_loop3A_1447 = tpu.vector_load %arg9[%parallel_loop3A_1445, %parallel_loop3A_1446] {strides = array<i32>} : memref<80x128xf32, #tpu.memory_space<vmem>>, vector<16xf32>,
        %parallel_loop3A_1448 = arith.constant 13 : i32
        %parallel_loop3A_1449 = arith.addi %parallel_loop3A_90, %parallel_loop3A_1448 : i32
        %parallel_loop3A_1450 = arith.index_cast %parallel_loop3A_1449 : i32 to index
        %parallel_loop3A_1451 = arith.constant 64 : index
        %parallel_loop3A_1452 = tpu.vector_load %arg10[%parallel_loop3A_1450, %parallel_loop3A_1451] {strides = array<i32>} : memref<80x128xf32, #tpu.memory_space<vmem>>, vector<16xf32>,
        %parallel_loop3A_1453 = arith.mulf %parallel_loop3A_1447, %parallel_loop3A_1452 : vector<16xf32>
        %parallel_loop3A_1454 = arith.addf %parallel_loop3A_1442, %parallel_loop3A_1453 : vector<16xf32>
        %parallel_loop3A_1455 = arith.constant 13 : i32
        %parallel_loop3A_1456 = arith.addi %parallel_loop3A_90, %parallel_loop3A_1455 : i32
        %parallel_loop3A_1457 = arith.index_cast %parallel_loop3A_1456 : i32 to index
        %parallel_loop3A_1458 = arith.constant 80 : index
        %parallel_loop3A_1459 = tpu.vector_load %arg9[%parallel_loop3A_1457, %parallel_loop3A_1458] {strides = array<i32>} : memref<80x128xf32, #tpu.memory_space<vmem>>, vector<16xf32>,
        %parallel_loop3A_1460 = arith.constant 13 : i32
        %parallel_loop3A_1461 = arith.addi %parallel_loop3A_90, %parallel_loop3A_1460 : i32
        %parallel_loop3A_1462 = arith.index_cast %parallel_loop3A_1461 : i32 to index
        %parallel_loop3A_1463 = arith.constant 80 : index
        %parallel_loop3A_1464 = tpu.vector_load %arg10[%parallel_loop3A_1462, %parallel_loop3A_1463] {strides = array<i32>} : memref<80x128xf32, #tpu.memory_space<vmem>>, vector<16xf32>,
        %parallel_loop3A_1465 = arith.mulf %parallel_loop3A_1459, %parallel_loop3A_1464 : vector<16xf32>
        %parallel_loop3A_1466 = arith.addf %parallel_loop3A_1454, %parallel_loop3A_1465 : vector<16xf32>
        %parallel_loop3A_1467 = arith.constant 13 : i32
        %parallel_loop3A_1468 = arith.addi %parallel_loop3A_90, %parallel_loop3A_1467 : i32
        %parallel_loop3A_1469 = arith.index_cast %parallel_loop3A_1468 : i32 to index
        %parallel_loop3A_1470 = arith.constant 96 : index
        %parallel_loop3A_1471 = tpu.vector_load %arg9[%parallel_loop3A_1469, %parallel_loop3A_1470] {strides = array<i32>} : memref<80x128xf32, #tpu.memory_space<vmem>>, vector<16xf32>,
        %parallel_loop3A_1472 = arith.constant 13 : i32
        %parallel_loop3A_1473 = arith.addi %parallel_loop3A_90, %parallel_loop3A_1472 : i32
        %parallel_loop3A_1474 = arith.index_cast %parallel_loop3A_1473 : i32 to index
        %parallel_loop3A_1475 = arith.constant 96 : index
        %parallel_loop3A_1476 = tpu.vector_load %arg10[%parallel_loop3A_1474, %parallel_loop3A_1475] {strides = array<i32>} : memref<80x128xf32, #tpu.memory_space<vmem>>, vector<16xf32>,
        %parallel_loop3A_1477 = arith.mulf %parallel_loop3A_1471, %parallel_loop3A_1476 : vector<16xf32>
        %parallel_loop3A_1478 = arith.addf %parallel_loop3A_1466, %parallel_loop3A_1477 : vector<16xf32>
        %parallel_loop3A_1479 = arith.constant 13 : i32
        %parallel_loop3A_1480 = arith.addi %parallel_loop3A_90, %parallel_loop3A_1479 : i32
        %parallel_loop3A_1481 = arith.index_cast %parallel_loop3A_1480 : i32 to index
        %parallel_loop3A_1482 = arith.constant 112 : index
        %parallel_loop3A_1483 = tpu.vector_load %arg9[%parallel_loop3A_1481, %parallel_loop3A_1482] {strides = array<i32>} : memref<80x128xf32, #tpu.memory_space<vmem>>, vector<16xf32>,
        %parallel_loop3A_1484 = arith.constant 13 : i32
        %parallel_loop3A_1485 = arith.addi %parallel_loop3A_90, %parallel_loop3A_1484 : i32
        %parallel_loop3A_1486 = arith.index_cast %parallel_loop3A_1485 : i32 to index
        %parallel_loop3A_1487 = arith.constant 112 : index
        %parallel_loop3A_1488 = tpu.vector_load %arg10[%parallel_loop3A_1486, %parallel_loop3A_1487] {strides = array<i32>} : memref<80x128xf32, #tpu.memory_space<vmem>>, vector<16xf32>,
        %parallel_loop3A_1489 = arith.mulf %parallel_loop3A_1483, %parallel_loop3A_1488 : vector<16xf32>
        %parallel_loop3A_1490 = arith.addf %parallel_loop3A_1478, %parallel_loop3A_1489 : vector<16xf32>
        %parallel_loop3A_1491 = arith.constant 13 : i32
        %parallel_loop3A_1492 = arith.addi %parallel_loop3A_90, %parallel_loop3A_1491 : i32
        %parallel_loop3A_1493 = arith.index_cast %parallel_loop3A_1492 : i32 to index
        %parallel_loop3A_1494 = arith.constant 0 : index
        %parallel_loop3A_1495 = tpu.vector_load %arg15[%parallel_loop3A_1493, %parallel_loop3A_1494] {strides = array<i32>} : memref<80x16xf32, #tpu.memory_space<vmem>>, vector<16xf32>,
        tpu.vector_store %arg15[%parallel_loop3A_1493, %parallel_loop3A_1494], %parallel_loop3A_1490 {strides = array<i32>} : memref<80x16xf32, #tpu.memory_space<vmem>>, vector<16xf32>,
        %parallel_loop3A_1496 = arith.constant 14 : i32
        %parallel_loop3A_1497 = arith.addi %parallel_loop3A_90, %parallel_loop3A_1496 : i32
        %parallel_loop3A_1498 = arith.index_cast %parallel_loop3A_1497 : i32 to index
        %parallel_loop3A_1499 = arith.constant 0 : index
        %parallel_loop3A_1500 = tpu.vector_load %arg9[%parallel_loop3A_1498, %parallel_loop3A_1499] {strides = array<i32>} : memref<80x128xf32, #tpu.memory_space<vmem>>, vector<16xf32>,
        %parallel_loop3A_1501 = arith.constant 14 : i32
        %parallel_loop3A_1502 = arith.addi %parallel_loop3A_90, %parallel_loop3A_1501 : i32
        %parallel_loop3A_1503 = arith.index_cast %parallel_loop3A_1502 : i32 to index
        %parallel_loop3A_1504 = arith.constant 0 : index
        %parallel_loop3A_1505 = tpu.vector_load %arg10[%parallel_loop3A_1503, %parallel_loop3A_1504] {strides = array<i32>} : memref<80x128xf32, #tpu.memory_space<vmem>>, vector<16xf32>,
        %parallel_loop3A_1506 = arith.mulf %parallel_loop3A_1500, %parallel_loop3A_1505 : vector<16xf32>
        %parallel_loop3A_1507 = arith.constant 14 : i32
        %parallel_loop3A_1508 = arith.addi %parallel_loop3A_90, %parallel_loop3A_1507 : i32
        %parallel_loop3A_1509 = arith.index_cast %parallel_loop3A_1508 : i32 to index
        %parallel_loop3A_1510 = arith.constant 16 : index
        %parallel_loop3A_1511 = tpu.vector_load %arg9[%parallel_loop3A_1509, %parallel_loop3A_1510] {strides = array<i32>} : memref<80x128xf32, #tpu.memory_space<vmem>>, vector<16xf32>,
        %parallel_loop3A_1512 = arith.constant 14 : i32
        %parallel_loop3A_1513 = arith.addi %parallel_loop3A_90, %parallel_loop3A_1512 : i32
        %parallel_loop3A_1514 = arith.index_cast %parallel_loop3A_1513 : i32 to index
        %parallel_loop3A_1515 = arith.constant 16 : index
        %parallel_loop3A_1516 = tpu.vector_load %arg10[%parallel_loop3A_1514, %parallel_loop3A_1515] {strides = array<i32>} : memref<80x128xf32, #tpu.memory_space<vmem>>, vector<16xf32>,
        %parallel_loop3A_1517 = arith.mulf %parallel_loop3A_1511, %parallel_loop3A_1516 : vector<16xf32>
        %parallel_loop3A_1518 = arith.addf %parallel_loop3A_1506, %parallel_loop3A_1517 : vector<16xf32>
        %parallel_loop3A_1519 = arith.constant 14 : i32
        %parallel_loop3A_1520 = arith.addi %parallel_loop3A_90, %parallel_loop3A_1519 : i32
        %parallel_loop3A_1521 = arith.index_cast %parallel_loop3A_1520 : i32 to index
        %parallel_loop3A_1522 = arith.constant 32 : index
        %parallel_loop3A_1523 = tpu.vector_load %arg9[%parallel_loop3A_1521, %parallel_loop3A_1522] {strides = array<i32>} : memref<80x128xf32, #tpu.memory_space<vmem>>, vector<16xf32>,
        %parallel_loop3A_1524 = arith.constant 14 : i32
        %parallel_loop3A_1525 = arith.addi %parallel_loop3A_90, %parallel_loop3A_1524 : i32
        %parallel_loop3A_1526 = arith.index_cast %parallel_loop3A_1525 : i32 to index
        %parallel_loop3A_1527 = arith.constant 32 : index
        %parallel_loop3A_1528 = tpu.vector_load %arg10[%parallel_loop3A_1526, %parallel_loop3A_1527] {strides = array<i32>} : memref<80x128xf32, #tpu.memory_space<vmem>>, vector<16xf32>,
        %parallel_loop3A_1529 = arith.mulf %parallel_loop3A_1523, %parallel_loop3A_1528 : vector<16xf32>
        %parallel_loop3A_1530 = arith.addf %parallel_loop3A_1518, %parallel_loop3A_1529 : vector<16xf32>
        %parallel_loop3A_1531 = arith.constant 14 : i32
        %parallel_loop3A_1532 = arith.addi %parallel_loop3A_90, %parallel_loop3A_1531 : i32
        %parallel_loop3A_1533 = arith.index_cast %parallel_loop3A_1532 : i32 to index
        %parallel_loop3A_1534 = arith.constant 48 : index
        %parallel_loop3A_1535 = tpu.vector_load %arg9[%parallel_loop3A_1533, %parallel_loop3A_1534] {strides = array<i32>} : memref<80x128xf32, #tpu.memory_space<vmem>>, vector<16xf32>,
        %parallel_loop3A_1536 = arith.constant 14 : i32
        %parallel_loop3A_1537 = arith.addi %parallel_loop3A_90, %parallel_loop3A_1536 : i32
        %parallel_loop3A_1538 = arith.index_cast %parallel_loop3A_1537 : i32 to index
        %parallel_loop3A_1539 = arith.constant 48 : index
        %parallel_loop3A_1540 = tpu.vector_load %arg10[%parallel_loop3A_1538, %parallel_loop3A_1539] {strides = array<i32>} : memref<80x128xf32, #tpu.memory_space<vmem>>, vector<16xf32>,
        %parallel_loop3A_1541 = arith.mulf %parallel_loop3A_1535, %parallel_loop3A_1540 : vector<16xf32>
        %parallel_loop3A_1542 = arith.addf %parallel_loop3A_1530, %parallel_loop3A_1541 : vector<16xf32>
        %parallel_loop3A_1543 = arith.constant 14 : i32
        %parallel_loop3A_1544 = arith.addi %parallel_loop3A_90, %parallel_loop3A_1543 : i32
        %parallel_loop3A_1545 = arith.index_cast %parallel_loop3A_1544 : i32 to index
        %parallel_loop3A_1546 = arith.constant 64 : index
        %parallel_loop3A_1547 = tpu.vector_load %arg9[%parallel_loop3A_1545, %parallel_loop3A_1546] {strides = array<i32>} : memref<80x128xf32, #tpu.memory_space<vmem>>, vector<16xf32>,
        %parallel_loop3A_1548 = arith.constant 14 : i32
        %parallel_loop3A_1549 = arith.addi %parallel_loop3A_90, %parallel_loop3A_1548 : i32
        %parallel_loop3A_1550 = arith.index_cast %parallel_loop3A_1549 : i32 to index
        %parallel_loop3A_1551 = arith.constant 64 : index
        %parallel_loop3A_1552 = tpu.vector_load %arg10[%parallel_loop3A_1550, %parallel_loop3A_1551] {strides = array<i32>} : memref<80x128xf32, #tpu.memory_space<vmem>>, vector<16xf32>,
        %parallel_loop3A_1553 = arith.mulf %parallel_loop3A_1547, %parallel_loop3A_1552 : vector<16xf32>
        %parallel_loop3A_1554 = arith.addf %parallel_loop3A_1542, %parallel_loop3A_1553 : vector<16xf32>
        %parallel_loop3A_1555 = arith.constant 14 : i32
        %parallel_loop3A_1556 = arith.addi %parallel_loop3A_90, %parallel_loop3A_1555 : i32
        %parallel_loop3A_1557 = arith.index_cast %parallel_loop3A_1556 : i32 to index
        %parallel_loop3A_1558 = arith.constant 80 : index
        %parallel_loop3A_1559 = tpu.vector_load %arg9[%parallel_loop3A_1557, %parallel_loop3A_1558] {strides = array<i32>} : memref<80x128xf32, #tpu.memory_space<vmem>>, vector<16xf32>,
        %parallel_loop3A_1560 = arith.constant 14 : i32
        %parallel_loop3A_1561 = arith.addi %parallel_loop3A_90, %parallel_loop3A_1560 : i32
        %parallel_loop3A_1562 = arith.index_cast %parallel_loop3A_1561 : i32 to index
        %parallel_loop3A_1563 = arith.constant 80 : index
        %parallel_loop3A_1564 = tpu.vector_load %arg10[%parallel_loop3A_1562, %parallel_loop3A_1563] {strides = array<i32>} : memref<80x128xf32, #tpu.memory_space<vmem>>, vector<16xf32>,
        %parallel_loop3A_1565 = arith.mulf %parallel_loop3A_1559, %parallel_loop3A_1564 : vector<16xf32>
        %parallel_loop3A_1566 = arith.addf %parallel_loop3A_1554, %parallel_loop3A_1565 : vector<16xf32>
        %parallel_loop3A_1567 = arith.constant 14 : i32
        %parallel_loop3A_1568 = arith.addi %parallel_loop3A_90, %parallel_loop3A_1567 : i32
        %parallel_loop3A_1569 = arith.index_cast %parallel_loop3A_1568 : i32 to index
        %parallel_loop3A_1570 = arith.constant 96 : index
        %parallel_loop3A_1571 = tpu.vector_load %arg9[%parallel_loop3A_1569, %parallel_loop3A_1570] {strides = array<i32>} : memref<80x128xf32, #tpu.memory_space<vmem>>, vector<16xf32>,
        %parallel_loop3A_1572 = arith.constant 14 : i32
        %parallel_loop3A_1573 = arith.addi %parallel_loop3A_90, %parallel_loop3A_1572 : i32
        %parallel_loop3A_1574 = arith.index_cast %parallel_loop3A_1573 : i32 to index
        %parallel_loop3A_1575 = arith.constant 96 : index
        %parallel_loop3A_1576 = tpu.vector_load %arg10[%parallel_loop3A_1574, %parallel_loop3A_1575] {strides = array<i32>} : memref<80x128xf32, #tpu.memory_space<vmem>>, vector<16xf32>,
        %parallel_loop3A_1577 = arith.mulf %parallel_loop3A_1571, %parallel_loop3A_1576 : vector<16xf32>
        %parallel_loop3A_1578 = arith.addf %parallel_loop3A_1566, %parallel_loop3A_1577 : vector<16xf32>
        %parallel_loop3A_1579 = arith.constant 14 : i32
        %parallel_loop3A_1580 = arith.addi %parallel_loop3A_90, %parallel_loop3A_1579 : i32
        %parallel_loop3A_1581 = arith.index_cast %parallel_loop3A_1580 : i32 to index
        %parallel_loop3A_1582 = arith.constant 112 : index
        %parallel_loop3A_1583 = tpu.vector_load %arg9[%parallel_loop3A_1581, %parallel_loop3A_1582] {strides = array<i32>} : memref<80x128xf32, #tpu.memory_space<vmem>>, vector<16xf32>,
        %parallel_loop3A_1584 = arith.constant 14 : i32
        %parallel_loop3A_1585 = arith.addi %parallel_loop3A_90, %parallel_loop3A_1584 : i32
        %parallel_loop3A_1586 = arith.index_cast %parallel_loop3A_1585 : i32 to index
        %parallel_loop3A_1587 = arith.constant 112 : index
        %parallel_loop3A_1588 = tpu.vector_load %arg10[%parallel_loop3A_1586, %parallel_loop3A_1587] {strides = array<i32>} : memref<80x128xf32, #tpu.memory_space<vmem>>, vector<16xf32>,
        %parallel_loop3A_1589 = arith.mulf %parallel_loop3A_1583, %parallel_loop3A_1588 : vector<16xf32>
        %parallel_loop3A_1590 = arith.addf %parallel_loop3A_1578, %parallel_loop3A_1589 : vector<16xf32>
        %parallel_loop3A_1591 = arith.constant 14 : i32
        %parallel_loop3A_1592 = arith.addi %parallel_loop3A_90, %parallel_loop3A_1591 : i32
        %parallel_loop3A_1593 = arith.index_cast %parallel_loop3A_1592 : i32 to index
        %parallel_loop3A_1594 = arith.constant 0 : index
        %parallel_loop3A_1595 = tpu.vector_load %arg15[%parallel_loop3A_1593, %parallel_loop3A_1594] {strides = array<i32>} : memref<80x16xf32, #tpu.memory_space<vmem>>, vector<16xf32>,
        tpu.vector_store %arg15[%parallel_loop3A_1593, %parallel_loop3A_1594], %parallel_loop3A_1590 {strides = array<i32>} : memref<80x16xf32, #tpu.memory_space<vmem>>, vector<16xf32>,
        %parallel_loop3A_1596 = arith.constant 15 : i32
        %parallel_loop3A_1597 = arith.addi %parallel_loop3A_90, %parallel_loop3A_1596 : i32
        %parallel_loop3A_1598 = arith.index_cast %parallel_loop3A_1597 : i32 to index
        %parallel_loop3A_1599 = arith.constant 0 : index
        %parallel_loop3A_1600 = tpu.vector_load %arg9[%parallel_loop3A_1598, %parallel_loop3A_1599] {strides = array<i32>} : memref<80x128xf32, #tpu.memory_space<vmem>>, vector<16xf32>,
        %parallel_loop3A_1601 = arith.constant 15 : i32
        %parallel_loop3A_1602 = arith.addi %parallel_loop3A_90, %parallel_loop3A_1601 : i32
        %parallel_loop3A_1603 = arith.index_cast %parallel_loop3A_1602 : i32 to index
        %parallel_loop3A_1604 = arith.constant 0 : index
        %parallel_loop3A_1605 = tpu.vector_load %arg10[%parallel_loop3A_1603, %parallel_loop3A_1604] {strides = array<i32>} : memref<80x128xf32, #tpu.memory_space<vmem>>, vector<16xf32>,
        %parallel_loop3A_1606 = arith.mulf %parallel_loop3A_1600, %parallel_loop3A_1605 : vector<16xf32>
        %parallel_loop3A_1607 = arith.constant 15 : i32
        %parallel_loop3A_1608 = arith.addi %parallel_loop3A_90, %parallel_loop3A_1607 : i32
        %parallel_loop3A_1609 = arith.index_cast %parallel_loop3A_1608 : i32 to index
        %parallel_loop3A_1610 = arith.constant 16 : index
        %parallel_loop3A_1611 = tpu.vector_load %arg9[%parallel_loop3A_1609, %parallel_loop3A_1610] {strides = array<i32>} : memref<80x128xf32, #tpu.memory_space<vmem>>, vector<16xf32>,
        %parallel_loop3A_1612 = arith.constant 15 : i32
        %parallel_loop3A_1613 = arith.addi %parallel_loop3A_90, %parallel_loop3A_1612 : i32
        %parallel_loop3A_1614 = arith.index_cast %parallel_loop3A_1613 : i32 to index
        %parallel_loop3A_1615 = arith.constant 16 : index
        %parallel_loop3A_1616 = tpu.vector_load %arg10[%parallel_loop3A_1614, %parallel_loop3A_1615] {strides = array<i32>} : memref<80x128xf32, #tpu.memory_space<vmem>>, vector<16xf32>,
        %parallel_loop3A_1617 = arith.mulf %parallel_loop3A_1611, %parallel_loop3A_1616 : vector<16xf32>
        %parallel_loop3A_1618 = arith.addf %parallel_loop3A_1606, %parallel_loop3A_1617 : vector<16xf32>
        %parallel_loop3A_1619 = arith.constant 15 : i32
        %parallel_loop3A_1620 = arith.addi %parallel_loop3A_90, %parallel_loop3A_1619 : i32
        %parallel_loop3A_1621 = arith.index_cast %parallel_loop3A_1620 : i32 to index
        %parallel_loop3A_1622 = arith.constant 32 : index
        %parallel_loop3A_1623 = tpu.vector_load %arg9[%parallel_loop3A_1621, %parallel_loop3A_1622] {strides = array<i32>} : memref<80x128xf32, #tpu.memory_space<vmem>>, vector<16xf32>,
        %parallel_loop3A_1624 = arith.constant 15 : i32
        %parallel_loop3A_1625 = arith.addi %parallel_loop3A_90, %parallel_loop3A_1624 : i32
        %parallel_loop3A_1626 = arith.index_cast %parallel_loop3A_1625 : i32 to index
        %parallel_loop3A_1627 = arith.constant 32 : index
        %parallel_loop3A_1628 = tpu.vector_load %arg10[%parallel_loop3A_1626, %parallel_loop3A_1627] {strides = array<i32>} : memref<80x128xf32, #tpu.memory_space<vmem>>, vector<16xf32>,
        %parallel_loop3A_1629 = arith.mulf %parallel_loop3A_1623, %parallel_loop3A_1628 : vector<16xf32>
        %parallel_loop3A_1630 = arith.addf %parallel_loop3A_1618, %parallel_loop3A_1629 : vector<16xf32>
        %parallel_loop3A_1631 = arith.constant 15 : i32
        %parallel_loop3A_1632 = arith.addi %parallel_loop3A_90, %parallel_loop3A_1631 : i32
        %parallel_loop3A_1633 = arith.index_cast %parallel_loop3A_1632 : i32 to index
        %parallel_loop3A_1634 = arith.constant 48 : index
        %parallel_loop3A_1635 = tpu.vector_load %arg9[%parallel_loop3A_1633, %parallel_loop3A_1634] {strides = array<i32>} : memref<80x128xf32, #tpu.memory_space<vmem>>, vector<16xf32>,
        %parallel_loop3A_1636 = arith.constant 15 : i32
        %parallel_loop3A_1637 = arith.addi %parallel_loop3A_90, %parallel_loop3A_1636 : i32
        %parallel_loop3A_1638 = arith.index_cast %parallel_loop3A_1637 : i32 to index
        %parallel_loop3A_1639 = arith.constant 48 : index
        %parallel_loop3A_1640 = tpu.vector_load %arg10[%parallel_loop3A_1638, %parallel_loop3A_1639] {strides = array<i32>} : memref<80x128xf32, #tpu.memory_space<vmem>>, vector<16xf32>,
        %parallel_loop3A_1641 = arith.mulf %parallel_loop3A_1635, %parallel_loop3A_1640 : vector<16xf32>
        %parallel_loop3A_1642 = arith.addf %parallel_loop3A_1630, %parallel_loop3A_1641 : vector<16xf32>
        %parallel_loop3A_1643 = arith.constant 15 : i32
        %parallel_loop3A_1644 = arith.addi %parallel_loop3A_90, %parallel_loop3A_1643 : i32
        %parallel_loop3A_1645 = arith.index_cast %parallel_loop3A_1644 : i32 to index
        %parallel_loop3A_1646 = arith.constant 64 : index
        %parallel_loop3A_1647 = tpu.vector_load %arg9[%parallel_loop3A_1645, %parallel_loop3A_1646] {strides = array<i32>} : memref<80x128xf32, #tpu.memory_space<vmem>>, vector<16xf32>,
        %parallel_loop3A_1648 = arith.constant 15 : i32
        %parallel_loop3A_1649 = arith.addi %parallel_loop3A_90, %parallel_loop3A_1648 : i32
        %parallel_loop3A_1650 = arith.index_cast %parallel_loop3A_1649 : i32 to index
        %parallel_loop3A_1651 = arith.constant 64 : index
        %parallel_loop3A_1652 = tpu.vector_load %arg10[%parallel_loop3A_1650, %parallel_loop3A_1651] {strides = array<i32>} : memref<80x128xf32, #tpu.memory_space<vmem>>, vector<16xf32>,
        %parallel_loop3A_1653 = arith.mulf %parallel_loop3A_1647, %parallel_loop3A_1652 : vector<16xf32>
        %parallel_loop3A_1654 = arith.addf %parallel_loop3A_1642, %parallel_loop3A_1653 : vector<16xf32>
        %parallel_loop3A_1655 = arith.constant 15 : i32
        %parallel_loop3A_1656 = arith.addi %parallel_loop3A_90, %parallel_loop3A_1655 : i32
        %parallel_loop3A_1657 = arith.index_cast %parallel_loop3A_1656 : i32 to index
        %parallel_loop3A_1658 = arith.constant 80 : index
        %parallel_loop3A_1659 = tpu.vector_load %arg9[%parallel_loop3A_1657, %parallel_loop3A_1658] {strides = array<i32>} : memref<80x128xf32, #tpu.memory_space<vmem>>, vector<16xf32>,
        %parallel_loop3A_1660 = arith.constant 15 : i32
        %parallel_loop3A_1661 = arith.addi %parallel_loop3A_90, %parallel_loop3A_1660 : i32
        %parallel_loop3A_1662 = arith.index_cast %parallel_loop3A_1661 : i32 to index
        %parallel_loop3A_1663 = arith.constant 80 : index
        %parallel_loop3A_1664 = tpu.vector_load %arg10[%parallel_loop3A_1662, %parallel_loop3A_1663] {strides = array<i32>} : memref<80x128xf32, #tpu.memory_space<vmem>>, vector<16xf32>,
        %parallel_loop3A_1665 = arith.mulf %parallel_loop3A_1659, %parallel_loop3A_1664 : vector<16xf32>
        %parallel_loop3A_1666 = arith.addf %parallel_loop3A_1654, %parallel_loop3A_1665 : vector<16xf32>
        %parallel_loop3A_1667 = arith.constant 15 : i32
        %parallel_loop3A_1668 = arith.addi %parallel_loop3A_90, %parallel_loop3A_1667 : i32
        %parallel_loop3A_1669 = arith.index_cast %parallel_loop3A_1668 : i32 to index
        %parallel_loop3A_1670 = arith.constant 96 : index
        %parallel_loop3A_1671 = tpu.vector_load %arg9[%parallel_loop3A_1669, %parallel_loop3A_1670] {strides = array<i32>} : memref<80x128xf32, #tpu.memory_space<vmem>>, vector<16xf32>,
        %parallel_loop3A_1672 = arith.constant 15 : i32
        %parallel_loop3A_1673 = arith.addi %parallel_loop3A_90, %parallel_loop3A_1672 : i32
        %parallel_loop3A_1674 = arith.index_cast %parallel_loop3A_1673 : i32 to index
        %parallel_loop3A_1675 = arith.constant 96 : index
        %parallel_loop3A_1676 = tpu.vector_load %arg10[%parallel_loop3A_1674, %parallel_loop3A_1675] {strides = array<i32>} : memref<80x128xf32, #tpu.memory_space<vmem>>, vector<16xf32>,
        %parallel_loop3A_1677 = arith.mulf %parallel_loop3A_1671, %parallel_loop3A_1676 : vector<16xf32>
        %parallel_loop3A_1678 = arith.addf %parallel_loop3A_1666, %parallel_loop3A_1677 : vector<16xf32>
        %parallel_loop3A_1679 = arith.constant 15 : i32
        %parallel_loop3A_1680 = arith.addi %parallel_loop3A_90, %parallel_loop3A_1679 : i32
        %parallel_loop3A_1681 = arith.index_cast %parallel_loop3A_1680 : i32 to index
        %parallel_loop3A_1682 = arith.constant 112 : index
        %parallel_loop3A_1683 = tpu.vector_load %arg9[%parallel_loop3A_1681, %parallel_loop3A_1682] {strides = array<i32>} : memref<80x128xf32, #tpu.memory_space<vmem>>, vector<16xf32>,
        %parallel_loop3A_1684 = arith.constant 15 : i32
        %parallel_loop3A_1685 = arith.addi %parallel_loop3A_90, %parallel_loop3A_1684 : i32
        %parallel_loop3A_1686 = arith.index_cast %parallel_loop3A_1685 : i32 to index
        %parallel_loop3A_1687 = arith.constant 112 : index
        %parallel_loop3A_1688 = tpu.vector_load %arg10[%parallel_loop3A_1686, %parallel_loop3A_1687] {strides = array<i32>} : memref<80x128xf32, #tpu.memory_space<vmem>>, vector<16xf32>,
        %parallel_loop3A_1689 = arith.mulf %parallel_loop3A_1683, %parallel_loop3A_1688 : vector<16xf32>
        %parallel_loop3A_1690 = arith.addf %parallel_loop3A_1678, %parallel_loop3A_1689 : vector<16xf32>
        %parallel_loop3A_1691 = arith.constant 15 : i32
        %parallel_loop3A_1692 = arith.addi %parallel_loop3A_90, %parallel_loop3A_1691 : i32
        %parallel_loop3A_1693 = arith.index_cast %parallel_loop3A_1692 : i32 to index
        %parallel_loop3A_1694 = arith.constant 0 : index
        %parallel_loop3A_1695 = tpu.vector_load %arg15[%parallel_loop3A_1693, %parallel_loop3A_1694] {strides = array<i32>} : memref<80x16xf32, #tpu.memory_space<vmem>>, vector<16xf32>,
        tpu.vector_store %arg15[%parallel_loop3A_1693, %parallel_loop3A_1694], %parallel_loop3A_1690 {strides = array<i32>} : memref<80x16xf32, #tpu.memory_space<vmem>>, vector<16xf32>,
        %parallel_loop3A_1696 = vector.broadcast %parallel_loop3A_90 : i32 to vector<16xi32>
        %parallel_loop3A_1697 = arith.addi %iota3A, %parallel_loop3A_1696 : vector<16xi32>
        %parallel_loop3A_1698 = arith.constant 0 : i32
        %parallel_loop3A_1699 = vector.broadcast %parallel_loop3A_1698 : i32 to vector<16xi32>
        %parallel_loop3A_1700 = tpu.vector_load_idx %arg15[%parallel_loop3A_1697, %parallel_loop3A_1699] : memref<80x16xf32, #tpu.memory_space<vmem>>[vector<16xi32>, vector<16xi32>], vector<16xf32>,
        %parallel_loop3A_1701 = vector.broadcast %parallel_loop3A_90 : i32 to vector<16xi32>
        %parallel_loop3A_1702 = arith.addi %iota3A, %parallel_loop3A_1701 : vector<16xi32>
        %parallel_loop3A_1703 = arith.constant 1 : i32
        %parallel_loop3A_1704 = vector.broadcast %parallel_loop3A_1703 : i32 to vector<16xi32>
        %parallel_loop3A_1705 = tpu.vector_load_idx %arg15[%parallel_loop3A_1702, %parallel_loop3A_1704] : memref<80x16xf32, #tpu.memory_space<vmem>>[vector<16xi32>, vector<16xi32>], vector<16xf32>,
        %parallel_loop3A_1706 = arith.addf %parallel_loop3A_1700, %parallel_loop3A_1705 : vector<16xf32>
        %parallel_loop3A_1707 = vector.broadcast %parallel_loop3A_90 : i32 to vector<16xi32>
        %parallel_loop3A_1708 = arith.addi %iota3A, %parallel_loop3A_1707 : vector<16xi32>
        %parallel_loop3A_1709 = arith.constant 2 : i32
        %parallel_loop3A_1710 = vector.broadcast %parallel_loop3A_1709 : i32 to vector<16xi32>
        %parallel_loop3A_1711 = tpu.vector_load_idx %arg15[%parallel_loop3A_1708, %parallel_loop3A_1710] : memref<80x16xf32, #tpu.memory_space<vmem>>[vector<16xi32>, vector<16xi32>], vector<16xf32>,
        %parallel_loop3A_1712 = arith.addf %parallel_loop3A_1706, %parallel_loop3A_1711 : vector<16xf32>
        %parallel_loop3A_1713 = vector.broadcast %parallel_loop3A_90 : i32 to vector<16xi32>
        %parallel_loop3A_1714 = arith.addi %iota3A, %parallel_loop3A_1713 : vector<16xi32>
        %parallel_loop3A_1715 = arith.constant 3 : i32
        %parallel_loop3A_1716 = vector.broadcast %parallel_loop3A_1715 : i32 to vector<16xi32>
        %parallel_loop3A_1717 = tpu.vector_load_idx %arg15[%parallel_loop3A_1714, %parallel_loop3A_1716] : memref<80x16xf32, #tpu.memory_space<vmem>>[vector<16xi32>, vector<16xi32>], vector<16xf32>,
        %parallel_loop3A_1718 = arith.addf %parallel_loop3A_1712, %parallel_loop3A_1717 : vector<16xf32>
        %parallel_loop3A_1719 = vector.broadcast %parallel_loop3A_90 : i32 to vector<16xi32>
        %parallel_loop3A_1720 = arith.addi %iota3A, %parallel_loop3A_1719 : vector<16xi32>
        %parallel_loop3A_1721 = arith.constant 4 : i32
        %parallel_loop3A_1722 = vector.broadcast %parallel_loop3A_1721 : i32 to vector<16xi32>
        %parallel_loop3A_1723 = tpu.vector_load_idx %arg15[%parallel_loop3A_1720, %parallel_loop3A_1722] : memref<80x16xf32, #tpu.memory_space<vmem>>[vector<16xi32>, vector<16xi32>], vector<16xf32>,
        %parallel_loop3A_1724 = arith.addf %parallel_loop3A_1718, %parallel_loop3A_1723 : vector<16xf32>
        %parallel_loop3A_1725 = vector.broadcast %parallel_loop3A_90 : i32 to vector<16xi32>
        %parallel_loop3A_1726 = arith.addi %iota3A, %parallel_loop3A_1725 : vector<16xi32>
        %parallel_loop3A_1727 = arith.constant 5 : i32
        %parallel_loop3A_1728 = vector.broadcast %parallel_loop3A_1727 : i32 to vector<16xi32>
        %parallel_loop3A_1729 = tpu.vector_load_idx %arg15[%parallel_loop3A_1726, %parallel_loop3A_1728] : memref<80x16xf32, #tpu.memory_space<vmem>>[vector<16xi32>, vector<16xi32>], vector<16xf32>,
        %parallel_loop3A_1730 = arith.addf %parallel_loop3A_1724, %parallel_loop3A_1729 : vector<16xf32>
        %parallel_loop3A_1731 = vector.broadcast %parallel_loop3A_90 : i32 to vector<16xi32>
        %parallel_loop3A_1732 = arith.addi %iota3A, %parallel_loop3A_1731 : vector<16xi32>
        %parallel_loop3A_1733 = arith.constant 6 : i32
        %parallel_loop3A_1734 = vector.broadcast %parallel_loop3A_1733 : i32 to vector<16xi32>
        %parallel_loop3A_1735 = tpu.vector_load_idx %arg15[%parallel_loop3A_1732, %parallel_loop3A_1734] : memref<80x16xf32, #tpu.memory_space<vmem>>[vector<16xi32>, vector<16xi32>], vector<16xf32>,
        %parallel_loop3A_1736 = arith.addf %parallel_loop3A_1730, %parallel_loop3A_1735 : vector<16xf32>
        %parallel_loop3A_1737 = vector.broadcast %parallel_loop3A_90 : i32 to vector<16xi32>
        %parallel_loop3A_1738 = arith.addi %iota3A, %parallel_loop3A_1737 : vector<16xi32>
        %parallel_loop3A_1739 = arith.constant 7 : i32
        %parallel_loop3A_1740 = vector.broadcast %parallel_loop3A_1739 : i32 to vector<16xi32>
        %parallel_loop3A_1741 = tpu.vector_load_idx %arg15[%parallel_loop3A_1738, %parallel_loop3A_1740] : memref<80x16xf32, #tpu.memory_space<vmem>>[vector<16xi32>, vector<16xi32>], vector<16xf32>,
        %parallel_loop3A_1742 = arith.addf %parallel_loop3A_1736, %parallel_loop3A_1741 : vector<16xf32>
        %parallel_loop3A_1743 = vector.broadcast %parallel_loop3A_90 : i32 to vector<16xi32>
        %parallel_loop3A_1744 = arith.addi %iota3A, %parallel_loop3A_1743 : vector<16xi32>
        %parallel_loop3A_1745 = arith.constant 8 : i32
        %parallel_loop3A_1746 = vector.broadcast %parallel_loop3A_1745 : i32 to vector<16xi32>
        %parallel_loop3A_1747 = tpu.vector_load_idx %arg15[%parallel_loop3A_1744, %parallel_loop3A_1746] : memref<80x16xf32, #tpu.memory_space<vmem>>[vector<16xi32>, vector<16xi32>], vector<16xf32>,
        %parallel_loop3A_1748 = arith.addf %parallel_loop3A_1742, %parallel_loop3A_1747 : vector<16xf32>
        %parallel_loop3A_1749 = vector.broadcast %parallel_loop3A_90 : i32 to vector<16xi32>
        %parallel_loop3A_1750 = arith.addi %iota3A, %parallel_loop3A_1749 : vector<16xi32>
        %parallel_loop3A_1751 = arith.constant 9 : i32
        %parallel_loop3A_1752 = vector.broadcast %parallel_loop3A_1751 : i32 to vector<16xi32>
        %parallel_loop3A_1753 = tpu.vector_load_idx %arg15[%parallel_loop3A_1750, %parallel_loop3A_1752] : memref<80x16xf32, #tpu.memory_space<vmem>>[vector<16xi32>, vector<16xi32>], vector<16xf32>,
        %parallel_loop3A_1754 = arith.addf %parallel_loop3A_1748, %parallel_loop3A_1753 : vector<16xf32>
        %parallel_loop3A_1755 = vector.broadcast %parallel_loop3A_90 : i32 to vector<16xi32>
        %parallel_loop3A_1756 = arith.addi %iota3A, %parallel_loop3A_1755 : vector<16xi32>
        %parallel_loop3A_1757 = arith.constant 10 : i32
        %parallel_loop3A_1758 = vector.broadcast %parallel_loop3A_1757 : i32 to vector<16xi32>
        %parallel_loop3A_1759 = tpu.vector_load_idx %arg15[%parallel_loop3A_1756, %parallel_loop3A_1758] : memref<80x16xf32, #tpu.memory_space<vmem>>[vector<16xi32>, vector<16xi32>], vector<16xf32>,
        %parallel_loop3A_1760 = arith.addf %parallel_loop3A_1754, %parallel_loop3A_1759 : vector<16xf32>
        %parallel_loop3A_1761 = vector.broadcast %parallel_loop3A_90 : i32 to vector<16xi32>
        %parallel_loop3A_1762 = arith.addi %iota3A, %parallel_loop3A_1761 : vector<16xi32>
        %parallel_loop3A_1763 = arith.constant 11 : i32
        %parallel_loop3A_1764 = vector.broadcast %parallel_loop3A_1763 : i32 to vector<16xi32>
        %parallel_loop3A_1765 = tpu.vector_load_idx %arg15[%parallel_loop3A_1762, %parallel_loop3A_1764] : memref<80x16xf32, #tpu.memory_space<vmem>>[vector<16xi32>, vector<16xi32>], vector<16xf32>,
        %parallel_loop3A_1766 = arith.addf %parallel_loop3A_1760, %parallel_loop3A_1765 : vector<16xf32>
        %parallel_loop3A_1767 = vector.broadcast %parallel_loop3A_90 : i32 to vector<16xi32>
        %parallel_loop3A_1768 = arith.addi %iota3A, %parallel_loop3A_1767 : vector<16xi32>
        %parallel_loop3A_1769 = arith.constant 12 : i32
        %parallel_loop3A_1770 = vector.broadcast %parallel_loop3A_1769 : i32 to vector<16xi32>
        %parallel_loop3A_1771 = tpu.vector_load_idx %arg15[%parallel_loop3A_1768, %parallel_loop3A_1770] : memref<80x16xf32, #tpu.memory_space<vmem>>[vector<16xi32>, vector<16xi32>], vector<16xf32>,
        %parallel_loop3A_1772 = arith.addf %parallel_loop3A_1766, %parallel_loop3A_1771 : vector<16xf32>
        %parallel_loop3A_1773 = vector.broadcast %parallel_loop3A_90 : i32 to vector<16xi32>
        %parallel_loop3A_1774 = arith.addi %iota3A, %parallel_loop3A_1773 : vector<16xi32>
        %parallel_loop3A_1775 = arith.constant 13 : i32
        %parallel_loop3A_1776 = vector.broadcast %parallel_loop3A_1775 : i32 to vector<16xi32>
        %parallel_loop3A_1777 = tpu.vector_load_idx %arg15[%parallel_loop3A_1774, %parallel_loop3A_1776] : memref<80x16xf32, #tpu.memory_space<vmem>>[vector<16xi32>, vector<16xi32>], vector<16xf32>,
        %parallel_loop3A_1778 = arith.addf %parallel_loop3A_1772, %parallel_loop3A_1777 : vector<16xf32>
        %parallel_loop3A_1779 = vector.broadcast %parallel_loop3A_90 : i32 to vector<16xi32>
        %parallel_loop3A_1780 = arith.addi %iota3A, %parallel_loop3A_1779 : vector<16xi32>
        %parallel_loop3A_1781 = arith.constant 14 : i32
        %parallel_loop3A_1782 = vector.broadcast %parallel_loop3A_1781 : i32 to vector<16xi32>
        %parallel_loop3A_1783 = tpu.vector_load_idx %arg15[%parallel_loop3A_1780, %parallel_loop3A_1782] : memref<80x16xf32, #tpu.memory_space<vmem>>[vector<16xi32>, vector<16xi32>], vector<16xf32>,
        %parallel_loop3A_1784 = arith.addf %parallel_loop3A_1778, %parallel_loop3A_1783 : vector<16xf32>
        %parallel_loop3A_1785 = vector.broadcast %parallel_loop3A_90 : i32 to vector<16xi32>
        %parallel_loop3A_1786 = arith.addi %iota3A, %parallel_loop3A_1785 : vector<16xi32>
        %parallel_loop3A_1787 = arith.constant 15 : i32
        %parallel_loop3A_1788 = vector.broadcast %parallel_loop3A_1787 : i32 to vector<16xi32>
        %parallel_loop3A_1789 = tpu.vector_load_idx %arg15[%parallel_loop3A_1786, %parallel_loop3A_1788] : memref<80x16xf32, #tpu.memory_space<vmem>>[vector<16xi32>, vector<16xi32>], vector<16xf32>,
        %parallel_loop3A_1790 = arith.addf %parallel_loop3A_1784, %parallel_loop3A_1789 : vector<16xf32>
        %parallel_loop3A_1791 = arith.mulf %parallel_loop3A_1790, %get3A_24 : vector<16xf32>
        %parallel_loop3A_1792 = math.exp %parallel_loop3A_1791 : vector<16xf32>
        %parallel_loop3A_1793 = arith.mulf %parallel_loop3A_1792, %parallel_loop3A_95 : vector<16xf32>
        %parallel_loop3A_1794 = vector.broadcast %parallel_loop3A_90 : i32 to vector<16xi32>
        %parallel_loop3A_1795 = arith.addi %iota3A, %parallel_loop3A_1794 : vector<16xi32>
        %parallel_loop3A_1796 = arith.constant 0 : i32
        %parallel_loop3A_1797 = vector.broadcast %parallel_loop3A_1796 : i32 to vector<16xi32>
        tpu.vector_store_idx %arg11[%parallel_loop3A_1795, %parallel_loop3A_1797], %parallel_loop3A_1792 : memref<80x16xf32, #tpu.memory_space<vmem>>[vector<16xi32>, vector<16xi32>], vector<16xf32>,
        %parallel_loop3A_1798 = arith.index_cast %parallel_loop3A_90 : i32 to index
        %parallel_loop3A_1799 = tpu.vector_load %arg17[%parallel_loop3A_1798] {strides = array<i32>} : memref<80xf32, #tpu.memory_space<vmem>>, vector<16xf32>,
        tpu.vector_store %arg17[%parallel_loop3A_1798], %parallel_loop3A_1793 {strides = array<i32>} : memref<80xf32, #tpu.memory_space<vmem>>, vector<16xf32>,
        %parallel_loop3A_1800 = arith.constant 0 : i32
        %parallel_loop3A_1801 = vector.broadcast %parallel_loop3A_1800 : i32 to vector<16xi32>
        %parallel_loop3A_1802 = vector.broadcast %parallel_loop3A_90 : i32 to vector<16xi32>
        %parallel_loop3A_1803 = arith.addi %parallel_loop3A_1801, %parallel_loop3A_1802 : vector<16xi32>
        %parallel_loop3A_1804 = tpu.vector_load_idx %arg17[%parallel_loop3A_1803] : memref<80xf32, #tpu.memory_space<vmem>>[vector<16xi32>], vector<16xf32>,
        %parallel_loop3A_1805 = arith.constant 0 : i32
        %parallel_loop3A_1806 = arith.addi %parallel_loop3A_90, %parallel_loop3A_1805 : i32
        %parallel_loop3A_1807 = arith.index_cast %parallel_loop3A_1806 : i32 to index
        %parallel_loop3A_1808 = arith.constant 0 : index
        %parallel_loop3A_1809 = tpu.vector_load %arg9[%parallel_loop3A_1807, %parallel_loop3A_1808] {strides = array<i32>} : memref<80x128xf32, #tpu.memory_space<vmem>>, vector<16xf32>,
        %parallel_loop3A_1810 = arith.mulf %parallel_loop3A_1809, %parallel_loop3A_1804 : vector<16xf32>
        %parallel_loop3A_1811 = arith.constant 0 : i32
        %parallel_loop3A_1812 = arith.addi %parallel_loop3A_90, %parallel_loop3A_1811 : i32
        %parallel_loop3A_1813 = arith.index_cast %parallel_loop3A_1812 : i32 to index
        %parallel_loop3A_1814 = arith.constant 0 : index
        %parallel_loop3A_1815 = tpu.vector_load %arg10[%parallel_loop3A_1813, %parallel_loop3A_1814] {strides = array<i32>} : memref<80x128xf32, #tpu.memory_space<vmem>>, vector<16xf32>,
        tpu.vector_store %arg10[%parallel_loop3A_1813, %parallel_loop3A_1814], %parallel_loop3A_1810 {strides = array<i32>} : memref<80x128xf32, #tpu.memory_space<vmem>>, vector<16xf32>,
        %parallel_loop3A_1816 = arith.constant 0 : i32
        %parallel_loop3A_1817 = arith.addi %parallel_loop3A_90, %parallel_loop3A_1816 : i32
        %parallel_loop3A_1818 = arith.index_cast %parallel_loop3A_1817 : i32 to index
        %parallel_loop3A_1819 = arith.constant 16 : index
        %parallel_loop3A_1820 = tpu.vector_load %arg9[%parallel_loop3A_1818, %parallel_loop3A_1819] {strides = array<i32>} : memref<80x128xf32, #tpu.memory_space<vmem>>, vector<16xf32>,
        %parallel_loop3A_1821 = arith.mulf %parallel_loop3A_1820, %parallel_loop3A_1804 : vector<16xf32>
        %parallel_loop3A_1822 = arith.constant 0 : i32
        %parallel_loop3A_1823 = arith.addi %parallel_loop3A_90, %parallel_loop3A_1822 : i32
        %parallel_loop3A_1824 = arith.index_cast %parallel_loop3A_1823 : i32 to index
        %parallel_loop3A_1825 = arith.constant 16 : index
        %parallel_loop3A_1826 = tpu.vector_load %arg10[%parallel_loop3A_1824, %parallel_loop3A_1825] {strides = array<i32>} : memref<80x128xf32, #tpu.memory_space<vmem>>, vector<16xf32>,
        tpu.vector_store %arg10[%parallel_loop3A_1824, %parallel_loop3A_1825], %parallel_loop3A_1821 {strides = array<i32>} : memref<80x128xf32, #tpu.memory_space<vmem>>, vector<16xf32>,
        %parallel_loop3A_1827 = arith.constant 0 : i32
        %parallel_loop3A_1828 = arith.addi %parallel_loop3A_90, %parallel_loop3A_1827 : i32
        %parallel_loop3A_1829 = arith.index_cast %parallel_loop3A_1828 : i32 to index
        %parallel_loop3A_1830 = arith.constant 32 : index
        %parallel_loop3A_1831 = tpu.vector_load %arg9[%parallel_loop3A_1829, %parallel_loop3A_1830] {strides = array<i32>} : memref<80x128xf32, #tpu.memory_space<vmem>>, vector<16xf32>,
        %parallel_loop3A_1832 = arith.mulf %parallel_loop3A_1831, %parallel_loop3A_1804 : vector<16xf32>
        %parallel_loop3A_1833 = arith.constant 0 : i32
        %parallel_loop3A_1834 = arith.addi %parallel_loop3A_90, %parallel_loop3A_1833 : i32
        %parallel_loop3A_1835 = arith.index_cast %parallel_loop3A_1834 : i32 to index
        %parallel_loop3A_1836 = arith.constant 32 : index
        %parallel_loop3A_1837 = tpu.vector_load %arg10[%parallel_loop3A_1835, %parallel_loop3A_1836] {strides = array<i32>} : memref<80x128xf32, #tpu.memory_space<vmem>>, vector<16xf32>,
        tpu.vector_store %arg10[%parallel_loop3A_1835, %parallel_loop3A_1836], %parallel_loop3A_1832 {strides = array<i32>} : memref<80x128xf32, #tpu.memory_space<vmem>>, vector<16xf32>,
        %parallel_loop3A_1838 = arith.constant 0 : i32
        %parallel_loop3A_1839 = arith.addi %parallel_loop3A_90, %parallel_loop3A_1838 : i32
        %parallel_loop3A_1840 = arith.index_cast %parallel_loop3A_1839 : i32 to index
        %parallel_loop3A_1841 = arith.constant 48 : index
        %parallel_loop3A_1842 = tpu.vector_load %arg9[%parallel_loop3A_1840, %parallel_loop3A_1841] {strides = array<i32>} : memref<80x128xf32, #tpu.memory_space<vmem>>, vector<16xf32>,
        %parallel_loop3A_1843 = arith.mulf %parallel_loop3A_1842, %parallel_loop3A_1804 : vector<16xf32>
        %parallel_loop3A_1844 = arith.constant 0 : i32
        %parallel_loop3A_1845 = arith.addi %parallel_loop3A_90, %parallel_loop3A_1844 : i32
        %parallel_loop3A_1846 = arith.index_cast %parallel_loop3A_1845 : i32 to index
        %parallel_loop3A_1847 = arith.constant 48 : index
        %parallel_loop3A_1848 = tpu.vector_load %arg10[%parallel_loop3A_1846, %parallel_loop3A_1847] {strides = array<i32>} : memref<80x128xf32, #tpu.memory_space<vmem>>, vector<16xf32>,
        tpu.vector_store %arg10[%parallel_loop3A_1846, %parallel_loop3A_1847], %parallel_loop3A_1843 {strides = array<i32>} : memref<80x128xf32, #tpu.memory_space<vmem>>, vector<16xf32>,
        %parallel_loop3A_1849 = arith.constant 0 : i32
        %parallel_loop3A_1850 = arith.addi %parallel_loop3A_90, %parallel_loop3A_1849 : i32
        %parallel_loop3A_1851 = arith.index_cast %parallel_loop3A_1850 : i32 to index
        %parallel_loop3A_1852 = arith.constant 64 : index
        %parallel_loop3A_1853 = tpu.vector_load %arg9[%parallel_loop3A_1851, %parallel_loop3A_1852] {strides = array<i32>} : memref<80x128xf32, #tpu.memory_space<vmem>>, vector<16xf32>,
        %parallel_loop3A_1854 = arith.mulf %parallel_loop3A_1853, %parallel_loop3A_1804 : vector<16xf32>
        %parallel_loop3A_1855 = arith.constant 0 : i32
        %parallel_loop3A_1856 = arith.addi %parallel_loop3A_90, %parallel_loop3A_1855 : i32
        %parallel_loop3A_1857 = arith.index_cast %parallel_loop3A_1856 : i32 to index
        %parallel_loop3A_1858 = arith.constant 64 : index
        %parallel_loop3A_1859 = tpu.vector_load %arg10[%parallel_loop3A_1857, %parallel_loop3A_1858] {strides = array<i32>} : memref<80x128xf32, #tpu.memory_space<vmem>>, vector<16xf32>,
        tpu.vector_store %arg10[%parallel_loop3A_1857, %parallel_loop3A_1858], %parallel_loop3A_1854 {strides = array<i32>} : memref<80x128xf32, #tpu.memory_space<vmem>>, vector<16xf32>,
        %parallel_loop3A_1860 = arith.constant 0 : i32
        %parallel_loop3A_1861 = arith.addi %parallel_loop3A_90, %parallel_loop3A_1860 : i32
        %parallel_loop3A_1862 = arith.index_cast %parallel_loop3A_1861 : i32 to index
        %parallel_loop3A_1863 = arith.constant 80 : index
        %parallel_loop3A_1864 = tpu.vector_load %arg9[%parallel_loop3A_1862, %parallel_loop3A_1863] {strides = array<i32>} : memref<80x128xf32, #tpu.memory_space<vmem>>, vector<16xf32>,
        %parallel_loop3A_1865 = arith.mulf %parallel_loop3A_1864, %parallel_loop3A_1804 : vector<16xf32>
        %parallel_loop3A_1866 = arith.constant 0 : i32
        %parallel_loop3A_1867 = arith.addi %parallel_loop3A_90, %parallel_loop3A_1866 : i32
        %parallel_loop3A_1868 = arith.index_cast %parallel_loop3A_1867 : i32 to index
        %parallel_loop3A_1869 = arith.constant 80 : index
        %parallel_loop3A_1870 = tpu.vector_load %arg10[%parallel_loop3A_1868, %parallel_loop3A_1869] {strides = array<i32>} : memref<80x128xf32, #tpu.memory_space<vmem>>, vector<16xf32>,
        tpu.vector_store %arg10[%parallel_loop3A_1868, %parallel_loop3A_1869], %parallel_loop3A_1865 {strides = array<i32>} : memref<80x128xf32, #tpu.memory_space<vmem>>, vector<16xf32>,
        %parallel_loop3A_1871 = arith.constant 0 : i32
        %parallel_loop3A_1872 = arith.addi %parallel_loop3A_90, %parallel_loop3A_1871 : i32
        %parallel_loop3A_1873 = arith.index_cast %parallel_loop3A_1872 : i32 to index
        %parallel_loop3A_1874 = arith.constant 96 : index
        %parallel_loop3A_1875 = tpu.vector_load %arg9[%parallel_loop3A_1873, %parallel_loop3A_1874] {strides = array<i32>} : memref<80x128xf32, #tpu.memory_space<vmem>>, vector<16xf32>,
        %parallel_loop3A_1876 = arith.mulf %parallel_loop3A_1875, %parallel_loop3A_1804 : vector<16xf32>
        %parallel_loop3A_1877 = arith.constant 0 : i32
        %parallel_loop3A_1878 = arith.addi %parallel_loop3A_90, %parallel_loop3A_1877 : i32
        %parallel_loop3A_1879 = arith.index_cast %parallel_loop3A_1878 : i32 to index
        %parallel_loop3A_1880 = arith.constant 96 : index
        %parallel_loop3A_1881 = tpu.vector_load %arg10[%parallel_loop3A_1879, %parallel_loop3A_1880] {strides = array<i32>} : memref<80x128xf32, #tpu.memory_space<vmem>>, vector<16xf32>,
        tpu.vector_store %arg10[%parallel_loop3A_1879, %parallel_loop3A_1880], %parallel_loop3A_1876 {strides = array<i32>} : memref<80x128xf32, #tpu.memory_space<vmem>>, vector<16xf32>,
        %parallel_loop3A_1882 = arith.constant 0 : i32
        %parallel_loop3A_1883 = arith.addi %parallel_loop3A_90, %parallel_loop3A_1882 : i32
        %parallel_loop3A_1884 = arith.index_cast %parallel_loop3A_1883 : i32 to index
        %parallel_loop3A_1885 = arith.constant 112 : index
        %parallel_loop3A_1886 = tpu.vector_load %arg9[%parallel_loop3A_1884, %parallel_loop3A_1885] {strides = array<i32>} : memref<80x128xf32, #tpu.memory_space<vmem>>, vector<16xf32>,
        %parallel_loop3A_1887 = arith.mulf %parallel_loop3A_1886, %parallel_loop3A_1804 : vector<16xf32>
        %parallel_loop3A_1888 = arith.constant 0 : i32
        %parallel_loop3A_1889 = arith.addi %parallel_loop3A_90, %parallel_loop3A_1888 : i32
        %parallel_loop3A_1890 = arith.index_cast %parallel_loop3A_1889 : i32 to index
        %parallel_loop3A_1891 = arith.constant 112 : index
        %parallel_loop3A_1892 = tpu.vector_load %arg10[%parallel_loop3A_1890, %parallel_loop3A_1891] {strides = array<i32>} : memref<80x128xf32, #tpu.memory_space<vmem>>, vector<16xf32>,
        tpu.vector_store %arg10[%parallel_loop3A_1890, %parallel_loop3A_1891], %parallel_loop3A_1887 {strides = array<i32>} : memref<80x128xf32, #tpu.memory_space<vmem>>, vector<16xf32>,
        %parallel_loop3A_1893 = arith.constant 1 : i32
        %parallel_loop3A_1894 = vector.broadcast %parallel_loop3A_1893 : i32 to vector<16xi32>
        %parallel_loop3A_1895 = vector.broadcast %parallel_loop3A_90 : i32 to vector<16xi32>
        %parallel_loop3A_1896 = arith.addi %parallel_loop3A_1894, %parallel_loop3A_1895 : vector<16xi32>
        %parallel_loop3A_1897 = tpu.vector_load_idx %arg17[%parallel_loop3A_1896] : memref<80xf32, #tpu.memory_space<vmem>>[vector<16xi32>], vector<16xf32>,
        %parallel_loop3A_1898 = arith.constant 1 : i32
        %parallel_loop3A_1899 = arith.addi %parallel_loop3A_90, %parallel_loop3A_1898 : i32
        %parallel_loop3A_1900 = arith.index_cast %parallel_loop3A_1899 : i32 to index
        %parallel_loop3A_1901 = arith.constant 0 : index
        %parallel_loop3A_1902 = tpu.vector_load %arg9[%parallel_loop3A_1900, %parallel_loop3A_1901] {strides = array<i32>} : memref<80x128xf32, #tpu.memory_space<vmem>>, vector<16xf32>,
        %parallel_loop3A_1903 = arith.mulf %parallel_loop3A_1902, %parallel_loop3A_1897 : vector<16xf32>
        %parallel_loop3A_1904 = arith.constant 1 : i32
        %parallel_loop3A_1905 = arith.addi %parallel_loop3A_90, %parallel_loop3A_1904 : i32
        %parallel_loop3A_1906 = arith.index_cast %parallel_loop3A_1905 : i32 to index
        %parallel_loop3A_1907 = arith.constant 0 : index
        %parallel_loop3A_1908 = tpu.vector_load %arg10[%parallel_loop3A_1906, %parallel_loop3A_1907] {strides = array<i32>} : memref<80x128xf32, #tpu.memory_space<vmem>>, vector<16xf32>,
        tpu.vector_store %arg10[%parallel_loop3A_1906, %parallel_loop3A_1907], %parallel_loop3A_1903 {strides = array<i32>} : memref<80x128xf32, #tpu.memory_space<vmem>>, vector<16xf32>,
        %parallel_loop3A_1909 = arith.constant 1 : i32
        %parallel_loop3A_1910 = arith.addi %parallel_loop3A_90, %parallel_loop3A_1909 : i32
        %parallel_loop3A_1911 = arith.index_cast %parallel_loop3A_1910 : i32 to index
        %parallel_loop3A_1912 = arith.constant 16 : index
        %parallel_loop3A_1913 = tpu.vector_load %arg9[%parallel_loop3A_1911, %parallel_loop3A_1912] {strides = array<i32>} : memref<80x128xf32, #tpu.memory_space<vmem>>, vector<16xf32>,
        %parallel_loop3A_1914 = arith.mulf %parallel_loop3A_1913, %parallel_loop3A_1897 : vector<16xf32>
        %parallel_loop3A_1915 = arith.constant 1 : i32
        %parallel_loop3A_1916 = arith.addi %parallel_loop3A_90, %parallel_loop3A_1915 : i32
        %parallel_loop3A_1917 = arith.index_cast %parallel_loop3A_1916 : i32 to index
        %parallel_loop3A_1918 = arith.constant 16 : index
        %parallel_loop3A_1919 = tpu.vector_load %arg10[%parallel_loop3A_1917, %parallel_loop3A_1918] {strides = array<i32>} : memref<80x128xf32, #tpu.memory_space<vmem>>, vector<16xf32>,
        tpu.vector_store %arg10[%parallel_loop3A_1917, %parallel_loop3A_1918], %parallel_loop3A_1914 {strides = array<i32>} : memref<80x128xf32, #tpu.memory_space<vmem>>, vector<16xf32>,
        %parallel_loop3A_1920 = arith.constant 1 : i32
        %parallel_loop3A_1921 = arith.addi %parallel_loop3A_90, %parallel_loop3A_1920 : i32
        %parallel_loop3A_1922 = arith.index_cast %parallel_loop3A_1921 : i32 to index
        %parallel_loop3A_1923 = arith.constant 32 : index
        %parallel_loop3A_1924 = tpu.vector_load %arg9[%parallel_loop3A_1922, %parallel_loop3A_1923] {strides = array<i32>} : memref<80x128xf32, #tpu.memory_space<vmem>>, vector<16xf32>,
        %parallel_loop3A_1925 = arith.mulf %parallel_loop3A_1924, %parallel_loop3A_1897 : vector<16xf32>
        %parallel_loop3A_1926 = arith.constant 1 : i32
        %parallel_loop3A_1927 = arith.addi %parallel_loop3A_90, %parallel_loop3A_1926 : i32
        %parallel_loop3A_1928 = arith.index_cast %parallel_loop3A_1927 : i32 to index
        %parallel_loop3A_1929 = arith.constant 32 : index
        %parallel_loop3A_1930 = tpu.vector_load %arg10[%parallel_loop3A_1928, %parallel_loop3A_1929] {strides = array<i32>} : memref<80x128xf32, #tpu.memory_space<vmem>>, vector<16xf32>,
        tpu.vector_store %arg10[%parallel_loop3A_1928, %parallel_loop3A_1929], %parallel_loop3A_1925 {strides = array<i32>} : memref<80x128xf32, #tpu.memory_space<vmem>>, vector<16xf32>,
        %parallel_loop3A_1931 = arith.constant 1 : i32
        %parallel_loop3A_1932 = arith.addi %parallel_loop3A_90, %parallel_loop3A_1931 : i32
        %parallel_loop3A_1933 = arith.index_cast %parallel_loop3A_1932 : i32 to index
        %parallel_loop3A_1934 = arith.constant 48 : index
        %parallel_loop3A_1935 = tpu.vector_load %arg9[%parallel_loop3A_1933, %parallel_loop3A_1934] {strides = array<i32>} : memref<80x128xf32, #tpu.memory_space<vmem>>, vector<16xf32>,
        %parallel_loop3A_1936 = arith.mulf %parallel_loop3A_1935, %parallel_loop3A_1897 : vector<16xf32>
        %parallel_loop3A_1937 = arith.constant 1 : i32
        %parallel_loop3A_1938 = arith.addi %parallel_loop3A_90, %parallel_loop3A_1937 : i32
        %parallel_loop3A_1939 = arith.index_cast %parallel_loop3A_1938 : i32 to index
        %parallel_loop3A_1940 = arith.constant 48 : index
        %parallel_loop3A_1941 = tpu.vector_load %arg10[%parallel_loop3A_1939, %parallel_loop3A_1940] {strides = array<i32>} : memref<80x128xf32, #tpu.memory_space<vmem>>, vector<16xf32>,
        tpu.vector_store %arg10[%parallel_loop3A_1939, %parallel_loop3A_1940], %parallel_loop3A_1936 {strides = array<i32>} : memref<80x128xf32, #tpu.memory_space<vmem>>, vector<16xf32>,
        %parallel_loop3A_1942 = arith.constant 1 : i32
        %parallel_loop3A_1943 = arith.addi %parallel_loop3A_90, %parallel_loop3A_1942 : i32
        %parallel_loop3A_1944 = arith.index_cast %parallel_loop3A_1943 : i32 to index
        %parallel_loop3A_1945 = arith.constant 64 : index
        %parallel_loop3A_1946 = tpu.vector_load %arg9[%parallel_loop3A_1944, %parallel_loop3A_1945] {strides = array<i32>} : memref<80x128xf32, #tpu.memory_space<vmem>>, vector<16xf32>,
        %parallel_loop3A_1947 = arith.mulf %parallel_loop3A_1946, %parallel_loop3A_1897 : vector<16xf32>
        %parallel_loop3A_1948 = arith.constant 1 : i32
        %parallel_loop3A_1949 = arith.addi %parallel_loop3A_90, %parallel_loop3A_1948 : i32
        %parallel_loop3A_1950 = arith.index_cast %parallel_loop3A_1949 : i32 to index
        %parallel_loop3A_1951 = arith.constant 64 : index
        %parallel_loop3A_1952 = tpu.vector_load %arg10[%parallel_loop3A_1950, %parallel_loop3A_1951] {strides = array<i32>} : memref<80x128xf32, #tpu.memory_space<vmem>>, vector<16xf32>,
        tpu.vector_store %arg10[%parallel_loop3A_1950, %parallel_loop3A_1951], %parallel_loop3A_1947 {strides = array<i32>} : memref<80x128xf32, #tpu.memory_space<vmem>>, vector<16xf32>,
        %parallel_loop3A_1953 = arith.constant 1 : i32
        %parallel_loop3A_1954 = arith.addi %parallel_loop3A_90, %parallel_loop3A_1953 : i32
        %parallel_loop3A_1955 = arith.index_cast %parallel_loop3A_1954 : i32 to index
        %parallel_loop3A_1956 = arith.constant 80 : index
        %parallel_loop3A_1957 = tpu.vector_load %arg9[%parallel_loop3A_1955, %parallel_loop3A_1956] {strides = array<i32>} : memref<80x128xf32, #tpu.memory_space<vmem>>, vector<16xf32>,
        %parallel_loop3A_1958 = arith.mulf %parallel_loop3A_1957, %parallel_loop3A_1897 : vector<16xf32>
        %parallel_loop3A_1959 = arith.constant 1 : i32
        %parallel_loop3A_1960 = arith.addi %parallel_loop3A_90, %parallel_loop3A_1959 : i32
        %parallel_loop3A_1961 = arith.index_cast %parallel_loop3A_1960 : i32 to index
        %parallel_loop3A_1962 = arith.constant 80 : index
        %parallel_loop3A_1963 = tpu.vector_load %arg10[%parallel_loop3A_1961, %parallel_loop3A_1962] {strides = array<i32>} : memref<80x128xf32, #tpu.memory_space<vmem>>, vector<16xf32>,
        tpu.vector_store %arg10[%parallel_loop3A_1961, %parallel_loop3A_1962], %parallel_loop3A_1958 {strides = array<i32>} : memref<80x128xf32, #tpu.memory_space<vmem>>, vector<16xf32>,
        %parallel_loop3A_1964 = arith.constant 1 : i32
        %parallel_loop3A_1965 = arith.addi %parallel_loop3A_90, %parallel_loop3A_1964 : i32
        %parallel_loop3A_1966 = arith.index_cast %parallel_loop3A_1965 : i32 to index
        %parallel_loop3A_1967 = arith.constant 96 : index
        %parallel_loop3A_1968 = tpu.vector_load %arg9[%parallel_loop3A_1966, %parallel_loop3A_1967] {strides = array<i32>} : memref<80x128xf32, #tpu.memory_space<vmem>>, vector<16xf32>,
        %parallel_loop3A_1969 = arith.mulf %parallel_loop3A_1968, %parallel_loop3A_1897 : vector<16xf32>
        %parallel_loop3A_1970 = arith.constant 1 : i32
        %parallel_loop3A_1971 = arith.addi %parallel_loop3A_90, %parallel_loop3A_1970 : i32
        %parallel_loop3A_1972 = arith.index_cast %parallel_loop3A_1971 : i32 to index
        %parallel_loop3A_1973 = arith.constant 96 : index
        %parallel_loop3A_1974 = tpu.vector_load %arg10[%parallel_loop3A_1972, %parallel_loop3A_1973] {strides = array<i32>} : memref<80x128xf32, #tpu.memory_space<vmem>>, vector<16xf32>,
        tpu.vector_store %arg10[%parallel_loop3A_1972, %parallel_loop3A_1973], %parallel_loop3A_1969 {strides = array<i32>} : memref<80x128xf32, #tpu.memory_space<vmem>>, vector<16xf32>,
        %parallel_loop3A_1975 = arith.constant 1 : i32
        %parallel_loop3A_1976 = arith.addi %parallel_loop3A_90, %parallel_loop3A_1975 : i32
        %parallel_loop3A_1977 = arith.index_cast %parallel_loop3A_1976 : i32 to index
        %parallel_loop3A_1978 = arith.constant 112 : index
        %parallel_loop3A_1979 = tpu.vector_load %arg9[%parallel_loop3A_1977, %parallel_loop3A_1978] {strides = array<i32>} : memref<80x128xf32, #tpu.memory_space<vmem>>, vector<16xf32>,
        %parallel_loop3A_1980 = arith.mulf %parallel_loop3A_1979, %parallel_loop3A_1897 : vector<16xf32>
        %parallel_loop3A_1981 = arith.constant 1 : i32
        %parallel_loop3A_1982 = arith.addi %parallel_loop3A_90, %parallel_loop3A_1981 : i32
        %parallel_loop3A_1983 = arith.index_cast %parallel_loop3A_1982 : i32 to index
        %parallel_loop3A_1984 = arith.constant 112 : index
        %parallel_loop3A_1985 = tpu.vector_load %arg10[%parallel_loop3A_1983, %parallel_loop3A_1984] {strides = array<i32>} : memref<80x128xf32, #tpu.memory_space<vmem>>, vector<16xf32>,
        tpu.vector_store %arg10[%parallel_loop3A_1983, %parallel_loop3A_1984], %parallel_loop3A_1980 {strides = array<i32>} : memref<80x128xf32, #tpu.memory_space<vmem>>, vector<16xf32>,
        %parallel_loop3A_1986 = arith.constant 2 : i32
        %parallel_loop3A_1987 = vector.broadcast %parallel_loop3A_1986 : i32 to vector<16xi32>
        %parallel_loop3A_1988 = vector.broadcast %parallel_loop3A_90 : i32 to vector<16xi32>
        %parallel_loop3A_1989 = arith.addi %parallel_loop3A_1987, %parallel_loop3A_1988 : vector<16xi32>
        %parallel_loop3A_1990 = tpu.vector_load_idx %arg17[%parallel_loop3A_1989] : memref<80xf32, #tpu.memory_space<vmem>>[vector<16xi32>], vector<16xf32>,
        %parallel_loop3A_1991 = arith.constant 2 : i32
        %parallel_loop3A_1992 = arith.addi %parallel_loop3A_90, %parallel_loop3A_1991 : i32
        %parallel_loop3A_1993 = arith.index_cast %parallel_loop3A_1992 : i32 to index
        %parallel_loop3A_1994 = arith.constant 0 : index
        %parallel_loop3A_1995 = tpu.vector_load %arg9[%parallel_loop3A_1993, %parallel_loop3A_1994] {strides = array<i32>} : memref<80x128xf32, #tpu.memory_space<vmem>>, vector<16xf32>,
        %parallel_loop3A_1996 = arith.mulf %parallel_loop3A_1995, %parallel_loop3A_1990 : vector<16xf32>
        %parallel_loop3A_1997 = arith.constant 2 : i32
        %parallel_loop3A_1998 = arith.addi %parallel_loop3A_90, %parallel_loop3A_1997 : i32
        %parallel_loop3A_1999 = arith.index_cast %parallel_loop3A_1998 : i32 to index
        %parallel_loop3A_2000 = arith.constant 0 : index
        %parallel_loop3A_2001 = tpu.vector_load %arg10[%parallel_loop3A_1999, %parallel_loop3A_2000] {strides = array<i32>} : memref<80x128xf32, #tpu.memory_space<vmem>>, vector<16xf32>,
        tpu.vector_store %arg10[%parallel_loop3A_1999, %parallel_loop3A_2000], %parallel_loop3A_1996 {strides = array<i32>} : memref<80x128xf32, #tpu.memory_space<vmem>>, vector<16xf32>,
        %parallel_loop3A_2002 = arith.constant 2 : i32
        %parallel_loop3A_2003 = arith.addi %parallel_loop3A_90, %parallel_loop3A_2002 : i32
        %parallel_loop3A_2004 = arith.index_cast %parallel_loop3A_2003 : i32 to index
        %parallel_loop3A_2005 = arith.constant 16 : index
        %parallel_loop3A_2006 = tpu.vector_load %arg9[%parallel_loop3A_2004, %parallel_loop3A_2005] {strides = array<i32>} : memref<80x128xf32, #tpu.memory_space<vmem>>, vector<16xf32>,
        %parallel_loop3A_2007 = arith.mulf %parallel_loop3A_2006, %parallel_loop3A_1990 : vector<16xf32>
        %parallel_loop3A_2008 = arith.constant 2 : i32
        %parallel_loop3A_2009 = arith.addi %parallel_loop3A_90, %parallel_loop3A_2008 : i32
        %parallel_loop3A_2010 = arith.index_cast %parallel_loop3A_2009 : i32 to index
        %parallel_loop3A_2011 = arith.constant 16 : index
        %parallel_loop3A_2012 = tpu.vector_load %arg10[%parallel_loop3A_2010, %parallel_loop3A_2011] {strides = array<i32>} : memref<80x128xf32, #tpu.memory_space<vmem>>, vector<16xf32>,
        tpu.vector_store %arg10[%parallel_loop3A_2010, %parallel_loop3A_2011], %parallel_loop3A_2007 {strides = array<i32>} : memref<80x128xf32, #tpu.memory_space<vmem>>, vector<16xf32>,
        %parallel_loop3A_2013 = arith.constant 2 : i32
        %parallel_loop3A_2014 = arith.addi %parallel_loop3A_90, %parallel_loop3A_2013 : i32
        %parallel_loop3A_2015 = arith.index_cast %parallel_loop3A_2014 : i32 to index
        %parallel_loop3A_2016 = arith.constant 32 : index
        %parallel_loop3A_2017 = tpu.vector_load %arg9[%parallel_loop3A_2015, %parallel_loop3A_2016] {strides = array<i32>} : memref<80x128xf32, #tpu.memory_space<vmem>>, vector<16xf32>,
        %parallel_loop3A_2018 = arith.mulf %parallel_loop3A_2017, %parallel_loop3A_1990 : vector<16xf32>
        %parallel_loop3A_2019 = arith.constant 2 : i32
        %parallel_loop3A_2020 = arith.addi %parallel_loop3A_90, %parallel_loop3A_2019 : i32
        %parallel_loop3A_2021 = arith.index_cast %parallel_loop3A_2020 : i32 to index
        %parallel_loop3A_2022 = arith.constant 32 : index
        %parallel_loop3A_2023 = tpu.vector_load %arg10[%parallel_loop3A_2021, %parallel_loop3A_2022] {strides = array<i32>} : memref<80x128xf32, #tpu.memory_space<vmem>>, vector<16xf32>,
        tpu.vector_store %arg10[%parallel_loop3A_2021, %parallel_loop3A_2022], %parallel_loop3A_2018 {strides = array<i32>} : memref<80x128xf32, #tpu.memory_space<vmem>>, vector<16xf32>,
        %parallel_loop3A_2024 = arith.constant 2 : i32
        %parallel_loop3A_2025 = arith.addi %parallel_loop3A_90, %parallel_loop3A_2024 : i32
        %parallel_loop3A_2026 = arith.index_cast %parallel_loop3A_2025 : i32 to index
        %parallel_loop3A_2027 = arith.constant 48 : index
        %parallel_loop3A_2028 = tpu.vector_load %arg9[%parallel_loop3A_2026, %parallel_loop3A_2027] {strides = array<i32>} : memref<80x128xf32, #tpu.memory_space<vmem>>, vector<16xf32>,
        %parallel_loop3A_2029 = arith.mulf %parallel_loop3A_2028, %parallel_loop3A_1990 : vector<16xf32>
        %parallel_loop3A_2030 = arith.constant 2 : i32
        %parallel_loop3A_2031 = arith.addi %parallel_loop3A_90, %parallel_loop3A_2030 : i32
        %parallel_loop3A_2032 = arith.index_cast %parallel_loop3A_2031 : i32 to index
        %parallel_loop3A_2033 = arith.constant 48 : index
        %parallel_loop3A_2034 = tpu.vector_load %arg10[%parallel_loop3A_2032, %parallel_loop3A_2033] {strides = array<i32>} : memref<80x128xf32, #tpu.memory_space<vmem>>, vector<16xf32>,
        tpu.vector_store %arg10[%parallel_loop3A_2032, %parallel_loop3A_2033], %parallel_loop3A_2029 {strides = array<i32>} : memref<80x128xf32, #tpu.memory_space<vmem>>, vector<16xf32>,
        %parallel_loop3A_2035 = arith.constant 2 : i32
        %parallel_loop3A_2036 = arith.addi %parallel_loop3A_90, %parallel_loop3A_2035 : i32
        %parallel_loop3A_2037 = arith.index_cast %parallel_loop3A_2036 : i32 to index
        %parallel_loop3A_2038 = arith.constant 64 : index
        %parallel_loop3A_2039 = tpu.vector_load %arg9[%parallel_loop3A_2037, %parallel_loop3A_2038] {strides = array<i32>} : memref<80x128xf32, #tpu.memory_space<vmem>>, vector<16xf32>,
        %parallel_loop3A_2040 = arith.mulf %parallel_loop3A_2039, %parallel_loop3A_1990 : vector<16xf32>
        %parallel_loop3A_2041 = arith.constant 2 : i32
        %parallel_loop3A_2042 = arith.addi %parallel_loop3A_90, %parallel_loop3A_2041 : i32
        %parallel_loop3A_2043 = arith.index_cast %parallel_loop3A_2042 : i32 to index
        %parallel_loop3A_2044 = arith.constant 64 : index
        %parallel_loop3A_2045 = tpu.vector_load %arg10[%parallel_loop3A_2043, %parallel_loop3A_2044] {strides = array<i32>} : memref<80x128xf32, #tpu.memory_space<vmem>>, vector<16xf32>,
        tpu.vector_store %arg10[%parallel_loop3A_2043, %parallel_loop3A_2044], %parallel_loop3A_2040 {strides = array<i32>} : memref<80x128xf32, #tpu.memory_space<vmem>>, vector<16xf32>,
        %parallel_loop3A_2046 = arith.constant 2 : i32
        %parallel_loop3A_2047 = arith.addi %parallel_loop3A_90, %parallel_loop3A_2046 : i32
        %parallel_loop3A_2048 = arith.index_cast %parallel_loop3A_2047 : i32 to index
        %parallel_loop3A_2049 = arith.constant 80 : index
        %parallel_loop3A_2050 = tpu.vector_load %arg9[%parallel_loop3A_2048, %parallel_loop3A_2049] {strides = array<i32>} : memref<80x128xf32, #tpu.memory_space<vmem>>, vector<16xf32>,
        %parallel_loop3A_2051 = arith.mulf %parallel_loop3A_2050, %parallel_loop3A_1990 : vector<16xf32>
        %parallel_loop3A_2052 = arith.constant 2 : i32
        %parallel_loop3A_2053 = arith.addi %parallel_loop3A_90, %parallel_loop3A_2052 : i32
        %parallel_loop3A_2054 = arith.index_cast %parallel_loop3A_2053 : i32 to index
        %parallel_loop3A_2055 = arith.constant 80 : index
        %parallel_loop3A_2056 = tpu.vector_load %arg10[%parallel_loop3A_2054, %parallel_loop3A_2055] {strides = array<i32>} : memref<80x128xf32, #tpu.memory_space<vmem>>, vector<16xf32>,
        tpu.vector_store %arg10[%parallel_loop3A_2054, %parallel_loop3A_2055], %parallel_loop3A_2051 {strides = array<i32>} : memref<80x128xf32, #tpu.memory_space<vmem>>, vector<16xf32>,
        %parallel_loop3A_2057 = arith.constant 2 : i32
        %parallel_loop3A_2058 = arith.addi %parallel_loop3A_90, %parallel_loop3A_2057 : i32
        %parallel_loop3A_2059 = arith.index_cast %parallel_loop3A_2058 : i32 to index
        %parallel_loop3A_2060 = arith.constant 96 : index
        %parallel_loop3A_2061 = tpu.vector_load %arg9[%parallel_loop3A_2059, %parallel_loop3A_2060] {strides = array<i32>} : memref<80x128xf32, #tpu.memory_space<vmem>>, vector<16xf32>,
        %parallel_loop3A_2062 = arith.mulf %parallel_loop3A_2061, %parallel_loop3A_1990 : vector<16xf32>
        %parallel_loop3A_2063 = arith.constant 2 : i32
        %parallel_loop3A_2064 = arith.addi %parallel_loop3A_90, %parallel_loop3A_2063 : i32
        %parallel_loop3A_2065 = arith.index_cast %parallel_loop3A_2064 : i32 to index
        %parallel_loop3A_2066 = arith.constant 96 : index
        %parallel_loop3A_2067 = tpu.vector_load %arg10[%parallel_loop3A_2065, %parallel_loop3A_2066] {strides = array<i32>} : memref<80x128xf32, #tpu.memory_space<vmem>>, vector<16xf32>,
        tpu.vector_store %arg10[%parallel_loop3A_2065, %parallel_loop3A_2066], %parallel_loop3A_2062 {strides = array<i32>} : memref<80x128xf32, #tpu.memory_space<vmem>>, vector<16xf32>,
        %parallel_loop3A_2068 = arith.constant 2 : i32
        %parallel_loop3A_2069 = arith.addi %parallel_loop3A_90, %parallel_loop3A_2068 : i32
        %parallel_loop3A_2070 = arith.index_cast %parallel_loop3A_2069 : i32 to index
        %parallel_loop3A_2071 = arith.constant 112 : index
        %parallel_loop3A_2072 = tpu.vector_load %arg9[%parallel_loop3A_2070, %parallel_loop3A_2071] {strides = array<i32>} : memref<80x128xf32, #tpu.memory_space<vmem>>, vector<16xf32>,
        %parallel_loop3A_2073 = arith.mulf %parallel_loop3A_2072, %parallel_loop3A_1990 : vector<16xf32>
        %parallel_loop3A_2074 = arith.constant 2 : i32
        %parallel_loop3A_2075 = arith.addi %parallel_loop3A_90, %parallel_loop3A_2074 : i32
        %parallel_loop3A_2076 = arith.index_cast %parallel_loop3A_2075 : i32 to index
        %parallel_loop3A_2077 = arith.constant 112 : index
        %parallel_loop3A_2078 = tpu.vector_load %arg10[%parallel_loop3A_2076, %parallel_loop3A_2077] {strides = array<i32>} : memref<80x128xf32, #tpu.memory_space<vmem>>, vector<16xf32>,
        tpu.vector_store %arg10[%parallel_loop3A_2076, %parallel_loop3A_2077], %parallel_loop3A_2073 {strides = array<i32>} : memref<80x128xf32, #tpu.memory_space<vmem>>, vector<16xf32>,
        %parallel_loop3A_2079 = arith.constant 3 : i32
        %parallel_loop3A_2080 = vector.broadcast %parallel_loop3A_2079 : i32 to vector<16xi32>
        %parallel_loop3A_2081 = vector.broadcast %parallel_loop3A_90 : i32 to vector<16xi32>
        %parallel_loop3A_2082 = arith.addi %parallel_loop3A_2080, %parallel_loop3A_2081 : vector<16xi32>
        %parallel_loop3A_2083 = tpu.vector_load_idx %arg17[%parallel_loop3A_2082] : memref<80xf32, #tpu.memory_space<vmem>>[vector<16xi32>], vector<16xf32>,
        %parallel_loop3A_2084 = arith.constant 3 : i32
        %parallel_loop3A_2085 = arith.addi %parallel_loop3A_90, %parallel_loop3A_2084 : i32
        %parallel_loop3A_2086 = arith.index_cast %parallel_loop3A_2085 : i32 to index
        %parallel_loop3A_2087 = arith.constant 0 : index
        %parallel_loop3A_2088 = tpu.vector_load %arg9[%parallel_loop3A_2086, %parallel_loop3A_2087] {strides = array<i32>} : memref<80x128xf32, #tpu.memory_space<vmem>>, vector<16xf32>,
        %parallel_loop3A_2089 = arith.mulf %parallel_loop3A_2088, %parallel_loop3A_2083 : vector<16xf32>
        %parallel_loop3A_2090 = arith.constant 3 : i32
        %parallel_loop3A_2091 = arith.addi %parallel_loop3A_90, %parallel_loop3A_2090 : i32
        %parallel_loop3A_2092 = arith.index_cast %parallel_loop3A_2091 : i32 to index
        %parallel_loop3A_2093 = arith.constant 0 : index
        %parallel_loop3A_2094 = tpu.vector_load %arg10[%parallel_loop3A_2092, %parallel_loop3A_2093] {strides = array<i32>} : memref<80x128xf32, #tpu.memory_space<vmem>>, vector<16xf32>,
        tpu.vector_store %arg10[%parallel_loop3A_2092, %parallel_loop3A_2093], %parallel_loop3A_2089 {strides = array<i32>} : memref<80x128xf32, #tpu.memory_space<vmem>>, vector<16xf32>,
        %parallel_loop3A_2095 = arith.constant 3 : i32
        %parallel_loop3A_2096 = arith.addi %parallel_loop3A_90, %parallel_loop3A_2095 : i32
        %parallel_loop3A_2097 = arith.index_cast %parallel_loop3A_2096 : i32 to index
        %parallel_loop3A_2098 = arith.constant 16 : index
        %parallel_loop3A_2099 = tpu.vector_load %arg9[%parallel_loop3A_2097, %parallel_loop3A_2098] {strides = array<i32>} : memref<80x128xf32, #tpu.memory_space<vmem>>, vector<16xf32>,
        %parallel_loop3A_2100 = arith.mulf %parallel_loop3A_2099, %parallel_loop3A_2083 : vector<16xf32>
        %parallel_loop3A_2101 = arith.constant 3 : i32
        %parallel_loop3A_2102 = arith.addi %parallel_loop3A_90, %parallel_loop3A_2101 : i32
        %parallel_loop3A_2103 = arith.index_cast %parallel_loop3A_2102 : i32 to index
        %parallel_loop3A_2104 = arith.constant 16 : index
        %parallel_loop3A_2105 = tpu.vector_load %arg10[%parallel_loop3A_2103, %parallel_loop3A_2104] {strides = array<i32>} : memref<80x128xf32, #tpu.memory_space<vmem>>, vector<16xf32>,
        tpu.vector_store %arg10[%parallel_loop3A_2103, %parallel_loop3A_2104], %parallel_loop3A_2100 {strides = array<i32>} : memref<80x128xf32, #tpu.memory_space<vmem>>, vector<16xf32>,
        %parallel_loop3A_2106 = arith.constant 3 : i32
        %parallel_loop3A_2107 = arith.addi %parallel_loop3A_90, %parallel_loop3A_2106 : i32
        %parallel_loop3A_2108 = arith.index_cast %parallel_loop3A_2107 : i32 to index
        %parallel_loop3A_2109 = arith.constant 32 : index
        %parallel_loop3A_2110 = tpu.vector_load %arg9[%parallel_loop3A_2108, %parallel_loop3A_2109] {strides = array<i32>} : memref<80x128xf32, #tpu.memory_space<vmem>>, vector<16xf32>,
        %parallel_loop3A_2111 = arith.mulf %parallel_loop3A_2110, %parallel_loop3A_2083 : vector<16xf32>
        %parallel_loop3A_2112 = arith.constant 3 : i32
        %parallel_loop3A_2113 = arith.addi %parallel_loop3A_90, %parallel_loop3A_2112 : i32
        %parallel_loop3A_2114 = arith.index_cast %parallel_loop3A_2113 : i32 to index
        %parallel_loop3A_2115 = arith.constant 32 : index
        %parallel_loop3A_2116 = tpu.vector_load %arg10[%parallel_loop3A_2114, %parallel_loop3A_2115] {strides = array<i32>} : memref<80x128xf32, #tpu.memory_space<vmem>>, vector<16xf32>,
        tpu.vector_store %arg10[%parallel_loop3A_2114, %parallel_loop3A_2115], %parallel_loop3A_2111 {strides = array<i32>} : memref<80x128xf32, #tpu.memory_space<vmem>>, vector<16xf32>,
        %parallel_loop3A_2117 = arith.constant 3 : i32
        %parallel_loop3A_2118 = arith.addi %parallel_loop3A_90, %parallel_loop3A_2117 : i32
        %parallel_loop3A_2119 = arith.index_cast %parallel_loop3A_2118 : i32 to index
        %parallel_loop3A_2120 = arith.constant 48 : index
        %parallel_loop3A_2121 = tpu.vector_load %arg9[%parallel_loop3A_2119, %parallel_loop3A_2120] {strides = array<i32>} : memref<80x128xf32, #tpu.memory_space<vmem>>, vector<16xf32>,
        %parallel_loop3A_2122 = arith.mulf %parallel_loop3A_2121, %parallel_loop3A_2083 : vector<16xf32>
        %parallel_loop3A_2123 = arith.constant 3 : i32
        %parallel_loop3A_2124 = arith.addi %parallel_loop3A_90, %parallel_loop3A_2123 : i32
        %parallel_loop3A_2125 = arith.index_cast %parallel_loop3A_2124 : i32 to index
        %parallel_loop3A_2126 = arith.constant 48 : index
        %parallel_loop3A_2127 = tpu.vector_load %arg10[%parallel_loop3A_2125, %parallel_loop3A_2126] {strides = array<i32>} : memref<80x128xf32, #tpu.memory_space<vmem>>, vector<16xf32>,
        tpu.vector_store %arg10[%parallel_loop3A_2125, %parallel_loop3A_2126], %parallel_loop3A_2122 {strides = array<i32>} : memref<80x128xf32, #tpu.memory_space<vmem>>, vector<16xf32>,
        %parallel_loop3A_2128 = arith.constant 3 : i32
        %parallel_loop3A_2129 = arith.addi %parallel_loop3A_90, %parallel_loop3A_2128 : i32
        %parallel_loop3A_2130 = arith.index_cast %parallel_loop3A_2129 : i32 to index
        %parallel_loop3A_2131 = arith.constant 64 : index
        %parallel_loop3A_2132 = tpu.vector_load %arg9[%parallel_loop3A_2130, %parallel_loop3A_2131] {strides = array<i32>} : memref<80x128xf32, #tpu.memory_space<vmem>>, vector<16xf32>,
        %parallel_loop3A_2133 = arith.mulf %parallel_loop3A_2132, %parallel_loop3A_2083 : vector<16xf32>
        %parallel_loop3A_2134 = arith.constant 3 : i32
        %parallel_loop3A_2135 = arith.addi %parallel_loop3A_90, %parallel_loop3A_2134 : i32
        %parallel_loop3A_2136 = arith.index_cast %parallel_loop3A_2135 : i32 to index
        %parallel_loop3A_2137 = arith.constant 64 : index
        %parallel_loop3A_2138 = tpu.vector_load %arg10[%parallel_loop3A_2136, %parallel_loop3A_2137] {strides = array<i32>} : memref<80x128xf32, #tpu.memory_space<vmem>>, vector<16xf32>,
        tpu.vector_store %arg10[%parallel_loop3A_2136, %parallel_loop3A_2137], %parallel_loop3A_2133 {strides = array<i32>} : memref<80x128xf32, #tpu.memory_space<vmem>>, vector<16xf32>,
        %parallel_loop3A_2139 = arith.constant 3 : i32
        %parallel_loop3A_2140 = arith.addi %parallel_loop3A_90, %parallel_loop3A_2139 : i32
        %parallel_loop3A_2141 = arith.index_cast %parallel_loop3A_2140 : i32 to index
        %parallel_loop3A_2142 = arith.constant 80 : index
        %parallel_loop3A_2143 = tpu.vector_load %arg9[%parallel_loop3A_2141, %parallel_loop3A_2142] {strides = array<i32>} : memref<80x128xf32, #tpu.memory_space<vmem>>, vector<16xf32>,
        %parallel_loop3A_2144 = arith.mulf %parallel_loop3A_2143, %parallel_loop3A_2083 : vector<16xf32>
        %parallel_loop3A_2145 = arith.constant 3 : i32
        %parallel_loop3A_2146 = arith.addi %parallel_loop3A_90, %parallel_loop3A_2145 : i32
        %parallel_loop3A_2147 = arith.index_cast %parallel_loop3A_2146 : i32 to index
        %parallel_loop3A_2148 = arith.constant 80 : index
        %parallel_loop3A_2149 = tpu.vector_load %arg10[%parallel_loop3A_2147, %parallel_loop3A_2148] {strides = array<i32>} : memref<80x128xf32, #tpu.memory_space<vmem>>, vector<16xf32>,
        tpu.vector_store %arg10[%parallel_loop3A_2147, %parallel_loop3A_2148], %parallel_loop3A_2144 {strides = array<i32>} : memref<80x128xf32, #tpu.memory_space<vmem>>, vector<16xf32>,
        %parallel_loop3A_2150 = arith.constant 3 : i32
        %parallel_loop3A_2151 = arith.addi %parallel_loop3A_90, %parallel_loop3A_2150 : i32
        %parallel_loop3A_2152 = arith.index_cast %parallel_loop3A_2151 : i32 to index
        %parallel_loop3A_2153 = arith.constant 96 : index
        %parallel_loop3A_2154 = tpu.vector_load %arg9[%parallel_loop3A_2152, %parallel_loop3A_2153] {strides = array<i32>} : memref<80x128xf32, #tpu.memory_space<vmem>>, vector<16xf32>,
        %parallel_loop3A_2155 = arith.mulf %parallel_loop3A_2154, %parallel_loop3A_2083 : vector<16xf32>
        %parallel_loop3A_2156 = arith.constant 3 : i32
        %parallel_loop3A_2157 = arith.addi %parallel_loop3A_90, %parallel_loop3A_2156 : i32
        %parallel_loop3A_2158 = arith.index_cast %parallel_loop3A_2157 : i32 to index
        %parallel_loop3A_2159 = arith.constant 96 : index
        %parallel_loop3A_2160 = tpu.vector_load %arg10[%parallel_loop3A_2158, %parallel_loop3A_2159] {strides = array<i32>} : memref<80x128xf32, #tpu.memory_space<vmem>>, vector<16xf32>,
        tpu.vector_store %arg10[%parallel_loop3A_2158, %parallel_loop3A_2159], %parallel_loop3A_2155 {strides = array<i32>} : memref<80x128xf32, #tpu.memory_space<vmem>>, vector<16xf32>,
        %parallel_loop3A_2161 = arith.constant 3 : i32
        %parallel_loop3A_2162 = arith.addi %parallel_loop3A_90, %parallel_loop3A_2161 : i32
        %parallel_loop3A_2163 = arith.index_cast %parallel_loop3A_2162 : i32 to index
        %parallel_loop3A_2164 = arith.constant 112 : index
        %parallel_loop3A_2165 = tpu.vector_load %arg9[%parallel_loop3A_2163, %parallel_loop3A_2164] {strides = array<i32>} : memref<80x128xf32, #tpu.memory_space<vmem>>, vector<16xf32>,
        %parallel_loop3A_2166 = arith.mulf %parallel_loop3A_2165, %parallel_loop3A_2083 : vector<16xf32>
        %parallel_loop3A_2167 = arith.constant 3 : i32
        %parallel_loop3A_2168 = arith.addi %parallel_loop3A_90, %parallel_loop3A_2167 : i32
        %parallel_loop3A_2169 = arith.index_cast %parallel_loop3A_2168 : i32 to index
        %parallel_loop3A_2170 = arith.constant 112 : index
        %parallel_loop3A_2171 = tpu.vector_load %arg10[%parallel_loop3A_2169, %parallel_loop3A_2170] {strides = array<i32>} : memref<80x128xf32, #tpu.memory_space<vmem>>, vector<16xf32>,
        tpu.vector_store %arg10[%parallel_loop3A_2169, %parallel_loop3A_2170], %parallel_loop3A_2166 {strides = array<i32>} : memref<80x128xf32, #tpu.memory_space<vmem>>, vector<16xf32>,
        %parallel_loop3A_2172 = arith.constant 4 : i32
        %parallel_loop3A_2173 = vector.broadcast %parallel_loop3A_2172 : i32 to vector<16xi32>
        %parallel_loop3A_2174 = vector.broadcast %parallel_loop3A_90 : i32 to vector<16xi32>
        %parallel_loop3A_2175 = arith.addi %parallel_loop3A_2173, %parallel_loop3A_2174 : vector<16xi32>
        %parallel_loop3A_2176 = tpu.vector_load_idx %arg17[%parallel_loop3A_2175] : memref<80xf32, #tpu.memory_space<vmem>>[vector<16xi32>], vector<16xf32>,
        %parallel_loop3A_2177 = arith.constant 4 : i32
        %parallel_loop3A_2178 = arith.addi %parallel_loop3A_90, %parallel_loop3A_2177 : i32
        %parallel_loop3A_2179 = arith.index_cast %parallel_loop3A_2178 : i32 to index
        %parallel_loop3A_2180 = arith.constant 0 : index
        %parallel_loop3A_2181 = tpu.vector_load %arg9[%parallel_loop3A_2179, %parallel_loop3A_2180] {strides = array<i32>} : memref<80x128xf32, #tpu.memory_space<vmem>>, vector<16xf32>,
        %parallel_loop3A_2182 = arith.mulf %parallel_loop3A_2181, %parallel_loop3A_2176 : vector<16xf32>
        %parallel_loop3A_2183 = arith.constant 4 : i32
        %parallel_loop3A_2184 = arith.addi %parallel_loop3A_90, %parallel_loop3A_2183 : i32
        %parallel_loop3A_2185 = arith.index_cast %parallel_loop3A_2184 : i32 to index
        %parallel_loop3A_2186 = arith.constant 0 : index
        %parallel_loop3A_2187 = tpu.vector_load %arg10[%parallel_loop3A_2185, %parallel_loop3A_2186] {strides = array<i32>} : memref<80x128xf32, #tpu.memory_space<vmem>>, vector<16xf32>,
        tpu.vector_store %arg10[%parallel_loop3A_2185, %parallel_loop3A_2186], %parallel_loop3A_2182 {strides = array<i32>} : memref<80x128xf32, #tpu.memory_space<vmem>>, vector<16xf32>,
        %parallel_loop3A_2188 = arith.constant 4 : i32
        %parallel_loop3A_2189 = arith.addi %parallel_loop3A_90, %parallel_loop3A_2188 : i32
        %parallel_loop3A_2190 = arith.index_cast %parallel_loop3A_2189 : i32 to index
        %parallel_loop3A_2191 = arith.constant 16 : index
        %parallel_loop3A_2192 = tpu.vector_load %arg9[%parallel_loop3A_2190, %parallel_loop3A_2191] {strides = array<i32>} : memref<80x128xf32, #tpu.memory_space<vmem>>, vector<16xf32>,
        %parallel_loop3A_2193 = arith.mulf %parallel_loop3A_2192, %parallel_loop3A_2176 : vector<16xf32>
        %parallel_loop3A_2194 = arith.constant 4 : i32
        %parallel_loop3A_2195 = arith.addi %parallel_loop3A_90, %parallel_loop3A_2194 : i32
        %parallel_loop3A_2196 = arith.index_cast %parallel_loop3A_2195 : i32 to index
        %parallel_loop3A_2197 = arith.constant 16 : index
        %parallel_loop3A_2198 = tpu.vector_load %arg10[%parallel_loop3A_2196, %parallel_loop3A_2197] {strides = array<i32>} : memref<80x128xf32, #tpu.memory_space<vmem>>, vector<16xf32>,
        tpu.vector_store %arg10[%parallel_loop3A_2196, %parallel_loop3A_2197], %parallel_loop3A_2193 {strides = array<i32>} : memref<80x128xf32, #tpu.memory_space<vmem>>, vector<16xf32>,
        %parallel_loop3A_2199 = arith.constant 4 : i32
        %parallel_loop3A_2200 = arith.addi %parallel_loop3A_90, %parallel_loop3A_2199 : i32
        %parallel_loop3A_2201 = arith.index_cast %parallel_loop3A_2200 : i32 to index
        %parallel_loop3A_2202 = arith.constant 32 : index
        %parallel_loop3A_2203 = tpu.vector_load %arg9[%parallel_loop3A_2201, %parallel_loop3A_2202] {strides = array<i32>} : memref<80x128xf32, #tpu.memory_space<vmem>>, vector<16xf32>,
        %parallel_loop3A_2204 = arith.mulf %parallel_loop3A_2203, %parallel_loop3A_2176 : vector<16xf32>
        %parallel_loop3A_2205 = arith.constant 4 : i32
        %parallel_loop3A_2206 = arith.addi %parallel_loop3A_90, %parallel_loop3A_2205 : i32
        %parallel_loop3A_2207 = arith.index_cast %parallel_loop3A_2206 : i32 to index
        %parallel_loop3A_2208 = arith.constant 32 : index
        %parallel_loop3A_2209 = tpu.vector_load %arg10[%parallel_loop3A_2207, %parallel_loop3A_2208] {strides = array<i32>} : memref<80x128xf32, #tpu.memory_space<vmem>>, vector<16xf32>,
        tpu.vector_store %arg10[%parallel_loop3A_2207, %parallel_loop3A_2208], %parallel_loop3A_2204 {strides = array<i32>} : memref<80x128xf32, #tpu.memory_space<vmem>>, vector<16xf32>,
        %parallel_loop3A_2210 = arith.constant 4 : i32
        %parallel_loop3A_2211 = arith.addi %parallel_loop3A_90, %parallel_loop3A_2210 : i32
        %parallel_loop3A_2212 = arith.index_cast %parallel_loop3A_2211 : i32 to index
        %parallel_loop3A_2213 = arith.constant 48 : index
        %parallel_loop3A_2214 = tpu.vector_load %arg9[%parallel_loop3A_2212, %parallel_loop3A_2213] {strides = array<i32>} : memref<80x128xf32, #tpu.memory_space<vmem>>, vector<16xf32>,
        %parallel_loop3A_2215 = arith.mulf %parallel_loop3A_2214, %parallel_loop3A_2176 : vector<16xf32>
        %parallel_loop3A_2216 = arith.constant 4 : i32
        %parallel_loop3A_2217 = arith.addi %parallel_loop3A_90, %parallel_loop3A_2216 : i32
        %parallel_loop3A_2218 = arith.index_cast %parallel_loop3A_2217 : i32 to index
        %parallel_loop3A_2219 = arith.constant 48 : index
        %parallel_loop3A_2220 = tpu.vector_load %arg10[%parallel_loop3A_2218, %parallel_loop3A_2219] {strides = array<i32>} : memref<80x128xf32, #tpu.memory_space<vmem>>, vector<16xf32>,
        tpu.vector_store %arg10[%parallel_loop3A_2218, %parallel_loop3A_2219], %parallel_loop3A_2215 {strides = array<i32>} : memref<80x128xf32, #tpu.memory_space<vmem>>, vector<16xf32>,
        %parallel_loop3A_2221 = arith.constant 4 : i32
        %parallel_loop3A_2222 = arith.addi %parallel_loop3A_90, %parallel_loop3A_2221 : i32
        %parallel_loop3A_2223 = arith.index_cast %parallel_loop3A_2222 : i32 to index
        %parallel_loop3A_2224 = arith.constant 64 : index
        %parallel_loop3A_2225 = tpu.vector_load %arg9[%parallel_loop3A_2223, %parallel_loop3A_2224] {strides = array<i32>} : memref<80x128xf32, #tpu.memory_space<vmem>>, vector<16xf32>,
        %parallel_loop3A_2226 = arith.mulf %parallel_loop3A_2225, %parallel_loop3A_2176 : vector<16xf32>
        %parallel_loop3A_2227 = arith.constant 4 : i32
        %parallel_loop3A_2228 = arith.addi %parallel_loop3A_90, %parallel_loop3A_2227 : i32
        %parallel_loop3A_2229 = arith.index_cast %parallel_loop3A_2228 : i32 to index
        %parallel_loop3A_2230 = arith.constant 64 : index
        %parallel_loop3A_2231 = tpu.vector_load %arg10[%parallel_loop3A_2229, %parallel_loop3A_2230] {strides = array<i32>} : memref<80x128xf32, #tpu.memory_space<vmem>>, vector<16xf32>,
        tpu.vector_store %arg10[%parallel_loop3A_2229, %parallel_loop3A_2230], %parallel_loop3A_2226 {strides = array<i32>} : memref<80x128xf32, #tpu.memory_space<vmem>>, vector<16xf32>,
        %parallel_loop3A_2232 = arith.constant 4 : i32
        %parallel_loop3A_2233 = arith.addi %parallel_loop3A_90, %parallel_loop3A_2232 : i32
        %parallel_loop3A_2234 = arith.index_cast %parallel_loop3A_2233 : i32 to index
        %parallel_loop3A_2235 = arith.constant 80 : index
        %parallel_loop3A_2236 = tpu.vector_load %arg9[%parallel_loop3A_2234, %parallel_loop3A_2235] {strides = array<i32>} : memref<80x128xf32, #tpu.memory_space<vmem>>, vector<16xf32>,
        %parallel_loop3A_2237 = arith.mulf %parallel_loop3A_2236, %parallel_loop3A_2176 : vector<16xf32>
        %parallel_loop3A_2238 = arith.constant 4 : i32
        %parallel_loop3A_2239 = arith.addi %parallel_loop3A_90, %parallel_loop3A_2238 : i32
        %parallel_loop3A_2240 = arith.index_cast %parallel_loop3A_2239 : i32 to index
        %parallel_loop3A_2241 = arith.constant 80 : index
        %parallel_loop3A_2242 = tpu.vector_load %arg10[%parallel_loop3A_2240, %parallel_loop3A_2241] {strides = array<i32>} : memref<80x128xf32, #tpu.memory_space<vmem>>, vector<16xf32>,
        tpu.vector_store %arg10[%parallel_loop3A_2240, %parallel_loop3A_2241], %parallel_loop3A_2237 {strides = array<i32>} : memref<80x128xf32, #tpu.memory_space<vmem>>, vector<16xf32>,
        %parallel_loop3A_2243 = arith.constant 4 : i32
        %parallel_loop3A_2244 = arith.addi %parallel_loop3A_90, %parallel_loop3A_2243 : i32
        %parallel_loop3A_2245 = arith.index_cast %parallel_loop3A_2244 : i32 to index
        %parallel_loop3A_2246 = arith.constant 96 : index
        %parallel_loop3A_2247 = tpu.vector_load %arg9[%parallel_loop3A_2245, %parallel_loop3A_2246] {strides = array<i32>} : memref<80x128xf32, #tpu.memory_space<vmem>>, vector<16xf32>,
        %parallel_loop3A_2248 = arith.mulf %parallel_loop3A_2247, %parallel_loop3A_2176 : vector<16xf32>
        %parallel_loop3A_2249 = arith.constant 4 : i32
        %parallel_loop3A_2250 = arith.addi %parallel_loop3A_90, %parallel_loop3A_2249 : i32
        %parallel_loop3A_2251 = arith.index_cast %parallel_loop3A_2250 : i32 to index
        %parallel_loop3A_2252 = arith.constant 96 : index
        %parallel_loop3A_2253 = tpu.vector_load %arg10[%parallel_loop3A_2251, %parallel_loop3A_2252] {strides = array<i32>} : memref<80x128xf32, #tpu.memory_space<vmem>>, vector<16xf32>,
        tpu.vector_store %arg10[%parallel_loop3A_2251, %parallel_loop3A_2252], %parallel_loop3A_2248 {strides = array<i32>} : memref<80x128xf32, #tpu.memory_space<vmem>>, vector<16xf32>,
        %parallel_loop3A_2254 = arith.constant 4 : i32
        %parallel_loop3A_2255 = arith.addi %parallel_loop3A_90, %parallel_loop3A_2254 : i32
        %parallel_loop3A_2256 = arith.index_cast %parallel_loop3A_2255 : i32 to index
        %parallel_loop3A_2257 = arith.constant 112 : index
        %parallel_loop3A_2258 = tpu.vector_load %arg9[%parallel_loop3A_2256, %parallel_loop3A_2257] {strides = array<i32>} : memref<80x128xf32, #tpu.memory_space<vmem>>, vector<16xf32>,
        %parallel_loop3A_2259 = arith.mulf %parallel_loop3A_2258, %parallel_loop3A_2176 : vector<16xf32>
        %parallel_loop3A_2260 = arith.constant 4 : i32
        %parallel_loop3A_2261 = arith.addi %parallel_loop3A_90, %parallel_loop3A_2260 : i32
        %parallel_loop3A_2262 = arith.index_cast %parallel_loop3A_2261 : i32 to index
        %parallel_loop3A_2263 = arith.constant 112 : index
        %parallel_loop3A_2264 = tpu.vector_load %arg10[%parallel_loop3A_2262, %parallel_loop3A_2263] {strides = array<i32>} : memref<80x128xf32, #tpu.memory_space<vmem>>, vector<16xf32>,
        tpu.vector_store %arg10[%parallel_loop3A_2262, %parallel_loop3A_2263], %parallel_loop3A_2259 {strides = array<i32>} : memref<80x128xf32, #tpu.memory_space<vmem>>, vector<16xf32>,
        %parallel_loop3A_2265 = arith.constant 5 : i32
        %parallel_loop3A_2266 = vector.broadcast %parallel_loop3A_2265 : i32 to vector<16xi32>
        %parallel_loop3A_2267 = vector.broadcast %parallel_loop3A_90 : i32 to vector<16xi32>
        %parallel_loop3A_2268 = arith.addi %parallel_loop3A_2266, %parallel_loop3A_2267 : vector<16xi32>
        %parallel_loop3A_2269 = tpu.vector_load_idx %arg17[%parallel_loop3A_2268] : memref<80xf32, #tpu.memory_space<vmem>>[vector<16xi32>], vector<16xf32>,
        %parallel_loop3A_2270 = arith.constant 5 : i32
        %parallel_loop3A_2271 = arith.addi %parallel_loop3A_90, %parallel_loop3A_2270 : i32
        %parallel_loop3A_2272 = arith.index_cast %parallel_loop3A_2271 : i32 to index
        %parallel_loop3A_2273 = arith.constant 0 : index
        %parallel_loop3A_2274 = tpu.vector_load %arg9[%parallel_loop3A_2272, %parallel_loop3A_2273] {strides = array<i32>} : memref<80x128xf32, #tpu.memory_space<vmem>>, vector<16xf32>,
        %parallel_loop3A_2275 = arith.mulf %parallel_loop3A_2274, %parallel_loop3A_2269 : vector<16xf32>
        %parallel_loop3A_2276 = arith.constant 5 : i32
        %parallel_loop3A_2277 = arith.addi %parallel_loop3A_90, %parallel_loop3A_2276 : i32
        %parallel_loop3A_2278 = arith.index_cast %parallel_loop3A_2277 : i32 to index
        %parallel_loop3A_2279 = arith.constant 0 : index
        %parallel_loop3A_2280 = tpu.vector_load %arg10[%parallel_loop3A_2278, %parallel_loop3A_2279] {strides = array<i32>} : memref<80x128xf32, #tpu.memory_space<vmem>>, vector<16xf32>,
        tpu.vector_store %arg10[%parallel_loop3A_2278, %parallel_loop3A_2279], %parallel_loop3A_2275 {strides = array<i32>} : memref<80x128xf32, #tpu.memory_space<vmem>>, vector<16xf32>,
        %parallel_loop3A_2281 = arith.constant 5 : i32
        %parallel_loop3A_2282 = arith.addi %parallel_loop3A_90, %parallel_loop3A_2281 : i32
        %parallel_loop3A_2283 = arith.index_cast %parallel_loop3A_2282 : i32 to index
        %parallel_loop3A_2284 = arith.constant 16 : index
        %parallel_loop3A_2285 = tpu.vector_load %arg9[%parallel_loop3A_2283, %parallel_loop3A_2284] {strides = array<i32>} : memref<80x128xf32, #tpu.memory_space<vmem>>, vector<16xf32>,
        %parallel_loop3A_2286 = arith.mulf %parallel_loop3A_2285, %parallel_loop3A_2269 : vector<16xf32>
        %parallel_loop3A_2287 = arith.constant 5 : i32
        %parallel_loop3A_2288 = arith.addi %parallel_loop3A_90, %parallel_loop3A_2287 : i32
        %parallel_loop3A_2289 = arith.index_cast %parallel_loop3A_2288 : i32 to index
        %parallel_loop3A_2290 = arith.constant 16 : index
        %parallel_loop3A_2291 = tpu.vector_load %arg10[%parallel_loop3A_2289, %parallel_loop3A_2290] {strides = array<i32>} : memref<80x128xf32, #tpu.memory_space<vmem>>, vector<16xf32>,
        tpu.vector_store %arg10[%parallel_loop3A_2289, %parallel_loop3A_2290], %parallel_loop3A_2286 {strides = array<i32>} : memref<80x128xf32, #tpu.memory_space<vmem>>, vector<16xf32>,
        %parallel_loop3A_2292 = arith.constant 5 : i32
        %parallel_loop3A_2293 = arith.addi %parallel_loop3A_90, %parallel_loop3A_2292 : i32
        %parallel_loop3A_2294 = arith.index_cast %parallel_loop3A_2293 : i32 to index
        %parallel_loop3A_2295 = arith.constant 32 : index
        %parallel_loop3A_2296 = tpu.vector_load %arg9[%parallel_loop3A_2294, %parallel_loop3A_2295] {strides = array<i32>} : memref<80x128xf32, #tpu.memory_space<vmem>>, vector<16xf32>,
        %parallel_loop3A_2297 = arith.mulf %parallel_loop3A_2296, %parallel_loop3A_2269 : vector<16xf32>
        %parallel_loop3A_2298 = arith.constant 5 : i32
        %parallel_loop3A_2299 = arith.addi %parallel_loop3A_90, %parallel_loop3A_2298 : i32
        %parallel_loop3A_2300 = arith.index_cast %parallel_loop3A_2299 : i32 to index
        %parallel_loop3A_2301 = arith.constant 32 : index
        %parallel_loop3A_2302 = tpu.vector_load %arg10[%parallel_loop3A_2300, %parallel_loop3A_2301] {strides = array<i32>} : memref<80x128xf32, #tpu.memory_space<vmem>>, vector<16xf32>,
        tpu.vector_store %arg10[%parallel_loop3A_2300, %parallel_loop3A_2301], %parallel_loop3A_2297 {strides = array<i32>} : memref<80x128xf32, #tpu.memory_space<vmem>>, vector<16xf32>,
        %parallel_loop3A_2303 = arith.constant 5 : i32
        %parallel_loop3A_2304 = arith.addi %parallel_loop3A_90, %parallel_loop3A_2303 : i32
        %parallel_loop3A_2305 = arith.index_cast %parallel_loop3A_2304 : i32 to index
        %parallel_loop3A_2306 = arith.constant 48 : index
        %parallel_loop3A_2307 = tpu.vector_load %arg9[%parallel_loop3A_2305, %parallel_loop3A_2306] {strides = array<i32>} : memref<80x128xf32, #tpu.memory_space<vmem>>, vector<16xf32>,
        %parallel_loop3A_2308 = arith.mulf %parallel_loop3A_2307, %parallel_loop3A_2269 : vector<16xf32>
        %parallel_loop3A_2309 = arith.constant 5 : i32
        %parallel_loop3A_2310 = arith.addi %parallel_loop3A_90, %parallel_loop3A_2309 : i32
        %parallel_loop3A_2311 = arith.index_cast %parallel_loop3A_2310 : i32 to index
        %parallel_loop3A_2312 = arith.constant 48 : index
        %parallel_loop3A_2313 = tpu.vector_load %arg10[%parallel_loop3A_2311, %parallel_loop3A_2312] {strides = array<i32>} : memref<80x128xf32, #tpu.memory_space<vmem>>, vector<16xf32>,
        tpu.vector_store %arg10[%parallel_loop3A_2311, %parallel_loop3A_2312], %parallel_loop3A_2308 {strides = array<i32>} : memref<80x128xf32, #tpu.memory_space<vmem>>, vector<16xf32>,
        %parallel_loop3A_2314 = arith.constant 5 : i32
        %parallel_loop3A_2315 = arith.addi %parallel_loop3A_90, %parallel_loop3A_2314 : i32
        %parallel_loop3A_2316 = arith.index_cast %parallel_loop3A_2315 : i32 to index
        %parallel_loop3A_2317 = arith.constant 64 : index
        %parallel_loop3A_2318 = tpu.vector_load %arg9[%parallel_loop3A_2316, %parallel_loop3A_2317] {strides = array<i32>} : memref<80x128xf32, #tpu.memory_space<vmem>>, vector<16xf32>,
        %parallel_loop3A_2319 = arith.mulf %parallel_loop3A_2318, %parallel_loop3A_2269 : vector<16xf32>
        %parallel_loop3A_2320 = arith.constant 5 : i32
        %parallel_loop3A_2321 = arith.addi %parallel_loop3A_90, %parallel_loop3A_2320 : i32
        %parallel_loop3A_2322 = arith.index_cast %parallel_loop3A_2321 : i32 to index
        %parallel_loop3A_2323 = arith.constant 64 : index
        %parallel_loop3A_2324 = tpu.vector_load %arg10[%parallel_loop3A_2322, %parallel_loop3A_2323] {strides = array<i32>} : memref<80x128xf32, #tpu.memory_space<vmem>>, vector<16xf32>,
        tpu.vector_store %arg10[%parallel_loop3A_2322, %parallel_loop3A_2323], %parallel_loop3A_2319 {strides = array<i32>} : memref<80x128xf32, #tpu.memory_space<vmem>>, vector<16xf32>,
        %parallel_loop3A_2325 = arith.constant 5 : i32
        %parallel_loop3A_2326 = arith.addi %parallel_loop3A_90, %parallel_loop3A_2325 : i32
        %parallel_loop3A_2327 = arith.index_cast %parallel_loop3A_2326 : i32 to index
        %parallel_loop3A_2328 = arith.constant 80 : index
        %parallel_loop3A_2329 = tpu.vector_load %arg9[%parallel_loop3A_2327, %parallel_loop3A_2328] {strides = array<i32>} : memref<80x128xf32, #tpu.memory_space<vmem>>, vector<16xf32>,
        %parallel_loop3A_2330 = arith.mulf %parallel_loop3A_2329, %parallel_loop3A_2269 : vector<16xf32>
        %parallel_loop3A_2331 = arith.constant 5 : i32
        %parallel_loop3A_2332 = arith.addi %parallel_loop3A_90, %parallel_loop3A_2331 : i32
        %parallel_loop3A_2333 = arith.index_cast %parallel_loop3A_2332 : i32 to index
        %parallel_loop3A_2334 = arith.constant 80 : index
        %parallel_loop3A_2335 = tpu.vector_load %arg10[%parallel_loop3A_2333, %parallel_loop3A_2334] {strides = array<i32>} : memref<80x128xf32, #tpu.memory_space<vmem>>, vector<16xf32>,
        tpu.vector_store %arg10[%parallel_loop3A_2333, %parallel_loop3A_2334], %parallel_loop3A_2330 {strides = array<i32>} : memref<80x128xf32, #tpu.memory_space<vmem>>, vector<16xf32>,
        %parallel_loop3A_2336 = arith.constant 5 : i32
        %parallel_loop3A_2337 = arith.addi %parallel_loop3A_90, %parallel_loop3A_2336 : i32
        %parallel_loop3A_2338 = arith.index_cast %parallel_loop3A_2337 : i32 to index
        %parallel_loop3A_2339 = arith.constant 96 : index
        %parallel_loop3A_2340 = tpu.vector_load %arg9[%parallel_loop3A_2338, %parallel_loop3A_2339] {strides = array<i32>} : memref<80x128xf32, #tpu.memory_space<vmem>>, vector<16xf32>,
        %parallel_loop3A_2341 = arith.mulf %parallel_loop3A_2340, %parallel_loop3A_2269 : vector<16xf32>
        %parallel_loop3A_2342 = arith.constant 5 : i32
        %parallel_loop3A_2343 = arith.addi %parallel_loop3A_90, %parallel_loop3A_2342 : i32
        %parallel_loop3A_2344 = arith.index_cast %parallel_loop3A_2343 : i32 to index
        %parallel_loop3A_2345 = arith.constant 96 : index
        %parallel_loop3A_2346 = tpu.vector_load %arg10[%parallel_loop3A_2344, %parallel_loop3A_2345] {strides = array<i32>} : memref<80x128xf32, #tpu.memory_space<vmem>>, vector<16xf32>,
        tpu.vector_store %arg10[%parallel_loop3A_2344, %parallel_loop3A_2345], %parallel_loop3A_2341 {strides = array<i32>} : memref<80x128xf32, #tpu.memory_space<vmem>>, vector<16xf32>,
        %parallel_loop3A_2347 = arith.constant 5 : i32
        %parallel_loop3A_2348 = arith.addi %parallel_loop3A_90, %parallel_loop3A_2347 : i32
        %parallel_loop3A_2349 = arith.index_cast %parallel_loop3A_2348 : i32 to index
        %parallel_loop3A_2350 = arith.constant 112 : index
        %parallel_loop3A_2351 = tpu.vector_load %arg9[%parallel_loop3A_2349, %parallel_loop3A_2350] {strides = array<i32>} : memref<80x128xf32, #tpu.memory_space<vmem>>, vector<16xf32>,
        %parallel_loop3A_2352 = arith.mulf %parallel_loop3A_2351, %parallel_loop3A_2269 : vector<16xf32>
        %parallel_loop3A_2353 = arith.constant 5 : i32
        %parallel_loop3A_2354 = arith.addi %parallel_loop3A_90, %parallel_loop3A_2353 : i32
        %parallel_loop3A_2355 = arith.index_cast %parallel_loop3A_2354 : i32 to index
        %parallel_loop3A_2356 = arith.constant 112 : index
        %parallel_loop3A_2357 = tpu.vector_load %arg10[%parallel_loop3A_2355, %parallel_loop3A_2356] {strides = array<i32>} : memref<80x128xf32, #tpu.memory_space<vmem>>, vector<16xf32>,
        tpu.vector_store %arg10[%parallel_loop3A_2355, %parallel_loop3A_2356], %parallel_loop3A_2352 {strides = array<i32>} : memref<80x128xf32, #tpu.memory_space<vmem>>, vector<16xf32>,
        %parallel_loop3A_2358 = arith.constant 6 : i32
        %parallel_loop3A_2359 = vector.broadcast %parallel_loop3A_2358 : i32 to vector<16xi32>
        %parallel_loop3A_2360 = vector.broadcast %parallel_loop3A_90 : i32 to vector<16xi32>
        %parallel_loop3A_2361 = arith.addi %parallel_loop3A_2359, %parallel_loop3A_2360 : vector<16xi32>
        %parallel_loop3A_2362 = tpu.vector_load_idx %arg17[%parallel_loop3A_2361] : memref<80xf32, #tpu.memory_space<vmem>>[vector<16xi32>], vector<16xf32>,
        %parallel_loop3A_2363 = arith.constant 6 : i32
        %parallel_loop3A_2364 = arith.addi %parallel_loop3A_90, %parallel_loop3A_2363 : i32
        %parallel_loop3A_2365 = arith.index_cast %parallel_loop3A_2364 : i32 to index
        %parallel_loop3A_2366 = arith.constant 0 : index
        %parallel_loop3A_2367 = tpu.vector_load %arg9[%parallel_loop3A_2365, %parallel_loop3A_2366] {strides = array<i32>} : memref<80x128xf32, #tpu.memory_space<vmem>>, vector<16xf32>,
        %parallel_loop3A_2368 = arith.mulf %parallel_loop3A_2367, %parallel_loop3A_2362 : vector<16xf32>
        %parallel_loop3A_2369 = arith.constant 6 : i32
        %parallel_loop3A_2370 = arith.addi %parallel_loop3A_90, %parallel_loop3A_2369 : i32
        %parallel_loop3A_2371 = arith.index_cast %parallel_loop3A_2370 : i32 to index
        %parallel_loop3A_2372 = arith.constant 0 : index
        %parallel_loop3A_2373 = tpu.vector_load %arg10[%parallel_loop3A_2371, %parallel_loop3A_2372] {strides = array<i32>} : memref<80x128xf32, #tpu.memory_space<vmem>>, vector<16xf32>,
        tpu.vector_store %arg10[%parallel_loop3A_2371, %parallel_loop3A_2372], %parallel_loop3A_2368 {strides = array<i32>} : memref<80x128xf32, #tpu.memory_space<vmem>>, vector<16xf32>,
        %parallel_loop3A_2374 = arith.constant 6 : i32
        %parallel_loop3A_2375 = arith.addi %parallel_loop3A_90, %parallel_loop3A_2374 : i32
        %parallel_loop3A_2376 = arith.index_cast %parallel_loop3A_2375 : i32 to index
        %parallel_loop3A_2377 = arith.constant 16 : index
        %parallel_loop3A_2378 = tpu.vector_load %arg9[%parallel_loop3A_2376, %parallel_loop3A_2377] {strides = array<i32>} : memref<80x128xf32, #tpu.memory_space<vmem>>, vector<16xf32>,
        %parallel_loop3A_2379 = arith.mulf %parallel_loop3A_2378, %parallel_loop3A_2362 : vector<16xf32>
        %parallel_loop3A_2380 = arith.constant 6 : i32
        %parallel_loop3A_2381 = arith.addi %parallel_loop3A_90, %parallel_loop3A_2380 : i32
        %parallel_loop3A_2382 = arith.index_cast %parallel_loop3A_2381 : i32 to index
        %parallel_loop3A_2383 = arith.constant 16 : index
        %parallel_loop3A_2384 = tpu.vector_load %arg10[%parallel_loop3A_2382, %parallel_loop3A_2383] {strides = array<i32>} : memref<80x128xf32, #tpu.memory_space<vmem>>, vector<16xf32>,
        tpu.vector_store %arg10[%parallel_loop3A_2382, %parallel_loop3A_2383], %parallel_loop3A_2379 {strides = array<i32>} : memref<80x128xf32, #tpu.memory_space<vmem>>, vector<16xf32>,
        %parallel_loop3A_2385 = arith.constant 6 : i32
        %parallel_loop3A_2386 = arith.addi %parallel_loop3A_90, %parallel_loop3A_2385 : i32
        %parallel_loop3A_2387 = arith.index_cast %parallel_loop3A_2386 : i32 to index
        %parallel_loop3A_2388 = arith.constant 32 : index
        %parallel_loop3A_2389 = tpu.vector_load %arg9[%parallel_loop3A_2387, %parallel_loop3A_2388] {strides = array<i32>} : memref<80x128xf32, #tpu.memory_space<vmem>>, vector<16xf32>,
        %parallel_loop3A_2390 = arith.mulf %parallel_loop3A_2389, %parallel_loop3A_2362 : vector<16xf32>
        %parallel_loop3A_2391 = arith.constant 6 : i32
        %parallel_loop3A_2392 = arith.addi %parallel_loop3A_90, %parallel_loop3A_2391 : i32
        %parallel_loop3A_2393 = arith.index_cast %parallel_loop3A_2392 : i32 to index
        %parallel_loop3A_2394 = arith.constant 32 : index
        %parallel_loop3A_2395 = tpu.vector_load %arg10[%parallel_loop3A_2393, %parallel_loop3A_2394] {strides = array<i32>} : memref<80x128xf32, #tpu.memory_space<vmem>>, vector<16xf32>,
        tpu.vector_store %arg10[%parallel_loop3A_2393, %parallel_loop3A_2394], %parallel_loop3A_2390 {strides = array<i32>} : memref<80x128xf32, #tpu.memory_space<vmem>>, vector<16xf32>,
        %parallel_loop3A_2396 = arith.constant 6 : i32
        %parallel_loop3A_2397 = arith.addi %parallel_loop3A_90, %parallel_loop3A_2396 : i32
        %parallel_loop3A_2398 = arith.index_cast %parallel_loop3A_2397 : i32 to index
        %parallel_loop3A_2399 = arith.constant 48 : index
        %parallel_loop3A_2400 = tpu.vector_load %arg9[%parallel_loop3A_2398, %parallel_loop3A_2399] {strides = array<i32>} : memref<80x128xf32, #tpu.memory_space<vmem>>, vector<16xf32>,
        %parallel_loop3A_2401 = arith.mulf %parallel_loop3A_2400, %parallel_loop3A_2362 : vector<16xf32>
        %parallel_loop3A_2402 = arith.constant 6 : i32
        %parallel_loop3A_2403 = arith.addi %parallel_loop3A_90, %parallel_loop3A_2402 : i32
        %parallel_loop3A_2404 = arith.index_cast %parallel_loop3A_2403 : i32 to index
        %parallel_loop3A_2405 = arith.constant 48 : index
        %parallel_loop3A_2406 = tpu.vector_load %arg10[%parallel_loop3A_2404, %parallel_loop3A_2405] {strides = array<i32>} : memref<80x128xf32, #tpu.memory_space<vmem>>, vector<16xf32>,
        tpu.vector_store %arg10[%parallel_loop3A_2404, %parallel_loop3A_2405], %parallel_loop3A_2401 {strides = array<i32>} : memref<80x128xf32, #tpu.memory_space<vmem>>, vector<16xf32>,
        %parallel_loop3A_2407 = arith.constant 6 : i32
        %parallel_loop3A_2408 = arith.addi %parallel_loop3A_90, %parallel_loop3A_2407 : i32
        %parallel_loop3A_2409 = arith.index_cast %parallel_loop3A_2408 : i32 to index
        %parallel_loop3A_2410 = arith.constant 64 : index
        %parallel_loop3A_2411 = tpu.vector_load %arg9[%parallel_loop3A_2409, %parallel_loop3A_2410] {strides = array<i32>} : memref<80x128xf32, #tpu.memory_space<vmem>>, vector<16xf32>,
        %parallel_loop3A_2412 = arith.mulf %parallel_loop3A_2411, %parallel_loop3A_2362 : vector<16xf32>
        %parallel_loop3A_2413 = arith.constant 6 : i32
        %parallel_loop3A_2414 = arith.addi %parallel_loop3A_90, %parallel_loop3A_2413 : i32
        %parallel_loop3A_2415 = arith.index_cast %parallel_loop3A_2414 : i32 to index
        %parallel_loop3A_2416 = arith.constant 64 : index
        %parallel_loop3A_2417 = tpu.vector_load %arg10[%parallel_loop3A_2415, %parallel_loop3A_2416] {strides = array<i32>} : memref<80x128xf32, #tpu.memory_space<vmem>>, vector<16xf32>,
        tpu.vector_store %arg10[%parallel_loop3A_2415, %parallel_loop3A_2416], %parallel_loop3A_2412 {strides = array<i32>} : memref<80x128xf32, #tpu.memory_space<vmem>>, vector<16xf32>,
        %parallel_loop3A_2418 = arith.constant 6 : i32
        %parallel_loop3A_2419 = arith.addi %parallel_loop3A_90, %parallel_loop3A_2418 : i32
        %parallel_loop3A_2420 = arith.index_cast %parallel_loop3A_2419 : i32 to index
        %parallel_loop3A_2421 = arith.constant 80 : index
        %parallel_loop3A_2422 = tpu.vector_load %arg9[%parallel_loop3A_2420, %parallel_loop3A_2421] {strides = array<i32>} : memref<80x128xf32, #tpu.memory_space<vmem>>, vector<16xf32>,
        %parallel_loop3A_2423 = arith.mulf %parallel_loop3A_2422, %parallel_loop3A_2362 : vector<16xf32>
        %parallel_loop3A_2424 = arith.constant 6 : i32
        %parallel_loop3A_2425 = arith.addi %parallel_loop3A_90, %parallel_loop3A_2424 : i32
        %parallel_loop3A_2426 = arith.index_cast %parallel_loop3A_2425 : i32 to index
        %parallel_loop3A_2427 = arith.constant 80 : index
        %parallel_loop3A_2428 = tpu.vector_load %arg10[%parallel_loop3A_2426, %parallel_loop3A_2427] {strides = array<i32>} : memref<80x128xf32, #tpu.memory_space<vmem>>, vector<16xf32>,
        tpu.vector_store %arg10[%parallel_loop3A_2426, %parallel_loop3A_2427], %parallel_loop3A_2423 {strides = array<i32>} : memref<80x128xf32, #tpu.memory_space<vmem>>, vector<16xf32>,
        %parallel_loop3A_2429 = arith.constant 6 : i32
        %parallel_loop3A_2430 = arith.addi %parallel_loop3A_90, %parallel_loop3A_2429 : i32
        %parallel_loop3A_2431 = arith.index_cast %parallel_loop3A_2430 : i32 to index
        %parallel_loop3A_2432 = arith.constant 96 : index
        %parallel_loop3A_2433 = tpu.vector_load %arg9[%parallel_loop3A_2431, %parallel_loop3A_2432] {strides = array<i32>} : memref<80x128xf32, #tpu.memory_space<vmem>>, vector<16xf32>,
        %parallel_loop3A_2434 = arith.mulf %parallel_loop3A_2433, %parallel_loop3A_2362 : vector<16xf32>
        %parallel_loop3A_2435 = arith.constant 6 : i32
        %parallel_loop3A_2436 = arith.addi %parallel_loop3A_90, %parallel_loop3A_2435 : i32
        %parallel_loop3A_2437 = arith.index_cast %parallel_loop3A_2436 : i32 to index
        %parallel_loop3A_2438 = arith.constant 96 : index
        %parallel_loop3A_2439 = tpu.vector_load %arg10[%parallel_loop3A_2437, %parallel_loop3A_2438] {strides = array<i32>} : memref<80x128xf32, #tpu.memory_space<vmem>>, vector<16xf32>,
        tpu.vector_store %arg10[%parallel_loop3A_2437, %parallel_loop3A_2438], %parallel_loop3A_2434 {strides = array<i32>} : memref<80x128xf32, #tpu.memory_space<vmem>>, vector<16xf32>,
        %parallel_loop3A_2440 = arith.constant 6 : i32
        %parallel_loop3A_2441 = arith.addi %parallel_loop3A_90, %parallel_loop3A_2440 : i32
        %parallel_loop3A_2442 = arith.index_cast %parallel_loop3A_2441 : i32 to index
        %parallel_loop3A_2443 = arith.constant 112 : index
        %parallel_loop3A_2444 = tpu.vector_load %arg9[%parallel_loop3A_2442, %parallel_loop3A_2443] {strides = array<i32>} : memref<80x128xf32, #tpu.memory_space<vmem>>, vector<16xf32>,
        %parallel_loop3A_2445 = arith.mulf %parallel_loop3A_2444, %parallel_loop3A_2362 : vector<16xf32>
        %parallel_loop3A_2446 = arith.constant 6 : i32
        %parallel_loop3A_2447 = arith.addi %parallel_loop3A_90, %parallel_loop3A_2446 : i32
        %parallel_loop3A_2448 = arith.index_cast %parallel_loop3A_2447 : i32 to index
        %parallel_loop3A_2449 = arith.constant 112 : index
        %parallel_loop3A_2450 = tpu.vector_load %arg10[%parallel_loop3A_2448, %parallel_loop3A_2449] {strides = array<i32>} : memref<80x128xf32, #tpu.memory_space<vmem>>, vector<16xf32>,
        tpu.vector_store %arg10[%parallel_loop3A_2448, %parallel_loop3A_2449], %parallel_loop3A_2445 {strides = array<i32>} : memref<80x128xf32, #tpu.memory_space<vmem>>, vector<16xf32>,
        %parallel_loop3A_2451 = arith.constant 7 : i32
        %parallel_loop3A_2452 = vector.broadcast %parallel_loop3A_2451 : i32 to vector<16xi32>
        %parallel_loop3A_2453 = vector.broadcast %parallel_loop3A_90 : i32 to vector<16xi32>
        %parallel_loop3A_2454 = arith.addi %parallel_loop3A_2452, %parallel_loop3A_2453 : vector<16xi32>
        %parallel_loop3A_2455 = tpu.vector_load_idx %arg17[%parallel_loop3A_2454] : memref<80xf32, #tpu.memory_space<vmem>>[vector<16xi32>], vector<16xf32>,
        %parallel_loop3A_2456 = arith.constant 7 : i32
        %parallel_loop3A_2457 = arith.addi %parallel_loop3A_90, %parallel_loop3A_2456 : i32
        %parallel_loop3A_2458 = arith.index_cast %parallel_loop3A_2457 : i32 to index
        %parallel_loop3A_2459 = arith.constant 0 : index
        %parallel_loop3A_2460 = tpu.vector_load %arg9[%parallel_loop3A_2458, %parallel_loop3A_2459] {strides = array<i32>} : memref<80x128xf32, #tpu.memory_space<vmem>>, vector<16xf32>,
        %parallel_loop3A_2461 = arith.mulf %parallel_loop3A_2460, %parallel_loop3A_2455 : vector<16xf32>
        %parallel_loop3A_2462 = arith.constant 7 : i32
        %parallel_loop3A_2463 = arith.addi %parallel_loop3A_90, %parallel_loop3A_2462 : i32
        %parallel_loop3A_2464 = arith.index_cast %parallel_loop3A_2463 : i32 to index
        %parallel_loop3A_2465 = arith.constant 0 : index
        %parallel_loop3A_2466 = tpu.vector_load %arg10[%parallel_loop3A_2464, %parallel_loop3A_2465] {strides = array<i32>} : memref<80x128xf32, #tpu.memory_space<vmem>>, vector<16xf32>,
        tpu.vector_store %arg10[%parallel_loop3A_2464, %parallel_loop3A_2465], %parallel_loop3A_2461 {strides = array<i32>} : memref<80x128xf32, #tpu.memory_space<vmem>>, vector<16xf32>,
        %parallel_loop3A_2467 = arith.constant 7 : i32
        %parallel_loop3A_2468 = arith.addi %parallel_loop3A_90, %parallel_loop3A_2467 : i32
        %parallel_loop3A_2469 = arith.index_cast %parallel_loop3A_2468 : i32 to index
        %parallel_loop3A_2470 = arith.constant 16 : index
        %parallel_loop3A_2471 = tpu.vector_load %arg9[%parallel_loop3A_2469, %parallel_loop3A_2470] {strides = array<i32>} : memref<80x128xf32, #tpu.memory_space<vmem>>, vector<16xf32>,
        %parallel_loop3A_2472 = arith.mulf %parallel_loop3A_2471, %parallel_loop3A_2455 : vector<16xf32>
        %parallel_loop3A_2473 = arith.constant 7 : i32
        %parallel_loop3A_2474 = arith.addi %parallel_loop3A_90, %parallel_loop3A_2473 : i32
        %parallel_loop3A_2475 = arith.index_cast %parallel_loop3A_2474 : i32 to index
        %parallel_loop3A_2476 = arith.constant 16 : index
        %parallel_loop3A_2477 = tpu.vector_load %arg10[%parallel_loop3A_2475, %parallel_loop3A_2476] {strides = array<i32>} : memref<80x128xf32, #tpu.memory_space<vmem>>, vector<16xf32>,
        tpu.vector_store %arg10[%parallel_loop3A_2475, %parallel_loop3A_2476], %parallel_loop3A_2472 {strides = array<i32>} : memref<80x128xf32, #tpu.memory_space<vmem>>, vector<16xf32>,
        %parallel_loop3A_2478 = arith.constant 7 : i32
        %parallel_loop3A_2479 = arith.addi %parallel_loop3A_90, %parallel_loop3A_2478 : i32
        %parallel_loop3A_2480 = arith.index_cast %parallel_loop3A_2479 : i32 to index
        %parallel_loop3A_2481 = arith.constant 32 : index
        %parallel_loop3A_2482 = tpu.vector_load %arg9[%parallel_loop3A_2480, %parallel_loop3A_2481] {strides = array<i32>} : memref<80x128xf32, #tpu.memory_space<vmem>>, vector<16xf32>,
        %parallel_loop3A_2483 = arith.mulf %parallel_loop3A_2482, %parallel_loop3A_2455 : vector<16xf32>
        %parallel_loop3A_2484 = arith.constant 7 : i32
        %parallel_loop3A_2485 = arith.addi %parallel_loop3A_90, %parallel_loop3A_2484 : i32
        %parallel_loop3A_2486 = arith.index_cast %parallel_loop3A_2485 : i32 to index
        %parallel_loop3A_2487 = arith.constant 32 : index
        %parallel_loop3A_2488 = tpu.vector_load %arg10[%parallel_loop3A_2486, %parallel_loop3A_2487] {strides = array<i32>} : memref<80x128xf32, #tpu.memory_space<vmem>>, vector<16xf32>,
        tpu.vector_store %arg10[%parallel_loop3A_2486, %parallel_loop3A_2487], %parallel_loop3A_2483 {strides = array<i32>} : memref<80x128xf32, #tpu.memory_space<vmem>>, vector<16xf32>,
        %parallel_loop3A_2489 = arith.constant 7 : i32
        %parallel_loop3A_2490 = arith.addi %parallel_loop3A_90, %parallel_loop3A_2489 : i32
        %parallel_loop3A_2491 = arith.index_cast %parallel_loop3A_2490 : i32 to index
        %parallel_loop3A_2492 = arith.constant 48 : index
        %parallel_loop3A_2493 = tpu.vector_load %arg9[%parallel_loop3A_2491, %parallel_loop3A_2492] {strides = array<i32>} : memref<80x128xf32, #tpu.memory_space<vmem>>, vector<16xf32>,
        %parallel_loop3A_2494 = arith.mulf %parallel_loop3A_2493, %parallel_loop3A_2455 : vector<16xf32>
        %parallel_loop3A_2495 = arith.constant 7 : i32
        %parallel_loop3A_2496 = arith.addi %parallel_loop3A_90, %parallel_loop3A_2495 : i32
        %parallel_loop3A_2497 = arith.index_cast %parallel_loop3A_2496 : i32 to index
        %parallel_loop3A_2498 = arith.constant 48 : index
        %parallel_loop3A_2499 = tpu.vector_load %arg10[%parallel_loop3A_2497, %parallel_loop3A_2498] {strides = array<i32>} : memref<80x128xf32, #tpu.memory_space<vmem>>, vector<16xf32>,
        tpu.vector_store %arg10[%parallel_loop3A_2497, %parallel_loop3A_2498], %parallel_loop3A_2494 {strides = array<i32>} : memref<80x128xf32, #tpu.memory_space<vmem>>, vector<16xf32>,
        %parallel_loop3A_2500 = arith.constant 7 : i32
        %parallel_loop3A_2501 = arith.addi %parallel_loop3A_90, %parallel_loop3A_2500 : i32
        %parallel_loop3A_2502 = arith.index_cast %parallel_loop3A_2501 : i32 to index
        %parallel_loop3A_2503 = arith.constant 64 : index
        %parallel_loop3A_2504 = tpu.vector_load %arg9[%parallel_loop3A_2502, %parallel_loop3A_2503] {strides = array<i32>} : memref<80x128xf32, #tpu.memory_space<vmem>>, vector<16xf32>,
        %parallel_loop3A_2505 = arith.mulf %parallel_loop3A_2504, %parallel_loop3A_2455 : vector<16xf32>
        %parallel_loop3A_2506 = arith.constant 7 : i32
        %parallel_loop3A_2507 = arith.addi %parallel_loop3A_90, %parallel_loop3A_2506 : i32
        %parallel_loop3A_2508 = arith.index_cast %parallel_loop3A_2507 : i32 to index
        %parallel_loop3A_2509 = arith.constant 64 : index
        %parallel_loop3A_2510 = tpu.vector_load %arg10[%parallel_loop3A_2508, %parallel_loop3A_2509] {strides = array<i32>} : memref<80x128xf32, #tpu.memory_space<vmem>>, vector<16xf32>,
        tpu.vector_store %arg10[%parallel_loop3A_2508, %parallel_loop3A_2509], %parallel_loop3A_2505 {strides = array<i32>} : memref<80x128xf32, #tpu.memory_space<vmem>>, vector<16xf32>,
        %parallel_loop3A_2511 = arith.constant 7 : i32
        %parallel_loop3A_2512 = arith.addi %parallel_loop3A_90, %parallel_loop3A_2511 : i32
        %parallel_loop3A_2513 = arith.index_cast %parallel_loop3A_2512 : i32 to index
        %parallel_loop3A_2514 = arith.constant 80 : index
        %parallel_loop3A_2515 = tpu.vector_load %arg9[%parallel_loop3A_2513, %parallel_loop3A_2514] {strides = array<i32>} : memref<80x128xf32, #tpu.memory_space<vmem>>, vector<16xf32>,
        %parallel_loop3A_2516 = arith.mulf %parallel_loop3A_2515, %parallel_loop3A_2455 : vector<16xf32>
        %parallel_loop3A_2517 = arith.constant 7 : i32
        %parallel_loop3A_2518 = arith.addi %parallel_loop3A_90, %parallel_loop3A_2517 : i32
        %parallel_loop3A_2519 = arith.index_cast %parallel_loop3A_2518 : i32 to index
        %parallel_loop3A_2520 = arith.constant 80 : index
        %parallel_loop3A_2521 = tpu.vector_load %arg10[%parallel_loop3A_2519, %parallel_loop3A_2520] {strides = array<i32>} : memref<80x128xf32, #tpu.memory_space<vmem>>, vector<16xf32>,
        tpu.vector_store %arg10[%parallel_loop3A_2519, %parallel_loop3A_2520], %parallel_loop3A_2516 {strides = array<i32>} : memref<80x128xf32, #tpu.memory_space<vmem>>, vector<16xf32>,
        %parallel_loop3A_2522 = arith.constant 7 : i32
        %parallel_loop3A_2523 = arith.addi %parallel_loop3A_90, %parallel_loop3A_2522 : i32
        %parallel_loop3A_2524 = arith.index_cast %parallel_loop3A_2523 : i32 to index
        %parallel_loop3A_2525 = arith.constant 96 : index
        %parallel_loop3A_2526 = tpu.vector_load %arg9[%parallel_loop3A_2524, %parallel_loop3A_2525] {strides = array<i32>} : memref<80x128xf32, #tpu.memory_space<vmem>>, vector<16xf32>,
        %parallel_loop3A_2527 = arith.mulf %parallel_loop3A_2526, %parallel_loop3A_2455 : vector<16xf32>
        %parallel_loop3A_2528 = arith.constant 7 : i32
        %parallel_loop3A_2529 = arith.addi %parallel_loop3A_90, %parallel_loop3A_2528 : i32
        %parallel_loop3A_2530 = arith.index_cast %parallel_loop3A_2529 : i32 to index
        %parallel_loop3A_2531 = arith.constant 96 : index
        %parallel_loop3A_2532 = tpu.vector_load %arg10[%parallel_loop3A_2530, %parallel_loop3A_2531] {strides = array<i32>} : memref<80x128xf32, #tpu.memory_space<vmem>>, vector<16xf32>,
        tpu.vector_store %arg10[%parallel_loop3A_2530, %parallel_loop3A_2531], %parallel_loop3A_2527 {strides = array<i32>} : memref<80x128xf32, #tpu.memory_space<vmem>>, vector<16xf32>,
        %parallel_loop3A_2533 = arith.constant 7 : i32
        %parallel_loop3A_2534 = arith.addi %parallel_loop3A_90, %parallel_loop3A_2533 : i32
        %parallel_loop3A_2535 = arith.index_cast %parallel_loop3A_2534 : i32 to index
        %parallel_loop3A_2536 = arith.constant 112 : index
        %parallel_loop3A_2537 = tpu.vector_load %arg9[%parallel_loop3A_2535, %parallel_loop3A_2536] {strides = array<i32>} : memref<80x128xf32, #tpu.memory_space<vmem>>, vector<16xf32>,
        %parallel_loop3A_2538 = arith.mulf %parallel_loop3A_2537, %parallel_loop3A_2455 : vector<16xf32>
        %parallel_loop3A_2539 = arith.constant 7 : i32
        %parallel_loop3A_2540 = arith.addi %parallel_loop3A_90, %parallel_loop3A_2539 : i32
        %parallel_loop3A_2541 = arith.index_cast %parallel_loop3A_2540 : i32 to index
        %parallel_loop3A_2542 = arith.constant 112 : index
        %parallel_loop3A_2543 = tpu.vector_load %arg10[%parallel_loop3A_2541, %parallel_loop3A_2542] {strides = array<i32>} : memref<80x128xf32, #tpu.memory_space<vmem>>, vector<16xf32>,
        tpu.vector_store %arg10[%parallel_loop3A_2541, %parallel_loop3A_2542], %parallel_loop3A_2538 {strides = array<i32>} : memref<80x128xf32, #tpu.memory_space<vmem>>, vector<16xf32>,
        %parallel_loop3A_2544 = arith.constant 8 : i32
        %parallel_loop3A_2545 = vector.broadcast %parallel_loop3A_2544 : i32 to vector<16xi32>
        %parallel_loop3A_2546 = vector.broadcast %parallel_loop3A_90 : i32 to vector<16xi32>
        %parallel_loop3A_2547 = arith.addi %parallel_loop3A_2545, %parallel_loop3A_2546 : vector<16xi32>
        %parallel_loop3A_2548 = tpu.vector_load_idx %arg17[%parallel_loop3A_2547] : memref<80xf32, #tpu.memory_space<vmem>>[vector<16xi32>], vector<16xf32>,
        %parallel_loop3A_2549 = arith.constant 8 : i32
        %parallel_loop3A_2550 = arith.addi %parallel_loop3A_90, %parallel_loop3A_2549 : i32
        %parallel_loop3A_2551 = arith.index_cast %parallel_loop3A_2550 : i32 to index
        %parallel_loop3A_2552 = arith.constant 0 : index
        %parallel_loop3A_2553 = tpu.vector_load %arg9[%parallel_loop3A_2551, %parallel_loop3A_2552] {strides = array<i32>} : memref<80x128xf32, #tpu.memory_space<vmem>>, vector<16xf32>,
        %parallel_loop3A_2554 = arith.mulf %parallel_loop3A_2553, %parallel_loop3A_2548 : vector<16xf32>
        %parallel_loop3A_2555 = arith.constant 8 : i32
        %parallel_loop3A_2556 = arith.addi %parallel_loop3A_90, %parallel_loop3A_2555 : i32
        %parallel_loop3A_2557 = arith.index_cast %parallel_loop3A_2556 : i32 to index
        %parallel_loop3A_2558 = arith.constant 0 : index
        %parallel_loop3A_2559 = tpu.vector_load %arg10[%parallel_loop3A_2557, %parallel_loop3A_2558] {strides = array<i32>} : memref<80x128xf32, #tpu.memory_space<vmem>>, vector<16xf32>,
        tpu.vector_store %arg10[%parallel_loop3A_2557, %parallel_loop3A_2558], %parallel_loop3A_2554 {strides = array<i32>} : memref<80x128xf32, #tpu.memory_space<vmem>>, vector<16xf32>,
        %parallel_loop3A_2560 = arith.constant 8 : i32
        %parallel_loop3A_2561 = arith.addi %parallel_loop3A_90, %parallel_loop3A_2560 : i32
        %parallel_loop3A_2562 = arith.index_cast %parallel_loop3A_2561 : i32 to index
        %parallel_loop3A_2563 = arith.constant 16 : index
        %parallel_loop3A_2564 = tpu.vector_load %arg9[%parallel_loop3A_2562, %parallel_loop3A_2563] {strides = array<i32>} : memref<80x128xf32, #tpu.memory_space<vmem>>, vector<16xf32>,
        %parallel_loop3A_2565 = arith.mulf %parallel_loop3A_2564, %parallel_loop3A_2548 : vector<16xf32>
        %parallel_loop3A_2566 = arith.constant 8 : i32
        %parallel_loop3A_2567 = arith.addi %parallel_loop3A_90, %parallel_loop3A_2566 : i32
        %parallel_loop3A_2568 = arith.index_cast %parallel_loop3A_2567 : i32 to index
        %parallel_loop3A_2569 = arith.constant 16 : index
        %parallel_loop3A_2570 = tpu.vector_load %arg10[%parallel_loop3A_2568, %parallel_loop3A_2569] {strides = array<i32>} : memref<80x128xf32, #tpu.memory_space<vmem>>, vector<16xf32>,
        tpu.vector_store %arg10[%parallel_loop3A_2568, %parallel_loop3A_2569], %parallel_loop3A_2565 {strides = array<i32>} : memref<80x128xf32, #tpu.memory_space<vmem>>, vector<16xf32>,
        %parallel_loop3A_2571 = arith.constant 8 : i32
        %parallel_loop3A_2572 = arith.addi %parallel_loop3A_90, %parallel_loop3A_2571 : i32
        %parallel_loop3A_2573 = arith.index_cast %parallel_loop3A_2572 : i32 to index
        %parallel_loop3A_2574 = arith.constant 32 : index
        %parallel_loop3A_2575 = tpu.vector_load %arg9[%parallel_loop3A_2573, %parallel_loop3A_2574] {strides = array<i32>} : memref<80x128xf32, #tpu.memory_space<vmem>>, vector<16xf32>,
        %parallel_loop3A_2576 = arith.mulf %parallel_loop3A_2575, %parallel_loop3A_2548 : vector<16xf32>
        %parallel_loop3A_2577 = arith.constant 8 : i32
        %parallel_loop3A_2578 = arith.addi %parallel_loop3A_90, %parallel_loop3A_2577 : i32
        %parallel_loop3A_2579 = arith.index_cast %parallel_loop3A_2578 : i32 to index
        %parallel_loop3A_2580 = arith.constant 32 : index
        %parallel_loop3A_2581 = tpu.vector_load %arg10[%parallel_loop3A_2579, %parallel_loop3A_2580] {strides = array<i32>} : memref<80x128xf32, #tpu.memory_space<vmem>>, vector<16xf32>,
        tpu.vector_store %arg10[%parallel_loop3A_2579, %parallel_loop3A_2580], %parallel_loop3A_2576 {strides = array<i32>} : memref<80x128xf32, #tpu.memory_space<vmem>>, vector<16xf32>,
        %parallel_loop3A_2582 = arith.constant 8 : i32
        %parallel_loop3A_2583 = arith.addi %parallel_loop3A_90, %parallel_loop3A_2582 : i32
        %parallel_loop3A_2584 = arith.index_cast %parallel_loop3A_2583 : i32 to index
        %parallel_loop3A_2585 = arith.constant 48 : index
        %parallel_loop3A_2586 = tpu.vector_load %arg9[%parallel_loop3A_2584, %parallel_loop3A_2585] {strides = array<i32>} : memref<80x128xf32, #tpu.memory_space<vmem>>, vector<16xf32>,
        %parallel_loop3A_2587 = arith.mulf %parallel_loop3A_2586, %parallel_loop3A_2548 : vector<16xf32>
        %parallel_loop3A_2588 = arith.constant 8 : i32
        %parallel_loop3A_2589 = arith.addi %parallel_loop3A_90, %parallel_loop3A_2588 : i32
        %parallel_loop3A_2590 = arith.index_cast %parallel_loop3A_2589 : i32 to index
        %parallel_loop3A_2591 = arith.constant 48 : index
        %parallel_loop3A_2592 = tpu.vector_load %arg10[%parallel_loop3A_2590, %parallel_loop3A_2591] {strides = array<i32>} : memref<80x128xf32, #tpu.memory_space<vmem>>, vector<16xf32>,
        tpu.vector_store %arg10[%parallel_loop3A_2590, %parallel_loop3A_2591], %parallel_loop3A_2587 {strides = array<i32>} : memref<80x128xf32, #tpu.memory_space<vmem>>, vector<16xf32>,
        %parallel_loop3A_2593 = arith.constant 8 : i32
        %parallel_loop3A_2594 = arith.addi %parallel_loop3A_90, %parallel_loop3A_2593 : i32
        %parallel_loop3A_2595 = arith.index_cast %parallel_loop3A_2594 : i32 to index
        %parallel_loop3A_2596 = arith.constant 64 : index
        %parallel_loop3A_2597 = tpu.vector_load %arg9[%parallel_loop3A_2595, %parallel_loop3A_2596] {strides = array<i32>} : memref<80x128xf32, #tpu.memory_space<vmem>>, vector<16xf32>,
        %parallel_loop3A_2598 = arith.mulf %parallel_loop3A_2597, %parallel_loop3A_2548 : vector<16xf32>
        %parallel_loop3A_2599 = arith.constant 8 : i32
        %parallel_loop3A_2600 = arith.addi %parallel_loop3A_90, %parallel_loop3A_2599 : i32
        %parallel_loop3A_2601 = arith.index_cast %parallel_loop3A_2600 : i32 to index
        %parallel_loop3A_2602 = arith.constant 64 : index
        %parallel_loop3A_2603 = tpu.vector_load %arg10[%parallel_loop3A_2601, %parallel_loop3A_2602] {strides = array<i32>} : memref<80x128xf32, #tpu.memory_space<vmem>>, vector<16xf32>,
        tpu.vector_store %arg10[%parallel_loop3A_2601, %parallel_loop3A_2602], %parallel_loop3A_2598 {strides = array<i32>} : memref<80x128xf32, #tpu.memory_space<vmem>>, vector<16xf32>,
        %parallel_loop3A_2604 = arith.constant 8 : i32
        %parallel_loop3A_2605 = arith.addi %parallel_loop3A_90, %parallel_loop3A_2604 : i32
        %parallel_loop3A_2606 = arith.index_cast %parallel_loop3A_2605 : i32 to index
        %parallel_loop3A_2607 = arith.constant 80 : index
        %parallel_loop3A_2608 = tpu.vector_load %arg9[%parallel_loop3A_2606, %parallel_loop3A_2607] {strides = array<i32>} : memref<80x128xf32, #tpu.memory_space<vmem>>, vector<16xf32>,
        %parallel_loop3A_2609 = arith.mulf %parallel_loop3A_2608, %parallel_loop3A_2548 : vector<16xf32>
        %parallel_loop3A_2610 = arith.constant 8 : i32
        %parallel_loop3A_2611 = arith.addi %parallel_loop3A_90, %parallel_loop3A_2610 : i32
        %parallel_loop3A_2612 = arith.index_cast %parallel_loop3A_2611 : i32 to index
        %parallel_loop3A_2613 = arith.constant 80 : index
        %parallel_loop3A_2614 = tpu.vector_load %arg10[%parallel_loop3A_2612, %parallel_loop3A_2613] {strides = array<i32>} : memref<80x128xf32, #tpu.memory_space<vmem>>, vector<16xf32>,
        tpu.vector_store %arg10[%parallel_loop3A_2612, %parallel_loop3A_2613], %parallel_loop3A_2609 {strides = array<i32>} : memref<80x128xf32, #tpu.memory_space<vmem>>, vector<16xf32>,
        %parallel_loop3A_2615 = arith.constant 8 : i32
        %parallel_loop3A_2616 = arith.addi %parallel_loop3A_90, %parallel_loop3A_2615 : i32
        %parallel_loop3A_2617 = arith.index_cast %parallel_loop3A_2616 : i32 to index
        %parallel_loop3A_2618 = arith.constant 96 : index
        %parallel_loop3A_2619 = tpu.vector_load %arg9[%parallel_loop3A_2617, %parallel_loop3A_2618] {strides = array<i32>} : memref<80x128xf32, #tpu.memory_space<vmem>>, vector<16xf32>,
        %parallel_loop3A_2620 = arith.mulf %parallel_loop3A_2619, %parallel_loop3A_2548 : vector<16xf32>
        %parallel_loop3A_2621 = arith.constant 8 : i32
        %parallel_loop3A_2622 = arith.addi %parallel_loop3A_90, %parallel_loop3A_2621 : i32
        %parallel_loop3A_2623 = arith.index_cast %parallel_loop3A_2622 : i32 to index
        %parallel_loop3A_2624 = arith.constant 96 : index
        %parallel_loop3A_2625 = tpu.vector_load %arg10[%parallel_loop3A_2623, %parallel_loop3A_2624] {strides = array<i32>} : memref<80x128xf32, #tpu.memory_space<vmem>>, vector<16xf32>,
        tpu.vector_store %arg10[%parallel_loop3A_2623, %parallel_loop3A_2624], %parallel_loop3A_2620 {strides = array<i32>} : memref<80x128xf32, #tpu.memory_space<vmem>>, vector<16xf32>,
        %parallel_loop3A_2626 = arith.constant 8 : i32
        %parallel_loop3A_2627 = arith.addi %parallel_loop3A_90, %parallel_loop3A_2626 : i32
        %parallel_loop3A_2628 = arith.index_cast %parallel_loop3A_2627 : i32 to index
        %parallel_loop3A_2629 = arith.constant 112 : index
        %parallel_loop3A_2630 = tpu.vector_load %arg9[%parallel_loop3A_2628, %parallel_loop3A_2629] {strides = array<i32>} : memref<80x128xf32, #tpu.memory_space<vmem>>, vector<16xf32>,
        %parallel_loop3A_2631 = arith.mulf %parallel_loop3A_2630, %parallel_loop3A_2548 : vector<16xf32>
        %parallel_loop3A_2632 = arith.constant 8 : i32
        %parallel_loop3A_2633 = arith.addi %parallel_loop3A_90, %parallel_loop3A_2632 : i32
        %parallel_loop3A_2634 = arith.index_cast %parallel_loop3A_2633 : i32 to index
        %parallel_loop3A_2635 = arith.constant 112 : index
        %parallel_loop3A_2636 = tpu.vector_load %arg10[%parallel_loop3A_2634, %parallel_loop3A_2635] {strides = array<i32>} : memref<80x128xf32, #tpu.memory_space<vmem>>, vector<16xf32>,
        tpu.vector_store %arg10[%parallel_loop3A_2634, %parallel_loop3A_2635], %parallel_loop3A_2631 {strides = array<i32>} : memref<80x128xf32, #tpu.memory_space<vmem>>, vector<16xf32>,
        %parallel_loop3A_2637 = arith.constant 9 : i32
        %parallel_loop3A_2638 = vector.broadcast %parallel_loop3A_2637 : i32 to vector<16xi32>
        %parallel_loop3A_2639 = vector.broadcast %parallel_loop3A_90 : i32 to vector<16xi32>
        %parallel_loop3A_2640 = arith.addi %parallel_loop3A_2638, %parallel_loop3A_2639 : vector<16xi32>
        %parallel_loop3A_2641 = tpu.vector_load_idx %arg17[%parallel_loop3A_2640] : memref<80xf32, #tpu.memory_space<vmem>>[vector<16xi32>], vector<16xf32>,
        %parallel_loop3A_2642 = arith.constant 9 : i32
        %parallel_loop3A_2643 = arith.addi %parallel_loop3A_90, %parallel_loop3A_2642 : i32
        %parallel_loop3A_2644 = arith.index_cast %parallel_loop3A_2643 : i32 to index
        %parallel_loop3A_2645 = arith.constant 0 : index
        %parallel_loop3A_2646 = tpu.vector_load %arg9[%parallel_loop3A_2644, %parallel_loop3A_2645] {strides = array<i32>} : memref<80x128xf32, #tpu.memory_space<vmem>>, vector<16xf32>,
        %parallel_loop3A_2647 = arith.mulf %parallel_loop3A_2646, %parallel_loop3A_2641 : vector<16xf32>
        %parallel_loop3A_2648 = arith.constant 9 : i32
        %parallel_loop3A_2649 = arith.addi %parallel_loop3A_90, %parallel_loop3A_2648 : i32
        %parallel_loop3A_2650 = arith.index_cast %parallel_loop3A_2649 : i32 to index
        %parallel_loop3A_2651 = arith.constant 0 : index
        %parallel_loop3A_2652 = tpu.vector_load %arg10[%parallel_loop3A_2650, %parallel_loop3A_2651] {strides = array<i32>} : memref<80x128xf32, #tpu.memory_space<vmem>>, vector<16xf32>,
        tpu.vector_store %arg10[%parallel_loop3A_2650, %parallel_loop3A_2651], %parallel_loop3A_2647 {strides = array<i32>} : memref<80x128xf32, #tpu.memory_space<vmem>>, vector<16xf32>,
        %parallel_loop3A_2653 = arith.constant 9 : i32
        %parallel_loop3A_2654 = arith.addi %parallel_loop3A_90, %parallel_loop3A_2653 : i32
        %parallel_loop3A_2655 = arith.index_cast %parallel_loop3A_2654 : i32 to index
        %parallel_loop3A_2656 = arith.constant 16 : index
        %parallel_loop3A_2657 = tpu.vector_load %arg9[%parallel_loop3A_2655, %parallel_loop3A_2656] {strides = array<i32>} : memref<80x128xf32, #tpu.memory_space<vmem>>, vector<16xf32>,
        %parallel_loop3A_2658 = arith.mulf %parallel_loop3A_2657, %parallel_loop3A_2641 : vector<16xf32>
        %parallel_loop3A_2659 = arith.constant 9 : i32
        %parallel_loop3A_2660 = arith.addi %parallel_loop3A_90, %parallel_loop3A_2659 : i32
        %parallel_loop3A_2661 = arith.index_cast %parallel_loop3A_2660 : i32 to index
        %parallel_loop3A_2662 = arith.constant 16 : index
        %parallel_loop3A_2663 = tpu.vector_load %arg10[%parallel_loop3A_2661, %parallel_loop3A_2662] {strides = array<i32>} : memref<80x128xf32, #tpu.memory_space<vmem>>, vector<16xf32>,
        tpu.vector_store %arg10[%parallel_loop3A_2661, %parallel_loop3A_2662], %parallel_loop3A_2658 {strides = array<i32>} : memref<80x128xf32, #tpu.memory_space<vmem>>, vector<16xf32>,
        %parallel_loop3A_2664 = arith.constant 9 : i32
        %parallel_loop3A_2665 = arith.addi %parallel_loop3A_90, %parallel_loop3A_2664 : i32
        %parallel_loop3A_2666 = arith.index_cast %parallel_loop3A_2665 : i32 to index
        %parallel_loop3A_2667 = arith.constant 32 : index
        %parallel_loop3A_2668 = tpu.vector_load %arg9[%parallel_loop3A_2666, %parallel_loop3A_2667] {strides = array<i32>} : memref<80x128xf32, #tpu.memory_space<vmem>>, vector<16xf32>,
        %parallel_loop3A_2669 = arith.mulf %parallel_loop3A_2668, %parallel_loop3A_2641 : vector<16xf32>
        %parallel_loop3A_2670 = arith.constant 9 : i32
        %parallel_loop3A_2671 = arith.addi %parallel_loop3A_90, %parallel_loop3A_2670 : i32
        %parallel_loop3A_2672 = arith.index_cast %parallel_loop3A_2671 : i32 to index
        %parallel_loop3A_2673 = arith.constant 32 : index
        %parallel_loop3A_2674 = tpu.vector_load %arg10[%parallel_loop3A_2672, %parallel_loop3A_2673] {strides = array<i32>} : memref<80x128xf32, #tpu.memory_space<vmem>>, vector<16xf32>,
        tpu.vector_store %arg10[%parallel_loop3A_2672, %parallel_loop3A_2673], %parallel_loop3A_2669 {strides = array<i32>} : memref<80x128xf32, #tpu.memory_space<vmem>>, vector<16xf32>,
        %parallel_loop3A_2675 = arith.constant 9 : i32
        %parallel_loop3A_2676 = arith.addi %parallel_loop3A_90, %parallel_loop3A_2675 : i32
        %parallel_loop3A_2677 = arith.index_cast %parallel_loop3A_2676 : i32 to index
        %parallel_loop3A_2678 = arith.constant 48 : index
        %parallel_loop3A_2679 = tpu.vector_load %arg9[%parallel_loop3A_2677, %parallel_loop3A_2678] {strides = array<i32>} : memref<80x128xf32, #tpu.memory_space<vmem>>, vector<16xf32>,
        %parallel_loop3A_2680 = arith.mulf %parallel_loop3A_2679, %parallel_loop3A_2641 : vector<16xf32>
        %parallel_loop3A_2681 = arith.constant 9 : i32
        %parallel_loop3A_2682 = arith.addi %parallel_loop3A_90, %parallel_loop3A_2681 : i32
        %parallel_loop3A_2683 = arith.index_cast %parallel_loop3A_2682 : i32 to index
        %parallel_loop3A_2684 = arith.constant 48 : index
        %parallel_loop3A_2685 = tpu.vector_load %arg10[%parallel_loop3A_2683, %parallel_loop3A_2684] {strides = array<i32>} : memref<80x128xf32, #tpu.memory_space<vmem>>, vector<16xf32>,
        tpu.vector_store %arg10[%parallel_loop3A_2683, %parallel_loop3A_2684], %parallel_loop3A_2680 {strides = array<i32>} : memref<80x128xf32, #tpu.memory_space<vmem>>, vector<16xf32>,
        %parallel_loop3A_2686 = arith.constant 9 : i32
        %parallel_loop3A_2687 = arith.addi %parallel_loop3A_90, %parallel_loop3A_2686 : i32
        %parallel_loop3A_2688 = arith.index_cast %parallel_loop3A_2687 : i32 to index
        %parallel_loop3A_2689 = arith.constant 64 : index
        %parallel_loop3A_2690 = tpu.vector_load %arg9[%parallel_loop3A_2688, %parallel_loop3A_2689] {strides = array<i32>} : memref<80x128xf32, #tpu.memory_space<vmem>>, vector<16xf32>,
        %parallel_loop3A_2691 = arith.mulf %parallel_loop3A_2690, %parallel_loop3A_2641 : vector<16xf32>
        %parallel_loop3A_2692 = arith.constant 9 : i32
        %parallel_loop3A_2693 = arith.addi %parallel_loop3A_90, %parallel_loop3A_2692 : i32
        %parallel_loop3A_2694 = arith.index_cast %parallel_loop3A_2693 : i32 to index
        %parallel_loop3A_2695 = arith.constant 64 : index
        %parallel_loop3A_2696 = tpu.vector_load %arg10[%parallel_loop3A_2694, %parallel_loop3A_2695] {strides = array<i32>} : memref<80x128xf32, #tpu.memory_space<vmem>>, vector<16xf32>,
        tpu.vector_store %arg10[%parallel_loop3A_2694, %parallel_loop3A_2695], %parallel_loop3A_2691 {strides = array<i32>} : memref<80x128xf32, #tpu.memory_space<vmem>>, vector<16xf32>,
        %parallel_loop3A_2697 = arith.constant 9 : i32
        %parallel_loop3A_2698 = arith.addi %parallel_loop3A_90, %parallel_loop3A_2697 : i32
        %parallel_loop3A_2699 = arith.index_cast %parallel_loop3A_2698 : i32 to index
        %parallel_loop3A_2700 = arith.constant 80 : index
        %parallel_loop3A_2701 = tpu.vector_load %arg9[%parallel_loop3A_2699, %parallel_loop3A_2700] {strides = array<i32>} : memref<80x128xf32, #tpu.memory_space<vmem>>, vector<16xf32>,
        %parallel_loop3A_2702 = arith.mulf %parallel_loop3A_2701, %parallel_loop3A_2641 : vector<16xf32>
        %parallel_loop3A_2703 = arith.constant 9 : i32
        %parallel_loop3A_2704 = arith.addi %parallel_loop3A_90, %parallel_loop3A_2703 : i32
        %parallel_loop3A_2705 = arith.index_cast %parallel_loop3A_2704 : i32 to index
        %parallel_loop3A_2706 = arith.constant 80 : index
        %parallel_loop3A_2707 = tpu.vector_load %arg10[%parallel_loop3A_2705, %parallel_loop3A_2706] {strides = array<i32>} : memref<80x128xf32, #tpu.memory_space<vmem>>, vector<16xf32>,
        tpu.vector_store %arg10[%parallel_loop3A_2705, %parallel_loop3A_2706], %parallel_loop3A_2702 {strides = array<i32>} : memref<80x128xf32, #tpu.memory_space<vmem>>, vector<16xf32>,
        %parallel_loop3A_2708 = arith.constant 9 : i32
        %parallel_loop3A_2709 = arith.addi %parallel_loop3A_90, %parallel_loop3A_2708 : i32
        %parallel_loop3A_2710 = arith.index_cast %parallel_loop3A_2709 : i32 to index
        %parallel_loop3A_2711 = arith.constant 96 : index
        %parallel_loop3A_2712 = tpu.vector_load %arg9[%parallel_loop3A_2710, %parallel_loop3A_2711] {strides = array<i32>} : memref<80x128xf32, #tpu.memory_space<vmem>>, vector<16xf32>,
        %parallel_loop3A_2713 = arith.mulf %parallel_loop3A_2712, %parallel_loop3A_2641 : vector<16xf32>
        %parallel_loop3A_2714 = arith.constant 9 : i32
        %parallel_loop3A_2715 = arith.addi %parallel_loop3A_90, %parallel_loop3A_2714 : i32
        %parallel_loop3A_2716 = arith.index_cast %parallel_loop3A_2715 : i32 to index
        %parallel_loop3A_2717 = arith.constant 96 : index
        %parallel_loop3A_2718 = tpu.vector_load %arg10[%parallel_loop3A_2716, %parallel_loop3A_2717] {strides = array<i32>} : memref<80x128xf32, #tpu.memory_space<vmem>>, vector<16xf32>,
        tpu.vector_store %arg10[%parallel_loop3A_2716, %parallel_loop3A_2717], %parallel_loop3A_2713 {strides = array<i32>} : memref<80x128xf32, #tpu.memory_space<vmem>>, vector<16xf32>,
        %parallel_loop3A_2719 = arith.constant 9 : i32
        %parallel_loop3A_2720 = arith.addi %parallel_loop3A_90, %parallel_loop3A_2719 : i32
        %parallel_loop3A_2721 = arith.index_cast %parallel_loop3A_2720 : i32 to index
        %parallel_loop3A_2722 = arith.constant 112 : index
        %parallel_loop3A_2723 = tpu.vector_load %arg9[%parallel_loop3A_2721, %parallel_loop3A_2722] {strides = array<i32>} : memref<80x128xf32, #tpu.memory_space<vmem>>, vector<16xf32>,
        %parallel_loop3A_2724 = arith.mulf %parallel_loop3A_2723, %parallel_loop3A_2641 : vector<16xf32>
        %parallel_loop3A_2725 = arith.constant 9 : i32
        %parallel_loop3A_2726 = arith.addi %parallel_loop3A_90, %parallel_loop3A_2725 : i32
        %parallel_loop3A_2727 = arith.index_cast %parallel_loop3A_2726 : i32 to index
        %parallel_loop3A_2728 = arith.constant 112 : index
        %parallel_loop3A_2729 = tpu.vector_load %arg10[%parallel_loop3A_2727, %parallel_loop3A_2728] {strides = array<i32>} : memref<80x128xf32, #tpu.memory_space<vmem>>, vector<16xf32>,
        tpu.vector_store %arg10[%parallel_loop3A_2727, %parallel_loop3A_2728], %parallel_loop3A_2724 {strides = array<i32>} : memref<80x128xf32, #tpu.memory_space<vmem>>, vector<16xf32>,
        %parallel_loop3A_2730 = arith.constant 10 : i32
        %parallel_loop3A_2731 = vector.broadcast %parallel_loop3A_2730 : i32 to vector<16xi32>
        %parallel_loop3A_2732 = vector.broadcast %parallel_loop3A_90 : i32 to vector<16xi32>
        %parallel_loop3A_2733 = arith.addi %parallel_loop3A_2731, %parallel_loop3A_2732 : vector<16xi32>
        %parallel_loop3A_2734 = tpu.vector_load_idx %arg17[%parallel_loop3A_2733] : memref<80xf32, #tpu.memory_space<vmem>>[vector<16xi32>], vector<16xf32>,
        %parallel_loop3A_2735 = arith.constant 10 : i32
        %parallel_loop3A_2736 = arith.addi %parallel_loop3A_90, %parallel_loop3A_2735 : i32
        %parallel_loop3A_2737 = arith.index_cast %parallel_loop3A_2736 : i32 to index
        %parallel_loop3A_2738 = arith.constant 0 : index
        %parallel_loop3A_2739 = tpu.vector_load %arg9[%parallel_loop3A_2737, %parallel_loop3A_2738] {strides = array<i32>} : memref<80x128xf32, #tpu.memory_space<vmem>>, vector<16xf32>,
        %parallel_loop3A_2740 = arith.mulf %parallel_loop3A_2739, %parallel_loop3A_2734 : vector<16xf32>
        %parallel_loop3A_2741 = arith.constant 10 : i32
        %parallel_loop3A_2742 = arith.addi %parallel_loop3A_90, %parallel_loop3A_2741 : i32
        %parallel_loop3A_2743 = arith.index_cast %parallel_loop3A_2742 : i32 to index
        %parallel_loop3A_2744 = arith.constant 0 : index
        %parallel_loop3A_2745 = tpu.vector_load %arg10[%parallel_loop3A_2743, %parallel_loop3A_2744] {strides = array<i32>} : memref<80x128xf32, #tpu.memory_space<vmem>>, vector<16xf32>,
        tpu.vector_store %arg10[%parallel_loop3A_2743, %parallel_loop3A_2744], %parallel_loop3A_2740 {strides = array<i32>} : memref<80x128xf32, #tpu.memory_space<vmem>>, vector<16xf32>,
        %parallel_loop3A_2746 = arith.constant 10 : i32
        %parallel_loop3A_2747 = arith.addi %parallel_loop3A_90, %parallel_loop3A_2746 : i32
        %parallel_loop3A_2748 = arith.index_cast %parallel_loop3A_2747 : i32 to index
        %parallel_loop3A_2749 = arith.constant 16 : index
        %parallel_loop3A_2750 = tpu.vector_load %arg9[%parallel_loop3A_2748, %parallel_loop3A_2749] {strides = array<i32>} : memref<80x128xf32, #tpu.memory_space<vmem>>, vector<16xf32>,
        %parallel_loop3A_2751 = arith.mulf %parallel_loop3A_2750, %parallel_loop3A_2734 : vector<16xf32>
        %parallel_loop3A_2752 = arith.constant 10 : i32
        %parallel_loop3A_2753 = arith.addi %parallel_loop3A_90, %parallel_loop3A_2752 : i32
        %parallel_loop3A_2754 = arith.index_cast %parallel_loop3A_2753 : i32 to index
        %parallel_loop3A_2755 = arith.constant 16 : index
        %parallel_loop3A_2756 = tpu.vector_load %arg10[%parallel_loop3A_2754, %parallel_loop3A_2755] {strides = array<i32>} : memref<80x128xf32, #tpu.memory_space<vmem>>, vector<16xf32>,
        tpu.vector_store %arg10[%parallel_loop3A_2754, %parallel_loop3A_2755], %parallel_loop3A_2751 {strides = array<i32>} : memref<80x128xf32, #tpu.memory_space<vmem>>, vector<16xf32>,
        %parallel_loop3A_2757 = arith.constant 10 : i32
        %parallel_loop3A_2758 = arith.addi %parallel_loop3A_90, %parallel_loop3A_2757 : i32
        %parallel_loop3A_2759 = arith.index_cast %parallel_loop3A_2758 : i32 to index
        %parallel_loop3A_2760 = arith.constant 32 : index
        %parallel_loop3A_2761 = tpu.vector_load %arg9[%parallel_loop3A_2759, %parallel_loop3A_2760] {strides = array<i32>} : memref<80x128xf32, #tpu.memory_space<vmem>>, vector<16xf32>,
        %parallel_loop3A_2762 = arith.mulf %parallel_loop3A_2761, %parallel_loop3A_2734 : vector<16xf32>
        %parallel_loop3A_2763 = arith.constant 10 : i32
        %parallel_loop3A_2764 = arith.addi %parallel_loop3A_90, %parallel_loop3A_2763 : i32
        %parallel_loop3A_2765 = arith.index_cast %parallel_loop3A_2764 : i32 to index
        %parallel_loop3A_2766 = arith.constant 32 : index
        %parallel_loop3A_2767 = tpu.vector_load %arg10[%parallel_loop3A_2765, %parallel_loop3A_2766] {strides = array<i32>} : memref<80x128xf32, #tpu.memory_space<vmem>>, vector<16xf32>,
        tpu.vector_store %arg10[%parallel_loop3A_2765, %parallel_loop3A_2766], %parallel_loop3A_2762 {strides = array<i32>} : memref<80x128xf32, #tpu.memory_space<vmem>>, vector<16xf32>,
        %parallel_loop3A_2768 = arith.constant 10 : i32
        %parallel_loop3A_2769 = arith.addi %parallel_loop3A_90, %parallel_loop3A_2768 : i32
        %parallel_loop3A_2770 = arith.index_cast %parallel_loop3A_2769 : i32 to index
        %parallel_loop3A_2771 = arith.constant 48 : index
        %parallel_loop3A_2772 = tpu.vector_load %arg9[%parallel_loop3A_2770, %parallel_loop3A_2771] {strides = array<i32>} : memref<80x128xf32, #tpu.memory_space<vmem>>, vector<16xf32>,
        %parallel_loop3A_2773 = arith.mulf %parallel_loop3A_2772, %parallel_loop3A_2734 : vector<16xf32>
        %parallel_loop3A_2774 = arith.constant 10 : i32
        %parallel_loop3A_2775 = arith.addi %parallel_loop3A_90, %parallel_loop3A_2774 : i32
        %parallel_loop3A_2776 = arith.index_cast %parallel_loop3A_2775 : i32 to index
        %parallel_loop3A_2777 = arith.constant 48 : index
        %parallel_loop3A_2778 = tpu.vector_load %arg10[%parallel_loop3A_2776, %parallel_loop3A_2777] {strides = array<i32>} : memref<80x128xf32, #tpu.memory_space<vmem>>, vector<16xf32>,
        tpu.vector_store %arg10[%parallel_loop3A_2776, %parallel_loop3A_2777], %parallel_loop3A_2773 {strides = array<i32>} : memref<80x128xf32, #tpu.memory_space<vmem>>, vector<16xf32>,
        %parallel_loop3A_2779 = arith.constant 10 : i32
        %parallel_loop3A_2780 = arith.addi %parallel_loop3A_90, %parallel_loop3A_2779 : i32
        %parallel_loop3A_2781 = arith.index_cast %parallel_loop3A_2780 : i32 to index
        %parallel_loop3A_2782 = arith.constant 64 : index
        %parallel_loop3A_2783 = tpu.vector_load %arg9[%parallel_loop3A_2781, %parallel_loop3A_2782] {strides = array<i32>} : memref<80x128xf32, #tpu.memory_space<vmem>>, vector<16xf32>,
        %parallel_loop3A_2784 = arith.mulf %parallel_loop3A_2783, %parallel_loop3A_2734 : vector<16xf32>
        %parallel_loop3A_2785 = arith.constant 10 : i32
        %parallel_loop3A_2786 = arith.addi %parallel_loop3A_90, %parallel_loop3A_2785 : i32
        %parallel_loop3A_2787 = arith.index_cast %parallel_loop3A_2786 : i32 to index
        %parallel_loop3A_2788 = arith.constant 64 : index
        %parallel_loop3A_2789 = tpu.vector_load %arg10[%parallel_loop3A_2787, %parallel_loop3A_2788] {strides = array<i32>} : memref<80x128xf32, #tpu.memory_space<vmem>>, vector<16xf32>,
        tpu.vector_store %arg10[%parallel_loop3A_2787, %parallel_loop3A_2788], %parallel_loop3A_2784 {strides = array<i32>} : memref<80x128xf32, #tpu.memory_space<vmem>>, vector<16xf32>,
        %parallel_loop3A_2790 = arith.constant 10 : i32
        %parallel_loop3A_2791 = arith.addi %parallel_loop3A_90, %parallel_loop3A_2790 : i32
        %parallel_loop3A_2792 = arith.index_cast %parallel_loop3A_2791 : i32 to index
        %parallel_loop3A_2793 = arith.constant 80 : index
        %parallel_loop3A_2794 = tpu.vector_load %arg9[%parallel_loop3A_2792, %parallel_loop3A_2793] {strides = array<i32>} : memref<80x128xf32, #tpu.memory_space<vmem>>, vector<16xf32>,
        %parallel_loop3A_2795 = arith.mulf %parallel_loop3A_2794, %parallel_loop3A_2734 : vector<16xf32>
        %parallel_loop3A_2796 = arith.constant 10 : i32
        %parallel_loop3A_2797 = arith.addi %parallel_loop3A_90, %parallel_loop3A_2796 : i32
        %parallel_loop3A_2798 = arith.index_cast %parallel_loop3A_2797 : i32 to index
        %parallel_loop3A_2799 = arith.constant 80 : index
        %parallel_loop3A_2800 = tpu.vector_load %arg10[%parallel_loop3A_2798, %parallel_loop3A_2799] {strides = array<i32>} : memref<80x128xf32, #tpu.memory_space<vmem>>, vector<16xf32>,
        tpu.vector_store %arg10[%parallel_loop3A_2798, %parallel_loop3A_2799], %parallel_loop3A_2795 {strides = array<i32>} : memref<80x128xf32, #tpu.memory_space<vmem>>, vector<16xf32>,
        %parallel_loop3A_2801 = arith.constant 10 : i32
        %parallel_loop3A_2802 = arith.addi %parallel_loop3A_90, %parallel_loop3A_2801 : i32
        %parallel_loop3A_2803 = arith.index_cast %parallel_loop3A_2802 : i32 to index
        %parallel_loop3A_2804 = arith.constant 96 : index
        %parallel_loop3A_2805 = tpu.vector_load %arg9[%parallel_loop3A_2803, %parallel_loop3A_2804] {strides = array<i32>} : memref<80x128xf32, #tpu.memory_space<vmem>>, vector<16xf32>,
        %parallel_loop3A_2806 = arith.mulf %parallel_loop3A_2805, %parallel_loop3A_2734 : vector<16xf32>
        %parallel_loop3A_2807 = arith.constant 10 : i32
        %parallel_loop3A_2808 = arith.addi %parallel_loop3A_90, %parallel_loop3A_2807 : i32
        %parallel_loop3A_2809 = arith.index_cast %parallel_loop3A_2808 : i32 to index
        %parallel_loop3A_2810 = arith.constant 96 : index
        %parallel_loop3A_2811 = tpu.vector_load %arg10[%parallel_loop3A_2809, %parallel_loop3A_2810] {strides = array<i32>} : memref<80x128xf32, #tpu.memory_space<vmem>>, vector<16xf32>,
        tpu.vector_store %arg10[%parallel_loop3A_2809, %parallel_loop3A_2810], %parallel_loop3A_2806 {strides = array<i32>} : memref<80x128xf32, #tpu.memory_space<vmem>>, vector<16xf32>,
        %parallel_loop3A_2812 = arith.constant 10 : i32
        %parallel_loop3A_2813 = arith.addi %parallel_loop3A_90, %parallel_loop3A_2812 : i32
        %parallel_loop3A_2814 = arith.index_cast %parallel_loop3A_2813 : i32 to index
        %parallel_loop3A_2815 = arith.constant 112 : index
        %parallel_loop3A_2816 = tpu.vector_load %arg9[%parallel_loop3A_2814, %parallel_loop3A_2815] {strides = array<i32>} : memref<80x128xf32, #tpu.memory_space<vmem>>, vector<16xf32>,
        %parallel_loop3A_2817 = arith.mulf %parallel_loop3A_2816, %parallel_loop3A_2734 : vector<16xf32>
        %parallel_loop3A_2818 = arith.constant 10 : i32
        %parallel_loop3A_2819 = arith.addi %parallel_loop3A_90, %parallel_loop3A_2818 : i32
        %parallel_loop3A_2820 = arith.index_cast %parallel_loop3A_2819 : i32 to index
        %parallel_loop3A_2821 = arith.constant 112 : index
        %parallel_loop3A_2822 = tpu.vector_load %arg10[%parallel_loop3A_2820, %parallel_loop3A_2821] {strides = array<i32>} : memref<80x128xf32, #tpu.memory_space<vmem>>, vector<16xf32>,
        tpu.vector_store %arg10[%parallel_loop3A_2820, %parallel_loop3A_2821], %parallel_loop3A_2817 {strides = array<i32>} : memref<80x128xf32, #tpu.memory_space<vmem>>, vector<16xf32>,
        %parallel_loop3A_2823 = arith.constant 11 : i32
        %parallel_loop3A_2824 = vector.broadcast %parallel_loop3A_2823 : i32 to vector<16xi32>
        %parallel_loop3A_2825 = vector.broadcast %parallel_loop3A_90 : i32 to vector<16xi32>
        %parallel_loop3A_2826 = arith.addi %parallel_loop3A_2824, %parallel_loop3A_2825 : vector<16xi32>
        %parallel_loop3A_2827 = tpu.vector_load_idx %arg17[%parallel_loop3A_2826] : memref<80xf32, #tpu.memory_space<vmem>>[vector<16xi32>], vector<16xf32>,
        %parallel_loop3A_2828 = arith.constant 11 : i32
        %parallel_loop3A_2829 = arith.addi %parallel_loop3A_90, %parallel_loop3A_2828 : i32
        %parallel_loop3A_2830 = arith.index_cast %parallel_loop3A_2829 : i32 to index
        %parallel_loop3A_2831 = arith.constant 0 : index
        %parallel_loop3A_2832 = tpu.vector_load %arg9[%parallel_loop3A_2830, %parallel_loop3A_2831] {strides = array<i32>} : memref<80x128xf32, #tpu.memory_space<vmem>>, vector<16xf32>,
        %parallel_loop3A_2833 = arith.mulf %parallel_loop3A_2832, %parallel_loop3A_2827 : vector<16xf32>
        %parallel_loop3A_2834 = arith.constant 11 : i32
        %parallel_loop3A_2835 = arith.addi %parallel_loop3A_90, %parallel_loop3A_2834 : i32
        %parallel_loop3A_2836 = arith.index_cast %parallel_loop3A_2835 : i32 to index
        %parallel_loop3A_2837 = arith.constant 0 : index
        %parallel_loop3A_2838 = tpu.vector_load %arg10[%parallel_loop3A_2836, %parallel_loop3A_2837] {strides = array<i32>} : memref<80x128xf32, #tpu.memory_space<vmem>>, vector<16xf32>,
        tpu.vector_store %arg10[%parallel_loop3A_2836, %parallel_loop3A_2837], %parallel_loop3A_2833 {strides = array<i32>} : memref<80x128xf32, #tpu.memory_space<vmem>>, vector<16xf32>,
        %parallel_loop3A_2839 = arith.constant 11 : i32
        %parallel_loop3A_2840 = arith.addi %parallel_loop3A_90, %parallel_loop3A_2839 : i32
        %parallel_loop3A_2841 = arith.index_cast %parallel_loop3A_2840 : i32 to index
        %parallel_loop3A_2842 = arith.constant 16 : index
        %parallel_loop3A_2843 = tpu.vector_load %arg9[%parallel_loop3A_2841, %parallel_loop3A_2842] {strides = array<i32>} : memref<80x128xf32, #tpu.memory_space<vmem>>, vector<16xf32>,
        %parallel_loop3A_2844 = arith.mulf %parallel_loop3A_2843, %parallel_loop3A_2827 : vector<16xf32>
        %parallel_loop3A_2845 = arith.constant 11 : i32
        %parallel_loop3A_2846 = arith.addi %parallel_loop3A_90, %parallel_loop3A_2845 : i32
        %parallel_loop3A_2847 = arith.index_cast %parallel_loop3A_2846 : i32 to index
        %parallel_loop3A_2848 = arith.constant 16 : index
        %parallel_loop3A_2849 = tpu.vector_load %arg10[%parallel_loop3A_2847, %parallel_loop3A_2848] {strides = array<i32>} : memref<80x128xf32, #tpu.memory_space<vmem>>, vector<16xf32>,
        tpu.vector_store %arg10[%parallel_loop3A_2847, %parallel_loop3A_2848], %parallel_loop3A_2844 {strides = array<i32>} : memref<80x128xf32, #tpu.memory_space<vmem>>, vector<16xf32>,
        %parallel_loop3A_2850 = arith.constant 11 : i32
        %parallel_loop3A_2851 = arith.addi %parallel_loop3A_90, %parallel_loop3A_2850 : i32
        %parallel_loop3A_2852 = arith.index_cast %parallel_loop3A_2851 : i32 to index
        %parallel_loop3A_2853 = arith.constant 32 : index
        %parallel_loop3A_2854 = tpu.vector_load %arg9[%parallel_loop3A_2852, %parallel_loop3A_2853] {strides = array<i32>} : memref<80x128xf32, #tpu.memory_space<vmem>>, vector<16xf32>,
        %parallel_loop3A_2855 = arith.mulf %parallel_loop3A_2854, %parallel_loop3A_2827 : vector<16xf32>
        %parallel_loop3A_2856 = arith.constant 11 : i32
        %parallel_loop3A_2857 = arith.addi %parallel_loop3A_90, %parallel_loop3A_2856 : i32
        %parallel_loop3A_2858 = arith.index_cast %parallel_loop3A_2857 : i32 to index
        %parallel_loop3A_2859 = arith.constant 32 : index
        %parallel_loop3A_2860 = tpu.vector_load %arg10[%parallel_loop3A_2858, %parallel_loop3A_2859] {strides = array<i32>} : memref<80x128xf32, #tpu.memory_space<vmem>>, vector<16xf32>,
        tpu.vector_store %arg10[%parallel_loop3A_2858, %parallel_loop3A_2859], %parallel_loop3A_2855 {strides = array<i32>} : memref<80x128xf32, #tpu.memory_space<vmem>>, vector<16xf32>,
        %parallel_loop3A_2861 = arith.constant 11 : i32
        %parallel_loop3A_2862 = arith.addi %parallel_loop3A_90, %parallel_loop3A_2861 : i32
        %parallel_loop3A_2863 = arith.index_cast %parallel_loop3A_2862 : i32 to index
        %parallel_loop3A_2864 = arith.constant 48 : index
        %parallel_loop3A_2865 = tpu.vector_load %arg9[%parallel_loop3A_2863, %parallel_loop3A_2864] {strides = array<i32>} : memref<80x128xf32, #tpu.memory_space<vmem>>, vector<16xf32>,
        %parallel_loop3A_2866 = arith.mulf %parallel_loop3A_2865, %parallel_loop3A_2827 : vector<16xf32>
        %parallel_loop3A_2867 = arith.constant 11 : i32
        %parallel_loop3A_2868 = arith.addi %parallel_loop3A_90, %parallel_loop3A_2867 : i32
        %parallel_loop3A_2869 = arith.index_cast %parallel_loop3A_2868 : i32 to index
        %parallel_loop3A_2870 = arith.constant 48 : index
        %parallel_loop3A_2871 = tpu.vector_load %arg10[%parallel_loop3A_2869, %parallel_loop3A_2870] {strides = array<i32>} : memref<80x128xf32, #tpu.memory_space<vmem>>, vector<16xf32>,
        tpu.vector_store %arg10[%parallel_loop3A_2869, %parallel_loop3A_2870], %parallel_loop3A_2866 {strides = array<i32>} : memref<80x128xf32, #tpu.memory_space<vmem>>, vector<16xf32>,
        %parallel_loop3A_2872 = arith.constant 11 : i32
        %parallel_loop3A_2873 = arith.addi %parallel_loop3A_90, %parallel_loop3A_2872 : i32
        %parallel_loop3A_2874 = arith.index_cast %parallel_loop3A_2873 : i32 to index
        %parallel_loop3A_2875 = arith.constant 64 : index
        %parallel_loop3A_2876 = tpu.vector_load %arg9[%parallel_loop3A_2874, %parallel_loop3A_2875] {strides = array<i32>} : memref<80x128xf32, #tpu.memory_space<vmem>>, vector<16xf32>,
        %parallel_loop3A_2877 = arith.mulf %parallel_loop3A_2876, %parallel_loop3A_2827 : vector<16xf32>
        %parallel_loop3A_2878 = arith.constant 11 : i32
        %parallel_loop3A_2879 = arith.addi %parallel_loop3A_90, %parallel_loop3A_2878 : i32
        %parallel_loop3A_2880 = arith.index_cast %parallel_loop3A_2879 : i32 to index
        %parallel_loop3A_2881 = arith.constant 64 : index
        %parallel_loop3A_2882 = tpu.vector_load %arg10[%parallel_loop3A_2880, %parallel_loop3A_2881] {strides = array<i32>} : memref<80x128xf32, #tpu.memory_space<vmem>>, vector<16xf32>,
        tpu.vector_store %arg10[%parallel_loop3A_2880, %parallel_loop3A_2881], %parallel_loop3A_2877 {strides = array<i32>} : memref<80x128xf32, #tpu.memory_space<vmem>>, vector<16xf32>,
        %parallel_loop3A_2883 = arith.constant 11 : i32
        %parallel_loop3A_2884 = arith.addi %parallel_loop3A_90, %parallel_loop3A_2883 : i32
        %parallel_loop3A_2885 = arith.index_cast %parallel_loop3A_2884 : i32 to index
        %parallel_loop3A_2886 = arith.constant 80 : index
        %parallel_loop3A_2887 = tpu.vector_load %arg9[%parallel_loop3A_2885, %parallel_loop3A_2886] {strides = array<i32>} : memref<80x128xf32, #tpu.memory_space<vmem>>, vector<16xf32>,
        %parallel_loop3A_2888 = arith.mulf %parallel_loop3A_2887, %parallel_loop3A_2827 : vector<16xf32>
        %parallel_loop3A_2889 = arith.constant 11 : i32
        %parallel_loop3A_2890 = arith.addi %parallel_loop3A_90, %parallel_loop3A_2889 : i32
        %parallel_loop3A_2891 = arith.index_cast %parallel_loop3A_2890 : i32 to index
        %parallel_loop3A_2892 = arith.constant 80 : index
        %parallel_loop3A_2893 = tpu.vector_load %arg10[%parallel_loop3A_2891, %parallel_loop3A_2892] {strides = array<i32>} : memref<80x128xf32, #tpu.memory_space<vmem>>, vector<16xf32>,
        tpu.vector_store %arg10[%parallel_loop3A_2891, %parallel_loop3A_2892], %parallel_loop3A_2888 {strides = array<i32>} : memref<80x128xf32, #tpu.memory_space<vmem>>, vector<16xf32>,
        %parallel_loop3A_2894 = arith.constant 11 : i32
        %parallel_loop3A_2895 = arith.addi %parallel_loop3A_90, %parallel_loop3A_2894 : i32
        %parallel_loop3A_2896 = arith.index_cast %parallel_loop3A_2895 : i32 to index
        %parallel_loop3A_2897 = arith.constant 96 : index
        %parallel_loop3A_2898 = tpu.vector_load %arg9[%parallel_loop3A_2896, %parallel_loop3A_2897] {strides = array<i32>} : memref<80x128xf32, #tpu.memory_space<vmem>>, vector<16xf32>,
        %parallel_loop3A_2899 = arith.mulf %parallel_loop3A_2898, %parallel_loop3A_2827 : vector<16xf32>
        %parallel_loop3A_2900 = arith.constant 11 : i32
        %parallel_loop3A_2901 = arith.addi %parallel_loop3A_90, %parallel_loop3A_2900 : i32
        %parallel_loop3A_2902 = arith.index_cast %parallel_loop3A_2901 : i32 to index
        %parallel_loop3A_2903 = arith.constant 96 : index
        %parallel_loop3A_2904 = tpu.vector_load %arg10[%parallel_loop3A_2902, %parallel_loop3A_2903] {strides = array<i32>} : memref<80x128xf32, #tpu.memory_space<vmem>>, vector<16xf32>,
        tpu.vector_store %arg10[%parallel_loop3A_2902, %parallel_loop3A_2903], %parallel_loop3A_2899 {strides = array<i32>} : memref<80x128xf32, #tpu.memory_space<vmem>>, vector<16xf32>,
        %parallel_loop3A_2905 = arith.constant 11 : i32
        %parallel_loop3A_2906 = arith.addi %parallel_loop3A_90, %parallel_loop3A_2905 : i32
        %parallel_loop3A_2907 = arith.index_cast %parallel_loop3A_2906 : i32 to index
        %parallel_loop3A_2908 = arith.constant 112 : index
        %parallel_loop3A_2909 = tpu.vector_load %arg9[%parallel_loop3A_2907, %parallel_loop3A_2908] {strides = array<i32>} : memref<80x128xf32, #tpu.memory_space<vmem>>, vector<16xf32>,
        %parallel_loop3A_2910 = arith.mulf %parallel_loop3A_2909, %parallel_loop3A_2827 : vector<16xf32>
        %parallel_loop3A_2911 = arith.constant 11 : i32
        %parallel_loop3A_2912 = arith.addi %parallel_loop3A_90, %parallel_loop3A_2911 : i32
        %parallel_loop3A_2913 = arith.index_cast %parallel_loop3A_2912 : i32 to index
        %parallel_loop3A_2914 = arith.constant 112 : index
        %parallel_loop3A_2915 = tpu.vector_load %arg10[%parallel_loop3A_2913, %parallel_loop3A_2914] {strides = array<i32>} : memref<80x128xf32, #tpu.memory_space<vmem>>, vector<16xf32>,
        tpu.vector_store %arg10[%parallel_loop3A_2913, %parallel_loop3A_2914], %parallel_loop3A_2910 {strides = array<i32>} : memref<80x128xf32, #tpu.memory_space<vmem>>, vector<16xf32>,
        %parallel_loop3A_2916 = arith.constant 12 : i32
        %parallel_loop3A_2917 = vector.broadcast %parallel_loop3A_2916 : i32 to vector<16xi32>
        %parallel_loop3A_2918 = vector.broadcast %parallel_loop3A_90 : i32 to vector<16xi32>
        %parallel_loop3A_2919 = arith.addi %parallel_loop3A_2917, %parallel_loop3A_2918 : vector<16xi32>
        %parallel_loop3A_2920 = tpu.vector_load_idx %arg17[%parallel_loop3A_2919] : memref<80xf32, #tpu.memory_space<vmem>>[vector<16xi32>], vector<16xf32>,
        %parallel_loop3A_2921 = arith.constant 12 : i32
        %parallel_loop3A_2922 = arith.addi %parallel_loop3A_90, %parallel_loop3A_2921 : i32
        %parallel_loop3A_2923 = arith.index_cast %parallel_loop3A_2922 : i32 to index
        %parallel_loop3A_2924 = arith.constant 0 : index
        %parallel_loop3A_2925 = tpu.vector_load %arg9[%parallel_loop3A_2923, %parallel_loop3A_2924] {strides = array<i32>} : memref<80x128xf32, #tpu.memory_space<vmem>>, vector<16xf32>,
        %parallel_loop3A_2926 = arith.mulf %parallel_loop3A_2925, %parallel_loop3A_2920 : vector<16xf32>
        %parallel_loop3A_2927 = arith.constant 12 : i32
        %parallel_loop3A_2928 = arith.addi %parallel_loop3A_90, %parallel_loop3A_2927 : i32
        %parallel_loop3A_2929 = arith.index_cast %parallel_loop3A_2928 : i32 to index
        %parallel_loop3A_2930 = arith.constant 0 : index
        %parallel_loop3A_2931 = tpu.vector_load %arg10[%parallel_loop3A_2929, %parallel_loop3A_2930] {strides = array<i32>} : memref<80x128xf32, #tpu.memory_space<vmem>>, vector<16xf32>,
        tpu.vector_store %arg10[%parallel_loop3A_2929, %parallel_loop3A_2930], %parallel_loop3A_2926 {strides = array<i32>} : memref<80x128xf32, #tpu.memory_space<vmem>>, vector<16xf32>,
        %parallel_loop3A_2932 = arith.constant 12 : i32
        %parallel_loop3A_2933 = arith.addi %parallel_loop3A_90, %parallel_loop3A_2932 : i32
        %parallel_loop3A_2934 = arith.index_cast %parallel_loop3A_2933 : i32 to index
        %parallel_loop3A_2935 = arith.constant 16 : index
        %parallel_loop3A_2936 = tpu.vector_load %arg9[%parallel_loop3A_2934, %parallel_loop3A_2935] {strides = array<i32>} : memref<80x128xf32, #tpu.memory_space<vmem>>, vector<16xf32>,
        %parallel_loop3A_2937 = arith.mulf %parallel_loop3A_2936, %parallel_loop3A_2920 : vector<16xf32>
        %parallel_loop3A_2938 = arith.constant 12 : i32
        %parallel_loop3A_2939 = arith.addi %parallel_loop3A_90, %parallel_loop3A_2938 : i32
        %parallel_loop3A_2940 = arith.index_cast %parallel_loop3A_2939 : i32 to index
        %parallel_loop3A_2941 = arith.constant 16 : index
        %parallel_loop3A_2942 = tpu.vector_load %arg10[%parallel_loop3A_2940, %parallel_loop3A_2941] {strides = array<i32>} : memref<80x128xf32, #tpu.memory_space<vmem>>, vector<16xf32>,
        tpu.vector_store %arg10[%parallel_loop3A_2940, %parallel_loop3A_2941], %parallel_loop3A_2937 {strides = array<i32>} : memref<80x128xf32, #tpu.memory_space<vmem>>, vector<16xf32>,
        %parallel_loop3A_2943 = arith.constant 12 : i32
        %parallel_loop3A_2944 = arith.addi %parallel_loop3A_90, %parallel_loop3A_2943 : i32
        %parallel_loop3A_2945 = arith.index_cast %parallel_loop3A_2944 : i32 to index
        %parallel_loop3A_2946 = arith.constant 32 : index
        %parallel_loop3A_2947 = tpu.vector_load %arg9[%parallel_loop3A_2945, %parallel_loop3A_2946] {strides = array<i32>} : memref<80x128xf32, #tpu.memory_space<vmem>>, vector<16xf32>,
        %parallel_loop3A_2948 = arith.mulf %parallel_loop3A_2947, %parallel_loop3A_2920 : vector<16xf32>
        %parallel_loop3A_2949 = arith.constant 12 : i32
        %parallel_loop3A_2950 = arith.addi %parallel_loop3A_90, %parallel_loop3A_2949 : i32
        %parallel_loop3A_2951 = arith.index_cast %parallel_loop3A_2950 : i32 to index
        %parallel_loop3A_2952 = arith.constant 32 : index
        %parallel_loop3A_2953 = tpu.vector_load %arg10[%parallel_loop3A_2951, %parallel_loop3A_2952] {strides = array<i32>} : memref<80x128xf32, #tpu.memory_space<vmem>>, vector<16xf32>,
        tpu.vector_store %arg10[%parallel_loop3A_2951, %parallel_loop3A_2952], %parallel_loop3A_2948 {strides = array<i32>} : memref<80x128xf32, #tpu.memory_space<vmem>>, vector<16xf32>,
        %parallel_loop3A_2954 = arith.constant 12 : i32
        %parallel_loop3A_2955 = arith.addi %parallel_loop3A_90, %parallel_loop3A_2954 : i32
        %parallel_loop3A_2956 = arith.index_cast %parallel_loop3A_2955 : i32 to index
        %parallel_loop3A_2957 = arith.constant 48 : index
        %parallel_loop3A_2958 = tpu.vector_load %arg9[%parallel_loop3A_2956, %parallel_loop3A_2957] {strides = array<i32>} : memref<80x128xf32, #tpu.memory_space<vmem>>, vector<16xf32>,
        %parallel_loop3A_2959 = arith.mulf %parallel_loop3A_2958, %parallel_loop3A_2920 : vector<16xf32>
        %parallel_loop3A_2960 = arith.constant 12 : i32
        %parallel_loop3A_2961 = arith.addi %parallel_loop3A_90, %parallel_loop3A_2960 : i32
        %parallel_loop3A_2962 = arith.index_cast %parallel_loop3A_2961 : i32 to index
        %parallel_loop3A_2963 = arith.constant 48 : index
        %parallel_loop3A_2964 = tpu.vector_load %arg10[%parallel_loop3A_2962, %parallel_loop3A_2963] {strides = array<i32>} : memref<80x128xf32, #tpu.memory_space<vmem>>, vector<16xf32>,
        tpu.vector_store %arg10[%parallel_loop3A_2962, %parallel_loop3A_2963], %parallel_loop3A_2959 {strides = array<i32>} : memref<80x128xf32, #tpu.memory_space<vmem>>, vector<16xf32>,
        %parallel_loop3A_2965 = arith.constant 12 : i32
        %parallel_loop3A_2966 = arith.addi %parallel_loop3A_90, %parallel_loop3A_2965 : i32
        %parallel_loop3A_2967 = arith.index_cast %parallel_loop3A_2966 : i32 to index
        %parallel_loop3A_2968 = arith.constant 64 : index
        %parallel_loop3A_2969 = tpu.vector_load %arg9[%parallel_loop3A_2967, %parallel_loop3A_2968] {strides = array<i32>} : memref<80x128xf32, #tpu.memory_space<vmem>>, vector<16xf32>,
        %parallel_loop3A_2970 = arith.mulf %parallel_loop3A_2969, %parallel_loop3A_2920 : vector<16xf32>
        %parallel_loop3A_2971 = arith.constant 12 : i32
        %parallel_loop3A_2972 = arith.addi %parallel_loop3A_90, %parallel_loop3A_2971 : i32
        %parallel_loop3A_2973 = arith.index_cast %parallel_loop3A_2972 : i32 to index
        %parallel_loop3A_2974 = arith.constant 64 : index
        %parallel_loop3A_2975 = tpu.vector_load %arg10[%parallel_loop3A_2973, %parallel_loop3A_2974] {strides = array<i32>} : memref<80x128xf32, #tpu.memory_space<vmem>>, vector<16xf32>,
        tpu.vector_store %arg10[%parallel_loop3A_2973, %parallel_loop3A_2974], %parallel_loop3A_2970 {strides = array<i32>} : memref<80x128xf32, #tpu.memory_space<vmem>>, vector<16xf32>,
        %parallel_loop3A_2976 = arith.constant 12 : i32
        %parallel_loop3A_2977 = arith.addi %parallel_loop3A_90, %parallel_loop3A_2976 : i32
        %parallel_loop3A_2978 = arith.index_cast %parallel_loop3A_2977 : i32 to index
        %parallel_loop3A_2979 = arith.constant 80 : index
        %parallel_loop3A_2980 = tpu.vector_load %arg9[%parallel_loop3A_2978, %parallel_loop3A_2979] {strides = array<i32>} : memref<80x128xf32, #tpu.memory_space<vmem>>, vector<16xf32>,
        %parallel_loop3A_2981 = arith.mulf %parallel_loop3A_2980, %parallel_loop3A_2920 : vector<16xf32>
        %parallel_loop3A_2982 = arith.constant 12 : i32
        %parallel_loop3A_2983 = arith.addi %parallel_loop3A_90, %parallel_loop3A_2982 : i32
        %parallel_loop3A_2984 = arith.index_cast %parallel_loop3A_2983 : i32 to index
        %parallel_loop3A_2985 = arith.constant 80 : index
        %parallel_loop3A_2986 = tpu.vector_load %arg10[%parallel_loop3A_2984, %parallel_loop3A_2985] {strides = array<i32>} : memref<80x128xf32, #tpu.memory_space<vmem>>, vector<16xf32>,
        tpu.vector_store %arg10[%parallel_loop3A_2984, %parallel_loop3A_2985], %parallel_loop3A_2981 {strides = array<i32>} : memref<80x128xf32, #tpu.memory_space<vmem>>, vector<16xf32>,
        %parallel_loop3A_2987 = arith.constant 12 : i32
        %parallel_loop3A_2988 = arith.addi %parallel_loop3A_90, %parallel_loop3A_2987 : i32
        %parallel_loop3A_2989 = arith.index_cast %parallel_loop3A_2988 : i32 to index
        %parallel_loop3A_2990 = arith.constant 96 : index
        %parallel_loop3A_2991 = tpu.vector_load %arg9[%parallel_loop3A_2989, %parallel_loop3A_2990] {strides = array<i32>} : memref<80x128xf32, #tpu.memory_space<vmem>>, vector<16xf32>,
        %parallel_loop3A_2992 = arith.mulf %parallel_loop3A_2991, %parallel_loop3A_2920 : vector<16xf32>
        %parallel_loop3A_2993 = arith.constant 12 : i32
        %parallel_loop3A_2994 = arith.addi %parallel_loop3A_90, %parallel_loop3A_2993 : i32
        %parallel_loop3A_2995 = arith.index_cast %parallel_loop3A_2994 : i32 to index
        %parallel_loop3A_2996 = arith.constant 96 : index
        %parallel_loop3A_2997 = tpu.vector_load %arg10[%parallel_loop3A_2995, %parallel_loop3A_2996] {strides = array<i32>} : memref<80x128xf32, #tpu.memory_space<vmem>>, vector<16xf32>,
        tpu.vector_store %arg10[%parallel_loop3A_2995, %parallel_loop3A_2996], %parallel_loop3A_2992 {strides = array<i32>} : memref<80x128xf32, #tpu.memory_space<vmem>>, vector<16xf32>,
        %parallel_loop3A_2998 = arith.constant 12 : i32
        %parallel_loop3A_2999 = arith.addi %parallel_loop3A_90, %parallel_loop3A_2998 : i32
        %parallel_loop3A_3000 = arith.index_cast %parallel_loop3A_2999 : i32 to index
        %parallel_loop3A_3001 = arith.constant 112 : index
        %parallel_loop3A_3002 = tpu.vector_load %arg9[%parallel_loop3A_3000, %parallel_loop3A_3001] {strides = array<i32>} : memref<80x128xf32, #tpu.memory_space<vmem>>, vector<16xf32>,
        %parallel_loop3A_3003 = arith.mulf %parallel_loop3A_3002, %parallel_loop3A_2920 : vector<16xf32>
        %parallel_loop3A_3004 = arith.constant 12 : i32
        %parallel_loop3A_3005 = arith.addi %parallel_loop3A_90, %parallel_loop3A_3004 : i32
        %parallel_loop3A_3006 = arith.index_cast %parallel_loop3A_3005 : i32 to index
        %parallel_loop3A_3007 = arith.constant 112 : index
        %parallel_loop3A_3008 = tpu.vector_load %arg10[%parallel_loop3A_3006, %parallel_loop3A_3007] {strides = array<i32>} : memref<80x128xf32, #tpu.memory_space<vmem>>, vector<16xf32>,
        tpu.vector_store %arg10[%parallel_loop3A_3006, %parallel_loop3A_3007], %parallel_loop3A_3003 {strides = array<i32>} : memref<80x128xf32, #tpu.memory_space<vmem>>, vector<16xf32>,
        %parallel_loop3A_3009 = arith.constant 13 : i32
        %parallel_loop3A_3010 = vector.broadcast %parallel_loop3A_3009 : i32 to vector<16xi32>
        %parallel_loop3A_3011 = vector.broadcast %parallel_loop3A_90 : i32 to vector<16xi32>
        %parallel_loop3A_3012 = arith.addi %parallel_loop3A_3010, %parallel_loop3A_3011 : vector<16xi32>
        %parallel_loop3A_3013 = tpu.vector_load_idx %arg17[%parallel_loop3A_3012] : memref<80xf32, #tpu.memory_space<vmem>>[vector<16xi32>], vector<16xf32>,
        %parallel_loop3A_3014 = arith.constant 13 : i32
        %parallel_loop3A_3015 = arith.addi %parallel_loop3A_90, %parallel_loop3A_3014 : i32
        %parallel_loop3A_3016 = arith.index_cast %parallel_loop3A_3015 : i32 to index
        %parallel_loop3A_3017 = arith.constant 0 : index
        %parallel_loop3A_3018 = tpu.vector_load %arg9[%parallel_loop3A_3016, %parallel_loop3A_3017] {strides = array<i32>} : memref<80x128xf32, #tpu.memory_space<vmem>>, vector<16xf32>,
        %parallel_loop3A_3019 = arith.mulf %parallel_loop3A_3018, %parallel_loop3A_3013 : vector<16xf32>
        %parallel_loop3A_3020 = arith.constant 13 : i32
        %parallel_loop3A_3021 = arith.addi %parallel_loop3A_90, %parallel_loop3A_3020 : i32
        %parallel_loop3A_3022 = arith.index_cast %parallel_loop3A_3021 : i32 to index
        %parallel_loop3A_3023 = arith.constant 0 : index
        %parallel_loop3A_3024 = tpu.vector_load %arg10[%parallel_loop3A_3022, %parallel_loop3A_3023] {strides = array<i32>} : memref<80x128xf32, #tpu.memory_space<vmem>>, vector<16xf32>,
        tpu.vector_store %arg10[%parallel_loop3A_3022, %parallel_loop3A_3023], %parallel_loop3A_3019 {strides = array<i32>} : memref<80x128xf32, #tpu.memory_space<vmem>>, vector<16xf32>,
        %parallel_loop3A_3025 = arith.constant 13 : i32
        %parallel_loop3A_3026 = arith.addi %parallel_loop3A_90, %parallel_loop3A_3025 : i32
        %parallel_loop3A_3027 = arith.index_cast %parallel_loop3A_3026 : i32 to index
        %parallel_loop3A_3028 = arith.constant 16 : index
        %parallel_loop3A_3029 = tpu.vector_load %arg9[%parallel_loop3A_3027, %parallel_loop3A_3028] {strides = array<i32>} : memref<80x128xf32, #tpu.memory_space<vmem>>, vector<16xf32>,
        %parallel_loop3A_3030 = arith.mulf %parallel_loop3A_3029, %parallel_loop3A_3013 : vector<16xf32>
        %parallel_loop3A_3031 = arith.constant 13 : i32
        %parallel_loop3A_3032 = arith.addi %parallel_loop3A_90, %parallel_loop3A_3031 : i32
        %parallel_loop3A_3033 = arith.index_cast %parallel_loop3A_3032 : i32 to index
        %parallel_loop3A_3034 = arith.constant 16 : index
        %parallel_loop3A_3035 = tpu.vector_load %arg10[%parallel_loop3A_3033, %parallel_loop3A_3034] {strides = array<i32>} : memref<80x128xf32, #tpu.memory_space<vmem>>, vector<16xf32>,
        tpu.vector_store %arg10[%parallel_loop3A_3033, %parallel_loop3A_3034], %parallel_loop3A_3030 {strides = array<i32>} : memref<80x128xf32, #tpu.memory_space<vmem>>, vector<16xf32>,
        %parallel_loop3A_3036 = arith.constant 13 : i32
        %parallel_loop3A_3037 = arith.addi %parallel_loop3A_90, %parallel_loop3A_3036 : i32
        %parallel_loop3A_3038 = arith.index_cast %parallel_loop3A_3037 : i32 to index
        %parallel_loop3A_3039 = arith.constant 32 : index
        %parallel_loop3A_3040 = tpu.vector_load %arg9[%parallel_loop3A_3038, %parallel_loop3A_3039] {strides = array<i32>} : memref<80x128xf32, #tpu.memory_space<vmem>>, vector<16xf32>,
        %parallel_loop3A_3041 = arith.mulf %parallel_loop3A_3040, %parallel_loop3A_3013 : vector<16xf32>
        %parallel_loop3A_3042 = arith.constant 13 : i32
        %parallel_loop3A_3043 = arith.addi %parallel_loop3A_90, %parallel_loop3A_3042 : i32
        %parallel_loop3A_3044 = arith.index_cast %parallel_loop3A_3043 : i32 to index
        %parallel_loop3A_3045 = arith.constant 32 : index
        %parallel_loop3A_3046 = tpu.vector_load %arg10[%parallel_loop3A_3044, %parallel_loop3A_3045] {strides = array<i32>} : memref<80x128xf32, #tpu.memory_space<vmem>>, vector<16xf32>,
        tpu.vector_store %arg10[%parallel_loop3A_3044, %parallel_loop3A_3045], %parallel_loop3A_3041 {strides = array<i32>} : memref<80x128xf32, #tpu.memory_space<vmem>>, vector<16xf32>,
        %parallel_loop3A_3047 = arith.constant 13 : i32
        %parallel_loop3A_3048 = arith.addi %parallel_loop3A_90, %parallel_loop3A_3047 : i32
        %parallel_loop3A_3049 = arith.index_cast %parallel_loop3A_3048 : i32 to index
        %parallel_loop3A_3050 = arith.constant 48 : index
        %parallel_loop3A_3051 = tpu.vector_load %arg9[%parallel_loop3A_3049, %parallel_loop3A_3050] {strides = array<i32>} : memref<80x128xf32, #tpu.memory_space<vmem>>, vector<16xf32>,
        %parallel_loop3A_3052 = arith.mulf %parallel_loop3A_3051, %parallel_loop3A_3013 : vector<16xf32>
        %parallel_loop3A_3053 = arith.constant 13 : i32
        %parallel_loop3A_3054 = arith.addi %parallel_loop3A_90, %parallel_loop3A_3053 : i32
        %parallel_loop3A_3055 = arith.index_cast %parallel_loop3A_3054 : i32 to index
        %parallel_loop3A_3056 = arith.constant 48 : index
        %parallel_loop3A_3057 = tpu.vector_load %arg10[%parallel_loop3A_3055, %parallel_loop3A_3056] {strides = array<i32>} : memref<80x128xf32, #tpu.memory_space<vmem>>, vector<16xf32>,
        tpu.vector_store %arg10[%parallel_loop3A_3055, %parallel_loop3A_3056], %parallel_loop3A_3052 {strides = array<i32>} : memref<80x128xf32, #tpu.memory_space<vmem>>, vector<16xf32>,
        %parallel_loop3A_3058 = arith.constant 13 : i32
        %parallel_loop3A_3059 = arith.addi %parallel_loop3A_90, %parallel_loop3A_3058 : i32
        %parallel_loop3A_3060 = arith.index_cast %parallel_loop3A_3059 : i32 to index
        %parallel_loop3A_3061 = arith.constant 64 : index
        %parallel_loop3A_3062 = tpu.vector_load %arg9[%parallel_loop3A_3060, %parallel_loop3A_3061] {strides = array<i32>} : memref<80x128xf32, #tpu.memory_space<vmem>>, vector<16xf32>,
        %parallel_loop3A_3063 = arith.mulf %parallel_loop3A_3062, %parallel_loop3A_3013 : vector<16xf32>
        %parallel_loop3A_3064 = arith.constant 13 : i32
        %parallel_loop3A_3065 = arith.addi %parallel_loop3A_90, %parallel_loop3A_3064 : i32
        %parallel_loop3A_3066 = arith.index_cast %parallel_loop3A_3065 : i32 to index
        %parallel_loop3A_3067 = arith.constant 64 : index
        %parallel_loop3A_3068 = tpu.vector_load %arg10[%parallel_loop3A_3066, %parallel_loop3A_3067] {strides = array<i32>} : memref<80x128xf32, #tpu.memory_space<vmem>>, vector<16xf32>,
        tpu.vector_store %arg10[%parallel_loop3A_3066, %parallel_loop3A_3067], %parallel_loop3A_3063 {strides = array<i32>} : memref<80x128xf32, #tpu.memory_space<vmem>>, vector<16xf32>,
        %parallel_loop3A_3069 = arith.constant 13 : i32
        %parallel_loop3A_3070 = arith.addi %parallel_loop3A_90, %parallel_loop3A_3069 : i32
        %parallel_loop3A_3071 = arith.index_cast %parallel_loop3A_3070 : i32 to index
        %parallel_loop3A_3072 = arith.constant 80 : index
        %parallel_loop3A_3073 = tpu.vector_load %arg9[%parallel_loop3A_3071, %parallel_loop3A_3072] {strides = array<i32>} : memref<80x128xf32, #tpu.memory_space<vmem>>, vector<16xf32>,
        %parallel_loop3A_3074 = arith.mulf %parallel_loop3A_3073, %parallel_loop3A_3013 : vector<16xf32>
        %parallel_loop3A_3075 = arith.constant 13 : i32
        %parallel_loop3A_3076 = arith.addi %parallel_loop3A_90, %parallel_loop3A_3075 : i32
        %parallel_loop3A_3077 = arith.index_cast %parallel_loop3A_3076 : i32 to index
        %parallel_loop3A_3078 = arith.constant 80 : index
        %parallel_loop3A_3079 = tpu.vector_load %arg10[%parallel_loop3A_3077, %parallel_loop3A_3078] {strides = array<i32>} : memref<80x128xf32, #tpu.memory_space<vmem>>, vector<16xf32>,
        tpu.vector_store %arg10[%parallel_loop3A_3077, %parallel_loop3A_3078], %parallel_loop3A_3074 {strides = array<i32>} : memref<80x128xf32, #tpu.memory_space<vmem>>, vector<16xf32>,
        %parallel_loop3A_3080 = arith.constant 13 : i32
        %parallel_loop3A_3081 = arith.addi %parallel_loop3A_90, %parallel_loop3A_3080 : i32
        %parallel_loop3A_3082 = arith.index_cast %parallel_loop3A_3081 : i32 to index
        %parallel_loop3A_3083 = arith.constant 96 : index
        %parallel_loop3A_3084 = tpu.vector_load %arg9[%parallel_loop3A_3082, %parallel_loop3A_3083] {strides = array<i32>} : memref<80x128xf32, #tpu.memory_space<vmem>>, vector<16xf32>,
        %parallel_loop3A_3085 = arith.mulf %parallel_loop3A_3084, %parallel_loop3A_3013 : vector<16xf32>
        %parallel_loop3A_3086 = arith.constant 13 : i32
        %parallel_loop3A_3087 = arith.addi %parallel_loop3A_90, %parallel_loop3A_3086 : i32
        %parallel_loop3A_3088 = arith.index_cast %parallel_loop3A_3087 : i32 to index
        %parallel_loop3A_3089 = arith.constant 96 : index
        %parallel_loop3A_3090 = tpu.vector_load %arg10[%parallel_loop3A_3088, %parallel_loop3A_3089] {strides = array<i32>} : memref<80x128xf32, #tpu.memory_space<vmem>>, vector<16xf32>,
        tpu.vector_store %arg10[%parallel_loop3A_3088, %parallel_loop3A_3089], %parallel_loop3A_3085 {strides = array<i32>} : memref<80x128xf32, #tpu.memory_space<vmem>>, vector<16xf32>,
        %parallel_loop3A_3091 = arith.constant 13 : i32
        %parallel_loop3A_3092 = arith.addi %parallel_loop3A_90, %parallel_loop3A_3091 : i32
        %parallel_loop3A_3093 = arith.index_cast %parallel_loop3A_3092 : i32 to index
        %parallel_loop3A_3094 = arith.constant 112 : index
        %parallel_loop3A_3095 = tpu.vector_load %arg9[%parallel_loop3A_3093, %parallel_loop3A_3094] {strides = array<i32>} : memref<80x128xf32, #tpu.memory_space<vmem>>, vector<16xf32>,
        %parallel_loop3A_3096 = arith.mulf %parallel_loop3A_3095, %parallel_loop3A_3013 : vector<16xf32>
        %parallel_loop3A_3097 = arith.constant 13 : i32
        %parallel_loop3A_3098 = arith.addi %parallel_loop3A_90, %parallel_loop3A_3097 : i32
        %parallel_loop3A_3099 = arith.index_cast %parallel_loop3A_3098 : i32 to index
        %parallel_loop3A_3100 = arith.constant 112 : index
        %parallel_loop3A_3101 = tpu.vector_load %arg10[%parallel_loop3A_3099, %parallel_loop3A_3100] {strides = array<i32>} : memref<80x128xf32, #tpu.memory_space<vmem>>, vector<16xf32>,
        tpu.vector_store %arg10[%parallel_loop3A_3099, %parallel_loop3A_3100], %parallel_loop3A_3096 {strides = array<i32>} : memref<80x128xf32, #tpu.memory_space<vmem>>, vector<16xf32>,
        %parallel_loop3A_3102 = arith.constant 14 : i32
        %parallel_loop3A_3103 = vector.broadcast %parallel_loop3A_3102 : i32 to vector<16xi32>
        %parallel_loop3A_3104 = vector.broadcast %parallel_loop3A_90 : i32 to vector<16xi32>
        %parallel_loop3A_3105 = arith.addi %parallel_loop3A_3103, %parallel_loop3A_3104 : vector<16xi32>
        %parallel_loop3A_3106 = tpu.vector_load_idx %arg17[%parallel_loop3A_3105] : memref<80xf32, #tpu.memory_space<vmem>>[vector<16xi32>], vector<16xf32>,
        %parallel_loop3A_3107 = arith.constant 14 : i32
        %parallel_loop3A_3108 = arith.addi %parallel_loop3A_90, %parallel_loop3A_3107 : i32
        %parallel_loop3A_3109 = arith.index_cast %parallel_loop3A_3108 : i32 to index
        %parallel_loop3A_3110 = arith.constant 0 : index
        %parallel_loop3A_3111 = tpu.vector_load %arg9[%parallel_loop3A_3109, %parallel_loop3A_3110] {strides = array<i32>} : memref<80x128xf32, #tpu.memory_space<vmem>>, vector<16xf32>,
        %parallel_loop3A_3112 = arith.mulf %parallel_loop3A_3111, %parallel_loop3A_3106 : vector<16xf32>
        %parallel_loop3A_3113 = arith.constant 14 : i32
        %parallel_loop3A_3114 = arith.addi %parallel_loop3A_90, %parallel_loop3A_3113 : i32
        %parallel_loop3A_3115 = arith.index_cast %parallel_loop3A_3114 : i32 to index
        %parallel_loop3A_3116 = arith.constant 0 : index
        %parallel_loop3A_3117 = tpu.vector_load %arg10[%parallel_loop3A_3115, %parallel_loop3A_3116] {strides = array<i32>} : memref<80x128xf32, #tpu.memory_space<vmem>>, vector<16xf32>,
        tpu.vector_store %arg10[%parallel_loop3A_3115, %parallel_loop3A_3116], %parallel_loop3A_3112 {strides = array<i32>} : memref<80x128xf32, #tpu.memory_space<vmem>>, vector<16xf32>,
        %parallel_loop3A_3118 = arith.constant 14 : i32
        %parallel_loop3A_3119 = arith.addi %parallel_loop3A_90, %parallel_loop3A_3118 : i32
        %parallel_loop3A_3120 = arith.index_cast %parallel_loop3A_3119 : i32 to index
        %parallel_loop3A_3121 = arith.constant 16 : index
        %parallel_loop3A_3122 = tpu.vector_load %arg9[%parallel_loop3A_3120, %parallel_loop3A_3121] {strides = array<i32>} : memref<80x128xf32, #tpu.memory_space<vmem>>, vector<16xf32>,
        %parallel_loop3A_3123 = arith.mulf %parallel_loop3A_3122, %parallel_loop3A_3106 : vector<16xf32>
        %parallel_loop3A_3124 = arith.constant 14 : i32
        %parallel_loop3A_3125 = arith.addi %parallel_loop3A_90, %parallel_loop3A_3124 : i32
        %parallel_loop3A_3126 = arith.index_cast %parallel_loop3A_3125 : i32 to index
        %parallel_loop3A_3127 = arith.constant 16 : index
        %parallel_loop3A_3128 = tpu.vector_load %arg10[%parallel_loop3A_3126, %parallel_loop3A_3127] {strides = array<i32>} : memref<80x128xf32, #tpu.memory_space<vmem>>, vector<16xf32>,
        tpu.vector_store %arg10[%parallel_loop3A_3126, %parallel_loop3A_3127], %parallel_loop3A_3123 {strides = array<i32>} : memref<80x128xf32, #tpu.memory_space<vmem>>, vector<16xf32>,
        %parallel_loop3A_3129 = arith.constant 14 : i32
        %parallel_loop3A_3130 = arith.addi %parallel_loop3A_90, %parallel_loop3A_3129 : i32
        %parallel_loop3A_3131 = arith.index_cast %parallel_loop3A_3130 : i32 to index
        %parallel_loop3A_3132 = arith.constant 32 : index
        %parallel_loop3A_3133 = tpu.vector_load %arg9[%parallel_loop3A_3131, %parallel_loop3A_3132] {strides = array<i32>} : memref<80x128xf32, #tpu.memory_space<vmem>>, vector<16xf32>,
        %parallel_loop3A_3134 = arith.mulf %parallel_loop3A_3133, %parallel_loop3A_3106 : vector<16xf32>
        %parallel_loop3A_3135 = arith.constant 14 : i32
        %parallel_loop3A_3136 = arith.addi %parallel_loop3A_90, %parallel_loop3A_3135 : i32
        %parallel_loop3A_3137 = arith.index_cast %parallel_loop3A_3136 : i32 to index
        %parallel_loop3A_3138 = arith.constant 32 : index
        %parallel_loop3A_3139 = tpu.vector_load %arg10[%parallel_loop3A_3137, %parallel_loop3A_3138] {strides = array<i32>} : memref<80x128xf32, #tpu.memory_space<vmem>>, vector<16xf32>,
        tpu.vector_store %arg10[%parallel_loop3A_3137, %parallel_loop3A_3138], %parallel_loop3A_3134 {strides = array<i32>} : memref<80x128xf32, #tpu.memory_space<vmem>>, vector<16xf32>,
        %parallel_loop3A_3140 = arith.constant 14 : i32
        %parallel_loop3A_3141 = arith.addi %parallel_loop3A_90, %parallel_loop3A_3140 : i32
        %parallel_loop3A_3142 = arith.index_cast %parallel_loop3A_3141 : i32 to index
        %parallel_loop3A_3143 = arith.constant 48 : index
        %parallel_loop3A_3144 = tpu.vector_load %arg9[%parallel_loop3A_3142, %parallel_loop3A_3143] {strides = array<i32>} : memref<80x128xf32, #tpu.memory_space<vmem>>, vector<16xf32>,
        %parallel_loop3A_3145 = arith.mulf %parallel_loop3A_3144, %parallel_loop3A_3106 : vector<16xf32>
        %parallel_loop3A_3146 = arith.constant 14 : i32
        %parallel_loop3A_3147 = arith.addi %parallel_loop3A_90, %parallel_loop3A_3146 : i32
        %parallel_loop3A_3148 = arith.index_cast %parallel_loop3A_3147 : i32 to index
        %parallel_loop3A_3149 = arith.constant 48 : index
        %parallel_loop3A_3150 = tpu.vector_load %arg10[%parallel_loop3A_3148, %parallel_loop3A_3149] {strides = array<i32>} : memref<80x128xf32, #tpu.memory_space<vmem>>, vector<16xf32>,
        tpu.vector_store %arg10[%parallel_loop3A_3148, %parallel_loop3A_3149], %parallel_loop3A_3145 {strides = array<i32>} : memref<80x128xf32, #tpu.memory_space<vmem>>, vector<16xf32>,
        %parallel_loop3A_3151 = arith.constant 14 : i32
        %parallel_loop3A_3152 = arith.addi %parallel_loop3A_90, %parallel_loop3A_3151 : i32
        %parallel_loop3A_3153 = arith.index_cast %parallel_loop3A_3152 : i32 to index
        %parallel_loop3A_3154 = arith.constant 64 : index
        %parallel_loop3A_3155 = tpu.vector_load %arg9[%parallel_loop3A_3153, %parallel_loop3A_3154] {strides = array<i32>} : memref<80x128xf32, #tpu.memory_space<vmem>>, vector<16xf32>,
        %parallel_loop3A_3156 = arith.mulf %parallel_loop3A_3155, %parallel_loop3A_3106 : vector<16xf32>
        %parallel_loop3A_3157 = arith.constant 14 : i32
        %parallel_loop3A_3158 = arith.addi %parallel_loop3A_90, %parallel_loop3A_3157 : i32
        %parallel_loop3A_3159 = arith.index_cast %parallel_loop3A_3158 : i32 to index
        %parallel_loop3A_3160 = arith.constant 64 : index
        %parallel_loop3A_3161 = tpu.vector_load %arg10[%parallel_loop3A_3159, %parallel_loop3A_3160] {strides = array<i32>} : memref<80x128xf32, #tpu.memory_space<vmem>>, vector<16xf32>,
        tpu.vector_store %arg10[%parallel_loop3A_3159, %parallel_loop3A_3160], %parallel_loop3A_3156 {strides = array<i32>} : memref<80x128xf32, #tpu.memory_space<vmem>>, vector<16xf32>,
        %parallel_loop3A_3162 = arith.constant 14 : i32
        %parallel_loop3A_3163 = arith.addi %parallel_loop3A_90, %parallel_loop3A_3162 : i32
        %parallel_loop3A_3164 = arith.index_cast %parallel_loop3A_3163 : i32 to index
        %parallel_loop3A_3165 = arith.constant 80 : index
        %parallel_loop3A_3166 = tpu.vector_load %arg9[%parallel_loop3A_3164, %parallel_loop3A_3165] {strides = array<i32>} : memref<80x128xf32, #tpu.memory_space<vmem>>, vector<16xf32>,
        %parallel_loop3A_3167 = arith.mulf %parallel_loop3A_3166, %parallel_loop3A_3106 : vector<16xf32>
        %parallel_loop3A_3168 = arith.constant 14 : i32
        %parallel_loop3A_3169 = arith.addi %parallel_loop3A_90, %parallel_loop3A_3168 : i32
        %parallel_loop3A_3170 = arith.index_cast %parallel_loop3A_3169 : i32 to index
        %parallel_loop3A_3171 = arith.constant 80 : index
        %parallel_loop3A_3172 = tpu.vector_load %arg10[%parallel_loop3A_3170, %parallel_loop3A_3171] {strides = array<i32>} : memref<80x128xf32, #tpu.memory_space<vmem>>, vector<16xf32>,
        tpu.vector_store %arg10[%parallel_loop3A_3170, %parallel_loop3A_3171], %parallel_loop3A_3167 {strides = array<i32>} : memref<80x128xf32, #tpu.memory_space<vmem>>, vector<16xf32>,
        %parallel_loop3A_3173 = arith.constant 14 : i32
        %parallel_loop3A_3174 = arith.addi %parallel_loop3A_90, %parallel_loop3A_3173 : i32
        %parallel_loop3A_3175 = arith.index_cast %parallel_loop3A_3174 : i32 to index
        %parallel_loop3A_3176 = arith.constant 96 : index
        %parallel_loop3A_3177 = tpu.vector_load %arg9[%parallel_loop3A_3175, %parallel_loop3A_3176] {strides = array<i32>} : memref<80x128xf32, #tpu.memory_space<vmem>>, vector<16xf32>,
        %parallel_loop3A_3178 = arith.mulf %parallel_loop3A_3177, %parallel_loop3A_3106 : vector<16xf32>
        %parallel_loop3A_3179 = arith.constant 14 : i32
        %parallel_loop3A_3180 = arith.addi %parallel_loop3A_90, %parallel_loop3A_3179 : i32
        %parallel_loop3A_3181 = arith.index_cast %parallel_loop3A_3180 : i32 to index
        %parallel_loop3A_3182 = arith.constant 96 : index
        %parallel_loop3A_3183 = tpu.vector_load %arg10[%parallel_loop3A_3181, %parallel_loop3A_3182] {strides = array<i32>} : memref<80x128xf32, #tpu.memory_space<vmem>>, vector<16xf32>,
        tpu.vector_store %arg10[%parallel_loop3A_3181, %parallel_loop3A_3182], %parallel_loop3A_3178 {strides = array<i32>} : memref<80x128xf32, #tpu.memory_space<vmem>>, vector<16xf32>,
        %parallel_loop3A_3184 = arith.constant 14 : i32
        %parallel_loop3A_3185 = arith.addi %parallel_loop3A_90, %parallel_loop3A_3184 : i32
        %parallel_loop3A_3186 = arith.index_cast %parallel_loop3A_3185 : i32 to index
        %parallel_loop3A_3187 = arith.constant 112 : index
        %parallel_loop3A_3188 = tpu.vector_load %arg9[%parallel_loop3A_3186, %parallel_loop3A_3187] {strides = array<i32>} : memref<80x128xf32, #tpu.memory_space<vmem>>, vector<16xf32>,
        %parallel_loop3A_3189 = arith.mulf %parallel_loop3A_3188, %parallel_loop3A_3106 : vector<16xf32>
        %parallel_loop3A_3190 = arith.constant 14 : i32
        %parallel_loop3A_3191 = arith.addi %parallel_loop3A_90, %parallel_loop3A_3190 : i32
        %parallel_loop3A_3192 = arith.index_cast %parallel_loop3A_3191 : i32 to index
        %parallel_loop3A_3193 = arith.constant 112 : index
        %parallel_loop3A_3194 = tpu.vector_load %arg10[%parallel_loop3A_3192, %parallel_loop3A_3193] {strides = array<i32>} : memref<80x128xf32, #tpu.memory_space<vmem>>, vector<16xf32>,
        tpu.vector_store %arg10[%parallel_loop3A_3192, %parallel_loop3A_3193], %parallel_loop3A_3189 {strides = array<i32>} : memref<80x128xf32, #tpu.memory_space<vmem>>, vector<16xf32>,
        %parallel_loop3A_3195 = arith.constant 15 : i32
        %parallel_loop3A_3196 = vector.broadcast %parallel_loop3A_3195 : i32 to vector<16xi32>
        %parallel_loop3A_3197 = vector.broadcast %parallel_loop3A_90 : i32 to vector<16xi32>
        %parallel_loop3A_3198 = arith.addi %parallel_loop3A_3196, %parallel_loop3A_3197 : vector<16xi32>
        %parallel_loop3A_3199 = tpu.vector_load_idx %arg17[%parallel_loop3A_3198] : memref<80xf32, #tpu.memory_space<vmem>>[vector<16xi32>], vector<16xf32>,
        %parallel_loop3A_3200 = arith.constant 15 : i32
        %parallel_loop3A_3201 = arith.addi %parallel_loop3A_90, %parallel_loop3A_3200 : i32
        %parallel_loop3A_3202 = arith.index_cast %parallel_loop3A_3201 : i32 to index
        %parallel_loop3A_3203 = arith.constant 0 : index
        %parallel_loop3A_3204 = tpu.vector_load %arg9[%parallel_loop3A_3202, %parallel_loop3A_3203] {strides = array<i32>} : memref<80x128xf32, #tpu.memory_space<vmem>>, vector<16xf32>,
        %parallel_loop3A_3205 = arith.mulf %parallel_loop3A_3204, %parallel_loop3A_3199 : vector<16xf32>
        %parallel_loop3A_3206 = arith.constant 15 : i32
        %parallel_loop3A_3207 = arith.addi %parallel_loop3A_90, %parallel_loop3A_3206 : i32
        %parallel_loop3A_3208 = arith.index_cast %parallel_loop3A_3207 : i32 to index
        %parallel_loop3A_3209 = arith.constant 0 : index
        %parallel_loop3A_3210 = tpu.vector_load %arg10[%parallel_loop3A_3208, %parallel_loop3A_3209] {strides = array<i32>} : memref<80x128xf32, #tpu.memory_space<vmem>>, vector<16xf32>,
        tpu.vector_store %arg10[%parallel_loop3A_3208, %parallel_loop3A_3209], %parallel_loop3A_3205 {strides = array<i32>} : memref<80x128xf32, #tpu.memory_space<vmem>>, vector<16xf32>,
        %parallel_loop3A_3211 = arith.constant 15 : i32
        %parallel_loop3A_3212 = arith.addi %parallel_loop3A_90, %parallel_loop3A_3211 : i32
        %parallel_loop3A_3213 = arith.index_cast %parallel_loop3A_3212 : i32 to index
        %parallel_loop3A_3214 = arith.constant 16 : index
        %parallel_loop3A_3215 = tpu.vector_load %arg9[%parallel_loop3A_3213, %parallel_loop3A_3214] {strides = array<i32>} : memref<80x128xf32, #tpu.memory_space<vmem>>, vector<16xf32>,
        %parallel_loop3A_3216 = arith.mulf %parallel_loop3A_3215, %parallel_loop3A_3199 : vector<16xf32>
        %parallel_loop3A_3217 = arith.constant 15 : i32
        %parallel_loop3A_3218 = arith.addi %parallel_loop3A_90, %parallel_loop3A_3217 : i32
        %parallel_loop3A_3219 = arith.index_cast %parallel_loop3A_3218 : i32 to index
        %parallel_loop3A_3220 = arith.constant 16 : index
        %parallel_loop3A_3221 = tpu.vector_load %arg10[%parallel_loop3A_3219, %parallel_loop3A_3220] {strides = array<i32>} : memref<80x128xf32, #tpu.memory_space<vmem>>, vector<16xf32>,
        tpu.vector_store %arg10[%parallel_loop3A_3219, %parallel_loop3A_3220], %parallel_loop3A_3216 {strides = array<i32>} : memref<80x128xf32, #tpu.memory_space<vmem>>, vector<16xf32>,
        %parallel_loop3A_3222 = arith.constant 15 : i32
        %parallel_loop3A_3223 = arith.addi %parallel_loop3A_90, %parallel_loop3A_3222 : i32
        %parallel_loop3A_3224 = arith.index_cast %parallel_loop3A_3223 : i32 to index
        %parallel_loop3A_3225 = arith.constant 32 : index
        %parallel_loop3A_3226 = tpu.vector_load %arg9[%parallel_loop3A_3224, %parallel_loop3A_3225] {strides = array<i32>} : memref<80x128xf32, #tpu.memory_space<vmem>>, vector<16xf32>,
        %parallel_loop3A_3227 = arith.mulf %parallel_loop3A_3226, %parallel_loop3A_3199 : vector<16xf32>
        %parallel_loop3A_3228 = arith.constant 15 : i32
        %parallel_loop3A_3229 = arith.addi %parallel_loop3A_90, %parallel_loop3A_3228 : i32
        %parallel_loop3A_3230 = arith.index_cast %parallel_loop3A_3229 : i32 to index
        %parallel_loop3A_3231 = arith.constant 32 : index
        %parallel_loop3A_3232 = tpu.vector_load %arg10[%parallel_loop3A_3230, %parallel_loop3A_3231] {strides = array<i32>} : memref<80x128xf32, #tpu.memory_space<vmem>>, vector<16xf32>,
        tpu.vector_store %arg10[%parallel_loop3A_3230, %parallel_loop3A_3231], %parallel_loop3A_3227 {strides = array<i32>} : memref<80x128xf32, #tpu.memory_space<vmem>>, vector<16xf32>,
        %parallel_loop3A_3233 = arith.constant 15 : i32
        %parallel_loop3A_3234 = arith.addi %parallel_loop3A_90, %parallel_loop3A_3233 : i32
        %parallel_loop3A_3235 = arith.index_cast %parallel_loop3A_3234 : i32 to index
        %parallel_loop3A_3236 = arith.constant 48 : index
        %parallel_loop3A_3237 = tpu.vector_load %arg9[%parallel_loop3A_3235, %parallel_loop3A_3236] {strides = array<i32>} : memref<80x128xf32, #tpu.memory_space<vmem>>, vector<16xf32>,
        %parallel_loop3A_3238 = arith.mulf %parallel_loop3A_3237, %parallel_loop3A_3199 : vector<16xf32>
        %parallel_loop3A_3239 = arith.constant 15 : i32
        %parallel_loop3A_3240 = arith.addi %parallel_loop3A_90, %parallel_loop3A_3239 : i32
        %parallel_loop3A_3241 = arith.index_cast %parallel_loop3A_3240 : i32 to index
        %parallel_loop3A_3242 = arith.constant 48 : index
        %parallel_loop3A_3243 = tpu.vector_load %arg10[%parallel_loop3A_3241, %parallel_loop3A_3242] {strides = array<i32>} : memref<80x128xf32, #tpu.memory_space<vmem>>, vector<16xf32>,
        tpu.vector_store %arg10[%parallel_loop3A_3241, %parallel_loop3A_3242], %parallel_loop3A_3238 {strides = array<i32>} : memref<80x128xf32, #tpu.memory_space<vmem>>, vector<16xf32>,
        %parallel_loop3A_3244 = arith.constant 15 : i32
        %parallel_loop3A_3245 = arith.addi %parallel_loop3A_90, %parallel_loop3A_3244 : i32
        %parallel_loop3A_3246 = arith.index_cast %parallel_loop3A_3245 : i32 to index
        %parallel_loop3A_3247 = arith.constant 64 : index
        %parallel_loop3A_3248 = tpu.vector_load %arg9[%parallel_loop3A_3246, %parallel_loop3A_3247] {strides = array<i32>} : memref<80x128xf32, #tpu.memory_space<vmem>>, vector<16xf32>,
        %parallel_loop3A_3249 = arith.mulf %parallel_loop3A_3248, %parallel_loop3A_3199 : vector<16xf32>
        %parallel_loop3A_3250 = arith.constant 15 : i32
        %parallel_loop3A_3251 = arith.addi %parallel_loop3A_90, %parallel_loop3A_3250 : i32
        %parallel_loop3A_3252 = arith.index_cast %parallel_loop3A_3251 : i32 to index
        %parallel_loop3A_3253 = arith.constant 64 : index
        %parallel_loop3A_3254 = tpu.vector_load %arg10[%parallel_loop3A_3252, %parallel_loop3A_3253] {strides = array<i32>} : memref<80x128xf32, #tpu.memory_space<vmem>>, vector<16xf32>,
        tpu.vector_store %arg10[%parallel_loop3A_3252, %parallel_loop3A_3253], %parallel_loop3A_3249 {strides = array<i32>} : memref<80x128xf32, #tpu.memory_space<vmem>>, vector<16xf32>,
        %parallel_loop3A_3255 = arith.constant 15 : i32
        %parallel_loop3A_3256 = arith.addi %parallel_loop3A_90, %parallel_loop3A_3255 : i32
        %parallel_loop3A_3257 = arith.index_cast %parallel_loop3A_3256 : i32 to index
        %parallel_loop3A_3258 = arith.constant 80 : index
        %parallel_loop3A_3259 = tpu.vector_load %arg9[%parallel_loop3A_3257, %parallel_loop3A_3258] {strides = array<i32>} : memref<80x128xf32, #tpu.memory_space<vmem>>, vector<16xf32>,
        %parallel_loop3A_3260 = arith.mulf %parallel_loop3A_3259, %parallel_loop3A_3199 : vector<16xf32>
        %parallel_loop3A_3261 = arith.constant 15 : i32
        %parallel_loop3A_3262 = arith.addi %parallel_loop3A_90, %parallel_loop3A_3261 : i32
        %parallel_loop3A_3263 = arith.index_cast %parallel_loop3A_3262 : i32 to index
        %parallel_loop3A_3264 = arith.constant 80 : index
        %parallel_loop3A_3265 = tpu.vector_load %arg10[%parallel_loop3A_3263, %parallel_loop3A_3264] {strides = array<i32>} : memref<80x128xf32, #tpu.memory_space<vmem>>, vector<16xf32>,
        tpu.vector_store %arg10[%parallel_loop3A_3263, %parallel_loop3A_3264], %parallel_loop3A_3260 {strides = array<i32>} : memref<80x128xf32, #tpu.memory_space<vmem>>, vector<16xf32>,
        %parallel_loop3A_3266 = arith.constant 15 : i32
        %parallel_loop3A_3267 = arith.addi %parallel_loop3A_90, %parallel_loop3A_3266 : i32
        %parallel_loop3A_3268 = arith.index_cast %parallel_loop3A_3267 : i32 to index
        %parallel_loop3A_3269 = arith.constant 96 : index
        %parallel_loop3A_3270 = tpu.vector_load %arg9[%parallel_loop3A_3268, %parallel_loop3A_3269] {strides = array<i32>} : memref<80x128xf32, #tpu.memory_space<vmem>>, vector<16xf32>,
        %parallel_loop3A_3271 = arith.mulf %parallel_loop3A_3270, %parallel_loop3A_3199 : vector<16xf32>
        %parallel_loop3A_3272 = arith.constant 15 : i32
        %parallel_loop3A_3273 = arith.addi %parallel_loop3A_90, %parallel_loop3A_3272 : i32
        %parallel_loop3A_3274 = arith.index_cast %parallel_loop3A_3273 : i32 to index
        %parallel_loop3A_3275 = arith.constant 96 : index
        %parallel_loop3A_3276 = tpu.vector_load %arg10[%parallel_loop3A_3274, %parallel_loop3A_3275] {strides = array<i32>} : memref<80x128xf32, #tpu.memory_space<vmem>>, vector<16xf32>,
        tpu.vector_store %arg10[%parallel_loop3A_3274, %parallel_loop3A_3275], %parallel_loop3A_3271 {strides = array<i32>} : memref<80x128xf32, #tpu.memory_space<vmem>>, vector<16xf32>,
        %parallel_loop3A_3277 = arith.constant 15 : i32
        %parallel_loop3A_3278 = arith.addi %parallel_loop3A_90, %parallel_loop3A_3277 : i32
        %parallel_loop3A_3279 = arith.index_cast %parallel_loop3A_3278 : i32 to index
        %parallel_loop3A_3280 = arith.constant 112 : index
        %parallel_loop3A_3281 = tpu.vector_load %arg9[%parallel_loop3A_3279, %parallel_loop3A_3280] {strides = array<i32>} : memref<80x128xf32, #tpu.memory_space<vmem>>, vector<16xf32>,
        %parallel_loop3A_3282 = arith.mulf %parallel_loop3A_3281, %parallel_loop3A_3199 : vector<16xf32>
        %parallel_loop3A_3283 = arith.constant 15 : i32
        %parallel_loop3A_3284 = arith.addi %parallel_loop3A_90, %parallel_loop3A_3283 : i32
        %parallel_loop3A_3285 = arith.index_cast %parallel_loop3A_3284 : i32 to index
        %parallel_loop3A_3286 = arith.constant 112 : index
        %parallel_loop3A_3287 = tpu.vector_load %arg10[%parallel_loop3A_3285, %parallel_loop3A_3286] {strides = array<i32>} : memref<80x128xf32, #tpu.memory_space<vmem>>, vector<16xf32>,
        tpu.vector_store %arg10[%parallel_loop3A_3285, %parallel_loop3A_3286], %parallel_loop3A_3282 {strides = array<i32>} : memref<80x128xf32, #tpu.memory_space<vmem>>, vector<16xf32>,
      } {sc.loop_unroll_factor = 1 : i64, sc.parallel_access}
      %dma_start3A_76 = arith.constant 0 : i32
      %dma_start3A_77 = arith.constant 0 : i32
      %dma_start3A_78 = tpu.memref_slice %arg18[%dma_start3A_76, %dma_start3A_77] : memref<10000x128xf32, #tpu.memory_space<vmem_shared>> -> memref<10000x128xf32, #tpu.memory_space<vmem_shared>>
      tpu.enqueue_indirect_dma source(%arg10 : memref<80x128xf32, #tpu.memory_space<vmem>>) target(%dma_start3A_78 : memref<10000x128xf32, #tpu.memory_space<vmem_shared>>) offsets(%arg14 : memref<80xi32, #tpu.memory_space<vmem>>) semaphore(%arg22 : memref<!tpu.dma_semaphore, #tpu.memory_space<semaphore_mem>>) {add = true}
      %dma_start3A_79 = arith.constant 0 : i32
      %dma_start3A_80 = arith.constant 0 : i32
      %dma_start3A_81 = tpu.memref_slice %arg19[%dma_start3A_79, %dma_start3A_80] : memref<10000x16xf32, #tpu.memory_space<vmem_shared>> -> memref<10000x16xf32, #tpu.memory_space<vmem_shared>>
      tpu.enqueue_indirect_dma source(%arg11 : memref<80x16xf32, #tpu.memory_space<vmem>>) target(%dma_start3A_81 : memref<10000x16xf32, #tpu.memory_space<vmem_shared>>) offsets(%arg14 : memref<80xi32, #tpu.memory_space<vmem>>) semaphore(%arg22 : memref<!tpu.dma_semaphore, #tpu.memory_space<semaphore_mem>>) {add = true}
      %dma_wait3A_82 = arith.constant 0 : i32
      %dma_wait3A_83 = arith.constant 0 : i32
      %dma_wait3A_84 = tpu.memref_slice %arg18[%dma_wait3A_82, %dma_wait3A_83] : memref<10000x128xf32, #tpu.memory_space<vmem_shared>> -> memref<10000x128xf32, #tpu.memory_space<vmem_shared>>
      tpu.wait_indirect_dma semaphore(%arg22 : memref<!tpu.dma_semaphore, #tpu.memory_space<semaphore_mem>>) src(%arg10 : memref<80x128xf32, #tpu.memory_space<vmem>>) dst(%dma_wait3A_84 : memref<10000x128xf32, #tpu.memory_space<vmem_shared>>)
      %dma_wait3A_85 = arith.constant 0 : i32
      %dma_wait3A_86 = arith.constant 0 : i32
      %dma_wait3A_87 = tpu.memref_slice %arg19[%dma_wait3A_85, %dma_wait3A_86] : memref<10000x16xf32, #tpu.memory_space<vmem_shared>> -> memref<10000x16xf32, #tpu.memory_space<vmem_shared>>
      tpu.wait_indirect_dma semaphore(%arg22 : memref<!tpu.dma_semaphore, #tpu.memory_space<semaphore_mem>>) src(%arg11 : memref<80x16xf32, #tpu.memory_space<vmem>>) dst(%dma_wait3A_87 : memref<10000x16xf32, #tpu.memory_space<vmem_shared>>)
    }
    %scan3A_29 = arith.constant 125 : i32
    %barrier3A_30 = arith.constant 0 : index
    tpu.barrier barrier_id(%barrier3A_30)
    %mul3A_31 = arith.constant 10000 : i32
    %mul3A_32 = arith.muli %arg0, %mul3A_31 : i32
    %add3A_33 = arith.addi %mul3A_32, %mul3A_2 : i32
    "tpu.region"() ({
      %run_scoped3A = tpu.sem_alloc : memref<!tpu.dma_semaphore, #tpu.memory_space<semaphore_mem>>
      %dma_start3A = arith.constant 0 : i32
      %dma_start3A_42 = tpu.memref_slice %arg7[%add3A_33, %dma_start3A] : memref<20000x128xf32, #tpu.memory_space<hbm>> -> memref<624x128xf32, #tpu.memory_space<hbm>>
      %dma_start3A_43 = arith.constant 0 : i32
      %dma_start3A_44 = tpu.memref_slice %arg18[%mul3A_2, %dma_start3A_43] : memref<10000x128xf32, #tpu.memory_space<vmem_shared>> -> memref<624x128xf32, #tpu.memory_space<vmem_shared>>
      tpu.enqueue_dma source(%dma_start3A_44 : memref<624x128xf32, #tpu.memory_space<vmem_shared>>) target(%dma_start3A_42 : memref<624x128xf32, #tpu.memory_space<hbm>>) target_semaphore(%run_scoped3A : memref<!tpu.dma_semaphore, #tpu.memory_space<semaphore_mem>>)
      %dma_wait3A = arith.constant 0 : i32
      %dma_wait3A_45 = tpu.memref_slice %arg7[%add3A_33, %dma_wait3A] : memref<20000x128xf32, #tpu.memory_space<hbm>> -> memref<624x128xf32, #tpu.memory_space<hbm>>
      %dma_wait3A_46 = arith.constant 0 : i32
      %dma_wait3A_47 = tpu.memref_slice %arg18[%mul3A_2, %dma_wait3A_46] : memref<10000x128xf32, #tpu.memory_space<vmem_shared>> -> memref<624x128xf32, #tpu.memory_space<vmem_shared>>
      tpu.wait_dma2 semaphore(%run_scoped3A : memref<!tpu.dma_semaphore, #tpu.memory_space<semaphore_mem>>) src(%dma_wait3A_47 : memref<624x128xf32, #tpu.memory_space<vmem_shared>>) dst(%dma_wait3A_45 : memref<624x128xf32, #tpu.memory_space<hbm>>)
      tpu.yield
    }) : () -> ()
    %mul3A_34 = arith.constant 10000 : i32
    %mul3A_35 = arith.muli %arg0, %mul3A_34 : i32
    %add3A_36 = arith.addi %mul3A_35, %mul3A_2 : i32
    "tpu.region"() ({
      %run_scoped3A = tpu.sem_alloc : memref<!tpu.dma_semaphore, #tpu.memory_space<semaphore_mem>>
      %dma_start3A = arith.constant 0 : i32
      %dma_start3A_42 = tpu.memref_slice %arg8[%add3A_36, %dma_start3A] : memref<20000x16xf32, #tpu.memory_space<hbm>> -> memref<624x16xf32, #tpu.memory_space<hbm>>
      %dma_start3A_43 = arith.constant 0 : i32
      %dma_start3A_44 = tpu.memref_slice %arg19[%mul3A_2, %dma_start3A_43] : memref<10000x16xf32, #tpu.memory_space<vmem_shared>> -> memref<624x16xf32, #tpu.memory_space<vmem_shared>>
      tpu.enqueue_dma source(%dma_start3A_44 : memref<624x16xf32, #tpu.memory_space<vmem_shared>>) target(%dma_start3A_42 : memref<624x16xf32, #tpu.memory_space<hbm>>) target_semaphore(%run_scoped3A : memref<!tpu.dma_semaphore, #tpu.memory_space<semaphore_mem>>)
      %dma_wait3A = arith.constant 0 : i32
      %dma_wait3A_45 = tpu.memref_slice %arg8[%add3A_36, %dma_wait3A] : memref<20000x16xf32, #tpu.memory_space<hbm>> -> memref<624x16xf32, #tpu.memory_space<hbm>>
      %dma_wait3A_46 = arith.constant 0 : i32
      %dma_wait3A_47 = tpu.memref_slice %arg19[%mul3A_2, %dma_wait3A_46] : memref<10000x16xf32, #tpu.memory_space<vmem_shared>> -> memref<624x16xf32, #tpu.memory_space<vmem_shared>>
      tpu.wait_dma2 semaphore(%run_scoped3A : memref<!tpu.dma_semaphore, #tpu.memory_space<semaphore_mem>>) src(%dma_wait3A_47 : memref<624x16xf32, #tpu.memory_space<vmem_shared>>) dst(%dma_wait3A_45 : memref<624x16xf32, #tpu.memory_space<hbm>>)
      tpu.yield
    }) : () -> ()
    %eq3A_37 = arith.constant 0 : i32
    %eq3A_38 = arith.cmpi eq, %arg1, %eq3A_37 : i32
    %convert_element_type3A_39 = arith.extui %eq3A_38 : i1 to i32
    %cond3A_40 = arith.constant 0 : i32
    %cond3A_41 = arith.cmpi ne, %convert_element_type3A_39, %cond3A_40 : i32
    scf.if %cond3A_41 {
      %mul3A_42 = arith.constant 10000 : i32
      %mul3A_43 = arith.muli %arg0, %mul3A_42 : i32
      %add3A_44 = arith.constant 9984 : i32
      %add3A_45 = arith.addi %mul3A_43, %add3A_44 : i32
      "tpu.region"() ({
        %run_scoped3A = tpu.sem_alloc : memref<!tpu.dma_semaphore, #tpu.memory_space<semaphore_mem>>
        %dma_start3A = arith.constant 0 : i32
        %dma_start3A_50 = tpu.memref_slice %arg7[%add3A_45, %dma_start3A] : memref<20000x128xf32, #tpu.memory_space<hbm>> -> memref<16x128xf32, #tpu.memory_space<hbm>>
        %dma_start3A_51 = arith.constant 9984 : i32
        %dma_start3A_52 = arith.constant 0 : i32
        %dma_start3A_53 = tpu.memref_slice %arg18[%dma_start3A_51, %dma_start3A_52] : memref<10000x128xf32, #tpu.memory_space<vmem_shared>> -> memref<16x128xf32, #tpu.memory_space<vmem_shared>>
        tpu.enqueue_dma source(%dma_start3A_53 : memref<16x128xf32, #tpu.memory_space<vmem_shared>>) target(%dma_start3A_50 : memref<16x128xf32, #tpu.memory_space<hbm>>) target_semaphore(%run_scoped3A : memref<!tpu.dma_semaphore, #tpu.memory_space<semaphore_mem>>)
        %dma_wait3A = arith.constant 0 : i32
        %dma_wait3A_54 = tpu.memref_slice %arg7[%add3A_45, %dma_wait3A] : memref<20000x128xf32, #tpu.memory_space<hbm>> -> memref<16x128xf32, #tpu.memory_space<hbm>>
        %dma_wait3A_55 = arith.constant 9984 : i32
        %dma_wait3A_56 = arith.constant 0 : i32
        %dma_wait3A_57 = tpu.memref_slice %arg18[%dma_wait3A_55, %dma_wait3A_56] : memref<10000x128xf32, #tpu.memory_space<vmem_shared>> -> memref<16x128xf32, #tpu.memory_space<vmem_shared>>
        tpu.wait_dma2 semaphore(%run_scoped3A : memref<!tpu.dma_semaphore, #tpu.memory_space<semaphore_mem>>) src(%dma_wait3A_57 : memref<16x128xf32, #tpu.memory_space<vmem_shared>>) dst(%dma_wait3A_54 : memref<16x128xf32, #tpu.memory_space<hbm>>)
        tpu.yield
      }) : () -> ()
      %mul3A_46 = arith.constant 10000 : i32
      %mul3A_47 = arith.muli %arg0, %mul3A_46 : i32
      %add3A_48 = arith.constant 9984 : i32
      %add3A_49 = arith.addi %mul3A_47, %add3A_48 : i32
      "tpu.region"() ({
        %run_scoped3A = tpu.sem_alloc : memref<!tpu.dma_semaphore, #tpu.memory_space<semaphore_mem>>
        %dma_start3A = arith.constant 0 : i32
        %dma_start3A_50 = tpu.memref_slice %arg8[%add3A_49, %dma_start3A] : memref<20000x16xf32, #tpu.memory_space<hbm>> -> memref<16x16xf32, #tpu.memory_space<hbm>>
        %dma_start3A_51 = arith.constant 9984 : i32
        %dma_start3A_52 = arith.constant 0 : i32
        %dma_start3A_53 = tpu.memref_slice %arg19[%dma_start3A_51, %dma_start3A_52] : memref<10000x16xf32, #tpu.memory_space<vmem_shared>> -> memref<16x16xf32, #tpu.memory_space<vmem_shared>>
        tpu.enqueue_dma source(%dma_start3A_53 : memref<16x16xf32, #tpu.memory_space<vmem_shared>>) target(%dma_start3A_50 : memref<16x16xf32, #tpu.memory_space<hbm>>) target_semaphore(%run_scoped3A : memref<!tpu.dma_semaphore, #tpu.memory_space<semaphore_mem>>)
        %dma_wait3A = arith.constant 0 : i32
        %dma_wait3A_54 = tpu.memref_slice %arg8[%add3A_49, %dma_wait3A] : memref<20000x16xf32, #tpu.memory_space<hbm>> -> memref<16x16xf32, #tpu.memory_space<hbm>>
        %dma_wait3A_55 = arith.constant 9984 : i32
        %dma_wait3A_56 = arith.constant 0 : i32
        %dma_wait3A_57 = tpu.memref_slice %arg19[%dma_wait3A_55, %dma_wait3A_56] : memref<10000x16xf32, #tpu.memory_space<vmem_shared>> -> memref<16x16xf32, #tpu.memory_space<vmem_shared>>
        tpu.wait_dma2 semaphore(%run_scoped3A : memref<!tpu.dma_semaphore, #tpu.memory_space<semaphore_mem>>) src(%dma_wait3A_57 : memref<16x16xf32, #tpu.memory_space<vmem_shared>>) dst(%dma_wait3A_54 : memref<16x16xf32, #tpu.memory_space<hbm>>)
        tpu.yield
      }) : () -> ()
    } else {
    }
    return
  }
}

module attributes {stable_mosaic.version = 14 : i64} {
  func.func @_prep_body(%arg0: memref<10000x128xf32, #tpu.memory_space<vmem>>, %arg1: memref<1x1xf32, #tpu.memory_space<vmem>>, %arg2: memref<10000x128xf32, #tpu.memory_space<vmem>>, %arg3: memref<10000x1xf32, #tpu.memory_space<vmem>>, %arg4: memref<10000x1xf32, #tpu.memory_space<vmem>>) attributes {dimension_semantics = [], scalar_prefetch = 0 : i64, scratch_operands = 0 : i64, tpu.core_type = #tpu.core_type<tc>} {
    %get3A = arith.constant 0 : index
    %get3A_0 = arith.constant 0 : index
    %get3A_1 = vector.load %arg0[%get3A, %get3A_0] : memref<10000x128xf32, #tpu.memory_space<vmem>>, vector<10000x128xf32>
    %mul3A = arith.mulf %get3A_1, %get3A_1 : vector<10000x128xf32>
    %reduce_sum3A = arith.constant dense<0.000000e+00> : vector<10000xf32>
    %reduce_sum3A_2 = vector.multi_reduction <add>, %mul3A, %reduce_sum3A [1] : vector<10000x128xf32> to vector<10000xf32>
    %broadcast_in_dim3A = vector.shape_cast %reduce_sum3A_2 : vector<10000xf32> to vector<10000x1xf32>
    %sqrt3A = math.sqrt %broadcast_in_dim3A : vector<10000x1xf32>
    %max3A = arith.constant 9.99999996E-13 : f32
    %max3A_3 = vector.broadcast %max3A : f32 to vector<10000x1xf32>
    %max3A_4 = arith.maximumf %sqrt3A, %max3A_3 : vector<10000x1xf32>
    %div3A = vector.broadcast %max3A_4 : vector<10000x1xf32> to vector<10000x128xf32>
    %div3A_5 = arith.divf %get3A_1, %div3A : vector<10000x128xf32>
    %swap3A = arith.constant 0 : index
    %swap3A_6 = arith.constant 0 : index
    %swap3A_7 = vector.load %arg2[%swap3A, %swap3A_6] : memref<10000x128xf32, #tpu.memory_space<vmem>>, vector<10000x128xf32>
    tpu.vector_store %arg2[%swap3A, %swap3A_6], %div3A_5 {strides = array<i32>} : memref<10000x128xf32, #tpu.memory_space<vmem>>, vector<10000x128xf32>,
    %swap3A_8 = arith.constant 0 : index
    %swap3A_9 = arith.constant 0 : index
    %swap3A_10 = vector.load %arg3[%swap3A_8, %swap3A_9] : memref<10000x1xf32, #tpu.memory_space<vmem>>, vector<10000x1xf32>
    tpu.vector_store %arg3[%swap3A_8, %swap3A_9], %sqrt3A {strides = array<i32>} : memref<10000x1xf32, #tpu.memory_space<vmem>>, vector<10000x1xf32>,
    %mul3A_11 = arith.mulf %div3A_5, %div3A_5 : vector<10000x128xf32>
    %reduce_sum3A_12 = arith.constant dense<0.000000e+00> : vector<10000xf32>
    %reduce_sum3A_13 = vector.multi_reduction <add>, %mul3A_11, %reduce_sum3A_12 [1] : vector<10000x128xf32> to vector<10000xf32>
    %broadcast_in_dim3A_14 = vector.shape_cast %reduce_sum3A_13 : vector<10000xf32> to vector<10000x1xf32>
    %get3A_15 = arith.constant 0 : index
    %get3A_16 = arith.constant 0 : index
    %get3A_17 = vector.load %arg1[%get3A_15, %get3A_16] : memref<1x1xf32, #tpu.memory_space<vmem>>, vector<1x1xf32>
    %mul3A_18 = vector.broadcast %get3A_17 : vector<1x1xf32> to vector<10000x1xf32>
    %mul3A_19 = arith.mulf %mul3A_18, %broadcast_in_dim3A_14 : vector<10000x1xf32>
    %exp3A = math.exp %mul3A_19 : vector<10000x1xf32>
    %swap3A_20 = arith.constant 0 : index
    %swap3A_21 = arith.constant 0 : index
    %swap3A_22 = vector.load %arg4[%swap3A_20, %swap3A_21] : memref<10000x1xf32, #tpu.memory_space<vmem>>, vector<10000x1xf32>
    tpu.vector_store %arg4[%swap3A_20, %swap3A_21], %exp3A {strides = array<i32>} : memref<10000x1xf32, #tpu.memory_space<vmem>>, vector<10000x1xf32>,
    return
  }
}

module attributes {stable_mosaic.version = 14 : i64} {
  func.func @_lstm_body(%arg0: i32, %arg1: memref<2x1000x128xf32, #tpu.memory_space<vmem>>, %arg2: memref<2x1000x16xf32, #tpu.memory_space<vmem>>, %arg3: memref<1000x1xf32, #tpu.memory_space<vmem>>, %arg4: memref<1000x128xf32, #tpu.memory_space<vmem>>, %arg5: memref<1000x128xf32, #tpu.memory_space<vmem>>, %arg6: memref<1000x128xf32, #tpu.memory_space<vmem>>, %arg7: memref<512x128xf32, #tpu.memory_space<vmem>>, %arg8: memref<512x128xf32, #tpu.memory_space<vmem>>, %arg9: memref<1000x128xf32, #tpu.memory_space<vmem>>, %arg10: memref<1000x128xf32, #tpu.memory_space<vmem>>) attributes {dimension_semantics = [#tpu.dimension_semantics<arbitrary>], iteration_bounds = array<i64: 10>, scalar_prefetch = 0 : i64, scratch_operands = 0 : i64, tpu.core_type = #tpu.core_type<tc>, window_params = [{transform_indices = @transform_0, window_bounds = array<i64: 2, 1000, 128>}, {transform_indices = @transform_1, window_bounds = array<i64: 2, 1000, 16>}, {transform_indices = @transform_2, window_bounds = array<i64: 1000, 1>}, {transform_indices = @transform_3, window_bounds = array<i64: 1000, 128>}, {transform_indices = @transform_4, window_bounds = array<i64: 1000, 128>}, {transform_indices = @transform_5, window_bounds = array<i64: 1000, 128>}, {pipeline_mode = #tpu.pipeline_mode<synchronous>, transform_indices = @transform_6, window_bounds = array<i64: 512, 128>}, {pipeline_mode = #tpu.pipeline_mode<synchronous>, transform_indices = @transform_7, window_bounds = array<i64: 512, 128>}, {transform_indices = @transform_8, window_bounds = array<i64: 1000, 128>}, {transform_indices = @transform_9, window_bounds = array<i64: 1000, 128>}]} {
    %get3A = arith.constant 0 : index
    %get3A_0 = arith.constant 0 : index
    %get3A_1 = vector.load %arg3[%get3A, %get3A_0] : memref<1000x1xf32, #tpu.memory_space<vmem>>, vector<1000x1xf32>
    %get3A_2 = arith.constant 0 : index
    %get3A_3 = arith.constant 0 : index
    %get3A_4 = arith.constant 0 : index
    %get3A_5 = vector.load %arg1[%get3A_2, %get3A_3, %get3A_4] : memref<2x1000x128xf32, #tpu.memory_space<vmem>>, vector<1x1000x128xf32>
    %get3A_6 = vector.shape_cast %get3A_5 : vector<1x1000x128xf32> to vector<1000x128xf32>
    %get3A_7 = arith.constant 1 : index
    %get3A_8 = arith.constant 0 : index
    %get3A_9 = arith.constant 0 : index
    %get3A_10 = vector.load %arg1[%get3A_7, %get3A_8, %get3A_9] : memref<2x1000x128xf32, #tpu.memory_space<vmem>>, vector<1x1000x128xf32>
    %get3A_11 = vector.shape_cast %get3A_10 : vector<1x1000x128xf32> to vector<1000x128xf32>
    %add3A = arith.addf %get3A_6, %get3A_11 : vector<1000x128xf32>
    %get3A_12 = arith.constant 0 : index
    %get3A_13 = arith.constant 0 : index
    %get3A_14 = vector.load %arg4[%get3A_12, %get3A_13] : memref<1000x128xf32, #tpu.memory_space<vmem>>, vector<1000x128xf32>
    %mul3A = vector.broadcast %get3A_1 : vector<1000x1xf32> to vector<1000x128xf32>
    %mul3A_15 = arith.mulf %mul3A, %get3A_14 : vector<1000x128xf32>
    %add3A_16 = arith.addf %add3A, %mul3A_15 : vector<1000x128xf32>
    %get3A_17 = arith.constant 0 : index
    %get3A_18 = arith.constant 0 : index
    %get3A_19 = arith.constant 0 : index
    %get3A_20 = vector.load %arg2[%get3A_17, %get3A_18, %get3A_19] : memref<2x1000x16xf32, #tpu.memory_space<vmem>>, vector<1x1000x1xf32>
    %get3A_21 = vector.shape_cast %get3A_20 : vector<1x1000x1xf32> to vector<1000x1xf32>
    %get3A_22 = arith.constant 1 : index
    %get3A_23 = arith.constant 0 : index
    %get3A_24 = arith.constant 0 : index
    %get3A_25 = vector.load %arg2[%get3A_22, %get3A_23, %get3A_24] : memref<2x1000x16xf32, #tpu.memory_space<vmem>>, vector<1x1000x1xf32>
    %get3A_26 = vector.shape_cast %get3A_25 : vector<1x1000x1xf32> to vector<1000x1xf32>
    %add3A_27 = arith.addf %get3A_21, %get3A_26 : vector<1000x1xf32>
    %add3A_28 = arith.addf %add3A_27, %get3A_1 : vector<1000x1xf32>
    %max3A = arith.constant 1.000000e-16 : f32
    %max3A_29 = vector.broadcast %max3A : f32 to vector<1000x1xf32>
    %max3A_30 = arith.maximumf %add3A_28, %max3A_29 : vector<1000x1xf32>
    %div3A = vector.broadcast %max3A_30 : vector<1000x1xf32> to vector<1000x128xf32>
    %div3A_31 = arith.divf %add3A_16, %div3A : vector<1000x128xf32>
    %tanh3A = math.tanh %div3A_31 : vector<1000x128xf32>
    %get3A_32 = arith.constant 0 : index
    %get3A_33 = arith.constant 0 : index
    %get3A_34 = vector.load %arg7[%get3A_32, %get3A_33] : memref<512x128xf32, #tpu.memory_space<vmem>>, vector<512x128xf32>
    %dot_general3A = arith.constant dense<0.000000e+00> : vector<1000x512xf32>
    %dot_general3A_35 = tpu.matmul %tanh3A, %get3A_34, %dot_general3A {dimension_numbers = #tpu.dot_dimension_numbers<[1], [1], [0], [0], [0, 0, 1, 0], [], []>, precision = #tpu.contract_precision<fp32>, transpose_lhs_hint = false} : vector<1000x128xf32>, vector<512x128xf32>, vector<1000x512xf32> -> vector<1000x512xf32>
    %get3A_36 = arith.constant 0 : index
    %get3A_37 = arith.constant 0 : index
    %get3A_38 = vector.load %arg5[%get3A_36, %get3A_37] : memref<1000x128xf32, #tpu.memory_space<vmem>>, vector<1000x128xf32>
    %get3A_39 = arith.constant 0 : index
    %get3A_40 = arith.constant 0 : index
    %get3A_41 = vector.load %arg8[%get3A_39, %get3A_40] : memref<512x128xf32, #tpu.memory_space<vmem>>, vector<512x128xf32>
    %dot_general3A_42 = arith.constant dense<0.000000e+00> : vector<1000x512xf32>
    %dot_general3A_43 = tpu.matmul %get3A_38, %get3A_41, %dot_general3A_42 {dimension_numbers = #tpu.dot_dimension_numbers<[1], [1], [0], [0], [0, 0, 1, 0], [], []>, precision = #tpu.contract_precision<fp32>, transpose_lhs_hint = false} : vector<1000x128xf32>, vector<512x128xf32>, vector<1000x512xf32> -> vector<1000x512xf32>
    %add3A_44 = arith.addf %dot_general3A_35, %dot_general3A_43 : vector<1000x512xf32>
    %slice3A = vector.extract_strided_slice %add3A_44 {offsets = [0, 0], sizes = [1000, 128], strides = [1, 1]} : vector<1000x512xf32> to vector<1000x128xf32>
    %logistic3A = arith.negf %slice3A : vector<1000x128xf32>
    %logistic3A_45 = math.exp %logistic3A : vector<1000x128xf32>
    %logistic3A_46 = arith.constant 1.000000e+00 : f32
    %logistic3A_47 = vector.broadcast %logistic3A_46 : f32 to vector<1000x128xf32>
    %logistic3A_48 = arith.addf %logistic3A_47, %logistic3A_45 : vector<1000x128xf32>
    %logistic3A_49 = arith.divf %logistic3A_47, %logistic3A_48 : vector<1000x128xf32>
    %slice3A_50 = vector.extract_strided_slice %add3A_44 {offsets = [0, 128], sizes = [1000, 128], strides = [1, 1]} : vector<1000x512xf32> to vector<1000x128xf32>
    %logistic3A_51 = arith.negf %slice3A_50 : vector<1000x128xf32>
    %logistic3A_52 = math.exp %logistic3A_51 : vector<1000x128xf32>
    %logistic3A_53 = arith.constant 1.000000e+00 : f32
    %logistic3A_54 = vector.broadcast %logistic3A_53 : f32 to vector<1000x128xf32>
    %logistic3A_55 = arith.addf %logistic3A_54, %logistic3A_52 : vector<1000x128xf32>
    %logistic3A_56 = arith.divf %logistic3A_54, %logistic3A_55 : vector<1000x128xf32>
    %slice3A_57 = vector.extract_strided_slice %add3A_44 {offsets = [0, 256], sizes = [1000, 128], strides = [1, 1]} : vector<1000x512xf32> to vector<1000x128xf32>
    %tanh3A_58 = math.tanh %slice3A_57 : vector<1000x128xf32>
    %slice3A_59 = vector.extract_strided_slice %add3A_44 {offsets = [0, 384], sizes = [1000, 128], strides = [1, 1]} : vector<1000x512xf32> to vector<1000x128xf32>
    %logistic3A_60 = arith.negf %slice3A_59 : vector<1000x128xf32>
    %logistic3A_61 = math.exp %logistic3A_60 : vector<1000x128xf32>
    %logistic3A_62 = arith.constant 1.000000e+00 : f32
    %logistic3A_63 = vector.broadcast %logistic3A_62 : f32 to vector<1000x128xf32>
    %logistic3A_64 = arith.addf %logistic3A_63, %logistic3A_61 : vector<1000x128xf32>
    %logistic3A_65 = arith.divf %logistic3A_63, %logistic3A_64 : vector<1000x128xf32>
    %get3A_66 = arith.constant 0 : index
    %get3A_67 = arith.constant 0 : index
    %get3A_68 = vector.load %arg6[%get3A_66, %get3A_67] : memref<1000x128xf32, #tpu.memory_space<vmem>>, vector<1000x128xf32>
    %mul3A_69 = arith.mulf %logistic3A_56, %get3A_68 : vector<1000x128xf32>
    %mul3A_70 = arith.mulf %logistic3A_49, %tanh3A_58 : vector<1000x128xf32>
    %add3A_71 = arith.addf %mul3A_69, %mul3A_70 : vector<1000x128xf32>
    %tanh3A_72 = math.tanh %add3A_71 : vector<1000x128xf32>
    %mul3A_73 = arith.mulf %logistic3A_65, %tanh3A_72 : vector<1000x128xf32>
    %swap3A = arith.constant 0 : index
    %swap3A_74 = arith.constant 0 : index
    %swap3A_75 = vector.load %arg9[%swap3A, %swap3A_74] : memref<1000x128xf32, #tpu.memory_space<vmem>>, vector<1000x128xf32>
    tpu.vector_store %arg9[%swap3A, %swap3A_74], %mul3A_73 {strides = array<i32>} : memref<1000x128xf32, #tpu.memory_space<vmem>>, vector<1000x128xf32>,
    %swap3A_76 = arith.constant 0 : index
    %swap3A_77 = arith.constant 0 : index
    %swap3A_78 = vector.load %arg10[%swap3A_76, %swap3A_77] : memref<1000x128xf32, #tpu.memory_space<vmem>>, vector<1000x128xf32>
    tpu.vector_store %arg10[%swap3A_76, %swap3A_77], %add3A_71 {strides = array<i32>} : memref<1000x128xf32, #tpu.memory_space<vmem>>, vector<1000x128xf32>,
    return
  }
  func.func @transform_0(%arg0: i32) -> (i32, i32, i32) {
    %c0_i32 = arith.constant 0 : i32
    %c0_i32_0 = arith.constant 0 : i32
    %c0_i32_1 = arith.constant 0 : i32
    return %c0_i32, %arg0, %c0_i32_0 : i32, i32, i32
  }
  func.func @transform_1(%arg0: i32) -> (i32, i32, i32) {
    %c0_i32 = arith.constant 0 : i32
    %c0_i32_0 = arith.constant 0 : i32
    %c0_i32_1 = arith.constant 0 : i32
    return %c0_i32, %arg0, %c0_i32_0 : i32, i32, i32
  }
  func.func @transform_2(%arg0: i32) -> (i32, i32) {
    %c0_i32 = arith.constant 0 : i32
    %c0_i32_0 = arith.constant 0 : i32
    return %arg0, %c0_i32 : i32, i32
  }
  func.func @transform_3(%arg0: i32) -> (i32, i32) {
    %c0_i32 = arith.constant 0 : i32
    %c0_i32_0 = arith.constant 0 : i32
    return %arg0, %c0_i32 : i32, i32
  }
  func.func @transform_4(%arg0: i32) -> (i32, i32) {
    %c0_i32 = arith.constant 0 : i32
    %c0_i32_0 = arith.constant 0 : i32
    return %arg0, %c0_i32 : i32, i32
  }
  func.func @transform_5(%arg0: i32) -> (i32, i32) {
    %c0_i32 = arith.constant 0 : i32
    %c0_i32_0 = arith.constant 0 : i32
    return %arg0, %c0_i32 : i32, i32
  }
  func.func @transform_6(%arg0: i32) -> (i32, i32) {
    %c0_i32 = arith.constant 0 : i32
    %c0_i32_0 = arith.constant 0 : i32
    %c0_i32_1 = arith.constant 0 : i32
    return %c0_i32, %c0_i32_0 : i32, i32
  }
  func.func @transform_7(%arg0: i32) -> (i32, i32) {
    %c0_i32 = arith.constant 0 : i32
    %c0_i32_0 = arith.constant 0 : i32
    %c0_i32_1 = arith.constant 0 : i32
    return %c0_i32, %c0_i32_0 : i32, i32
  }
  func.func @transform_8(%arg0: i32) -> (i32, i32) {
    %c0_i32 = arith.constant 0 : i32
    %c0_i32_0 = arith.constant 0 : i32
    return %arg0, %c0_i32 : i32, i32
  }
  func.func @transform_9(%arg0: i32) -> (i32, i32) {
    %c0_i32 = arith.constant 0 : i32
    %c0_i32_0 = arith.constant 0 : i32
    return %arg0, %c0_i32 : i32, i32
  }
}

</mosaic_0001>

<sc_bundles>
// kernel: kernel.5.cloned.1.call-start
scs
__scs_entry_jumppad:
0x0: {  	(pc) =	sbr.rel $0x88, $3  }
0x1: {  	(tag) =	ssettag $0x0;
	lr =	simm.s32 $0x1  }
0x2: {  	[smem:$0x3F9A] =	sst lr;
	_ =	strace $0xD0000000  }
0x3: {  	_ = 	snop  }
0x4: {  	_ = 	snop  }
0x5: {  	_ = 	snop  }
0x6: {  	_ = 	snop  }
0x7: {  	_ = 	snop  }
__scs_overlays_trampoline_lowered:
0x8: {  	[smem:$0x3FA9] =	sst s0  }
0x9: {  	[smem:$0x3FAA] =	sst s1  }
0xa: {  	[smem:$0x3FAB] =	sst s2  }
0xb: {  	[smem:$0x3FAC] =	sst s3  }
0xc: {  	[smem:$0x3FAD] =	sst s4  }
0xd: {  	[smem:$0x3FAE] =	sst s5  }
0xe: {  	[smem:$0x3FAF] =	sst s6  }
0xf: {  	[smem:$0x3FB0] =	sst s7  }
0x10: {  	[smem:$0x3FB1] =	sst s8  }
0x11: {  	[smem:$0x3FB2] =	sst s9;
	s0 =	simm.s32 @!p0 $0x0  }
0x12: {  	s1 =	sld [smem:$0x3F98];
	s0 =	simm.s32 @p0 $0x1  }
0x13: {  	[smem:$0x3FB3] =	sst s0;
	s0 =	simm.s32 @!p1 $0x0  }
0x14: {  	s2 =	sld [smem:$0x3F97];
	s0 =	simm.s32 @p1 $0x1  }
0x15: {  	[smem:$0x3FB4] =	sst s0;
	s0 =	simm.s32 @!p2 $0x0  }
0x16: {  	s3 =	sld [smem:$0x3FDB];
	s0 =	simm.s32 @p2 $0x1  }
0x17: {  	s4 =	simm.s32 $0x1BF5;
	[smem:$0x3FB6] =	sst s0  }
0x18: {  	s0 =	sld [smem:$0x3F99];
	_ =	swait.ge [sflag:s4], $0x0  }
0x19: {  	s7 =	sld [smem:$0x3F9A]  }
0x1a: {  	s8 =	sadd.s32 $0xFFFFE003, lr  }
0x1b: {  	s9 =	sadd.s32 $0xFFFFFEF7, lr;
	s5 =	simm.s32 $0xFFFFFFFF;
	p2 =	slt.u32 s8, $0xFFFFF086  }
0x1c: {  	p1 =	slt.u32 s9, $0xF7A;
	s5 =	simm.s32 @!p2 $0x0  }
0x1d: {  	s5 =	simm.s32 @p1 $0x1;
	p0 =	seq.s32 s7, s2  }
0x1e: {  	s7 =	smul.u32 @!p0 $0xF7A, s2;
	p2 =	seq.s32 @!p0 s5, $0x0  }
0x1f: {  	s9 =	smul.u32 $0xF7A, s1;
	s8 =	simm.s32 @!p0 $0x1BF5;
	p2 =	por !p2, p0  }
0x20: {  	[sflag:s8] =	ssyncset.s32 @!p0 $0xFFFFF086;
	s6 =	sadd.s32 @!p0 s3, s7;
	s7 =	simm.s32 @!p0 $0x108  }
0x21: {  	s3 =	sadd.s32 s3, s9;
	s6 =	sadd.s32 @!p0 $0x88, s6;
	s7 =	simm.s32 @p2 $0x1082  }
0x22: {  	[simem:s7], [sflag:s8] =	dma.local @!p0 [hbm:s6], $0xF7A  }
0x23: {  	s9 =	sor.u32 $0xD0000000, s2;
	s6 =	simm.s32 $0x108;
	_ =	swait.ge @!p0 [sflag:s8], $0x0  }
0x24: {  	s3 =	sadd.s32 $0x88, s3;
	s6 =	simm.s32 @!p1 $0x1082;
	[sflag:s4] =	ssyncset.s32 $0xFFFFF086  }
0x25: {  	[simem:s6], [sflag:s4] =	dma.local [hbm:s3], $0xF7A  }
0x26: {  	[smem:$0x3F9A] =	sst s1;
	(tag) =	ssettag s2;
	_ =	strace s9  }
0x27: {  	s1 =	sld [smem:$0x3FAA]  }
0x28: {  	s2 =	sld [smem:$0x3FAB]  }
0x29: {  	s4 =	sld [smem:$0x3FAD]  }
0x2a: {  	p0 =	seq.s32 s5, $0x0;
	s5 =	sld [smem:$0x3FAE]  }
0x2b: {  	s6 =	sld [smem:$0x3FAF]  }
0x2c: {  	s7 =	sld [smem:$0x3FB0]  }
0x2d: {  	s3 =	simm.s32 $0x108;
	s8 =	sld [smem:$0x3FB1]  }
0x2e: {  	s3 =	simm.s32 @!p0 $0x1082;
	s9 =	sld [smem:$0x3FB2]  }
0x2f: {  	lr =	sadd.s32 s0, s3;
	s0 =	sld [smem:$0x3FA9]  }
0x30: {  	s3 =	sld [smem:$0x3FAC]  }
0x31: {  	[smem:$0x3FB5] =	sst s10  }
0x32: {  	s10 =	sld [smem:$0x3FB3];
	_ =	sdelay $0x3  }
0x33: {  	p0 =	seq.s32 s10, $0x1;
	s10 =	sld [smem:$0x3FB5];
	_ =	sdelay $0x3  }
0x34: {  	[smem:$0x3FB5] =	sst s10  }
0x35: {  	s10 =	sld [smem:$0x3FB4];
	_ =	sdelay $0x3  }
0x36: {  	p1 =	seq.s32 s10, $0x1;
	s10 =	sld [smem:$0x3FB5];
	_ =	sdelay $0x3  }
0x37: {  	[smem:$0x3FB5] =	sst s10  }
0x38: {  	s10 =	sld [smem:$0x3FB6]  }
0x39: {  	_ = 	snop;
	(pc) =	sbr.ind lr, $3  }
0x3a: {  	_ = 	snop  }
0x3b: {  	_ = 	snop  }
0x3c: {  	p2 =	seq.s32 s10, $0x1;
	s10 =	sld [smem:$0x3FB5]  }
0x3d: {  	_ =	shalt  }
0x3e: {  	_ =	shalt  }
0x3f: {  	_ =	shalt  }
0x40: {  	_ =	shalt  }
0x41: {  	_ =	shalt  }
0x42: {  	_ =	shalt  }
0x43: {  	_ =	shalt  }
0x44: {  	_ =	shalt  }
0x45: {  	_ =	shalt  }
0x46: {  	_ =	shalt  }
0x47: {  	_ =	shalt  }
0x48: {  	_ =	shalt  }
0x49: {  	_ =	shalt  }
0x4a: {  	_ =	shalt  }
0x4b: {  	_ =	shalt  }
0x4c: {  	_ =	shalt  }
0x4d: {  	_ =	shalt  }
0x4e: {  	_ =	shalt  }
0x4f: {  	_ =	shalt  }
0x50: {  	_ =	shalt  }
0x51: {  	_ =	shalt  }
0x52: {  	_ =	shalt  }
0x53: {  	_ =	shalt  }
0x54: {  	_ =	shalt  }
0x55: {  	_ =	shalt  }
0x56: {  	_ =	shalt  }
0x57: {  	_ =	shalt  }
0x58: {  	_ =	shalt  }
0x59: {  	_ =	shalt  }
0x5a: {  	_ =	shalt  }
0x5b: {  	_ =	shalt  }
0x5c: {  	_ =	shalt  }
0x5d: {  	_ =	shalt  }
0x5e: {  	_ =	shalt  }
0x5f: {  	_ =	shalt  }
0x60: {  	_ =	shalt  }
0x61: {  	_ =	shalt  }
0x62: {  	_ =	shalt  }
0x63: {  	_ =	shalt  }
0x64: {  	_ =	shalt  }
0x65: {  	_ =	shalt  }
0x66: {  	_ =	shalt  }
0x67: {  	_ =	shalt  }
0x68: {  	_ =	shalt  }
0x69: {  	_ =	shalt  }
0x6a: {  	_ =	shalt  }
0x6b: {  	_ =	shalt  }
0x6c: {  	_ =	shalt  }
0x6d: {  	_ =	shalt  }
0x6e: {  	_ =	shalt  }
0x6f: {  	_ =	shalt  }
0x70: {  	_ =	shalt  }
0x71: {  	_ =	shalt  }
0x72: {  	_ =	shalt  }
0x73: {  	_ =	shalt  }
0x74: {  	_ =	shalt  }
0x75: {  	_ =	shalt  }
0x76: {  	_ =	shalt  }
0x77: {  	_ =	shalt  }
0x78: {  	_ =	shalt  }
0x79: {  	_ =	shalt  }
0x7a: {  	_ =	shalt  }
0x7b: {  	_ =	shalt  }
0x7c: {  	_ =	shalt  }
0x7d: {  	_ =	shalt  }
0x7e: {  	_ =	shalt  }
0x7f: {  	_ =	shalt  }
0x80: {  	_ =	shalt  }
0x81: {  	_ =	shalt  }
0x82: {  	_ =	shalt  }
0x83: {  	_ =	shalt  }
0x84: {  	_ =	shalt  }
0x85: {  	_ =	shalt  }
0x86: {  	_ =	shalt  }
0x87: {  	_ =	shalt  }
.Lfunc_end0:
.L_simem_size_0:
called_computation_lowered:
.L_overlay_start_0:
0x88: {  	s2 =	sld [smem:$0x3FD9]  }
0x89: {  	s3 =	sld [smem:$0x3FFE];
	_ =	sdelay $0x1  }
0x8a: {  	s1 =	srdreg.scid  }
0x8b: {  	s0 =	sand.u32 $0x1, s1  }
0x8c: {  	s14 =	sshll.u32 s0, $0xA;
	s2 =	sadd.s32 s3, s2  }
0x8d: {  	s2 =	sadd.s32 s2, s14  }
0x8e: {  	[smem:$0x3FC1] =	sst s2  }
0x8f: {  	_ = 	snop  }
0x90: {  	s2 =	sld [smem:$0x3FD0];
	_ =	sdelay $0x2  }
0x91: {  	s15 =	simm.s32 $0xA;
	s4 =	simm.s32 $0x10  }
0x92: {  	[smem:s4], [sflag:s15] =	dma.local [hbm:s2], $0x1  }
0x93: {  	_ =	swait.eq [sflag:s15], $0x1  }
0x94: {  	s16 =	sld [smem:$0x10];
	[sflag:s15] =	ssyncset.done $0x0  }
0x95: {  	s17 =	sld [smem:$0x11];
	[sflag:s15] =	ssyncadd.s32 $0xFFFFFFFF  }
0x96: {  	s18 =	sld [smem:$0x12];
	(tm) =	ssettm $0x1  }
0x97: {  	s5 =	sld [smem:$0x3FFB];
	_ =	sdelay $0x3  }
0x98: {  	_ =	strace s5  }
0x99: {  	s5 =	sld [smem:$0x3FFC];
	_ =	sdelay $0x3  }
0x9a: {  	_ =	strace s5  }
0x9b: {  	s5 =	sld [smem:$0x3FFD];
	_ =	sdelay $0x3  }
0x9c: {  	_ =	strace s5  }
0x9d: {  	_ =	strace $0x8FFFFFFF  }
0x9e: {  	s19 =	sld [smem:$0x3FDB];
	_ =	sdelay $0x1  }
0x9f: {  	s6 =	simm.s32 $_scs_section_size  }
0xa0: {  	s7 =	simm.s32 $_size__tile_overlayer_lowered;
	s8 =	simm.s32 $_tile_overlayer_lowered  }
0xa1: {  	s22 =	simm.s32 $0x1BFF;
	s21 =	sshll.u32 s8, $0x1;
	s5 =	sadd.s32 s6, s19  }
0xa2: {  	s9 =	simm.s32 $0x0;
	s20 =	sshll.u32 s7, $0x1;
	s7 =	sadd.s32 s21, s5  }
0xa3: {  	[timem:s9], [sflag:s22] =	dma.local [hbm:s7], s20  }
0xa4: {  	_ =	swait.ge [sflag:s22], s20  }
0xa5: {  	s6 =	ssub.s32 $0x0, s20;
	[sflag:s22] =	ssyncset.done $0x0  }
0xa6: {  	[sflag:s22] =	ssyncadd.s32 s6;
	_ =	sdelay $0x1  }
0xa7: {  	s23 =	simm.s32 $0x1B8B  }
0xa8: {  	_ =	swait.ge [sflag:s23], $0x1  }
0xa9: {  	[sflag:s23] =	ssyncset.done $0x0  }
0xaa: {  	s25 =	simm.s32 $0x1B8E;
	s24 =	sld [smem:$0x3FFE];
	[sflag:s23] =	ssyncadd.s32 $0xFFFFFFFF  }
0xab: {  	s26 =	simm.s32 $execute0_lowered;
	[smem:$0x3FD2] =	sst s25  }
0xac: {  	s7 =	sshll.u32 s26, $0x1;
	_ =	strace $0x80000046;
	[dreg:$0x1] =	wrdreg $0xFFFFFFFF  }
0xad: {  	s28 =	simm.s32 $_size_execute0_lowered;
	s5 =	sadd.s32 s5, s7;
	[dreg:$0x0] =	wrdreg $0x0  }
0xae: {  	s7 =	sshll.u32 s28, $0x1;
	[dreg:$0x2] =	wrdreg s5  }
0xaf: {  	[dreg:$0x3] =	wrdreg s7  }
0xb0: {  	[dreg:$0x4] =	wrdreg $0xC0  }
0xb1: {  	_ =	task [dreg:s9], $0x5FFFF  }
0xb2: {  	[dreg:$0x1] =	wrdreg $0xFFFFFFFF  }
0xb3: {  	[dreg:$0x0] =	wrdreg $0x60  }
0xb4: {  	[dreg:$0x2] =	wrdreg s17  }
0xb5: {  	[dreg:$0x3] =	wrdreg s24  }
0xb6: {  	[dreg:$0x4] =	wrdreg s16  }
0xb7: {  	[dreg:$0x5] =	wrdreg s18  }
0xb8: {  	[dreg:$0x6] =	wrdreg $0x60000  }
0xb9: {  	[dreg:$0x7] =	wrdreg $0x198800  }
0xba: {  	[dreg:$0x8] =	wrdreg $0x9  }
0xbb: {  	_ =	task.clear_ibuf [dreg:s9], $0x9FFFF;
	_ =	strace $0x90000046  }
0xbc: {  	s29 =	simm.s32 $0x9;
	_ =	strace $0x80000048  }
0xbd: {  	_ =	swait.ge [sflag:s29], $0x1  }
0xbe: {  	[sflag:s29] =	ssyncadd.s32 $0xFFFFFFFF  }
0xbf: {  	_ =	strace $0x90000048  }
0xc0: {  	_ =	sfence  }
0xc1: {  	s30 =	sld [smem:$0x0];
	_ =	sdelay $0x2  }
0xc2: {  	s31 =	sshll.u32 s1, $0xD;
	s1 =	sshrl.u32 s1, $0x2  }
0xc3: {  	s3 =	sand.u32 $0x4000, s31;
	s1 =	sadd.s32 s1, s30  }
0xc4: {  	s0 =	sor.u32 s3, s0;
	s1 =	sshll.u32 s1, $0x11  }
0xc5: {  	s0 =	sor.u32 s1, s0  }
0xc6: {  	s0 =	sadd.s32 $0x8F2B, s0  }
0xc7: {  	[sflag:s0] =	ssyncadd.remote.s32 $0x1  }
0xc8: {  	_ =	sfence.sel $0xFFFF  }
0xc9: {  	[dreg:$0x0] =	wrdreg $0xFFFFFFFF;
	(pc) =	sbr.abs _section_cstart, $3  }
0xca: {  	[dreg:$0x1] =	wrdreg $0xFFFFFFFF  }
0xcb: {  	_ =	task.clear_ibuf [dreg:s9], $0x2FFFF;
	_ =	strace $0x9FFFFFFF  }
0xcc: {  	(tm) =	ssettm $0x7FFFFFFF  }
0xcd: {  	_ =	shalt  }
tec
execute0_lowered:
.L_overlay_start_1:
0x0: {  	(tag) =	ssettag $0x1  }
0x1: {  	s0 =	rddreg [dreg:$0x1]  }
0x2: {  	s10 =	rddreg [dreg:$0x4]  }
0x3: {  	s11 =	rddreg [dreg:$0x5];
	s1 =	simm.s32 $0x0;
	s23 =	srdreg.scid  }
0x4: {  	s12 =	stileid.u32;
	[smem:$0x7FF] =	sst s1;
	s2 =	sadd.s32 $0x1800, s0  }
0x5: {  	s1 =	sand.u32 $0x1, s23;
	s24 =	sadd.s32 $0x6800, s0;
	s4 =	smul.u32 $0x270, s12  }
0x6: {  	s3 =	sadd.s32 $0x10800, s0;
	s0 =	sadd.s32 $0x6A00, s0;
	s7 =	smul.u32 $0x4E000, s12  }
0x7: {  	s9 =	smul.u32 $0x9C00, s12;
	_ =	strace $0x80000047;
	[dreg:$0x7] =	wrdreg s2  }
0x8: {  	p0 =	sne.s32 s12, $0x0;
	[dreg:$0x8] =	wrdreg s24;
	s25 =	sshll.u32 s1, $0x4  }
0x9: {  	s5 =	ssub.s32 $0x2, s1;
	s1 =	smul.u32 $0x2710, s1;
	s2 =	sor.u32 s12, s25  }
0xa: {  	s26 =	sshrl.u32 s5, $0x1;
	s6 =	sadd.s32 $0x230, s4;
	s7 =	sshrl.u32 s7, $0x2  }
0xb: {  	s9 =	sshrl.u32 s9, $0x2;
	s14 =	sadd.s32 $0x50, s4;
	s18 =	sadd.s32 $0xA0, s4  }
0xc: {  	s21 =	sadd.s32 $0xF0, s4;
	s23 =	sadd.s32 $0x140, s4;
	s12 =	simm.s32 $0x5000  }
0xd: {  	s2 =	smul.u32 $0x2710, s2;
	s28 =	sshll.u32 s6, $0x7;
	s29 =	sshll.u32 s6, $0x4  }
0xe: {  	s30 =	sadd.s32 s4, s1;
	s7 =	sadd.s32 s7, s10;
	s1 =	sadd.s32 $0x2700, s1  }
0xf: {  	s6 =	sadd.s32 s9, s11;
	s16 =	sshll.u32 s14, $0x7;
	s17 =	sshll.u32 s14, $0x4  }
0x10: {  	s19 =	sshll.u32 s18, $0x7;
	s22 =	sshll.u32 s21, $0x7;
	s24 =	sshll.u32 s23, $0x7  }
0x11: {  	s25 =	sshll.u32 s23, $0x4;
	s9 =	simm.s32 $0x2800;
	[dreg:$0xd] =	wrdreg s7  }
0x12: {  	s23 =	simm.s32 $0x3;
	s8 =	sshll.u32 s30, $0x4;
	[dreg:$0xf] =	wrdreg s6  }
0x13: {  	[dreg:$0x9] =	wrdreg s2;
	s2 =	ssub.s32 s5, s26;
	s5 =	sadd.s32 s28, s10  }
0x14: {  	s13 =	sshll.u32 s1, $0x4;
	s31 =	sadd.s32 s3, s8;
	[dreg:$0xa] =	wrdreg s5  }
0x15: {  	s3 =	sadd.s32 s3, s13;
	s26 =	sadd.s32 $0x190, s4;
	[dreg:$0xc] =	wrdreg s31  }
0x16: {  	s28 =	sadd.s32 $0x1E0, s4;
	s4 =	sadd.s32 $0x138000, s10;
	[dreg:$0x10] =	wrdreg s3  }
0x17: {  	s1 =	sshll.u32 s1, $0x1;
	s5 =	sadd.s32 s29, s11;
	[dreg:$0x1f] =	wrdreg s4  }
0x18: {  	s8 =	sshll.u32 s30, $0x1;
	s15 =	smax.u32 s2, $0x1;
	[dreg:$0xb] =	wrdreg s5  }
0x19: {  	s13 =	simm.s32 $0x5A00;
	s5 =	sadd.s32 s0, s8;
	[dreg:$0x12] =	wrdreg s15  }
0x1a: {  	s29 =	sshll.u32 s26, $0x7;
	s0 =	sadd.s32 s0, s1;
	[dreg:$0xe] =	wrdreg s5  }
0x1b: {  	s30 =	sshll.u32 s28, $0x7;
	s2 =	sadd.s32 s29, s10;
	[dreg:$0x11] =	wrdreg s0  }
0x1c: {  	s1 =	sshll.u32 s18, $0x4;
	s31 =	sadd.s32 s30, s10;
	[dreg:$0x1b] =	wrdreg s2  }
0x1d: {  	s8 =	simm.s32 $0x4;
	s0 =	sadd.s32 s16, s10;
	[dreg:$0x1d] =	wrdreg s31  }
0x1e: {  	s15 =	simm.s32 $0x5A50;
	s20 =	sadd.s32 s1, s11;
	[dreg:$0x13] =	wrdreg s0  }
0x1f: {  	s18 =	simm.s32 $0x50;
	s1 =	sadd.s32 s22, s10;
	[dreg:$0x16] =	wrdreg s20  }
0x20: {  	s5 =	sadd.s32 $0x27000, s11;
	s0 =	sadd.s32 s17, s11;
	[dreg:$0x17] =	wrdreg s1  }
0x21: {  	s22 =	simm.s32 $0x5FB0;
	[dreg:$0x14] =	wrdreg s0;
	s0 =	sadd.s32 s19, s10  }
0x22: {  	s2 =	simm.s32 $0x0;
	[dreg:$0x15] =	wrdreg s0;
	s0 =	sshll.u32 s21, $0x4  }
0x23: {  	s1 =	sshll.u32 s26, $0x4;
	[smem:$0x7FD] =	sst s5;
	s0 =	sadd.s32 s0, s11  }
0x24: {  	s17 =	simm.s32 $0x1;
	[dreg:$0x18] =	wrdreg s0;
	s0 =	sadd.s32 s24, s10  }
0x25: {  	s20 =	simm.s32 $0x2;
	[dreg:$0x19] =	wrdreg s0;
	s0 =	sadd.s32 s25, s11  }
0x26: {  	s1 =	sadd.s32 s1, s11;
	[dreg:$0x1a] =	wrdreg s0;
	s0 =	sshll.u32 s28, $0x4  }
0x27: {  	v1 =	vlaneseq.u32;
	s19 =	simm.s32 $0x5500;
	[dreg:$0x1c] =	wrdreg s1;
	s0 =	sadd.s32 s0, s11  }
0x28: {  	v0 =	vimm.f32 $0.0e+00;
	v1 =	vmul.u32 $0x10, v1;
	s21 =	simm.s32 $0x5AA0;
	s25 =	simm.s32 $0x0;
	[dreg:$0x1e] =	wrdreg s0  }
.LBB2_1:
0x29: {  	[smem:$0x7FC] =	sst s2  }
0x2a: {  	s0 =	simm.s32 $0x0;
	s1 =	rddreg [dreg:$0x8];
	s31 =	simm.s32 $0x5FA0  }
0x2b: {  	[tilespmem:s31], [sflag:$0x4] =	stream.linear.gather [hbm4b:s1+s0], $0x10, $0x38;
	[tilespmem:$0x1BF90] =	vst v63  }
0x2c: {  	_ =	swait.ge [sflag:s8], $0x10  }
0x2d: {  	[sflag:s8] =	ssyncset.done $0x0  }
0x2e: {  	s0 =	simm.s32 $0x2840;
	[sflag:s8] =	ssyncadd.s32 $0xFFFFFFF0  }
0x2f: {  	[tilespmem:s0+$0xFFFFFFD0] =	vst v0  }
0x30: {  	[tilespmem:s0+$0xFFFFFFE0] =	vst v0  }
0x31: {  	[tilespmem:s0+$0xFFFFFFF0] =	vst v0  }
0x32: {  	[tilespmem:s0+$0x0] =	vst v0  }
0x33: {  	[tilespmem:s0+$0x10] =	vst v0  }
0x34: {  	[tilespmem:s0+$0x20] =	vst v0  }
0x35: {  	[tilespmem:s0+$0x30] =	vst v0  }
0x36: {  	s2 =	simm.s32 $0x0;
	s1 =	simm.s32 $0x40;
	[tilespmem:s0+$0xFFFFFFC0] =	vst v0  }
.LBB2_2:
0x37: {  	p1 =	sne.s32 s1, $0x13C0;
	[tilespmem:s2+$0x5000] =	vst v0;
	s0 =	sadd.s32 $0x80, s0  }
0x38: {  	[tilespmem:s0+$0xFFFFFFD0] =	vst v0  }
0x39: {  	[tilespmem:s0+$0xFFFFFFE0] =	vst v0  }
0x3a: {  	[tilespmem:s0+$0xFFFFFFF0] =	vst v0  }
.Ltmp0:
0x3b: {  	[tilespmem:s0+$0x0] =	vst v0;
	(pc) =	sbr.rel @p1 .LBB2_2-.Ltmp0, $4  }
0x3c: {  	[tilespmem:s0+$0x10] =	vst v0  }
0x3d: {  	[tilespmem:s0+$0x20] =	vst v0  }
0x3e: {  	[tilespmem:s0+$0x30] =	vst v0  }
0x3f: {  	s2 =	sshra.s32 s1, $0x2;
	s1 =	sadd.s32 $0x40, s1;
	[tilespmem:s0+$0xFFFFFFC0] =	vst v0  }
0x40: {  	[tilespmem:s2+$0x5000] =	vst v0  }
0x41: {  	[spmem:s7] =	stream.linear.scatter [tilespmem:s9], [sflag:$0x4], $0x2800, $0x38;
	[tilespmem:$0x1BF90] =	vst v63  }
0x42: {  	_ =	swait.ge [sflag:s8], $0x2800  }
0x43: {  	[sflag:s8] =	ssyncset.done $0x0  }
0x44: {  	[sflag:s8] =	ssyncadd.s32 $0xFFFFD800  }
0x45: {  	[spmem:s6] =	stream.linear.scatter [tilespmem:s12], [sflag:$0x4], $0x500, $0x38;
	[tilespmem:$0x1BF90] =	vst v63  }
0x46: {  	_ =	swait.ge [sflag:s8], $0x500  }
0x47: {  	[sflag:s8] =	ssyncset.done $0x0  }
0x48: {  	s0 =	rddreg [dreg:$0x13];
	[sflag:s8] =	ssyncadd.s32 $0xFFFFFB00  }
0x49: {  	[spmem:s0] =	stream.linear.scatter [tilespmem:s9], [sflag:$0x4], $0x2800, $0x38;
	[tilespmem:$0x1BF90] =	vst v63  }
0x4a: {  	_ =	swait.ge [sflag:s8], $0x2800  }
0x4b: {  	[sflag:s8] =	ssyncset.done $0x0  }
0x4c: {  	s3 =	rddreg [dreg:$0x14];
	[sflag:s8] =	ssyncadd.s32 $0xFFFFD800  }
0x4d: {  	[spmem:s3] =	stream.linear.scatter [tilespmem:s12], [sflag:$0x4], $0x500, $0x38;
	[tilespmem:$0x1BF90] =	vst v63  }
0x4e: {  	_ =	swait.ge [sflag:s8], $0x500  }
0x4f: {  	[sflag:s8] =	ssyncset.done $0x0  }
0x50: {  	s6 =	rddreg [dreg:$0x15];
	[sflag:s8] =	ssyncadd.s32 $0xFFFFFB00  }
0x51: {  	[spmem:s6] =	stream.linear.scatter [tilespmem:s9], [sflag:$0x4], $0x2800, $0x38;
	[tilespmem:$0x1BF90] =	vst v63  }
0x52: {  	_ =	swait.ge [sflag:s8], $0x2800  }
0x53: {  	[sflag:s8] =	ssyncset.done $0x0  }
0x54: {  	s7 =	rddreg [dreg:$0x16];
	[sflag:s8] =	ssyncadd.s32 $0xFFFFD800  }
0x55: {  	[spmem:s7] =	stream.linear.scatter [tilespmem:s12], [sflag:$0x4], $0x500, $0x38;
	[tilespmem:$0x1BF90] =	vst v63  }
0x56: {  	_ =	swait.ge [sflag:s8], $0x500  }
0x57: {  	[sflag:s8] =	ssyncset.done $0x0  }
0x58: {  	s10 =	rddreg [dreg:$0x17];
	[sflag:s8] =	ssyncadd.s32 $0xFFFFFB00  }
0x59: {  	[spmem:s10] =	stream.linear.scatter [tilespmem:s9], [sflag:$0x4], $0x2800, $0x38;
	[tilespmem:$0x1BF90] =	vst v63  }
0x5a: {  	_ =	swait.ge [sflag:s8], $0x2800  }
0x5b: {  	[sflag:s8] =	ssyncset.done $0x0  }
0x5c: {  	s11 =	rddreg [dreg:$0x18];
	[sflag:s8] =	ssyncadd.s32 $0xFFFFD800  }
0x5d: {  	[spmem:s11] =	stream.linear.scatter [tilespmem:s12], [sflag:$0x4], $0x500, $0x38;
	[tilespmem:$0x1BF90] =	vst v63  }
0x5e: {  	_ =	swait.ge [sflag:s8], $0x500  }
0x5f: {  	[sflag:s8] =	ssyncset.done $0x0  }
0x60: {  	s14 =	rddreg [dreg:$0x19];
	[sflag:s8] =	ssyncadd.s32 $0xFFFFFB00  }
0x61: {  	[spmem:s14] =	stream.linear.scatter [tilespmem:s9], [sflag:$0x4], $0x2800, $0x38;
	[tilespmem:$0x1BF90] =	vst v63  }
0x62: {  	_ =	swait.ge [sflag:s8], $0x2800  }
0x63: {  	[sflag:s8] =	ssyncset.done $0x0  }
0x64: {  	s16 =	rddreg [dreg:$0x1a];
	[sflag:s8] =	ssyncadd.s32 $0xFFFFD800  }
0x65: {  	[spmem:s16] =	stream.linear.scatter [tilespmem:s12], [sflag:$0x4], $0x500, $0x38;
	[tilespmem:$0x1BF90] =	vst v63  }
0x66: {  	_ =	swait.ge [sflag:s8], $0x500  }
0x67: {  	[sflag:s8] =	ssyncset.done $0x0  }
0x68: {  	s24 =	rddreg [dreg:$0x1b];
	[sflag:s8] =	ssyncadd.s32 $0xFFFFFB00  }
0x69: {  	[spmem:s24] =	stream.linear.scatter [tilespmem:s9], [sflag:$0x4], $0x2800, $0x38;
	[tilespmem:$0x1BF90] =	vst v63  }
0x6a: {  	_ =	swait.ge [sflag:s8], $0x2800  }
0x6b: {  	[sflag:s8] =	ssyncset.done $0x0  }
0x6c: {  	s26 =	rddreg [dreg:$0x1c];
	[sflag:s8] =	ssyncadd.s32 $0xFFFFD800  }
0x6d: {  	[spmem:s26] =	stream.linear.scatter [tilespmem:s12], [sflag:$0x4], $0x500, $0x38;
	[tilespmem:$0x1BF90] =	vst v63  }
0x6e: {  	_ =	swait.ge [sflag:s8], $0x500  }
0x6f: {  	[sflag:s8] =	ssyncset.done $0x0  }
0x70: {  	s28 =	rddreg [dreg:$0x1d];
	[sflag:s8] =	ssyncadd.s32 $0xFFFFFB00  }
0x71: {  	[spmem:s28] =	stream.linear.scatter [tilespmem:s9], [sflag:$0x4], $0x2800, $0x38;
	[tilespmem:$0x1BF90] =	vst v63  }
0x72: {  	_ =	swait.ge [sflag:s8], $0x2800  }
0x73: {  	[sflag:s8] =	ssyncset.done $0x0  }
0x74: {  	s29 =	rddreg [dreg:$0x1e];
	[sflag:s8] =	ssyncadd.s32 $0xFFFFD800  }
0x75: {  	[spmem:s29] =	stream.linear.scatter [tilespmem:s12], [sflag:$0x4], $0x500, $0x38;
	[tilespmem:$0x1BF90] =	vst v63  }
0x76: {  	_ =	swait.ge [sflag:s8], $0x500  }
0x77: {  	[sflag:s8] =	ssyncset.done $0x0  }
0x78: {  	s30 =	rddreg [dreg:$0xa];
	[sflag:s8] =	ssyncadd.s32 $0xFFFFFB00  }
0x79: {  	[spmem:s30] =	stream.linear.scatter [tilespmem:s9], [sflag:$0x4], $0x2000, $0x38;
	[tilespmem:$0x1BF90] =	vst v63  }
0x7a: {  	_ =	swait.ge [sflag:s8], $0x2000  }
0x7b: {  	[sflag:s8] =	ssyncset.done $0x0  }
0x7c: {  	s31 =	rddreg [dreg:$0xb];
	[sflag:s8] =	ssyncadd.s32 $0xFFFFE000  }
0x7d: {  	[spmem:s31] =	stream.linear.scatter [tilespmem:s12], [sflag:$0x4], $0x400, $0x38;
	[tilespmem:$0x1BF90] =	vst v63  }
0x7e: {  	_ =	swait.ge [sflag:s8], $0x400  }
0x7f: {  	[sflag:s8] =	ssyncset.done $0x0  }
0x80: {  	s0 =	simm.s32 @!p0 $0x2800;
	[sflag:s8] =	ssyncadd.s32 $0xFFFFFC00  }
0x81: {  	[spmem:s4] =	stream.linear.scatter @!p0 [tilespmem:s0], [sflag:$0x4], $0x800, $0x38;
	[tilespmem:$0x1BF90] =	vst v63  }
0x82: {  	s0 =	simm.s32 @!p0 $0x4  }
0x83: {  	_ =	swait.ge @!p0 [sflag:s0], $0x800  }
0x84: {  	[sflag:s0] =	ssyncset.done @!p0 $0x0  }
0x85: {  	s1 =	simm.s32 @!p0 $0x5000;
	[sflag:s0] =	ssyncadd.s32 @!p0 $0xFFFFF800  }
0x86: {  	[spmem:s5] =	stream.linear.scatter @!p0 [tilespmem:s1], [sflag:$0x4], $0x100, $0x38;
	[tilespmem:$0x1BF90] =	vst v63  }
0x87: {  	_ =	swait.ge @!p0 [sflag:s0], $0x100  }
0x88: {  	[sflag:s0] =	ssyncset.done @!p0 $0x0  }
0x89: {  	[sflag:s0] =	ssyncadd.s32 @!p0 $0xFFFFFF00  }
0x8a: {  	[bflag:$0x0] =	sbarrier.arrive $0xFFFF  }
0x8b: {  	s26 =	simm.s32 $0x0;
	v2 =	vld [tilespmem:$0x5FA0]  }
.LBB2_4:
0x8c: {  	s0 =	smul.u32 $0x50, s26  }
0x8d: {  	s1 =	rddreg [dreg:$0x9]  }
0x8e: {  	s0 =	sadd.s32 s1, s0  }
0x8f: {  	s24 =	rddreg [dreg:$0x2];
	s0 =	sshrl.u32 s0, $0x3  }
0x90: {  	s29 =	rddreg [dreg:$0x3];
	s1 =	sadd.s32 s24, s0  }
0x91: {  	[tilespmem:s13], [sflag:$0x1] =	stream.linear.gather [hbm4b:s1+s25], $0x50, $0x38;
	[tilespmem:$0x1BF90] =	vst v63  }
0x92: {  	s0 =	sadd.s32 s29, s0  }
0x93: {  	[tilespmem:s15], [sflag:$0x1] =	stream.linear.gather [hbm4b:s0+s25], $0x50, $0x38;
	[tilespmem:$0x1BF90] =	vst v63  }
0x94: {  	_ =	swait.ge [sflag:s17], $0x50  }
0x95: {  	[sflag:s17] =	ssyncset.done $0x0  }
0x96: {  	[sflag:s17] =	ssyncadd.s32 $0xFFFFFFB0  }
0x97: {  	_ =	swait.ge [sflag:s17], $0x50  }
0x98: {  	[sflag:s17] =	ssyncset.done $0x0  }
0x99: {  	[sflag:s17] =	ssyncadd.s32 $0xFFFFFFB0  }
0x9a: {  	s30 =	rddreg [dreg:$0x0]  }
0x9b: {  	[tilespmem:s25], [sflag:$0x2] =	stream.indirect.gather [hbm4b:s30+s18], $0x80, s13, s18, $0xb8;
	[tilespmem:$0x1BF90] =	vst v63  }
0x9c: {  	_ = 	snop  }
0x9d: {  	[tilespmem:s9], [sflag:$0x2] =	stream.indirect.gather [hbm4b:s30+s18], $0x80, s15, s18, $0xb8;
	[tilespmem:$0x1BF90] =	vst v63  }
0x9e: {  	s31 =	rddreg [dreg:$0x7]  }
0x9f: {  	[tilespmem:s19], [sflag:$0x2] =	stream.indirect.gather [hbm4b:s31+s18], $0x10, s13, s18, $0xb8;
	[tilespmem:$0x1BF90] =	vst v63  }
0xa0: {  	_ =	swait.ge [sflag:s20], $0x2800  }
0xa1: {  	[sflag:s20] =	ssyncset.done $0x0  }
0xa2: {  	[sflag:s20] =	ssyncadd.s32 $0xFFFFD800  }
0xa3: {  	_ =	swait.ge [sflag:s20], $0x2800  }
0xa4: {  	[sflag:s20] =	ssyncset.done $0x0  }
0xa5: {  	[sflag:s20] =	ssyncadd.s32 $0xFFFFD800  }
0xa6: {  	_ =	swait.ge [sflag:s20], $0x500  }
0xa7: {  	[sflag:s20] =	ssyncset.done $0x0  }
0xa8: {  	s28 =	simm.s32 $0x0;
	[sflag:s20] =	ssyncadd.s32 $0xFFFFFB00  }
.LBB2_5:
0xa9: {  	s29 =	sshll.u32 s28, $0xB  }
0xaa: {  	v3 =	vld [tilespmem:s29+$0x0]  }
0xab: {  	v4 =	vld [tilespmem:s29+$0x2800]  }
0xac: {  	v5 =	vld [tilespmem:s29+$0x10]  }
0xad: {  	v6 =	vld [tilespmem:s29+$0x2810]  }
0xae: {  	v7 =	vld [tilespmem:s29+$0x20]  }
0xaf: {  	v8 =	vld [tilespmem:s29+$0x2820]  }
0xb0: {  	v9 =	vld [tilespmem:s29+$0x30]  }
0xb1: {  	v10 =	vld [tilespmem:s29+$0x2830]  }
0xb2: {  	v19 =	vld [tilespmem:s29+$0x40];
	v3 =	vmul.f32 v4, v3;
	v18 =	vmul.f32 v6, v5  }
0xb3: {  	v20 =	vld [tilespmem:s29+$0x2840]  }
0xb4: {  	v22 =	vld [tilespmem:s29+$0x50];
	v21 =	vmul.f32 v8, v7;
	v3 =	vadd.f32 v18, v3  }
0xb5: {  	v23 =	vld [tilespmem:s29+$0x2850]  }
0xb6: {  	v25 =	vld [tilespmem:s29+$0x60];
	v24 =	vmul.f32 v10, v9;
	v3 =	vadd.f32 v21, v3  }
0xb7: {  	v26 =	vld [tilespmem:s29+$0x2860]  }
0xb8: {  	v27 =	vld [tilespmem:s29+$0x70];
	v5 =	vmul.f32 v20, v19;
	v4 =	vadd.f32 v24, v3  }
0xb9: {  	v11 =	vld [tilespmem:s29+$0x2870]  }
0xba: {  	s16 =	sshll.u32 s28, $0x4;
	v7 =	vmul.f32 v23, v22;
	v5 =	vadd.f32 v5, v4  }
0xbb: {  	v3 =	vmov s16  }
0xbc: {  	v29 =	vmul.f32 v26, v25;
	v28 =	vshll.u32 v3, $0x4;
	v5 =	vadd.f32 v7, v5  }
0xbd: {  	v4 =	vor.u32 v1, v28  }
0xbe: {  	v6 =	vmul.f32 v11, v27;
	v5 =	vadd.f32 v29, v5;
	_ =	sdelay $0x1  }
0xbf: {  	s0 =	sshll.u32 s28, $0x8;
	v6 =	vadd.f32 v6, v5  }
0xc0: {  	s0 =	sand.u32 $0x3FFFFF00, s0;
	s1 =	sor.u32 $0x1, s16  }
0xc1: {  	s30 =	sshll.u32 s1, $0x7;
	v5 =	vld.idx.msk [tilespmem:v4+s19+$0x0], $0xffff;
	[tilespmem:s0+$0x5AA0] =	vst v6  }
0xc2: {  	v6 =	vld [tilespmem:s30+$0x0]  }
0xc3: {  	v30 =	vld [tilespmem:s30+$0x2800]  }
0xc4: {  	v31 =	vld [tilespmem:s30+$0x10]  }
0xc5: {  	v32 =	vld [tilespmem:s30+$0x2810]  }
0xc6: {  	v33 =	vld [tilespmem:s30+$0x20]  }
0xc7: {  	v34 =	vld [tilespmem:s30+$0x2820]  }
0xc8: {  	v12 =	vld [tilespmem:s30+$0x30]  }
0xc9: {  	v13 =	vld [tilespmem:s30+$0x2830]  }
0xca: {  	v36 =	vld [tilespmem:s30+$0x40];
	v6 =	vmul.f32 v30, v6;
	v35 =	vmul.f32 v32, v31  }
0xcb: {  	v37 =	vld [tilespmem:s30+$0x2840]  }
0xcc: {  	v39 =	vld [tilespmem:s30+$0x50];
	v38 =	vmul.f32 v34, v33;
	v6 =	vadd.f32 v35, v6  }
0xcd: {  	v40 =	vld [tilespmem:s30+$0x2850]  }
0xce: {  	v42 =	vld [tilespmem:s30+$0x60];
	v41 =	vmul.f32 v13, v12;
	v6 =	vadd.f32 v38, v6  }
0xcf: {  	v43 =	vld [tilespmem:s30+$0x2860]  }
0xd0: {  	v45 =	vld [tilespmem:s30+$0x70];
	v44 =	vmul.f32 v37, v36;
	v6 =	vadd.f32 v41, v6  }
0xd1: {  	v46 =	vld [tilespmem:s30+$0x2870]  }
0xd2: {  	v47 =	vmul.f32 v40, v39;
	v6 =	vadd.f32 v44, v6;
	_ =	sdelay $0x1  }
0xd3: {  	v48 =	vmul.f32 v43, v42;
	v6 =	vadd.f32 v47, v6;
	_ =	sdelay $0x1  }
0xd4: {  	v49 =	vmul.f32 v46, v45;
	v6 =	vadd.f32 v48, v6;
	_ =	sdelay $0x1  }
0xd5: {  	s4 =	sshll.u32 s1, $0x4;
	v6 =	vadd.f32 v49, v6  }
0xd6: {  	s5 =	sor.u32 $0x2, s16;
	s0 =	sand.u32 $0x3FFFFF10, s4  }
0xd7: {  	s31 =	sshll.u32 s5, $0x7;
	[tilespmem:s0+$0x5AA0] =	vst v6  }
0xd8: {  	v6 =	vld [tilespmem:s31+$0x0]  }
0xd9: {  	v50 =	vld [tilespmem:s31+$0x2800]  }
0xda: {  	v51 =	vld [tilespmem:s31+$0x10]  }
0xdb: {  	v52 =	vld [tilespmem:s31+$0x2810]  }
0xdc: {  	v53 =	vld [tilespmem:s31+$0x20]  }
0xdd: {  	v54 =	vld [tilespmem:s31+$0x2820]  }
0xde: {  	v55 =	vld [tilespmem:s31+$0x30]  }
0xdf: {  	v56 =	vld [tilespmem:s31+$0x2830]  }
0xe0: {  	v58 =	vld [tilespmem:s31+$0x40];
	v6 =	vmul.f32 v50, v6;
	v57 =	vmul.f32 v52, v51  }
0xe1: {  	v59 =	vld [tilespmem:s31+$0x2840]  }
0xe2: {  	v61 =	vld [tilespmem:s31+$0x50];
	v60 =	vmul.f32 v54, v53;
	v6 =	vadd.f32 v57, v6  }
0xe3: {  	v62 =	vld [tilespmem:s31+$0x2850]  }
0xe4: {  	v16 =	vld [tilespmem:s31+$0x60];
	v63 =	vmul.f32 v56, v55;
	v6 =	vadd.f32 v60, v6  }
0xe5: {  	v17 =	vld [tilespmem:s31+$0x2860]  }
0xe6: {  	v19 =	vld [tilespmem:s31+$0x70];
	v18 =	vmul.f32 v59, v58;
	v6 =	vadd.f32 v63, v6  }
0xe7: {  	v20 =	vld [tilespmem:s31+$0x2870]  }
0xe8: {  	v21 =	vmul.f32 v62, v61;
	v6 =	vadd.f32 v18, v6;
	_ =	sdelay $0x1  }
0xe9: {  	v22 =	vmul.f32 v17, v16;
	v6 =	vadd.f32 v21, v6;
	_ =	sdelay $0x1  }
0xea: {  	v23 =	vmul.f32 v20, v19;
	v6 =	vadd.f32 v22, v6;
	_ =	sdelay $0x1  }
0xeb: {  	s6 =	sshll.u32 s5, $0x4;
	v6 =	vadd.f32 v23, v6  }
0xec: {  	s2 =	sor.u32 $0x3, s16;
	s0 =	sand.u32 $0x3FFFFF20, s6  }
0xed: {  	s1 =	sshll.u32 s2, $0x7;
	[tilespmem:s0+$0x5AA0] =	vst v6  }
0xee: {  	v6 =	vld [tilespmem:s1+$0x0]  }
0xef: {  	v24 =	vld [tilespmem:s1+$0x2800]  }
0xf0: {  	v25 =	vld [tilespmem:s1+$0x10]  }
0xf1: {  	v26 =	vld [tilespmem:s1+$0x2810]  }
0xf2: {  	v27 =	vld [tilespmem:s1+$0x20]  }
0xf3: {  	v28 =	vld [tilespmem:s1+$0x2820]  }
0xf4: {  	v29 =	vld [tilespmem:s1+$0x30]  }
0xf5: {  	v30 =	vld [tilespmem:s1+$0x2830]  }
0xf6: {  	v32 =	vld [tilespmem:s1+$0x40];
	v6 =	vmul.f32 v24, v6;
	v31 =	vmul.f32 v26, v25  }
0xf7: {  	v33 =	vld [tilespmem:s1+$0x2840]  }
0xf8: {  	v35 =	vld [tilespmem:s1+$0x50];
	v34 =	vmul.f32 v28, v27;
	v6 =	vadd.f32 v31, v6  }
0xf9: {  	v36 =	vld [tilespmem:s1+$0x2850]  }
0xfa: {  	v38 =	vld [tilespmem:s1+$0x60];
	v37 =	vmul.f32 v30, v29;
	v6 =	vadd.f32 v34, v6  }
0xfb: {  	v39 =	vld [tilespmem:s1+$0x2860]  }
0xfc: {  	v41 =	vld [tilespmem:s1+$0x70];
	v40 =	vmul.f32 v33, v32;
	v6 =	vadd.f32 v37, v6  }
0xfd: {  	v42 =	vld [tilespmem:s1+$0x2870]  }
0xfe: {  	v43 =	vmul.f32 v36, v35;
	v6 =	vadd.f32 v40, v6;
	_ =	sdelay $0x1  }
0xff: {  	v44 =	vmul.f32 v39, v38;
	v6 =	vadd.f32 v43, v6;
	_ =	sdelay $0x1  }
0x100: {  	v45 =	vmul.f32 v42, v41;
	v6 =	vadd.f32 v44, v6;
	_ =	sdelay $0x1  }
0x101: {  	s7 =	sshll.u32 s2, $0x4;
	v6 =	vadd.f32 v45, v6  }
0x102: {  	s8 =	sor.u32 $0x4, s16;
	s0 =	sand.u32 $0x3FFFFF30, s7  }
0x103: {  	s14 =	sshll.u32 s8, $0x7;
	[tilespmem:s0+$0x5AA0] =	vst v6  }
0x104: {  	v6 =	vld [tilespmem:s14+$0x0]  }
0x105: {  	v46 =	vld [tilespmem:s14+$0x2800]  }
0x106: {  	v47 =	vld [tilespmem:s14+$0x10]  }
0x107: {  	v48 =	vld [tilespmem:s14+$0x2810]  }
0x108: {  	v49 =	vld [tilespmem:s14+$0x20]  }
0x109: {  	v50 =	vld [tilespmem:s14+$0x2820]  }
0x10a: {  	v51 =	vld [tilespmem:s14+$0x30]  }
0x10b: {  	v52 =	vld [tilespmem:s14+$0x2830]  }
0x10c: {  	v54 =	vld [tilespmem:s14+$0x40];
	v6 =	vmul.f32 v46, v6;
	v53 =	vmul.f32 v48, v47  }
0x10d: {  	v55 =	vld [tilespmem:s14+$0x2840]  }
0x10e: {  	v57 =	vld [tilespmem:s14+$0x50];
	v56 =	vmul.f32 v50, v49;
	v6 =	vadd.f32 v53, v6  }
0x10f: {  	v58 =	vld [tilespmem:s14+$0x2850]  }
0x110: {  	v60 =	vld [tilespmem:s14+$0x60];
	v59 =	vmul.f32 v52, v51;
	v6 =	vadd.f32 v56, v6  }
0x111: {  	v61 =	vld [tilespmem:s14+$0x2860]  }
0x112: {  	v63 =	vld [tilespmem:s14+$0x70];
	v62 =	vmul.f32 v55, v54;
	v6 =	vadd.f32 v59, v6  }
0x113: {  	v14 =	vld [tilespmem:s14+$0x2870]  }
0x114: {  	v15 =	vmul.f32 v58, v57;
	v6 =	vadd.f32 v62, v6;
	_ =	sdelay $0x1  }
0x115: {  	v16 =	vmul.f32 v61, v60;
	v6 =	vadd.f32 v15, v6;
	_ =	sdelay $0x1  }
0x116: {  	v17 =	vmul.f32 v14, v63;
	v6 =	vadd.f32 v16, v6;
	_ =	sdelay $0x1  }
0x117: {  	s9 =	sshll.u32 s8, $0x4;
	v6 =	vadd.f32 v17, v6  }
0x118: {  	s10 =	sor.u32 $0x5, s16;
	s0 =	sand.u32 $0x3FFFFF40, s9  }
0x119: {  	s6 =	sshll.u32 s10, $0x7;
	[tilespmem:s0+$0x5AA0] =	vst v6  }
0x11a: {  	v6 =	vld [tilespmem:s6+$0x0]  }
0x11b: {  	v18 =	vld [tilespmem:s6+$0x2800]  }
0x11c: {  	v19 =	vld [tilespmem:s6+$0x10]  }
0x11d: {  	v20 =	vld [tilespmem:s6+$0x2810]  }
0x11e: {  	v21 =	vld [tilespmem:s6+$0x20]  }
0x11f: {  	v22 =	vld [tilespmem:s6+$0x2820]  }
0x120: {  	v23 =	vld [tilespmem:s6+$0x30]  }
0x121: {  	v24 =	vld [tilespmem:s6+$0x2830]  }
0x122: {  	v26 =	vld [tilespmem:s6+$0x40];
	v6 =	vmul.f32 v18, v6;
	v25 =	vmul.f32 v20, v19  }
0x123: {  	v27 =	vld [tilespmem:s6+$0x2840]  }
0x124: {  	v29 =	vld [tilespmem:s6+$0x50];
	v28 =	vmul.f32 v22, v21;
	v6 =	vadd.f32 v25, v6  }
0x125: {  	v30 =	vld [tilespmem:s6+$0x2850]  }
0x126: {  	v32 =	vld [tilespmem:s6+$0x60];
	v31 =	vmul.f32 v24, v23;
	v6 =	vadd.f32 v28, v6  }
0x127: {  	v33 =	vld [tilespmem:s6+$0x2860]  }
0x128: {  	v35 =	vld [tilespmem:s6+$0x70];
	v34 =	vmul.f32 v27, v26;
	v6 =	vadd.f32 v31, v6  }
0x129: {  	v36 =	vld [tilespmem:s6+$0x2870]  }
0x12a: {  	v37 =	vmul.f32 v30, v29;
	v6 =	vadd.f32 v34, v6;
	_ =	sdelay $0x1  }
0x12b: {  	v38 =	vmul.f32 v33, v32;
	v6 =	vadd.f32 v37, v6;
	_ =	sdelay $0x1  }
0x12c: {  	v39 =	vmul.f32 v36, v35;
	v6 =	vadd.f32 v38, v6;
	_ =	sdelay $0x1  }
0x12d: {  	s11 =	sshll.u32 s10, $0x4;
	v6 =	vadd.f32 v39, v6  }
0x12e: {  	s24 =	sor.u32 $0x6, s16;
	s0 =	sand.u32 $0x3FFFFF50, s11  }
0x12f: {  	s9 =	sshll.u32 s24, $0x7;
	[tilespmem:s0+$0x5AA0] =	vst v6  }
0x130: {  	v6 =	vld [tilespmem:s9+$0x0]  }
0x131: {  	v40 =	vld [tilespmem:s9+$0x2800]  }
0x132: {  	v41 =	vld [tilespmem:s9+$0x10]  }
0x133: {  	v42 =	vld [tilespmem:s9+$0x2810]  }
0x134: {  	v43 =	vld [tilespmem:s9+$0x20]  }
0x135: {  	v44 =	vld [tilespmem:s9+$0x2820]  }
0x136: {  	v45 =	vld [tilespmem:s9+$0x30]  }
0x137: {  	v46 =	vld [tilespmem:s9+$0x2830]  }
0x138: {  	v48 =	vld [tilespmem:s9+$0x40];
	v6 =	vmul.f32 v40, v6;
	v47 =	vmul.f32 v42, v41  }
0x139: {  	v49 =	vld [tilespmem:s9+$0x2840]  }
0x13a: {  	v51 =	vld [tilespmem:s9+$0x50];
	v50 =	vmul.f32 v44, v43;
	v6 =	vadd.f32 v47, v6  }
0x13b: {  	v52 =	vld [tilespmem:s9+$0x2850]  }
0x13c: {  	v54 =	vld [tilespmem:s9+$0x60];
	v53 =	vmul.f32 v46, v45;
	v6 =	vadd.f32 v50, v6  }
0x13d: {  	v55 =	vld [tilespmem:s9+$0x2860]  }
0x13e: {  	v57 =	vld [tilespmem:s9+$0x70];
	v56 =	vmul.f32 v49, v48;
	v6 =	vadd.f32 v53, v6  }
0x13f: {  	v58 =	vld [tilespmem:s9+$0x2870]  }
0x140: {  	v59 =	vmul.f32 v52, v51;
	v6 =	vadd.f32 v56, v6;
	_ =	sdelay $0x1  }
0x141: {  	v60 =	vmul.f32 v55, v54;
	v6 =	vadd.f32 v59, v6;
	_ =	sdelay $0x1  }
0x142: {  	v61 =	vmul.f32 v58, v57;
	v6 =	vadd.f32 v60, v6;
	_ =	sdelay $0x1  }
0x143: {  	s2 =	sshll.u32 s24, $0x4;
	v6 =	vadd.f32 v61, v6  }
0x144: {  	s3 =	sor.u32 $0x7, s16;
	s0 =	sand.u32 $0x3FFFFF60, s2  }
0x145: {  	s24 =	sshll.u32 s3, $0x7;
	[tilespmem:s0+$0x5AA0] =	vst v6  }
0x146: {  	v6 =	vld [tilespmem:s24+$0x0]  }
0x147: {  	v62 =	vld [tilespmem:s24+$0x2800]  }
0x148: {  	v63 =	vld [tilespmem:s24+$0x10]  }
0x149: {  	v16 =	vld [tilespmem:s24+$0x2810]  }
0x14a: {  	v17 =	vld [tilespmem:s24+$0x20]  }
0x14b: {  	v18 =	vld [tilespmem:s24+$0x2820]  }
0x14c: {  	v19 =	vld [tilespmem:s24+$0x30]  }
0x14d: {  	v20 =	vld [tilespmem:s24+$0x2830]  }
0x14e: {  	v22 =	vld [tilespmem:s24+$0x40];
	v6 =	vmul.f32 v62, v6;
	v21 =	vmul.f32 v16, v63  }
0x14f: {  	v23 =	vld [tilespmem:s24+$0x2840]  }
0x150: {  	v25 =	vld [tilespmem:s24+$0x50];
	v24 =	vmul.f32 v18, v17;
	v6 =	vadd.f32 v21, v6  }
0x151: {  	v26 =	vld [tilespmem:s24+$0x2850]  }
0x152: {  	v28 =	vld [tilespmem:s24+$0x60];
	v27 =	vmul.f32 v20, v19;
	v6 =	vadd.f32 v24, v6  }
0x153: {  	v29 =	vld [tilespmem:s24+$0x2860]  }
0x154: {  	v31 =	vld [tilespmem:s24+$0x70];
	v30 =	vmul.f32 v23, v22;
	v6 =	vadd.f32 v27, v6  }
0x155: {  	v32 =	vld [tilespmem:s24+$0x2870]  }
0x156: {  	v33 =	vmul.f32 v26, v25;
	v6 =	vadd.f32 v30, v6;
	_ =	sdelay $0x1  }
0x157: {  	v34 =	vmul.f32 v29, v28;
	v6 =	vadd.f32 v33, v6;
	_ =	sdelay $0x1  }
0x158: {  	v35 =	vmul.f32 v32, v31;
	v6 =	vadd.f32 v34, v6;
	_ =	sdelay $0x1  }
0x159: {  	s4 =	sshll.u32 s3, $0x4;
	v6 =	vadd.f32 v35, v6  }
0x15a: {  	s3 =	sor.u32 $0x8, s16;
	s0 =	sand.u32 $0x3FFFFF70, s4  }
0x15b: {  	s2 =	sshll.u32 s3, $0x7;
	[tilespmem:s0+$0x5AA0] =	vst v6  }
0x15c: {  	v6 =	vld [tilespmem:s2+$0x0]  }
0x15d: {  	v36 =	vld [tilespmem:s2+$0x2800]  }
0x15e: {  	v37 =	vld [tilespmem:s2+$0x10]  }
0x15f: {  	v38 =	vld [tilespmem:s2+$0x2810]  }
0x160: {  	v39 =	vld [tilespmem:s2+$0x20]  }
0x161: {  	v40 =	vld [tilespmem:s2+$0x2820]  }
0x162: {  	v41 =	vld [tilespmem:s2+$0x30]  }
0x163: {  	v42 =	vld [tilespmem:s2+$0x2830]  }
0x164: {  	v44 =	vld [tilespmem:s2+$0x40];
	v6 =	vmul.f32 v36, v6;
	v43 =	vmul.f32 v38, v37  }
0x165: {  	v45 =	vld [tilespmem:s2+$0x2840]  }
0x166: {  	v47 =	vld [tilespmem:s2+$0x50];
	v46 =	vmul.f32 v40, v39;
	v6 =	vadd.f32 v43, v6  }
0x167: {  	v48 =	vld [tilespmem:s2+$0x2850]  }
0x168: {  	v50 =	vld [tilespmem:s2+$0x60];
	v49 =	vmul.f32 v42, v41;
	v6 =	vadd.f32 v46, v6  }
0x169: {  	v51 =	vld [tilespmem:s2+$0x2860]  }
0x16a: {  	v53 =	vld [tilespmem:s2+$0x70];
	v52 =	vmul.f32 v45, v44;
	v6 =	vadd.f32 v49, v6  }
0x16b: {  	v54 =	vld [tilespmem:s2+$0x2870]  }
0x16c: {  	v55 =	vmul.f32 v48, v47;
	v6 =	vadd.f32 v52, v6;
	_ =	sdelay $0x1  }
0x16d: {  	v56 =	vmul.f32 v51, v50;
	v6 =	vadd.f32 v55, v6;
	_ =	sdelay $0x1  }
0x16e: {  	v57 =	vmul.f32 v54, v53;
	v6 =	vadd.f32 v56, v6;
	_ =	sdelay $0x1  }
0x16f: {  	s5 =	sshll.u32 s3, $0x4;
	v6 =	vadd.f32 v57, v6  }
0x170: {  	s4 =	sor.u32 $0x9, s16;
	s0 =	sand.u32 $0x3FFFFF80, s5  }
0x171: {  	s3 =	sshll.u32 s4, $0x7;
	[tilespmem:s0+$0x5AA0] =	vst v6  }
0x172: {  	v6 =	vld [tilespmem:s3+$0x0]  }
0x173: {  	v58 =	vld [tilespmem:s3+$0x2800]  }
0x174: {  	v59 =	vld [tilespmem:s3+$0x10]  }
0x175: {  	v60 =	vld [tilespmem:s3+$0x2810]  }
0x176: {  	v61 =	vld [tilespmem:s3+$0x20]  }
0x177: {  	v62 =	vld [tilespmem:s3+$0x2820]  }
0x178: {  	v63 =	vld [tilespmem:s3+$0x30]  }
0x179: {  	v16 =	vld [tilespmem:s3+$0x2830]  }
0x17a: {  	v18 =	vld [tilespmem:s3+$0x40];
	v6 =	vmul.f32 v58, v6;
	v17 =	vmul.f32 v60, v59  }
0x17b: {  	v19 =	vld [tilespmem:s3+$0x2840]  }
0x17c: {  	v21 =	vld [tilespmem:s3+$0x50];
	v20 =	vmul.f32 v62, v61;
	v6 =	vadd.f32 v17, v6  }
0x17d: {  	v22 =	vld [tilespmem:s3+$0x2850]  }
0x17e: {  	v24 =	vld [tilespmem:s3+$0x60];
	v23 =	vmul.f32 v16, v63;
	v6 =	vadd.f32 v20, v6  }
0x17f: {  	v25 =	vld [tilespmem:s3+$0x2860]  }
0x180: {  	v27 =	vld [tilespmem:s3+$0x70];
	v26 =	vmul.f32 v19, v18;
	v6 =	vadd.f32 v23, v6  }
0x181: {  	v28 =	vld [tilespmem:s3+$0x2870]  }
0x182: {  	v29 =	vmul.f32 v22, v21;
	v6 =	vadd.f32 v26, v6;
	_ =	sdelay $0x1  }
0x183: {  	v30 =	vmul.f32 v25, v24;
	v6 =	vadd.f32 v29, v6;
	_ =	sdelay $0x1  }
0x184: {  	v31 =	vmul.f32 v28, v27;
	v6 =	vadd.f32 v30, v6;
	_ =	sdelay $0x1  }
0x185: {  	s7 =	sshll.u32 s4, $0x4;
	v6 =	vadd.f32 v31, v6  }
0x186: {  	s5 =	sor.u32 $0xA, s16;
	s0 =	sand.u32 $0x3FFFFF90, s7  }
0x187: {  	s4 =	sshll.u32 s5, $0x7;
	[tilespmem:s0+$0x5AA0] =	vst v6  }
0x188: {  	v6 =	vld [tilespmem:s4+$0x0]  }
0x189: {  	v32 =	vld [tilespmem:s4+$0x2800]  }
0x18a: {  	v33 =	vld [tilespmem:s4+$0x10]  }
0x18b: {  	v34 =	vld [tilespmem:s4+$0x2810]  }
0x18c: {  	v35 =	vld [tilespmem:s4+$0x20]  }
0x18d: {  	v36 =	vld [tilespmem:s4+$0x2820]  }
0x18e: {  	v37 =	vld [tilespmem:s4+$0x30]  }
0x18f: {  	v38 =	vld [tilespmem:s4+$0x2830]  }
0x190: {  	v40 =	vld [tilespmem:s4+$0x40];
	v6 =	vmul.f32 v32, v6;
	v39 =	vmul.f32 v34, v33  }
0x191: {  	v41 =	vld [tilespmem:s4+$0x2840]  }
0x192: {  	v43 =	vld [tilespmem:s4+$0x50];
	v42 =	vmul.f32 v36, v35;
	v6 =	vadd.f32 v39, v6  }
0x193: {  	v44 =	vld [tilespmem:s4+$0x2850]  }
0x194: {  	v46 =	vld [tilespmem:s4+$0x60];
	v45 =	vmul.f32 v38, v37;
	v6 =	vadd.f32 v42, v6  }
0x195: {  	v47 =	vld [tilespmem:s4+$0x2860]  }
0x196: {  	v49 =	vld [tilespmem:s4+$0x70];
	v48 =	vmul.f32 v41, v40;
	v6 =	vadd.f32 v45, v6  }
0x197: {  	v50 =	vld [tilespmem:s4+$0x2870]  }
0x198: {  	v51 =	vmul.f32 v44, v43;
	v6 =	vadd.f32 v48, v6;
	_ =	sdelay $0x1  }
0x199: {  	v52 =	vmul.f32 v47, v46;
	v6 =	vadd.f32 v51, v6;
	_ =	sdelay $0x1  }
0x19a: {  	v53 =	vmul.f32 v50, v49;
	v6 =	vadd.f32 v52, v6;
	_ =	sdelay $0x1  }
0x19b: {  	s8 =	sshll.u32 s5, $0x4;
	v6 =	vadd.f32 v53, v6  }
0x19c: {  	s7 =	sor.u32 $0xB, s16;
	s0 =	sand.u32 $0x3FFFFFA0, s8  }
0x19d: {  	s5 =	sshll.u32 s7, $0x7;
	[tilespmem:s0+$0x5AA0] =	vst v6  }
0x19e: {  	v6 =	vld [tilespmem:s5+$0x0]  }
0x19f: {  	v54 =	vld [tilespmem:s5+$0x2800]  }
0x1a0: {  	v55 =	vld [tilespmem:s5+$0x10]  }
0x1a1: {  	v56 =	vld [tilespmem:s5+$0x2810]  }
0x1a2: {  	v57 =	vld [tilespmem:s5+$0x20]  }
0x1a3: {  	v58 =	vld [tilespmem:s5+$0x2820]  }
0x1a4: {  	v59 =	vld [tilespmem:s5+$0x30]  }
0x1a5: {  	v60 =	vld [tilespmem:s5+$0x2830]  }
0x1a6: {  	v62 =	vld [tilespmem:s5+$0x40];
	v6 =	vmul.f32 v54, v6;
	v61 =	vmul.f32 v56, v55  }
0x1a7: {  	v63 =	vld [tilespmem:s5+$0x2840]  }
0x1a8: {  	v16 =	vld [tilespmem:s5+$0x50];
	v15 =	vmul.f32 v58, v57;
	v6 =	vadd.f32 v61, v6  }
0x1a9: {  	v17 =	vld [tilespmem:s5+$0x2850]  }
0x1aa: {  	v19 =	vld [tilespmem:s5+$0x60];
	v18 =	vmul.f32 v60, v59;
	v6 =	vadd.f32 v15, v6  }
0x1ab: {  	v20 =	vld [tilespmem:s5+$0x2860]  }
0x1ac: {  	v22 =	vld [tilespmem:s5+$0x70];
	v21 =	vmul.f32 v63, v62;
	v6 =	vadd.f32 v18, v6  }
0x1ad: {  	v23 =	vld [tilespmem:s5+$0x2870]  }
0x1ae: {  	v24 =	vmul.f32 v17, v16;
	v6 =	vadd.f32 v21, v6;
	_ =	sdelay $0x1  }
0x1af: {  	v25 =	vmul.f32 v20, v19;
	v6 =	vadd.f32 v24, v6;
	_ =	sdelay $0x1  }
0x1b0: {  	v26 =	vmul.f32 v23, v22;
	v6 =	vadd.f32 v25, v6;
	_ =	sdelay $0x1  }
0x1b1: {  	s10 =	sshll.u32 s7, $0x4;
	v6 =	vadd.f32 v26, v6  }
0x1b2: {  	s11 =	sor.u32 $0xC, s16;
	s0 =	sand.u32 $0x3FFFFFB0, s10  }
0x1b3: {  	s8 =	sshll.u32 s11, $0x7;
	[tilespmem:s0+$0x5AA0] =	vst v6  }
0x1b4: {  	v6 =	vld [tilespmem:s8+$0x0]  }
0x1b5: {  	v27 =	vld [tilespmem:s8+$0x2800]  }
0x1b6: {  	v28 =	vld [tilespmem:s8+$0x10]  }
0x1b7: {  	v29 =	vld [tilespmem:s8+$0x2810]  }
0x1b8: {  	v30 =	vld [tilespmem:s8+$0x20]  }
0x1b9: {  	v31 =	vld [tilespmem:s8+$0x2820]  }
0x1ba: {  	v32 =	vld [tilespmem:s8+$0x30]  }
0x1bb: {  	v33 =	vld [tilespmem:s8+$0x2830]  }
0x1bc: {  	v35 =	vld [tilespmem:s8+$0x40];
	v6 =	vmul.f32 v27, v6;
	v34 =	vmul.f32 v29, v28  }
0x1bd: {  	v36 =	vld [tilespmem:s8+$0x2840]  }
0x1be: {  	v38 =	vld [tilespmem:s8+$0x50];
	v37 =	vmul.f32 v31, v30;
	v6 =	vadd.f32 v34, v6  }
0x1bf: {  	v39 =	vld [tilespmem:s8+$0x2850]  }
0x1c0: {  	v41 =	vld [tilespmem:s8+$0x60];
	v40 =	vmul.f32 v33, v32;
	v6 =	vadd.f32 v37, v6  }
0x1c1: {  	v42 =	vld [tilespmem:s8+$0x2860]  }
0x1c2: {  	v44 =	vld [tilespmem:s8+$0x70];
	v43 =	vmul.f32 v36, v35;
	v6 =	vadd.f32 v40, v6  }
0x1c3: {  	v45 =	vld [tilespmem:s8+$0x2870]  }
0x1c4: {  	v46 =	vmul.f32 v39, v38;
	v6 =	vadd.f32 v43, v6;
	_ =	sdelay $0x1  }
0x1c5: {  	v47 =	vmul.f32 v42, v41;
	v6 =	vadd.f32 v46, v6;
	_ =	sdelay $0x1  }
0x1c6: {  	v48 =	vmul.f32 v45, v44;
	v6 =	vadd.f32 v47, v6;
	_ =	sdelay $0x1  }
0x1c7: {  	s10 =	sshll.u32 s11, $0x4;
	v6 =	vadd.f32 v48, v6  }
0x1c8: {  	s11 =	sor.u32 $0xD, s16;
	s0 =	sand.u32 $0x3FFFFFC0, s10  }
0x1c9: {  	[tilespmem:s0+$0x5AA0] =	vst v6;
	s0 =	sshll.u32 s11, $0x7  }
0x1ca: {  	v6 =	vld [tilespmem:s0+$0x0]  }
0x1cb: {  	v49 =	vld [tilespmem:s0+$0x2800]  }
0x1cc: {  	v50 =	vld [tilespmem:s0+$0x10]  }
0x1cd: {  	v51 =	vld [tilespmem:s0+$0x2810]  }
0x1ce: {  	v52 =	vld [tilespmem:s0+$0x20]  }
0x1cf: {  	v53 =	vld [tilespmem:s0+$0x2820]  }
0x1d0: {  	v54 =	vld [tilespmem:s0+$0x30]  }
0x1d1: {  	v55 =	vld [tilespmem:s0+$0x2830]  }
0x1d2: {  	v57 =	vld [tilespmem:s0+$0x40];
	v6 =	vmul.f32 v49, v6;
	v56 =	vmul.f32 v51, v50  }
0x1d3: {  	v58 =	vld [tilespmem:s0+$0x2840]  }
0x1d4: {  	v60 =	vld [tilespmem:s0+$0x50];
	v59 =	vmul.f32 v53, v52;
	v6 =	vadd.f32 v56, v6  }
0x1d5: {  	v61 =	vld [tilespmem:s0+$0x2850]  }
0x1d6: {  	v63 =	vld [tilespmem:s0+$0x60];
	v62 =	vmul.f32 v55, v54;
	v6 =	vadd.f32 v59, v6  }
0x1d7: {  	v16 =	vld [tilespmem:s0+$0x2860]  }
0x1d8: {  	v18 =	vld [tilespmem:s0+$0x70];
	v17 =	vmul.f32 v58, v57;
	v6 =	vadd.f32 v62, v6  }
0x1d9: {  	v19 =	vld [tilespmem:s0+$0x2870]  }
0x1da: {  	v20 =	vmul.f32 v61, v60;
	v6 =	vadd.f32 v17, v6;
	_ =	sdelay $0x1  }
0x1db: {  	v21 =	vmul.f32 v16, v63;
	v6 =	vadd.f32 v20, v6;
	_ =	sdelay $0x1  }
0x1dc: {  	v22 =	vmul.f32 v19, v18;
	v6 =	vadd.f32 v21, v6;
	_ =	sdelay $0x1  }
0x1dd: {  	s7 =	sshll.u32 s11, $0x4;
	v6 =	vadd.f32 v22, v6  }
0x1de: {  	s7 =	sand.u32 $0x3FFFFFD0, s7;
	s10 =	sor.u32 $0xE, s16  }
0x1df: {  	[tilespmem:s7+$0x5AA0] =	vst v6;
	s7 =	sshll.u32 s10, $0x7  }
0x1e0: {  	v6 =	vld [tilespmem:s7+$0x0]  }
0x1e1: {  	v23 =	vld [tilespmem:s7+$0x2800]  }
0x1e2: {  	v24 =	vld [tilespmem:s7+$0x10]  }
0x1e3: {  	v25 =	vld [tilespmem:s7+$0x2810]  }
0x1e4: {  	v26 =	vld [tilespmem:s7+$0x20]  }
0x1e5: {  	v27 =	vld [tilespmem:s7+$0x2820]  }
0x1e6: {  	v28 =	vld [tilespmem:s7+$0x30]  }
0x1e7: {  	v29 =	vld [tilespmem:s7+$0x2830]  }
0x1e8: {  	v31 =	vld [tilespmem:s7+$0x40];
	v6 =	vmul.f32 v23, v6;
	v30 =	vmul.f32 v25, v24  }
0x1e9: {  	v32 =	vld [tilespmem:s7+$0x2840]  }
0x1ea: {  	v34 =	vld [tilespmem:s7+$0x50];
	v33 =	vmul.f32 v27, v26;
	v6 =	vadd.f32 v30, v6  }
0x1eb: {  	v35 =	vld [tilespmem:s7+$0x2850]  }
0x1ec: {  	v37 =	vld [tilespmem:s7+$0x60];
	v36 =	vmul.f32 v29, v28;
	v6 =	vadd.f32 v33, v6  }
0x1ed: {  	v38 =	vld [tilespmem:s7+$0x2860]  }
0x1ee: {  	v40 =	vld [tilespmem:s7+$0x70];
	v39 =	vmul.f32 v32, v31;
	v6 =	vadd.f32 v36, v6  }
0x1ef: {  	v41 =	vld [tilespmem:s7+$0x2870]  }
0x1f0: {  	v42 =	vmul.f32 v35, v34;
	v6 =	vadd.f32 v39, v6;
	_ =	sdelay $0x1  }
0x1f1: {  	v43 =	vmul.f32 v38, v37;
	v6 =	vadd.f32 v42, v6;
	_ =	sdelay $0x1  }
0x1f2: {  	v44 =	vmul.f32 v41, v40;
	v6 =	vadd.f32 v43, v6;
	_ =	sdelay $0x1  }
0x1f3: {  	s10 =	sshll.u32 s10, $0x4;
	v6 =	vadd.f32 v44, v6  }
0x1f4: {  	s11 =	sshllo.u32 s28, $0x4;
	s10 =	sand.u32 $0x3FFFFFE0, s10  }
0x1f5: {  	[tilespmem:s10+$0x5AA0] =	vst v6;
	s10 =	sshll.u32 s11, $0x7  }
0x1f6: {  	v6 =	vld [tilespmem:s10+$0x0]  }
0x1f7: {  	v45 =	vld [tilespmem:s10+$0x2800]  }
0x1f8: {  	v46 =	vld [tilespmem:s10+$0x10]  }
0x1f9: {  	v47 =	vld [tilespmem:s10+$0x2810]  }
0x1fa: {  	v48 =	vld [tilespmem:s10+$0x20]  }
0x1fb: {  	v49 =	vld [tilespmem:s10+$0x2820]  }
0x1fc: {  	v50 =	vld [tilespmem:s10+$0x30]  }
0x1fd: {  	v51 =	vld [tilespmem:s10+$0x2830]  }
0x1fe: {  	v53 =	vld [tilespmem:s10+$0x40];
	v6 =	vmul.f32 v45, v6;
	v52 =	vmul.f32 v47, v46  }
0x1ff: {  	v54 =	vld [tilespmem:s10+$0x2840]  }
0x200: {  	v56 =	vld [tilespmem:s10+$0x50];
	v55 =	vmul.f32 v49, v48;
	v6 =	vadd.f32 v52, v6  }
0x201: {  	v57 =	vld [tilespmem:s10+$0x2850]  }
0x202: {  	v59 =	vld [tilespmem:s10+$0x60];
	v58 =	vmul.f32 v51, v50;
	v6 =	vadd.f32 v55, v6  }
0x203: {  	v60 =	vld [tilespmem:s10+$0x2860]  }
0x204: {  	v62 =	vld [tilespmem:s10+$0x70];
	v61 =	vmul.f32 v54, v53;
	v6 =	vadd.f32 v58, v6  }
0x205: {  	v63 =	vld [tilespmem:s10+$0x2870]  }
0x206: {  	v11 =	vmul.f32 v57, v56;
	v6 =	vadd.f32 v61, v6;
	_ =	sdelay $0x1  }
0x207: {  	v12 =	vmul.f32 v60, v59;
	v6 =	vadd.f32 v11, v6;
	_ =	sdelay $0x1  }
0x208: {  	v13 =	vmul.f32 v63, v62;
	v6 =	vadd.f32 v12, v6  }
0x209: {  	v14 =	vor.u32 $0x1, v4  }
0x20a: {  	s11 =	sshll.u32 s11, $0x4;
	v6 =	vadd.f32 v13, v6  }
0x20b: {  	v15 =	vor.u32 $0x2, v4;
	s11 =	sand.u32 $0x3FFFFFF0, s11  }
0x20c: {  	[tilespmem:s11+$0x5AA0] =	vst v6  }
0x20d: {  	v16 =	vor.u32 $0x3, v4;
	v6 =	vld.idx.msk [tilespmem:v4+s21+$0x0], $0xffff  }
0x20e: {  	v8 =	vld.idx.msk [tilespmem:v14+s21+$0x0], $0xffff  }
0x20f: {  	v17 =	vor.u32 $0x4, v4  }
0x210: {  	v7 =	vld.idx.msk [tilespmem:v15+s21+$0x0], $0xffff  }
0x211: {  	v18 =	vor.u32 $0x5, v4  }
0x212: {  	v9 =	vld.idx.msk [tilespmem:v16+s21+$0x0], $0xffff  }
0x213: {  	v19 =	vor.u32 $0x6, v4;
	v6 =	vadd.f32 v8, v6  }
0x214: {  	v10 =	vld.idx.msk [tilespmem:v17+s21+$0x0], $0xffff  }
0x215: {  	v20 =	vor.u32 $0x7, v4;
	v6 =	vadd.f32 v7, v6  }
0x216: {  	v11 =	vld.idx.msk [tilespmem:v18+s21+$0x0], $0xffff  }
0x217: {  	v21 =	vor.u32 $0x8, v4;
	v6 =	vadd.f32 v9, v6  }
0x218: {  	v8 =	vld.idx.msk [tilespmem:v19+s21+$0x0], $0xffff  }
0x219: {  	v22 =	vor.u32 $0x9, v4;
	v6 =	vadd.f32 v10, v6  }
0x21a: {  	v7 =	vld.idx.msk [tilespmem:v20+s21+$0x0], $0xffff  }
0x21b: {  	v23 =	vor.u32 $0xA, v4;
	v6 =	vadd.f32 v11, v6  }
0x21c: {  	v9 =	vld.idx.msk [tilespmem:v21+s21+$0x0], $0xffff  }
0x21d: {  	v24 =	vor.u32 $0xB, v4;
	v6 =	vadd.f32 v8, v6  }
0x21e: {  	v10 =	vld.idx.msk [tilespmem:v22+s21+$0x0], $0xffff  }
0x21f: {  	v25 =	vor.u32 $0xC, v4;
	v6 =	vadd.f32 v7, v6  }
0x220: {  	v11 =	vld.idx.msk [tilespmem:v23+s21+$0x0], $0xffff  }
0x221: {  	v26 =	vor.u32 $0xD, v4;
	v6 =	vadd.f32 v9, v6  }
0x222: {  	v8 =	vld.idx.msk [tilespmem:v24+s21+$0x0], $0xffff  }
0x223: {  	v27 =	vor.u32 $0xE, v4;
	v6 =	vadd.f32 v10, v6  }
0x224: {  	v7 =	vld.idx.msk [tilespmem:v25+s21+$0x0], $0xffff  }
0x225: {  	v28 =	vor.u32 $0xF, v4;
	v6 =	vadd.f32 v11, v6  }
0x226: {  	v9 =	vld.idx.msk [tilespmem:v26+s21+$0x0], $0xffff  }
0x227: {  	v6 =	vadd.f32 v8, v6  }
0x228: {  	v29 =	vld.idx.msk [tilespmem:v27+s21+$0x0], $0xffff  }
0x229: {  	v6 =	vadd.f32 v7, v6  }
0x22a: {  	v30 =	vld.idx.msk [tilespmem:v28+s21+$0x0], $0xffff  }
0x22b: {  	v6 =	vadd.f32 v9, v6;
	_ =	sdelay $0x1  }
0x22c: {  	v6 =	vadd.f32 v29, v6;
	_ =	sdelay $0x1  }
0x22d: {  	v6 =	vadd.f32 v30, v6;
	_ =	sdelay $0x1  }
0x22e: {  	v6 =	vmul.f32 v6, v2;
	_ =	sdelay $0x1  }
0x22f: {  	v6 =	vmul.f32 $1.442695020e+00, v6;
	_ =	sdelay $0x1  }
0x230: {  	(erf) = vpow2.f32 v6;
	_ =	sdelay $0x8  }
0x231: {  	v6 =	vpop (erf)  }
0x232: {  	v5 =	vmul.f32 v6, v5  }
0x233: {  	[tilespmem:v4+s12+$0x0] =	vst.idx.msk $0xffff, v6  }
0x234: {  	[tilespmem:s16+$0x5FB0] =	vst v5  }
0x235: {  	v4 =	vld.idx.msk [tilespmem:v3+s22+$0x0], $0xffff  }
0x236: {  	v5 =	vld [tilespmem:s29+$0x0]  }
0x237: {  	v6 =	vld [tilespmem:s29+$0x10]  }
0x238: {  	v31 =	vld [tilespmem:s29+$0x20]  }
0x239: {  	v32 =	vld [tilespmem:s29+$0x30]  }
0x23a: {  	v33 =	vld [tilespmem:s29+$0x40]  }
0x23b: {  	v34 =	vld [tilespmem:s29+$0x50];
	v5 =	vmul.f32 v5, v4  }
0x23c: {  	v35 =	vld [tilespmem:s29+$0x60];
	v6 =	vmul.f32 v6, v4  }
0x23d: {  	v37 =	vld [tilespmem:s29+$0x70];
	v36 =	vmul.f32 v31, v4;
	[tilespmem:s29+$0x2800] =	vst v5  }
0x23e: {  	v38 =	vmul.f32 v32, v4;
	[tilespmem:s29+$0x2810] =	vst v6  }
0x23f: {  	v39 =	vmul.f32 v33, v4;
	[tilespmem:s29+$0x2820] =	vst v36  }
0x240: {  	v41 =	vor.u32 $0x1, v3;
	v40 =	vmul.f32 v34, v4;
	[tilespmem:s29+$0x2830] =	vst v38  }
0x241: {  	v42 =	vmul.f32 v35, v4;
	[tilespmem:s29+$0x2840] =	vst v39  }
0x242: {  	v4 =	vmul.f32 v37, v4;
	[tilespmem:s29+$0x2850] =	vst v40  }
0x243: {  	[tilespmem:s29+$0x2860] =	vst v42  }
0x244: {  	[tilespmem:s29+$0x2870] =	vst v4  }
0x245: {  	v4 =	vld.idx.msk [tilespmem:v41+s22+$0x0], $0xffff  }
0x246: {  	v5 =	vld [tilespmem:s30+$0x0]  }
0x247: {  	v6 =	vld [tilespmem:s30+$0x10]  }
0x248: {  	v43 =	vld [tilespmem:s30+$0x20]  }
0x249: {  	v44 =	vld [tilespmem:s30+$0x30]  }
0x24a: {  	v45 =	vld [tilespmem:s30+$0x40]  }
0x24b: {  	v46 =	vld [tilespmem:s30+$0x50];
	v5 =	vmul.f32 v5, v4  }
0x24c: {  	v47 =	vld [tilespmem:s30+$0x60];
	v6 =	vmul.f32 v6, v4  }
0x24d: {  	v49 =	vld [tilespmem:s30+$0x70];
	v48 =	vmul.f32 v43, v4;
	[tilespmem:s30+$0x2800] =	vst v5  }
0x24e: {  	v50 =	vmul.f32 v44, v4;
	[tilespmem:s30+$0x2810] =	vst v6  }
0x24f: {  	v51 =	vmul.f32 v45, v4;
	[tilespmem:s30+$0x2820] =	vst v48  }
0x250: {  	v53 =	vor.u32 $0x2, v3;
	v52 =	vmul.f32 v46, v4;
	[tilespmem:s30+$0x2830] =	vst v50  }
0x251: {  	v54 =	vmul.f32 v47, v4;
	[tilespmem:s30+$0x2840] =	vst v51  }
0x252: {  	v4 =	vmul.f32 v49, v4;
	[tilespmem:s30+$0x2850] =	vst v52  }
0x253: {  	[tilespmem:s30+$0x2860] =	vst v54  }
0x254: {  	[tilespmem:s30+$0x2870] =	vst v4  }
0x255: {  	v4 =	vld.idx.msk [tilespmem:v53+s22+$0x0], $0xffff  }
0x256: {  	v5 =	vld [tilespmem:s31+$0x0]  }
0x257: {  	v6 =	vld [tilespmem:s31+$0x10]  }
0x258: {  	v55 =	vld [tilespmem:s31+$0x20]  }
0x259: {  	v56 =	vld [tilespmem:s31+$0x30]  }
0x25a: {  	v57 =	vld [tilespmem:s31+$0x40]  }
0x25b: {  	v58 =	vld [tilespmem:s31+$0x50];
	v5 =	vmul.f32 v5, v4  }
0x25c: {  	v59 =	vld [tilespmem:s31+$0x60];
	v6 =	vmul.f32 v6, v4  }
0x25d: {  	v61 =	vld [tilespmem:s31+$0x70];
	v60 =	vmul.f32 v55, v4;
	[tilespmem:s31+$0x2800] =	vst v5  }
0x25e: {  	v62 =	vmul.f32 v56, v4;
	[tilespmem:s31+$0x2810] =	vst v6  }
0x25f: {  	v63 =	vmul.f32 v57, v4;
	[tilespmem:s31+$0x2820] =	vst v60  }
0x260: {  	v13 =	vor.u32 $0x3, v3;
	v12 =	vmul.f32 v58, v4;
	[tilespmem:s31+$0x2830] =	vst v62  }
0x261: {  	v14 =	vmul.f32 v59, v4;
	[tilespmem:s31+$0x2840] =	vst v63  }
0x262: {  	v4 =	vmul.f32 v61, v4;
	[tilespmem:s31+$0x2850] =	vst v12  }
0x263: {  	[tilespmem:s31+$0x2860] =	vst v14  }
0x264: {  	[tilespmem:s31+$0x2870] =	vst v4  }
0x265: {  	v4 =	vld.idx.msk [tilespmem:v13+s22+$0x0], $0xffff  }
0x266: {  	v5 =	vld [tilespmem:s1+$0x0]  }
0x267: {  	v6 =	vld [tilespmem:s1+$0x10]  }
0x268: {  	v15 =	vld [tilespmem:s1+$0x20]  }
0x269: {  	v16 =	vld [tilespmem:s1+$0x30]  }
0x26a: {  	v17 =	vld [tilespmem:s1+$0x40]  }
0x26b: {  	v18 =	vld [tilespmem:s1+$0x50];
	v5 =	vmul.f32 v5, v4  }
0x26c: {  	v19 =	vld [tilespmem:s1+$0x60];
	v6 =	vmul.f32 v6, v4  }
0x26d: {  	v21 =	vld [tilespmem:s1+$0x70];
	v20 =	vmul.f32 v15, v4;
	[tilespmem:s1+$0x2800] =	vst v5  }
0x26e: {  	v22 =	vmul.f32 v16, v4;
	[tilespmem:s1+$0x2810] =	vst v6  }
0x26f: {  	v23 =	vmul.f32 v17, v4;
	[tilespmem:s1+$0x2820] =	vst v20  }
0x270: {  	v25 =	vor.u32 $0x4, v3;
	v24 =	vmul.f32 v18, v4;
	[tilespmem:s1+$0x2830] =	vst v22  }
0x271: {  	v26 =	vmul.f32 v19, v4;
	[tilespmem:s1+$0x2840] =	vst v23  }
0x272: {  	v4 =	vmul.f32 v21, v4;
	[tilespmem:s1+$0x2850] =	vst v24  }
0x273: {  	[tilespmem:s1+$0x2860] =	vst v26  }
0x274: {  	[tilespmem:s1+$0x2870] =	vst v4  }
0x275: {  	v4 =	vld.idx.msk [tilespmem:v25+s22+$0x0], $0xffff  }
0x276: {  	v5 =	vld [tilespmem:s14+$0x0]  }
0x277: {  	v6 =	vld [tilespmem:s14+$0x10]  }
0x278: {  	v27 =	vld [tilespmem:s14+$0x20]  }
0x279: {  	v28 =	vld [tilespmem:s14+$0x30]  }
0x27a: {  	v29 =	vld [tilespmem:s14+$0x40]  }
0x27b: {  	v30 =	vld [tilespmem:s14+$0x50];
	v5 =	vmul.f32 v5, v4  }
0x27c: {  	v31 =	vld [tilespmem:s14+$0x60];
	v6 =	vmul.f32 v6, v4  }
0x27d: {  	v33 =	vld [tilespmem:s14+$0x70];
	v32 =	vmul.f32 v27, v4;
	[tilespmem:s14+$0x2800] =	vst v5  }
0x27e: {  	v34 =	vmul.f32 v28, v4;
	[tilespmem:s14+$0x2810] =	vst v6  }
0x27f: {  	v35 =	vmul.f32 v29, v4;
	[tilespmem:s14+$0x2820] =	vst v32  }
0x280: {  	v37 =	vor.u32 $0x5, v3;
	v36 =	vmul.f32 v30, v4;
	[tilespmem:s14+$0x2830] =	vst v34  }
0x281: {  	v38 =	vmul.f32 v31, v4;
	[tilespmem:s14+$0x2840] =	vst v35  }
0x282: {  	v4 =	vmul.f32 v33, v4;
	[tilespmem:s14+$0x2850] =	vst v36  }
0x283: {  	[tilespmem:s14+$0x2860] =	vst v38  }
0x284: {  	[tilespmem:s14+$0x2870] =	vst v4  }
0x285: {  	v4 =	vld.idx.msk [tilespmem:v37+s22+$0x0], $0xffff  }
0x286: {  	v5 =	vld [tilespmem:s6+$0x0]  }
0x287: {  	v6 =	vld [tilespmem:s6+$0x10]  }
0x288: {  	v39 =	vld [tilespmem:s6+$0x20]  }
0x289: {  	v40 =	vld [tilespmem:s6+$0x30]  }
0x28a: {  	v41 =	vld [tilespmem:s6+$0x40]  }
0x28b: {  	v42 =	vld [tilespmem:s6+$0x50];
	v5 =	vmul.f32 v5, v4  }
0x28c: {  	v43 =	vld [tilespmem:s6+$0x60];
	v6 =	vmul.f32 v6, v4  }
0x28d: {  	v45 =	vld [tilespmem:s6+$0x70];
	v44 =	vmul.f32 v39, v4;
	[tilespmem:s6+$0x2800] =	vst v5  }
0x28e: {  	v46 =	vmul.f32 v40, v4;
	[tilespmem:s6+$0x2810] =	vst v6  }
0x28f: {  	v47 =	vmul.f32 v41, v4;
	[tilespmem:s6+$0x2820] =	vst v44  }
0x290: {  	v49 =	vor.u32 $0x6, v3;
	v48 =	vmul.f32 v42, v4;
	[tilespmem:s6+$0x2830] =	vst v46  }
0x291: {  	v50 =	vmul.f32 v43, v4;
	[tilespmem:s6+$0x2840] =	vst v47  }
0x292: {  	v4 =	vmul.f32 v45, v4;
	[tilespmem:s6+$0x2850] =	vst v48  }
0x293: {  	[tilespmem:s6+$0x2860] =	vst v50  }
0x294: {  	[tilespmem:s6+$0x2870] =	vst v4  }
0x295: {  	v4 =	vld.idx.msk [tilespmem:v49+s22+$0x0], $0xffff  }
0x296: {  	v5 =	vld [tilespmem:s9+$0x0]  }
0x297: {  	v6 =	vld [tilespmem:s9+$0x10]  }
0x298: {  	v51 =	vld [tilespmem:s9+$0x20]  }
0x299: {  	v52 =	vld [tilespmem:s9+$0x30]  }
0x29a: {  	v53 =	vld [tilespmem:s9+$0x40]  }
0x29b: {  	v54 =	vld [tilespmem:s9+$0x50];
	v5 =	vmul.f32 v5, v4  }
0x29c: {  	v55 =	vld [tilespmem:s9+$0x60];
	v6 =	vmul.f32 v6, v4  }
0x29d: {  	v57 =	vld [tilespmem:s9+$0x70];
	v56 =	vmul.f32 v51, v4;
	[tilespmem:s9+$0x2800] =	vst v5  }
0x29e: {  	v58 =	vmul.f32 v52, v4;
	[tilespmem:s9+$0x2810] =	vst v6  }
0x29f: {  	v59 =	vmul.f32 v53, v4;
	[tilespmem:s9+$0x2820] =	vst v56  }
0x2a0: {  	v61 =	vor.u32 $0x7, v3;
	v60 =	vmul.f32 v54, v4;
	[tilespmem:s9+$0x2830] =	vst v58  }
0x2a1: {  	v62 =	vmul.f32 v55, v4;
	[tilespmem:s9+$0x2840] =	vst v59  }
0x2a2: {  	v4 =	vmul.f32 v57, v4;
	[tilespmem:s9+$0x2850] =	vst v60  }
0x2a3: {  	[tilespmem:s9+$0x2860] =	vst v62  }
0x2a4: {  	[tilespmem:s9+$0x2870] =	vst v4  }
0x2a5: {  	v4 =	vld.idx.msk [tilespmem:v61+s22+$0x0], $0xffff  }
0x2a6: {  	v5 =	vld [tilespmem:s24+$0x0]  }
0x2a7: {  	v6 =	vld [tilespmem:s24+$0x10]  }
0x2a8: {  	v63 =	vld [tilespmem:s24+$0x20]  }
0x2a9: {  	v12 =	vld [tilespmem:s24+$0x30]  }
0x2aa: {  	v13 =	vld [tilespmem:s24+$0x40]  }
0x2ab: {  	v14 =	vld [tilespmem:s24+$0x50];
	v5 =	vmul.f32 v5, v4  }
0x2ac: {  	v15 =	vld [tilespmem:s24+$0x60];
	v6 =	vmul.f32 v6, v4  }
0x2ad: {  	v17 =	vld [tilespmem:s24+$0x70];
	v16 =	vmul.f32 v63, v4;
	[tilespmem:s24+$0x2800] =	vst v5  }
0x2ae: {  	v18 =	vmul.f32 v12, v4;
	[tilespmem:s24+$0x2810] =	vst v6  }
0x2af: {  	v19 =	vmul.f32 v13, v4;
	[tilespmem:s24+$0x2820] =	vst v16  }
0x2b0: {  	v21 =	vor.u32 $0x8, v3;
	v20 =	vmul.f32 v14, v4;
	[tilespmem:s24+$0x2830] =	vst v18  }
0x2b1: {  	v22 =	vmul.f32 v15, v4;
	[tilespmem:s24+$0x2840] =	vst v19  }
0x2b2: {  	v4 =	vmul.f32 v17, v4;
	[tilespmem:s24+$0x2850] =	vst v20  }
0x2b3: {  	[tilespmem:s24+$0x2860] =	vst v22  }
0x2b4: {  	[tilespmem:s24+$0x2870] =	vst v4  }
0x2b5: {  	v4 =	vld.idx.msk [tilespmem:v21+s22+$0x0], $0xffff  }
0x2b6: {  	v5 =	vld [tilespmem:s2+$0x0]  }
0x2b7: {  	v6 =	vld [tilespmem:s2+$0x10]  }
0x2b8: {  	v23 =	vld [tilespmem:s2+$0x20]  }
0x2b9: {  	v24 =	vld [tilespmem:s2+$0x30]  }
0x2ba: {  	v25 =	vld [tilespmem:s2+$0x40]  }
0x2bb: {  	v26 =	vld [tilespmem:s2+$0x50];
	v5 =	vmul.f32 v5, v4  }
0x2bc: {  	v27 =	vld [tilespmem:s2+$0x60];
	v6 =	vmul.f32 v6, v4  }
0x2bd: {  	v29 =	vld [tilespmem:s2+$0x70];
	v28 =	vmul.f32 v23, v4;
	[tilespmem:s2+$0x2800] =	vst v5  }
0x2be: {  	v30 =	vmul.f32 v24, v4;
	[tilespmem:s2+$0x2810] =	vst v6  }
0x2bf: {  	v31 =	vmul.f32 v25, v4;
	[tilespmem:s2+$0x2820] =	vst v28  }
0x2c0: {  	v33 =	vor.u32 $0x9, v3;
	v32 =	vmul.f32 v26, v4;
	[tilespmem:s2+$0x2830] =	vst v30  }
0x2c1: {  	v34 =	vmul.f32 v27, v4;
	[tilespmem:s2+$0x2840] =	vst v31  }
0x2c2: {  	v4 =	vmul.f32 v29, v4;
	[tilespmem:s2+$0x2850] =	vst v32  }
0x2c3: {  	[tilespmem:s2+$0x2860] =	vst v34  }
0x2c4: {  	[tilespmem:s2+$0x2870] =	vst v4  }
0x2c5: {  	v4 =	vld.idx.msk [tilespmem:v33+s22+$0x0], $0xffff  }
0x2c6: {  	v5 =	vld [tilespmem:s3+$0x0]  }
0x2c7: {  	v6 =	vld [tilespmem:s3+$0x10]  }
0x2c8: {  	v35 =	vld [tilespmem:s3+$0x20]  }
0x2c9: {  	v36 =	vld [tilespmem:s3+$0x30]  }
0x2ca: {  	v37 =	vld [tilespmem:s3+$0x40]  }
0x2cb: {  	v38 =	vld [tilespmem:s3+$0x50];
	v5 =	vmul.f32 v5, v4  }
0x2cc: {  	v39 =	vld [tilespmem:s3+$0x60];
	v6 =	vmul.f32 v6, v4  }
0x2cd: {  	v41 =	vld [tilespmem:s3+$0x70];
	v40 =	vmul.f32 v35, v4;
	[tilespmem:s3+$0x2800] =	vst v5  }
0x2ce: {  	v42 =	vmul.f32 v36, v4;
	[tilespmem:s3+$0x2810] =	vst v6  }
0x2cf: {  	v43 =	vmul.f32 v37, v4;
	[tilespmem:s3+$0x2820] =	vst v40  }
0x2d0: {  	v45 =	vor.u32 $0xA, v3;
	v44 =	vmul.f32 v38, v4;
	[tilespmem:s3+$0x2830] =	vst v42  }
0x2d1: {  	v46 =	vmul.f32 v39, v4;
	[tilespmem:s3+$0x2840] =	vst v43  }
0x2d2: {  	v4 =	vmul.f32 v41, v4;
	[tilespmem:s3+$0x2850] =	vst v44  }
0x2d3: {  	[tilespmem:s3+$0x2860] =	vst v46  }
0x2d4: {  	[tilespmem:s3+$0x2870] =	vst v4  }
0x2d5: {  	v4 =	vld.idx.msk [tilespmem:v45+s22+$0x0], $0xffff  }
0x2d6: {  	v5 =	vld [tilespmem:s4+$0x0]  }
0x2d7: {  	v6 =	vld [tilespmem:s4+$0x10]  }
0x2d8: {  	v47 =	vld [tilespmem:s4+$0x20]  }
0x2d9: {  	v48 =	vld [tilespmem:s4+$0x30]  }
0x2da: {  	v49 =	vld [tilespmem:s4+$0x40]  }
0x2db: {  	v50 =	vld [tilespmem:s4+$0x50];
	v5 =	vmul.f32 v5, v4  }
0x2dc: {  	v51 =	vld [tilespmem:s4+$0x60];
	v6 =	vmul.f32 v6, v4  }
0x2dd: {  	v53 =	vld [tilespmem:s4+$0x70];
	v52 =	vmul.f32 v47, v4;
	[tilespmem:s4+$0x2800] =	vst v5  }
0x2de: {  	v54 =	vmul.f32 v48, v4;
	[tilespmem:s4+$0x2810] =	vst v6  }
0x2df: {  	v55 =	vmul.f32 v49, v4;
	[tilespmem:s4+$0x2820] =	vst v52  }
0x2e0: {  	v57 =	vor.u32 $0xB, v3;
	v56 =	vmul.f32 v50, v4;
	[tilespmem:s4+$0x2830] =	vst v54  }
0x2e1: {  	v58 =	vmul.f32 v51, v4;
	[tilespmem:s4+$0x2840] =	vst v55  }
0x2e2: {  	v4 =	vmul.f32 v53, v4;
	[tilespmem:s4+$0x2850] =	vst v56  }
0x2e3: {  	[tilespmem:s4+$0x2860] =	vst v58  }
0x2e4: {  	[tilespmem:s4+$0x2870] =	vst v4  }
0x2e5: {  	v4 =	vld.idx.msk [tilespmem:v57+s22+$0x0], $0xffff  }
0x2e6: {  	v5 =	vld [tilespmem:s5+$0x0]  }
0x2e7: {  	v6 =	vld [tilespmem:s5+$0x10]  }
0x2e8: {  	v59 =	vld [tilespmem:s5+$0x20]  }
0x2e9: {  	v60 =	vld [tilespmem:s5+$0x30]  }
0x2ea: {  	v61 =	vld [tilespmem:s5+$0x40]  }
0x2eb: {  	v62 =	vld [tilespmem:s5+$0x50];
	v5 =	vmul.f32 v5, v4  }
0x2ec: {  	v63 =	vld [tilespmem:s5+$0x60];
	v6 =	vmul.f32 v6, v4  }
0x2ed: {  	v13 =	vld [tilespmem:s5+$0x70];
	v12 =	vmul.f32 v59, v4;
	[tilespmem:s5+$0x2800] =	vst v5  }
0x2ee: {  	v14 =	vmul.f32 v60, v4;
	[tilespmem:s5+$0x2810] =	vst v6  }
0x2ef: {  	v15 =	vmul.f32 v61, v4;
	[tilespmem:s5+$0x2820] =	vst v12  }
0x2f0: {  	v17 =	vor.u32 $0xC, v3;
	v16 =	vmul.f32 v62, v4;
	[tilespmem:s5+$0x2830] =	vst v14  }
0x2f1: {  	v18 =	vmul.f32 v63, v4;
	[tilespmem:s5+$0x2840] =	vst v15  }
0x2f2: {  	v4 =	vmul.f32 v13, v4;
	[tilespmem:s5+$0x2850] =	vst v16  }
0x2f3: {  	[tilespmem:s5+$0x2860] =	vst v18  }
0x2f4: {  	[tilespmem:s5+$0x2870] =	vst v4  }
0x2f5: {  	v4 =	vld.idx.msk [tilespmem:v17+s22+$0x0], $0xffff  }
0x2f6: {  	v5 =	vld [tilespmem:s8+$0x0]  }
0x2f7: {  	v6 =	vld [tilespmem:s8+$0x10]  }
0x2f8: {  	v19 =	vld [tilespmem:s8+$0x20]  }
0x2f9: {  	v20 =	vld [tilespmem:s8+$0x30]  }
0x2fa: {  	v21 =	vld [tilespmem:s8+$0x40]  }
0x2fb: {  	v22 =	vld [tilespmem:s8+$0x50];
	v5 =	vmul.f32 v5, v4  }
0x2fc: {  	v23 =	vld [tilespmem:s8+$0x60];
	v6 =	vmul.f32 v6, v4  }
0x2fd: {  	v25 =	vld [tilespmem:s8+$0x70];
	v24 =	vmul.f32 v19, v4;
	[tilespmem:s8+$0x2800] =	vst v5  }
0x2fe: {  	v26 =	vmul.f32 v20, v4;
	[tilespmem:s8+$0x2810] =	vst v6  }
0x2ff: {  	v27 =	vmul.f32 v21, v4;
	[tilespmem:s8+$0x2820] =	vst v24  }
0x300: {  	v29 =	vor.u32 $0xD, v3;
	v28 =	vmul.f32 v22, v4;
	[tilespmem:s8+$0x2830] =	vst v26  }
0x301: {  	v30 =	vmul.f32 v23, v4;
	[tilespmem:s8+$0x2840] =	vst v27  }
0x302: {  	v4 =	vmul.f32 v25, v4;
	[tilespmem:s8+$0x2850] =	vst v28  }
0x303: {  	[tilespmem:s8+$0x2860] =	vst v30  }
0x304: {  	[tilespmem:s8+$0x2870] =	vst v4  }
0x305: {  	v4 =	vld.idx.msk [tilespmem:v29+s22+$0x0], $0xffff  }
0x306: {  	v5 =	vld [tilespmem:s0+$0x0]  }
0x307: {  	v6 =	vld [tilespmem:s0+$0x10]  }
0x308: {  	v31 =	vld [tilespmem:s0+$0x20]  }
0x309: {  	v32 =	vld [tilespmem:s0+$0x30]  }
0x30a: {  	v33 =	vld [tilespmem:s0+$0x40]  }
0x30b: {  	v34 =	vld [tilespmem:s0+$0x50];
	v5 =	vmul.f32 v5, v4  }
0x30c: {  	v35 =	vld [tilespmem:s0+$0x60];
	v6 =	vmul.f32 v6, v4  }
0x30d: {  	v37 =	vld [tilespmem:s0+$0x70];
	v36 =	vmul.f32 v31, v4;
	[tilespmem:s0+$0x2800] =	vst v5  }
0x30e: {  	v38 =	vmul.f32 v32, v4;
	[tilespmem:s0+$0x2810] =	vst v6  }
0x30f: {  	v39 =	vmul.f32 v33, v4;
	[tilespmem:s0+$0x2820] =	vst v36  }
0x310: {  	v41 =	vor.u32 $0xE, v3;
	v40 =	vmul.f32 v34, v4;
	[tilespmem:s0+$0x2830] =	vst v38  }
0x311: {  	v42 =	vmul.f32 v35, v4;
	[tilespmem:s0+$0x2840] =	vst v39  }
0x312: {  	v4 =	vmul.f32 v37, v4;
	[tilespmem:s0+$0x2850] =	vst v40  }
0x313: {  	[tilespmem:s0+$0x2860] =	vst v42  }
0x314: {  	[tilespmem:s0+$0x2870] =	vst v4  }
0x315: {  	v4 =	vld.idx.msk [tilespmem:v41+s22+$0x0], $0xffff  }
0x316: {  	v5 =	vld [tilespmem:s7+$0x0]  }
0x317: {  	v6 =	vld [tilespmem:s7+$0x10]  }
0x318: {  	v43 =	vld [tilespmem:s7+$0x20]  }
0x319: {  	v44 =	vld [tilespmem:s7+$0x30]  }
0x31a: {  	v45 =	vld [tilespmem:s7+$0x40]  }
0x31b: {  	v46 =	vld [tilespmem:s7+$0x50];
	v5 =	vmul.f32 v5, v4  }
0x31c: {  	v47 =	vld [tilespmem:s7+$0x60];
	v6 =	vmul.f32 v6, v4  }
0x31d: {  	v49 =	vld [tilespmem:s7+$0x70];
	v48 =	vmul.f32 v43, v4;
	[tilespmem:s7+$0x2800] =	vst v5  }
0x31e: {  	v50 =	vmul.f32 v44, v4;
	[tilespmem:s7+$0x2810] =	vst v6  }
0x31f: {  	v51 =	vmul.f32 v45, v4;
	[tilespmem:s7+$0x2820] =	vst v48  }
0x320: {  	v3 =	vor.u32 $0xF, v3;
	v52 =	vmul.f32 v46, v4;
	[tilespmem:s7+$0x2830] =	vst v50  }
0x321: {  	v53 =	vmul.f32 v47, v4;
	[tilespmem:s7+$0x2840] =	vst v51  }
0x322: {  	v4 =	vmul.f32 v49, v4;
	[tilespmem:s7+$0x2850] =	vst v52  }
0x323: {  	[tilespmem:s7+$0x2860] =	vst v53  }
0x324: {  	[tilespmem:s7+$0x2870] =	vst v4  }
0x325: {  	v3 =	vld.idx.msk [tilespmem:v3+s22+$0x0], $0xffff  }
0x326: {  	v4 =	vld [tilespmem:s10+$0x0]  }
0x327: {  	v5 =	vld [tilespmem:s10+$0x10]  }
0x328: {  	v6 =	vld [tilespmem:s10+$0x20]  }
0x329: {  	v54 =	vld [tilespmem:s10+$0x30]  }
0x32a: {  	v55 =	vld [tilespmem:s10+$0x40]  }
0x32b: {  	v56 =	vld [tilespmem:s10+$0x50];
	v4 =	vmul.f32 v4, v3  }
0x32c: {  	v57 =	vld [tilespmem:s10+$0x60];
	v5 =	vmul.f32 v5, v3  }
0x32d: {  	v59 =	vld [tilespmem:s10+$0x70];
	v58 =	vmul.f32 v6, v3;
	[tilespmem:s10+$0x2800] =	vst v4  }
0x32e: {  	v60 =	vmul.f32 v54, v3;
	[tilespmem:s10+$0x2810] =	vst v5  }
0x32f: {  	p1 =	sne.s32 s28, $0x4;
	v61 =	vmul.f32 v55, v3;
	[tilespmem:s10+$0x2820] =	vst v58  }
.Ltmp1:
0x330: {  	v62 =	vmul.f32 v56, v3;
	[tilespmem:s10+$0x2830] =	vst v60;
	(pc) =	sbr.rel @p1 .LBB2_5-.Ltmp1, $4  }
0x331: {  	v63 =	vmul.f32 v57, v3;
	[tilespmem:s10+$0x2840] =	vst v61  }
0x332: {  	v3 =	vmul.f32 v59, v3;
	[tilespmem:s10+$0x2850] =	vst v62  }
0x333: {  	[tilespmem:s10+$0x2860] =	vst v63  }
0x334: {  	s28 =	sadd.s32 $0x1, s28;
	[tilespmem:s10+$0x2870] =	vst v3  }
0x335: {  	s0 =	rddreg [dreg:$0x4];
	s9 =	simm.s32 $0x2800  }
0x336: {  	[spmem:s0] =	stream.indirect.scatter.add.f32 [tilespmem:s9], [sflag:$0x3], $0x80, s15, s18, $0xb8;
	[tilespmem:$0x1BF90] =	vst v63  }
0x337: {  	s31 =	rddreg [dreg:$0x5];
	s26 =	sadd.s32 $0x1, s26  }
0x338: {  	[spmem:s31] =	stream.indirect.scatter.add.f32 [tilespmem:s12], [sflag:$0x3], $0x10, s15, s18, $0xb8;
	[tilespmem:$0x1BF90] =	vst v63  }
0x339: {  	p1 =	sne.s32 s26, $0x7D;
	_ =	swait.ge [sflag:s23], $0x2800  }
.Ltmp2:
0x33a: {  	[sflag:s23] =	ssyncset.done $0x0;
	(pc) =	sbr.rel @p1 .LBB2_4-.Ltmp2, $4  }
0x33b: {  	[sflag:s23] =	ssyncadd.s32 $0xFFFFD800  }
0x33c: {  	_ =	swait.ge [sflag:s23], $0x500  }
0x33d: {  	[sflag:s23] =	ssyncset.done $0x0  }
0x33e: {  	[sflag:s23] =	ssyncadd.s32 $0xFFFFFB00  }
0x33f: {  	s0 =	stileid.u32;
	[bflag:$0x0] =	sbarrier.arrive $0xFFFF  }
0x340: {  	s8 =	simm.s32 $0x4;
	s0 =	sshll.u32 s0, $0x6;
	s7 =	rddreg [dreg:$0xd]  }
0x341: {  	s2 =	rddreg [dreg:$0xc];
	s0 =	sor.u32 $0x1C04, s0;
	s1 =	sshrl.u32 s7, $0x3  }
0x342: {  	[hbm:s2], [sflag:s0] =	dma.local [spmem:s1], $0x2700  }
0x343: {  	_ =	swait.ge [sflag:s8], $0x2700  }
0x344: {  	[sflag:s8] =	ssyncset.done $0x0;
	s6 =	rddreg [dreg:$0xf]  }
0x345: {  	s29 =	rddreg [dreg:$0xe];
	[sflag:s8] =	ssyncadd.s32 $0xFFFFD900;
	s28 =	sshrl.u32 s6, $0x3  }
0x346: {  	[hbm:s29], [sflag:s0] =	dma.local [spmem:s28], $0x4E0  }
0x347: {  	_ =	swait.ge [sflag:s8], $0x4E0  }
0x348: {  	[sflag:s8] =	ssyncset.done $0x0;
	s4 =	rddreg [dreg:$0x1f]  }
0x349: {  	s2 =	rddreg [dreg:$0x10];
	[sflag:s8] =	ssyncadd.s32 $0xFFFFFB20;
	s1 =	sshrl.u32 @!p0 s4, $0x3  }
0x34a: {  	[hbm:s2], [sflag:s0] =	dma.local @!p0 [spmem:s1], $0x100  }
0x34b: {  	s1 =	simm.s32 @!p0 $0x4  }
0x34c: {  	_ =	swait.ge @!p0 [sflag:s1], $0x100  }
0x34d: {  	s5 =	sld [smem:$0x7FD];
	_ =	sdelay $0x1  }
0x34e: {  	[sflag:s1] =	ssyncset.done @!p0 $0x0  }
0x34f: {  	s3 =	rddreg [dreg:$0x11];
	[sflag:s1] =	ssyncadd.s32 @!p0 $0xFFFFFF00;
	s2 =	sshrl.u32 @!p0 s5, $0x3  }
0x350: {  	[hbm:s3], [sflag:s0] =	dma.local @!p0 [spmem:s2], $0x20  }
0x351: {  	_ =	swait.ge @!p0 [sflag:s1], $0x20  }
0x352: {  	s30 =	sld [smem:$0x7FC];
	_ =	sdelay $0x2  }
0x353: {  	s31 =	rddreg [dreg:$0x12];
	s2 =	sadd.s32 $0x1, s30  }
0x354: {  	p1 =	sne.s32 s2, s31  }
.Ltmp3:
0x355: {  	_ = 	snop;
	(pc) =	sbr.rel @p1 .LBB2_1-.Ltmp3, $3  }
0x356: {  	_ =	sdelay $0x1  }
0x357: {  	[sflag:s1] =	ssyncset.done @!p0 $0x0  }
0x358: {  	[sflag:s1] =	ssyncadd.s32 @!p0 $0xFFFFFFE0  }
0x359: {  	_ =	sfence.sel $0x180000  }
0x35a: {  	[bflag:$0x0] =	sbarrier.arrive $0xFFFF  }
0x35b: {  	_ =	strace $0x90000047  }
0x35c: {  	[bflag:$0x2] =	sbarrier.arrive $0xFFFF  }
0x35d: {  	s0 =	rddreg [dreg:$0x6]  }
0x35e: {  	s0 =	sadd.s32 @!p0 $0x100000, s0  }
0x35f: {  	[sflag:s0] =	ssyncadd.tile.s32 @!p0 $0x1;
	_ =	shalt  }
.Lfunc_end2:
_tile_overlayer_lowered:
.L_overlay_start_2:
0x360: {  	(tag) =	ssettag $0x2  }
0x361: {  	s0 =	rddreg [dreg:$0x0];
	s2 =	stileid.u32  }
0x362: {  	s1 =	rddreg [dreg:$0x1];
	p0 =	sne.s32 s2, $0x0  }
0x363: {  	s3 =	rddreg [dreg:$0x2];
	[bflag:$0x3] =	sbarrier.arrive $0xFFFF;
	s2 =	simm.s32 @!p0 $0x1C04  }
0x364: {  	[timem:s3], [sflag:s2] =	dma.local @!p0 [hbm:s0], s1  }
0x365: {  	s0 =	simm.s32 @!p0 $0x4  }
0x366: {  	_ =	swait.ge @!p0 [sflag:s0], s1  }
0x367: {  	s1 =	ssub.s32 @!p0 $0x0, s1;
	[sflag:s0] =	ssyncset.done @!p0 $0x0  }
0x368: {  	[sflag:s0] =	ssyncadd.s32 @!p0 s1  }
0x369: {  	[bflag:$0x3] =	sbarrier.arrive $0xFFFF  }
0x36a: {  	_ =	shalt  }

</sc_bundles>
